<compile_context>
chip_gen: v7x
topology: tpu7x:2x2x1
jax: 0.10.2.dev20260603
libtpu: 0.0.44.dev20260713+nightly
codegen_flags: <defaults>
</compile_context>

<pallas_src>
import functools

import jax
import jax.numpy as jnp
from jax import lax
from jax.experimental import pallas as pl
from jax.experimental.pallas import tpu as pltpu
from jax.experimental.pallas import tpu_sc as plsc

N = 10000
E = 320000
D = 128
DO = 64
NG = 64
NSC = 16
CH = 64
CPT = 320
EPT = CPT * CH
EP = EPT * NSC
SROWS = 10112
RPT = SROWS // NSC
NB = 8
BLK = SROWS // NB
NBUF = 5
IG = 20
NGRP = CPT // IG
DW = D

_f32 = jnp.float32



def _sc_mesh():
    return plsc.VectorSubcoreMesh(core_axis_name="c", subcore_axis_name="s")


def _degree_kernel(col_hbm, ones_hbm, zr_hbm, out_hbm, acc, cidx, ones_v):
    c = lax.axis_index("c")
    s = lax.axis_index("s")
    pltpu.sync_copy(ones_hbm, ones_v)
    pltpu.sync_copy(zr_hbm, acc.at[pl.ds(s * RPT, RPT)])
    plsc.subcore_barrier()

    def group(g, _):
        pltpu.sync_copy(col_hbm.at[c, s, g], cidx)

        def body(j, _):
            pltpu.sync_copy(ones_v, acc.at[cidx.at[j]], add=True)
            return 0

        lax.fori_loop(0, IG, body, 0)
        return 0

    lax.fori_loop(0, NGRP, group, 0)
    plsc.subcore_barrier()
    r0 = s * RPT
    pltpu.sync_copy(acc.at[pl.ds(r0, RPT)], out_hbm.at[c].at[pl.ds(r0, RPT)])


def _sc_degree(colg, onesw, zrw):
    k = functools.partial(
        pl.kernel,
        out_type=jax.ShapeDtypeStruct((2, SROWS, DW), _f32),
        mesh=_sc_mesh(),
        scratch_types=[
            pltpu.VMEM_SHARED((SROWS, DW), _f32),
            pltpu.VMEM((IG, CH), jnp.int32),
            pltpu.VMEM((CH, DW), _f32),
        ],
    )(_degree_kernel)
    return k(colg, onesw, zrw)


def _conv_kernel(h_hbm, row_hbm, col_hbm, zr_hbm, out_hbm, acc, ridx, cidx,
                 gbuf, gsem, ssem):
    c = lax.axis_index("c")
    s = lax.axis_index("s")
    pltpu.sync_copy(zr_hbm, acc.at[pl.ds(s * RPT, RPT)])
    plsc.subcore_barrier()

    def group(g, _):
        pltpu.sync_copy(row_hbm.at[c, s, g], ridx)
        pltpu.sync_copy(col_hbm.at[c, s, g], cidx)
        for b in range(4):
            pltpu.async_copy(h_hbm.at[ridx.at[b]], gbuf.at[b], gsem.at[b])

        def body(jj, _):
            j0 = jj * NBUF
            for u in range(NBUF):
                j = j0 + u
                bj = u
                bn = (u + 4) % NBUF
                if u == 0:
                    @pl.when((g > 0) | (jj > 0))
                    def _():
                        pltpu.make_async_copy(gbuf.at[bn], acc.at[cidx.at[j]],
                                              ssem.at[bn]).wait()
                else:
                    pltpu.make_async_copy(gbuf.at[bn], acc.at[cidx.at[j]],
                                          ssem.at[bn]).wait()

                @pl.when(j + 4 < IG)
                def _():
                    pltpu.async_copy(h_hbm.at[ridx.at[j + 4]], gbuf.at[bn],
                                     gsem.at[bn])

                pltpu.make_async_copy(h_hbm.at[ridx.at[j]], gbuf.at[bj],
                                      gsem.at[bj]).wait()
                pltpu.async_copy(gbuf.at[bj], acc.at[cidx.at[j]], ssem.at[bj],
                                 add=True)
            return 0

        lax.fori_loop(0, IG // NBUF, body, 0)
        return 0

    lax.fori_loop(0, NGRP, group, 0)
    pltpu.make_async_copy(gbuf.at[4], acc.at[cidx.at[IG - 1]],
                          ssem.at[4]).wait()
    plsc.subcore_barrier()
    r0 = s * RPT
    pltpu.sync_copy(acc.at[pl.ds(r0, RPT)], out_hbm.at[c].at[pl.ds(r0, RPT)])


def _sc_conv(h_flat, rowg, colg, zr128):
    k = functools.partial(
        pl.kernel,
        out_type=jax.ShapeDtypeStruct((2, SROWS, D), _f32),
        mesh=_sc_mesh(),
        scratch_types=[
            pltpu.VMEM_SHARED((SROWS, D), _f32),
            pltpu.VMEM((IG, CH), jnp.int32),
            pltpu.VMEM((IG, CH), jnp.int32),
            pltpu.VMEM((NBUF, CH, D), _f32),
            pltpu.SemaphoreType.DMA((NBUF,)),
            pltpu.SemaphoreType.DMA((NBUF,)),
        ],
    )(_conv_kernel)
    return k(h_flat, rowg, colg, zr128)



def _dis(degw_ref):
    return lax.rsqrt(degw_ref[0, :, 0:1] + 1.0)


def _k1_body(x_ref, degw_ref, w1_ref, out_ref):
    h = jnp.dot(x_ref[0], w1_ref[...], preferred_element_type=_f32)
    out_ref[0] = _dis(degw_ref) * h


def _tc_k1(xs, degw, w1):
    return pl.pallas_call(
        _k1_body,
        grid=(2, NB),
        in_specs=[
            pl.BlockSpec((1, BLK, D), lambda i, j: (i, j, 0)),
            pl.BlockSpec((1, BLK, DW), lambda i, j: (i, j, 0)),
            pl.BlockSpec((D, D), lambda i, j: (0, 0)),
        ],
        out_specs=pl.BlockSpec((1, BLK, D), lambda i, j: (i, j, 0)),
        out_shape=jax.ShapeDtypeStruct((2, SROWS, D), _f32),
    )(xs, degw, w1)


def _k3_body(s_ref, h_ref, degw_ref, b1_ref, w2_ref, out_ref):
    dis = _dis(degw_ref)
    t = jnp.maximum(dis * (s_ref[0] + h_ref[0]) + b1_ref[...], 0.0)
    out_ref[0] = dis * jnp.dot(t, w2_ref[...], preferred_element_type=_f32)


def _tc_k3(s1, h1, degw, b1r, w2):
    return pl.pallas_call(
        _k3_body,
        grid=(2, NB),
        in_specs=[
            pl.BlockSpec((1, BLK, D), lambda i, j: (i, j, 0)),
            pl.BlockSpec((1, BLK, D), lambda i, j: (i, j, 0)),
            pl.BlockSpec((1, BLK, DW), lambda i, j: (i, j, 0)),
            pl.BlockSpec((1, D), lambda i, j: (0, 0)),
            pl.BlockSpec((D, D), lambda i, j: (0, 0)),
        ],
        out_specs=pl.BlockSpec((1, BLK, D), lambda i, j: (i, j, 0)),
        out_shape=jax.ShapeDtypeStruct((2, SROWS, D), _f32),
    )(s1, h1, degw, b1r, w2)


def _k5_body(s_ref, h_ref, degw_ref, b2_ref, bf_ref, mw1_ref, mb1_ref,
             mw2_ref, mb2_ref, out_ref, ps0, cs0, ps1, cs1):
    i = pl.program_id(0)
    j = pl.program_id(1)
    dis = _dis(degw_ref)
    u = jnp.maximum(dis * (s_ref[0] + h_ref[0]) + b2_ref[...], 0.0)
    gids = lax.broadcasted_iota(jnp.int32, (BLK, NG), 1).astype(_f32)
    oh = (bf_ref[0] == gids).astype(_f32)
    ps = lax.dot_general(oh, u, (((0,), (0,)), ((), ())),
                         preferred_element_type=_f32)
    cs = jnp.broadcast_to(jnp.sum(oh, axis=0)[:, None], (NG, D))

    def accum(psr, csr):
        @pl.when(j == 0)
        def _():
            psr[...] = ps
            csr[...] = cs

        @pl.when(j != 0)
        def _():
            psr[...] += ps
            csr[...] += cs

    @pl.when(i == 0)
    def _():
        accum(ps0, cs0)

    @pl.when(i == 1)
    def _():
        accum(ps1, cs1)

    @pl.when((i == 1) & (j == NB - 1))
    def _():
        p0 = ps0[...] / jnp.maximum(cs0[...], 1.0)
        p1 = ps1[...] / jnp.maximum(cs1[...], 1.0)
        hp = p0 - p1
        z = jnp.maximum(
            jnp.dot(hp, mw1_ref[...], preferred_element_type=_f32)
            + mb1_ref[...], 0.0)
        out_ref[...] = (jnp.dot(z, mw2_ref[...], preferred_element_type=_f32)
                        + mb2_ref[...])


def _tc_k5(s2, h2, degw, b2r, batchf, mw1, mb1r, mw2, mb2r):
    return pl.pallas_call(
        _k5_body,
        grid=(2, NB),
        in_specs=[
            pl.BlockSpec((1, BLK, D), lambda i, j: (i, j, 0)),
            pl.BlockSpec((1, BLK, D), lambda i, j: (i, j, 0)),
            pl.BlockSpec((1, BLK, DW), lambda i, j: (i, j, 0)),
            pl.BlockSpec((1, D), lambda i, j: (0, 0)),
            pl.BlockSpec((1, BLK, 1), lambda i, j: (i, j, 0)),
            pl.BlockSpec((D, D), lambda i, j: (0, 0)),
            pl.BlockSpec((1, D), lambda i, j: (0, 0)),
            pl.BlockSpec((D, DO), lambda i, j: (0, 0)),
            pl.BlockSpec((1, DO), lambda i, j: (0, 0)),
        ],
        out_specs=pl.BlockSpec((NG, DO), lambda i, j: (0, 0)),
        out_shape=jax.ShapeDtypeStruct((NG, DO), _f32),
        scratch_shapes=[
            pltpu.VMEM((NG, D), _f32),
            pltpu.VMEM((NG, D), _f32),
            pltpu.VMEM((NG, D), _f32),
            pltpu.VMEM((NG, D), _f32),
        ],
    )(s2, h2, degw, b2r, batchf, mw1, mb1r, mw2, mb2r)



def kernel(x1, edge_index1, batch1, x2, edge_index2, batch2,
           W1, b1, W2, b2, mW1, mb1, mW2, mb2):
    xs = jnp.pad(jnp.stack([x1, x2]), ((0, 0), (0, SROWS - N), (0, 0)))

    def prep(ei, c):
        rowp = jnp.concatenate(
            [ei[0] + c * SROWS, jnp.full((EP - E,), c * SROWS, jnp.int32)])
        colp = jnp.concatenate(
            [ei[1], jnp.full((EP - E,), N, jnp.int32)])
        return rowp, colp

    r1, c1 = prep(edge_index1, 0)
    r2, c2 = prep(edge_index2, 1)
    rowg = jnp.stack([r1, r2]).reshape(2, NSC, NGRP, IG, CH)
    colg = jnp.stack([c1, c2]).reshape(2, NSC, NGRP, IG, CH)

    onesw = jnp.ones((CH, DW), _f32)
    zr128 = jnp.zeros((RPT, D), _f32)
    zrw = zr128
    batchf = jnp.pad(jnp.stack([batch1, batch2]), ((0, 0), (0, SROWS - N)),
                     constant_values=-1).astype(_f32)[..., None]
    b1r = b1.reshape(1, D)
    b2r = b2.reshape(1, D)
    mb1r = mb1.reshape(1, D)
    mb2r = mb2.reshape(1, DO)

    degw = _sc_degree(colg, onesw, zrw)
    h1 = _tc_k1(xs, degw, W1)
    s1 = _sc_conv(h1.reshape(2 * SROWS, D), rowg, colg, zr128)
    h2 = _tc_k3(s1, h1, degw, b1r, W2)
    s2 = _sc_conv(h2.reshape(2 * SROWS, D), rowg, colg, zr128)
    return _tc_k5(s2, h2, degw, b2r, batchf, mW1, mb1r, mW2, mb2r)

# --- scband reference (transcript-rebuilt; emitter-appended) ---
"""Pipeline reference for scband-graph-pair-model-66219805770270 (READ-ONLY COPY).

The authoritative reference and input builder live on the scoring server;
editing this copy changes nothing except your own understanding.
"""

import jax, jax.numpy as jnp
import numpy as np

N = 10000
E = 320000
D_IN = 128
D_H = 128
D_OUT = 64
NG = 64


def setup_inputs(seed: int = 0) -> dict:
    key = jax.random.key(seed)
    ks = jax.random.split(key, 16)
    x1 = jax.random.normal(ks[0], (N, D_IN), dtype=jnp.float32)
    edge_index1 = jax.random.randint(ks[1], (2, E), 0, N, dtype=jnp.int32)
    batch1 = jnp.sort(jax.random.randint(ks[2], (N,), 0, NG, dtype=jnp.int32))
    x2 = jax.random.normal(ks[3], (N, D_IN), dtype=jnp.float32)
    edge_index2 = jax.random.randint(ks[4], (2, E), 0, N, dtype=jnp.int32)
    batch2 = jnp.sort(jax.random.randint(ks[5], (N,), 0, NG, dtype=jnp.int32))
    s1 = 1.0 / np.sqrt(D_IN)
    s2 = 1.0 / np.sqrt(D_H)
    W1 = jax.random.uniform(ks[6], (D_IN, D_H), jnp.float32, -s1, s1)
    b1 = jax.random.uniform(ks[7], (D_H,), jnp.float32, -s1, s1)
    W2 = jax.random.uniform(ks[8], (D_H, D_H), jnp.float32, -s2, s2)
    b2 = jax.random.uniform(ks[9], (D_H,), jnp.float32, -s2, s2)
    mW1 = jax.random.uniform(ks[10], (D_H, D_H), jnp.float32, -s2, s2)
    mb1 = jax.random.uniform(ks[11], (D_H,), jnp.float32, -s2, s2)
    mW2 = jax.random.uniform(ks[12], (D_H, D_OUT), jnp.float32, -s2, s2)
    mb2 = jax.random.uniform(ks[13], (D_OUT,), jnp.float32, -s2, s2)
    return {"x1": x1, "edge_index1": edge_index1, "batch1": batch1,
            "x2": x2, "edge_index2": edge_index2, "batch2": batch2,
            "W1": W1, "b1": b1, "W2": W2, "b2": b2,
            "mW1": mW1, "mb1": mb1, "mW2": mW2, "mb2": mb2}


def gcn_norm(edge_index, num_nodes):
    # T.GCNNorm: add self-loops, edge_weight = deg^-1/2[src] * deg^-1/2[dst]
    loops = jnp.arange(num_nodes, dtype=edge_index.dtype)
    row = jnp.concatenate([edge_index[0], loops])
    col = jnp.concatenate([edge_index[1], loops])
    ones = jnp.ones(row.shape[0], jnp.float32)
    deg = jnp.zeros((num_nodes,), jnp.float32).at[col].add(ones)
    dis = jnp.where(deg > 0, 1.0 / jnp.sqrt(deg), 0.0)
    w = dis[row] * dis[col]
    return row, col, w


def gcn_conv(x, row, col, w, W, b):
    h = x @ W
    msg = h[row] * w[:, None]
    out = jnp.zeros((x.shape[0], h.shape[1]), jnp.float32).at[col].add(msg)
    return out + b


def global_mean_pool(h, batch, num_graphs):
    sums = jax.ops.segment_sum(h, batch, num_segments=num_graphs)
    cnt = jax.ops.segment_sum(jnp.ones((h.shape[0], 1), jnp.float32), batch, num_segments=num_graphs)
    return sums / jnp.maximum(cnt, 1.0)


def branch(x, edge_index, batch, W1, b1, W2, b2):
    row, col, w = gcn_norm(edge_index, x.shape[0])
    h = jax.nn.relu(gcn_conv(x, row, col, w, W1, b1))
    h = jax.nn.relu(gcn_conv(h, row, col, w, W2, b2))
    return global_mean_pool(h, batch, NG)


def reference(x1, edge_index1, batch1, x2, edge_index2, batch2,
              W1, b1, W2, b2, mW1, mb1, mW2, mb2):
    h1 = branch(x1, edge_index1, batch1, W1, b1, W2, b2)
    h2 = branch(x2, edge_index2, batch2, W1, b1, W2, b2)
    h_pair = h1 - h2
    out = jax.nn.relu(h_pair @ mW1 + mb1) @ mW2 + mb2
    return out

if __name__ == "__main__":
    import jax
    _d = setup_inputs()
    print(jax.jit(kernel)(*tuple(_d.values())))

</pallas_src>

<mosaic_0001>
#map = affine_map<(d0, d1) -> (0, 0, 0, 0, 0)>
#map1 = affine_map<(d0, d1) -> (0, 0)>
#map2 = affine_map<(d0, d1) -> (0, 0, 0)>
module attributes {stable_mosaic.version = 14 : i64} {
  func.func @_degree_kernel(%arg0: i32, %arg1: i32, %arg2: memref<2x16x16x20x64xi32, #tpu.memory_space<hbm>>, %arg3: memref<64x128xf32, #tpu.memory_space<hbm>>, %arg4: memref<632x128xf32, #tpu.memory_space<hbm>>, %arg5: memref<2x10112x128xf32, #tpu.memory_space<hbm>>, %arg6: memref<10112x128xf32, #tpu.memory_space<vmem_shared>>, %arg7: memref<20x64xi32, #tpu.memory_space<vmem>>, %arg8: memref<64x128xf32, #tpu.memory_space<vmem>>) attributes {dimension_semantics = [#tpu.dimension_semantics<core_parallel>, #tpu.dimension_semantics<subcore_parallel>], iteration_bounds = array<i64: 2, 16>, scalar_prefetch = 0 : i64, scratch_operands = 3 : i64, tpu.core_type = #tpu.core_type<sc_vector_subcore>, window_params = [{transform_indices = #map}, {transform_indices = #map1}, {transform_indices = #map1}, {transform_indices = #map2}]} {
    "tpu.region"() ({
      %run_scoped3A = tpu.sem_alloc : memref<!tpu.dma_semaphore, #tpu.memory_space<semaphore_mem>>
      tpu.enqueue_dma source(%arg3 : memref<64x128xf32, #tpu.memory_space<hbm>>) target(%arg8 : memref<64x128xf32, #tpu.memory_space<vmem>>) target_semaphore(%run_scoped3A : memref<!tpu.dma_semaphore, #tpu.memory_space<semaphore_mem>>)
      tpu.wait_dma2 semaphore(%run_scoped3A : memref<!tpu.dma_semaphore, #tpu.memory_space<semaphore_mem>>) src(%arg3 : memref<64x128xf32, #tpu.memory_space<hbm>>) dst(%arg8 : memref<64x128xf32, #tpu.memory_space<vmem>>)
      tpu.yield
    }) : () -> ()
    %mul3A = arith.constant 632 : i32
    %mul3A_0 = arith.muli %arg1, %mul3A : i32
    "tpu.region"() ({
      %run_scoped3A = tpu.sem_alloc : memref<!tpu.dma_semaphore, #tpu.memory_space<semaphore_mem>>
      %dma_start3A = arith.constant 0 : i32
      %dma_start3A_10 = tpu.memref_slice %arg6[%mul3A_0, %dma_start3A] : memref<10112x128xf32, #tpu.memory_space<vmem_shared>> -> memref<632x128xf32, #tpu.memory_space<vmem_shared>>
      tpu.enqueue_dma source(%arg4 : memref<632x128xf32, #tpu.memory_space<hbm>>) target(%dma_start3A_10 : memref<632x128xf32, #tpu.memory_space<vmem_shared>>) target_semaphore(%run_scoped3A : memref<!tpu.dma_semaphore, #tpu.memory_space<semaphore_mem>>)
      %dma_wait3A = arith.constant 0 : i32
      %dma_wait3A_11 = tpu.memref_slice %arg6[%mul3A_0, %dma_wait3A] : memref<10112x128xf32, #tpu.memory_space<vmem_shared>> -> memref<632x128xf32, #tpu.memory_space<vmem_shared>>
      tpu.wait_dma2 semaphore(%run_scoped3A : memref<!tpu.dma_semaphore, #tpu.memory_space<semaphore_mem>>) src(%arg4 : memref<632x128xf32, #tpu.memory_space<hbm>>) dst(%dma_wait3A_11 : memref<632x128xf32, #tpu.memory_space<vmem_shared>>)
      tpu.yield
    }) : () -> ()
    %barrier3A = arith.constant 0 : index
    tpu.barrier barrier_id(%barrier3A)
    %scan3A = arith.constant 0 : i32
    %scan3A_1 = arith.constant 0 : i32
    %scan3A_2 = arith.constant 16 : i32
    %scan3A_3 = arith.addi %scan3A_1, %scan3A_2 : i32
    %scan3A_4 = arith.constant 1 : i32
    %scan3A_5 = scf.for %scan3A_10 = %scan3A_1 to %scan3A_3 step %scan3A_4 iter_args(%scan3A_11 = %scan3A) -> (i32)  : i32 {
      "tpu.region"() ({
        %run_scoped3A = tpu.sem_alloc : memref<!tpu.dma_semaphore, #tpu.memory_space<semaphore_mem>>
        %dma_start3A = arith.constant 0 : i32
        %dma_start3A_20 = arith.constant 0 : i32
        %dma_start3A_21 = tpu.memref_slice %arg2[%arg0, %arg1, %scan3A_10, %dma_start3A, %dma_start3A_20] : memref<2x16x16x20x64xi32, #tpu.memory_space<hbm>> -> memref<1x1x1x20x64xi32, #tpu.memory_space<hbm>>
        %dma_start3A_22 = tpu.memref_squeeze %dma_start3A_21 : memref<1x1x1x20x64xi32, #tpu.memory_space<hbm>> -> memref<20x64xi32, #tpu.memory_space<hbm>>
        %dma_start3A_23 = arith.constant 0 : i32
        %dma_start3A_24 = arith.constant 0 : i32
        %dma_start3A_25 = tpu.memref_slice %arg2[%arg0, %arg1, %scan3A_10, %dma_start3A_23, %dma_start3A_24] : memref<2x16x16x20x64xi32, #tpu.memory_space<hbm>> -> memref<1x1x1x20x64xi32, #tpu.memory_space<hbm>>
        %dma_start3A_26 = tpu.memref_squeeze %dma_start3A_25 : memref<1x1x1x20x64xi32, #tpu.memory_space<hbm>> -> memref<20x64xi32, #tpu.memory_space<hbm>>
        tpu.enqueue_dma source(%dma_start3A_26 : memref<20x64xi32, #tpu.memory_space<hbm>>) target(%arg7 : memref<20x64xi32, #tpu.memory_space<vmem>>) target_semaphore(%run_scoped3A : memref<!tpu.dma_semaphore, #tpu.memory_space<semaphore_mem>>)
        %dma_wait3A = arith.constant 0 : i32
        %dma_wait3A_27 = arith.constant 0 : i32
        %dma_wait3A_28 = tpu.memref_slice %arg2[%arg0, %arg1, %scan3A_10, %dma_wait3A, %dma_wait3A_27] : memref<2x16x16x20x64xi32, #tpu.memory_space<hbm>> -> memref<1x1x1x20x64xi32, #tpu.memory_space<hbm>>
        %dma_wait3A_29 = tpu.memref_squeeze %dma_wait3A_28 : memref<1x1x1x20x64xi32, #tpu.memory_space<hbm>> -> memref<20x64xi32, #tpu.memory_space<hbm>>
        %dma_wait3A_30 = arith.constant 0 : i32
        %dma_wait3A_31 = arith.constant 0 : i32
        %dma_wait3A_32 = tpu.memref_slice %arg2[%arg0, %arg1, %scan3A_10, %dma_wait3A_30, %dma_wait3A_31] : memref<2x16x16x20x64xi32, #tpu.memory_space<hbm>> -> memref<1x1x1x20x64xi32, #tpu.memory_space<hbm>>
        %dma_wait3A_33 = tpu.memref_squeeze %dma_wait3A_32 : memref<1x1x1x20x64xi32, #tpu.memory_space<hbm>> -> memref<20x64xi32, #tpu.memory_space<hbm>>
        tpu.wait_dma2 semaphore(%run_scoped3A : memref<!tpu.dma_semaphore, #tpu.memory_space<semaphore_mem>>) src(%dma_wait3A_33 : memref<20x64xi32, #tpu.memory_space<hbm>>) dst(%arg7 : memref<20x64xi32, #tpu.memory_space<vmem>>)
        tpu.yield
      }) : () -> ()
      %scan3A_12 = arith.constant 0 : i32
      %scan3A_13 = arith.constant 0 : i32
      %scan3A_14 = arith.constant 20 : i32
      %scan3A_15 = arith.addi %scan3A_13, %scan3A_14 : i32
      %scan3A_16 = arith.constant 1 : i32
      %scan3A_17 = scf.for %scan3A_20 = %scan3A_13 to %scan3A_15 step %scan3A_16 iter_args(%scan3A_21 = %scan3A_12) -> (i32)  : i32 {
        "tpu.region"() ({
          %run_scoped3A = tpu.sem_alloc : memref<!tpu.dma_semaphore, #tpu.memory_space<semaphore_mem>>
          %dma_start3A = arith.constant 0 : i32
          %dma_start3A_23 = tpu.memref_slice %arg7[%scan3A_20, %dma_start3A] : memref<20x64xi32, #tpu.memory_space<vmem>> -> memref<1x64xi32, #tpu.memory_space<vmem>>
          %dma_start3A_24 = tpu.memref_squeeze %dma_start3A_23 : memref<1x64xi32, #tpu.memory_space<vmem>> -> memref<64xi32, #tpu.memory_space<vmem>>
          %dma_start3A_25 = arith.constant 0 : i32
          %dma_start3A_26 = arith.constant 0 : i32
          %dma_start3A_27 = tpu.memref_slice %arg6[%dma_start3A_25, %dma_start3A_26] : memref<10112x128xf32, #tpu.memory_space<vmem_shared>> -> memref<10112x128xf32, #tpu.memory_space<vmem_shared>>
          tpu.enqueue_indirect_dma source(%arg8 : memref<64x128xf32, #tpu.memory_space<vmem>>) target(%dma_start3A_27 : memref<10112x128xf32, #tpu.memory_space<vmem_shared>>) offsets(%dma_start3A_24 : memref<64xi32, #tpu.memory_space<vmem>>) semaphore(%run_scoped3A : memref<!tpu.dma_semaphore, #tpu.memory_space<semaphore_mem>>) {add = true}
          %dma_wait3A = arith.constant 0 : i32
          %dma_wait3A_28 = tpu.memref_slice %arg7[%scan3A_20, %dma_wait3A] : memref<20x64xi32, #tpu.memory_space<vmem>> -> memref<1x64xi32, #tpu.memory_space<vmem>>
          %dma_wait3A_29 = tpu.memref_squeeze %dma_wait3A_28 : memref<1x64xi32, #tpu.memory_space<vmem>> -> memref<64xi32, #tpu.memory_space<vmem>>
          %dma_wait3A_30 = arith.constant 0 : i32
          %dma_wait3A_31 = arith.constant 0 : i32
          %dma_wait3A_32 = tpu.memref_slice %arg6[%dma_wait3A_30, %dma_wait3A_31] : memref<10112x128xf32, #tpu.memory_space<vmem_shared>> -> memref<10112x128xf32, #tpu.memory_space<vmem_shared>>
          tpu.wait_indirect_dma semaphore(%run_scoped3A : memref<!tpu.dma_semaphore, #tpu.memory_space<semaphore_mem>>) src(%arg8 : memref<64x128xf32, #tpu.memory_space<vmem>>) dst(%dma_wait3A_32 : memref<10112x128xf32, #tpu.memory_space<vmem_shared>>)
          tpu.yield
        }) : () -> ()
        %scan3A_22 = arith.constant 0 : i32
        scf.yield %scan3A_22 : i32
      }
      %scan3A_18 = arith.constant 20 : i32
      %scan3A_19 = arith.constant 0 : i32
      scf.yield %scan3A_19 : i32
    }
    %scan3A_6 = arith.constant 16 : i32
    %barrier3A_7 = arith.constant 0 : index
    tpu.barrier barrier_id(%barrier3A_7)
    %mul3A_8 = arith.constant 632 : i32
    %mul3A_9 = arith.muli %arg1, %mul3A_8 : i32
    "tpu.region"() ({
      %run_scoped3A = tpu.sem_alloc : memref<!tpu.dma_semaphore, #tpu.memory_space<semaphore_mem>>
      %dma_start3A = arith.constant 0 : i32
      %dma_start3A_10 = arith.constant 0 : i32
      %dma_start3A_11 = tpu.memref_slice %arg5[%arg0, %dma_start3A, %dma_start3A_10] : memref<2x10112x128xf32, #tpu.memory_space<hbm>> -> memref<1x10112x128xf32, #tpu.memory_space<hbm>>
      %dma_start3A_12 = tpu.memref_squeeze %dma_start3A_11 : memref<1x10112x128xf32, #tpu.memory_space<hbm>> -> memref<10112x128xf32, #tpu.memory_space<hbm>>
      %dma_start3A_13 = arith.constant 0 : i32
      %dma_start3A_14 = tpu.memref_slice %dma_start3A_12[%mul3A_9, %dma_start3A_13] : memref<10112x128xf32, #tpu.memory_space<hbm>> -> memref<632x128xf32, #tpu.memory_space<hbm>>
      %dma_start3A_15 = arith.constant 0 : i32
      %dma_start3A_16 = tpu.memref_slice %arg6[%mul3A_9, %dma_start3A_15] : memref<10112x128xf32, #tpu.memory_space<vmem_shared>> -> memref<632x128xf32, #tpu.memory_space<vmem_shared>>
      tpu.enqueue_dma source(%dma_start3A_16 : memref<632x128xf32, #tpu.memory_space<vmem_shared>>) target(%dma_start3A_14 : memref<632x128xf32, #tpu.memory_space<hbm>>) target_semaphore(%run_scoped3A : memref<!tpu.dma_semaphore, #tpu.memory_space<semaphore_mem>>)
      %dma_wait3A = arith.constant 0 : i32
      %dma_wait3A_17 = arith.constant 0 : i32
      %dma_wait3A_18 = tpu.memref_slice %arg5[%arg0, %dma_wait3A, %dma_wait3A_17] : memref<2x10112x128xf32, #tpu.memory_space<hbm>> -> memref<1x10112x128xf32, #tpu.memory_space<hbm>>
      %dma_wait3A_19 = tpu.memref_squeeze %dma_wait3A_18 : memref<1x10112x128xf32, #tpu.memory_space<hbm>> -> memref<10112x128xf32, #tpu.memory_space<hbm>>
      %dma_wait3A_20 = arith.constant 0 : i32
      %dma_wait3A_21 = tpu.memref_slice %dma_wait3A_19[%mul3A_9, %dma_wait3A_20] : memref<10112x128xf32, #tpu.memory_space<hbm>> -> memref<632x128xf32, #tpu.memory_space<hbm>>
      %dma_wait3A_22 = arith.constant 0 : i32
      %dma_wait3A_23 = tpu.memref_slice %arg6[%mul3A_9, %dma_wait3A_22] : memref<10112x128xf32, #tpu.memory_space<vmem_shared>> -> memref<632x128xf32, #tpu.memory_space<vmem_shared>>
      tpu.wait_dma2 semaphore(%run_scoped3A : memref<!tpu.dma_semaphore, #tpu.memory_space<semaphore_mem>>) src(%dma_wait3A_23 : memref<632x128xf32, #tpu.memory_space<vmem_shared>>) dst(%dma_wait3A_21 : memref<632x128xf32, #tpu.memory_space<hbm>>)
      tpu.yield
    }) : () -> ()
    return
  }
}

#map = affine_map<(d0, d1) -> (0, 0)>
#map1 = affine_map<(d0, d1) -> (0, 0, 0, 0, 0)>
#map2 = affine_map<(d0, d1) -> (0, 0, 0)>
module attributes {stable_mosaic.version = 14 : i64} {
  func.func @_conv_kernel(%arg0: i32, %arg1: i32, %arg2: memref<20224x128xf32, #tpu.memory_space<hbm>>, %arg3: memref<2x16x16x20x64xi32, #tpu.memory_space<hbm>>, %arg4: memref<2x16x16x20x64xi32, #tpu.memory_space<hbm>>, %arg5: memref<632x128xf32, #tpu.memory_space<hbm>>, %arg6: memref<2x10112x128xf32, #tpu.memory_space<hbm>>, %arg7: memref<10112x128xf32, #tpu.memory_space<vmem_shared>>, %arg8: memref<20x64xi32, #tpu.memory_space<vmem>>, %arg9: memref<20x64xi32, #tpu.memory_space<vmem>>, %arg10: memref<5x64x128xf32, #tpu.memory_space<vmem>>, %arg11: memref<5x!tpu.dma_semaphore, #tpu.memory_space<semaphore_mem>>, %arg12: memref<5x!tpu.dma_semaphore, #tpu.memory_space<semaphore_mem>>) attributes {dimension_semantics = [#tpu.dimension_semantics<core_parallel>, #tpu.dimension_semantics<subcore_parallel>], iteration_bounds = array<i64: 2, 16>, scalar_prefetch = 0 : i64, scratch_operands = 6 : i64, tpu.core_type = #tpu.core_type<sc_vector_subcore>, window_params = [{transform_indices = #map}, {transform_indices = #map1}, {transform_indices = #map1}, {transform_indices = #map}, {transform_indices = #map2}]} {
    %mul3A = arith.constant 632 : i32
    %mul3A_0 = arith.muli %arg1, %mul3A : i32
    "tpu.region"() ({
      %run_scoped3A = tpu.sem_alloc : memref<!tpu.dma_semaphore, #tpu.memory_space<semaphore_mem>>
      %dma_start3A = arith.constant 0 : i32
      %dma_start3A_24 = tpu.memref_slice %arg7[%mul3A_0, %dma_start3A] : memref<10112x128xf32, #tpu.memory_space<vmem_shared>> -> memref<632x128xf32, #tpu.memory_space<vmem_shared>>
      tpu.enqueue_dma source(%arg5 : memref<632x128xf32, #tpu.memory_space<hbm>>) target(%dma_start3A_24 : memref<632x128xf32, #tpu.memory_space<vmem_shared>>) target_semaphore(%run_scoped3A : memref<!tpu.dma_semaphore, #tpu.memory_space<semaphore_mem>>)
      %dma_wait3A_25 = arith.constant 0 : i32
      %dma_wait3A_26 = tpu.memref_slice %arg7[%mul3A_0, %dma_wait3A_25] : memref<10112x128xf32, #tpu.memory_space<vmem_shared>> -> memref<632x128xf32, #tpu.memory_space<vmem_shared>>
      tpu.wait_dma2 semaphore(%run_scoped3A : memref<!tpu.dma_semaphore, #tpu.memory_space<semaphore_mem>>) src(%arg5 : memref<632x128xf32, #tpu.memory_space<hbm>>) dst(%dma_wait3A_26 : memref<632x128xf32, #tpu.memory_space<vmem_shared>>)
      tpu.yield
    }) : () -> ()
    %barrier3A = arith.constant 0 : index
    tpu.barrier barrier_id(%barrier3A)
    %scan3A = arith.constant 0 : i32
    %scan3A_1 = arith.constant 0 : i32
    %scan3A_2 = arith.constant 16 : i32
    %scan3A_3 = arith.addi %scan3A_1, %scan3A_2 : i32
    %scan3A_4 = arith.constant 1 : i32
    %scan3A_5 = scf.for %scan3A_24 = %scan3A_1 to %scan3A_3 step %scan3A_4 iter_args(%scan3A_25 = %scan3A) -> (i32)  : i32 {
      "tpu.region"() ({
        %run_scoped3A = tpu.sem_alloc : memref<!tpu.dma_semaphore, #tpu.memory_space<semaphore_mem>>
        %dma_start3A_93 = arith.constant 0 : i32
        %dma_start3A_94 = arith.constant 0 : i32
        %dma_start3A_95 = tpu.memref_slice %arg3[%arg0, %arg1, %scan3A_24, %dma_start3A_93, %dma_start3A_94] : memref<2x16x16x20x64xi32, #tpu.memory_space<hbm>> -> memref<1x1x1x20x64xi32, #tpu.memory_space<hbm>>
        %dma_start3A_96 = tpu.memref_squeeze %dma_start3A_95 : memref<1x1x1x20x64xi32, #tpu.memory_space<hbm>> -> memref<20x64xi32, #tpu.memory_space<hbm>>
        %dma_start3A_97 = arith.constant 0 : i32
        %dma_start3A_98 = arith.constant 0 : i32
        %dma_start3A_99 = tpu.memref_slice %arg3[%arg0, %arg1, %scan3A_24, %dma_start3A_97, %dma_start3A_98] : memref<2x16x16x20x64xi32, #tpu.memory_space<hbm>> -> memref<1x1x1x20x64xi32, #tpu.memory_space<hbm>>
        %dma_start3A_100 = tpu.memref_squeeze %dma_start3A_99 : memref<1x1x1x20x64xi32, #tpu.memory_space<hbm>> -> memref<20x64xi32, #tpu.memory_space<hbm>>
        tpu.enqueue_dma source(%dma_start3A_100 : memref<20x64xi32, #tpu.memory_space<hbm>>) target(%arg8 : memref<20x64xi32, #tpu.memory_space<vmem>>) target_semaphore(%run_scoped3A : memref<!tpu.dma_semaphore, #tpu.memory_space<semaphore_mem>>)
        %dma_wait3A_101 = arith.constant 0 : i32
        %dma_wait3A_102 = arith.constant 0 : i32
        %dma_wait3A_103 = tpu.memref_slice %arg3[%arg0, %arg1, %scan3A_24, %dma_wait3A_101, %dma_wait3A_102] : memref<2x16x16x20x64xi32, #tpu.memory_space<hbm>> -> memref<1x1x1x20x64xi32, #tpu.memory_space<hbm>>
        %dma_wait3A_104 = tpu.memref_squeeze %dma_wait3A_103 : memref<1x1x1x20x64xi32, #tpu.memory_space<hbm>> -> memref<20x64xi32, #tpu.memory_space<hbm>>
        %dma_wait3A_105 = arith.constant 0 : i32
        %dma_wait3A_106 = arith.constant 0 : i32
        %dma_wait3A_107 = tpu.memref_slice %arg3[%arg0, %arg1, %scan3A_24, %dma_wait3A_105, %dma_wait3A_106] : memref<2x16x16x20x64xi32, #tpu.memory_space<hbm>> -> memref<1x1x1x20x64xi32, #tpu.memory_space<hbm>>
        %dma_wait3A_108 = tpu.memref_squeeze %dma_wait3A_107 : memref<1x1x1x20x64xi32, #tpu.memory_space<hbm>> -> memref<20x64xi32, #tpu.memory_space<hbm>>
        tpu.wait_dma2 semaphore(%run_scoped3A : memref<!tpu.dma_semaphore, #tpu.memory_space<semaphore_mem>>) src(%dma_wait3A_108 : memref<20x64xi32, #tpu.memory_space<hbm>>) dst(%arg8 : memref<20x64xi32, #tpu.memory_space<vmem>>)
        tpu.yield
      }) : () -> ()
      "tpu.region"() ({
        %run_scoped3A = tpu.sem_alloc : memref<!tpu.dma_semaphore, #tpu.memory_space<semaphore_mem>>
        %dma_start3A_93 = arith.constant 0 : i32
        %dma_start3A_94 = arith.constant 0 : i32
        %dma_start3A_95 = tpu.memref_slice %arg4[%arg0, %arg1, %scan3A_24, %dma_start3A_93, %dma_start3A_94] : memref<2x16x16x20x64xi32, #tpu.memory_space<hbm>> -> memref<1x1x1x20x64xi32, #tpu.memory_space<hbm>>
        %dma_start3A_96 = tpu.memref_squeeze %dma_start3A_95 : memref<1x1x1x20x64xi32, #tpu.memory_space<hbm>> -> memref<20x64xi32, #tpu.memory_space<hbm>>
        %dma_start3A_97 = arith.constant 0 : i32
        %dma_start3A_98 = arith.constant 0 : i32
        %dma_start3A_99 = tpu.memref_slice %arg4[%arg0, %arg1, %scan3A_24, %dma_start3A_97, %dma_start3A_98] : memref<2x16x16x20x64xi32, #tpu.memory_space<hbm>> -> memref<1x1x1x20x64xi32, #tpu.memory_space<hbm>>
        %dma_start3A_100 = tpu.memref_squeeze %dma_start3A_99 : memref<1x1x1x20x64xi32, #tpu.memory_space<hbm>> -> memref<20x64xi32, #tpu.memory_space<hbm>>
        tpu.enqueue_dma source(%dma_start3A_100 : memref<20x64xi32, #tpu.memory_space<hbm>>) target(%arg9 : memref<20x64xi32, #tpu.memory_space<vmem>>) target_semaphore(%run_scoped3A : memref<!tpu.dma_semaphore, #tpu.memory_space<semaphore_mem>>)
        %dma_wait3A_101 = arith.constant 0 : i32
        %dma_wait3A_102 = arith.constant 0 : i32
        %dma_wait3A_103 = tpu.memref_slice %arg4[%arg0, %arg1, %scan3A_24, %dma_wait3A_101, %dma_wait3A_102] : memref<2x16x16x20x64xi32, #tpu.memory_space<hbm>> -> memref<1x1x1x20x64xi32, #tpu.memory_space<hbm>>
        %dma_wait3A_104 = tpu.memref_squeeze %dma_wait3A_103 : memref<1x1x1x20x64xi32, #tpu.memory_space<hbm>> -> memref<20x64xi32, #tpu.memory_space<hbm>>
        %dma_wait3A_105 = arith.constant 0 : i32
        %dma_wait3A_106 = arith.constant 0 : i32
        %dma_wait3A_107 = tpu.memref_slice %arg4[%arg0, %arg1, %scan3A_24, %dma_wait3A_105, %dma_wait3A_106] : memref<2x16x16x20x64xi32, #tpu.memory_space<hbm>> -> memref<1x1x1x20x64xi32, #tpu.memory_space<hbm>>
        %dma_wait3A_108 = tpu.memref_squeeze %dma_wait3A_107 : memref<1x1x1x20x64xi32, #tpu.memory_space<hbm>> -> memref<20x64xi32, #tpu.memory_space<hbm>>
        tpu.wait_dma2 semaphore(%run_scoped3A : memref<!tpu.dma_semaphore, #tpu.memory_space<semaphore_mem>>) src(%dma_wait3A_108 : memref<20x64xi32, #tpu.memory_space<hbm>>) dst(%arg9 : memref<20x64xi32, #tpu.memory_space<vmem>>)
        tpu.yield
      }) : () -> ()
      %dma_start3A = arith.constant 0 : i32
      %dma_start3A_26 = arith.constant 0 : i32
      %dma_start3A_27 = arith.constant 0 : i32
      %dma_start3A_28 = arith.constant 0 : i32
      %dma_start3A_29 = arith.constant 0 : i32
      %dma_start3A_30 = tpu.memref_slice %arg10[%dma_start3A_26, %dma_start3A_28, %dma_start3A_29] : memref<5x64x128xf32, #tpu.memory_space<vmem>> -> memref<1x64x128xf32, #tpu.memory_space<vmem>>
      %dma_start3A_31 = tpu.memref_squeeze %dma_start3A_30 : memref<1x64x128xf32, #tpu.memory_space<vmem>> -> memref<64x128xf32, #tpu.memory_space<vmem>>
      %dma_start3A_32 = arith.constant 0 : i32
      %dma_start3A_33 = tpu.memref_slice %arg8[%dma_start3A, %dma_start3A_32] : memref<20x64xi32, #tpu.memory_space<vmem>> -> memref<1x64xi32, #tpu.memory_space<vmem>>
      %dma_start3A_34 = tpu.memref_squeeze %dma_start3A_33 : memref<1x64xi32, #tpu.memory_space<vmem>> -> memref<64xi32, #tpu.memory_space<vmem>>
      %dma_start3A_35 = arith.constant 0 : i32
      %dma_start3A_36 = arith.constant 0 : i32
      %dma_start3A_37 = tpu.memref_slice %arg2[%dma_start3A_35, %dma_start3A_36] : memref<20224x128xf32, #tpu.memory_space<hbm>> -> memref<20224x128xf32, #tpu.memory_space<hbm>>
      %dma_start3A_38 = tpu.memref_slice %arg11[%dma_start3A_27] : memref<5x!tpu.dma_semaphore, #tpu.memory_space<semaphore_mem>> -> memref<1x!tpu.dma_semaphore, #tpu.memory_space<semaphore_mem>>
      %dma_start3A_39 = tpu.memref_squeeze %dma_start3A_38 : memref<1x!tpu.dma_semaphore, #tpu.memory_space<semaphore_mem>> -> memref<!tpu.dma_semaphore, #tpu.memory_space<semaphore_mem>>
      tpu.enqueue_indirect_dma source(%dma_start3A_37 : memref<20224x128xf32, #tpu.memory_space<hbm>>) target(%dma_start3A_31 : memref<64x128xf32, #tpu.memory_space<vmem>>) offsets(%dma_start3A_34 : memref<64xi32, #tpu.memory_space<vmem>>) semaphore(%dma_start3A_39 : memref<!tpu.dma_semaphore, #tpu.memory_space<semaphore_mem>>)
      %dma_start3A_40 = arith.constant 1 : i32
      %dma_start3A_41 = arith.constant 1 : i32
      %dma_start3A_42 = arith.constant 1 : i32
      %dma_start3A_43 = arith.constant 0 : i32
      %dma_start3A_44 = arith.constant 0 : i32
      %dma_start3A_45 = tpu.memref_slice %arg10[%dma_start3A_41, %dma_start3A_43, %dma_start3A_44] : memref<5x64x128xf32, #tpu.memory_space<vmem>> -> memref<1x64x128xf32, #tpu.memory_space<vmem>>
      %dma_start3A_46 = tpu.memref_squeeze %dma_start3A_45 : memref<1x64x128xf32, #tpu.memory_space<vmem>> -> memref<64x128xf32, #tpu.memory_space<vmem>>
      %dma_start3A_47 = arith.constant 0 : i32
      %dma_start3A_48 = tpu.memref_slice %arg8[%dma_start3A_40, %dma_start3A_47] : memref<20x64xi32, #tpu.memory_space<vmem>> -> memref<1x64xi32, #tpu.memory_space<vmem>>
      %dma_start3A_49 = tpu.memref_squeeze %dma_start3A_48 : memref<1x64xi32, #tpu.memory_space<vmem>> -> memref<64xi32, #tpu.memory_space<vmem>>
      %dma_start3A_50 = arith.constant 0 : i32
      %dma_start3A_51 = arith.constant 0 : i32
      %dma_start3A_52 = tpu.memref_slice %arg2[%dma_start3A_50, %dma_start3A_51] : memref<20224x128xf32, #tpu.memory_space<hbm>> -> memref<20224x128xf32, #tpu.memory_space<hbm>>
      %dma_start3A_53 = tpu.memref_slice %arg11[%dma_start3A_42] : memref<5x!tpu.dma_semaphore, #tpu.memory_space<semaphore_mem>> -> memref<1x!tpu.dma_semaphore, #tpu.memory_space<semaphore_mem>>
      %dma_start3A_54 = tpu.memref_squeeze %dma_start3A_53 : memref<1x!tpu.dma_semaphore, #tpu.memory_space<semaphore_mem>> -> memref<!tpu.dma_semaphore, #tpu.memory_space<semaphore_mem>>
      tpu.enqueue_indirect_dma source(%dma_start3A_52 : memref<20224x128xf32, #tpu.memory_space<hbm>>) target(%dma_start3A_46 : memref<64x128xf32, #tpu.memory_space<vmem>>) offsets(%dma_start3A_49 : memref<64xi32, #tpu.memory_space<vmem>>) semaphore(%dma_start3A_54 : memref<!tpu.dma_semaphore, #tpu.memory_space<semaphore_mem>>)
      %dma_start3A_55 = arith.constant 2 : i32
      %dma_start3A_56 = arith.constant 2 : i32
      %dma_start3A_57 = arith.constant 2 : i32
      %dma_start3A_58 = arith.constant 0 : i32
      %dma_start3A_59 = arith.constant 0 : i32
      %dma_start3A_60 = tpu.memref_slice %arg10[%dma_start3A_56, %dma_start3A_58, %dma_start3A_59] : memref<5x64x128xf32, #tpu.memory_space<vmem>> -> memref<1x64x128xf32, #tpu.memory_space<vmem>>
      %dma_start3A_61 = tpu.memref_squeeze %dma_start3A_60 : memref<1x64x128xf32, #tpu.memory_space<vmem>> -> memref<64x128xf32, #tpu.memory_space<vmem>>
      %dma_start3A_62 = arith.constant 0 : i32
      %dma_start3A_63 = tpu.memref_slice %arg8[%dma_start3A_55, %dma_start3A_62] : memref<20x64xi32, #tpu.memory_space<vmem>> -> memref<1x64xi32, #tpu.memory_space<vmem>>
      %dma_start3A_64 = tpu.memref_squeeze %dma_start3A_63 : memref<1x64xi32, #tpu.memory_space<vmem>> -> memref<64xi32, #tpu.memory_space<vmem>>
      %dma_start3A_65 = arith.constant 0 : i32
      %dma_start3A_66 = arith.constant 0 : i32
      %dma_start3A_67 = tpu.memref_slice %arg2[%dma_start3A_65, %dma_start3A_66] : memref<20224x128xf32, #tpu.memory_space<hbm>> -> memref<20224x128xf32, #tpu.memory_space<hbm>>
      %dma_start3A_68 = tpu.memref_slice %arg11[%dma_start3A_57] : memref<5x!tpu.dma_semaphore, #tpu.memory_space<semaphore_mem>> -> memref<1x!tpu.dma_semaphore, #tpu.memory_space<semaphore_mem>>
      %dma_start3A_69 = tpu.memref_squeeze %dma_start3A_68 : memref<1x!tpu.dma_semaphore, #tpu.memory_space<semaphore_mem>> -> memref<!tpu.dma_semaphore, #tpu.memory_space<semaphore_mem>>
      tpu.enqueue_indirect_dma source(%dma_start3A_67 : memref<20224x128xf32, #tpu.memory_space<hbm>>) target(%dma_start3A_61 : memref<64x128xf32, #tpu.memory_space<vmem>>) offsets(%dma_start3A_64 : memref<64xi32, #tpu.memory_space<vmem>>) semaphore(%dma_start3A_69 : memref<!tpu.dma_semaphore, #tpu.memory_space<semaphore_mem>>)
      %dma_start3A_70 = arith.constant 3 : i32
      %dma_start3A_71 = arith.constant 3 : i32
      %dma_start3A_72 = arith.constant 3 : i32
      %dma_start3A_73 = arith.constant 0 : i32
      %dma_start3A_74 = arith.constant 0 : i32
      %dma_start3A_75 = tpu.memref_slice %arg10[%dma_start3A_71, %dma_start3A_73, %dma_start3A_74] : memref<5x64x128xf32, #tpu.memory_space<vmem>> -> memref<1x64x128xf32, #tpu.memory_space<vmem>>
      %dma_start3A_76 = tpu.memref_squeeze %dma_start3A_75 : memref<1x64x128xf32, #tpu.memory_space<vmem>> -> memref<64x128xf32, #tpu.memory_space<vmem>>
      %dma_start3A_77 = arith.constant 0 : i32
      %dma_start3A_78 = tpu.memref_slice %arg8[%dma_start3A_70, %dma_start3A_77] : memref<20x64xi32, #tpu.memory_space<vmem>> -> memref<1x64xi32, #tpu.memory_space<vmem>>
      %dma_start3A_79 = tpu.memref_squeeze %dma_start3A_78 : memref<1x64xi32, #tpu.memory_space<vmem>> -> memref<64xi32, #tpu.memory_space<vmem>>
      %dma_start3A_80 = arith.constant 0 : i32
      %dma_start3A_81 = arith.constant 0 : i32
      %dma_start3A_82 = tpu.memref_slice %arg2[%dma_start3A_80, %dma_start3A_81] : memref<20224x128xf32, #tpu.memory_space<hbm>> -> memref<20224x128xf32, #tpu.memory_space<hbm>>
      %dma_start3A_83 = tpu.memref_slice %arg11[%dma_start3A_72] : memref<5x!tpu.dma_semaphore, #tpu.memory_space<semaphore_mem>> -> memref<1x!tpu.dma_semaphore, #tpu.memory_space<semaphore_mem>>
      %dma_start3A_84 = tpu.memref_squeeze %dma_start3A_83 : memref<1x!tpu.dma_semaphore, #tpu.memory_space<semaphore_mem>> -> memref<!tpu.dma_semaphore, #tpu.memory_space<semaphore_mem>>
      tpu.enqueue_indirect_dma source(%dma_start3A_82 : memref<20224x128xf32, #tpu.memory_space<hbm>>) target(%dma_start3A_76 : memref<64x128xf32, #tpu.memory_space<vmem>>) offsets(%dma_start3A_79 : memref<64xi32, #tpu.memory_space<vmem>>) semaphore(%dma_start3A_84 : memref<!tpu.dma_semaphore, #tpu.memory_space<semaphore_mem>>)
      %scan3A_85 = arith.constant 0 : i32
      %scan3A_86 = arith.constant 0 : i32
      %scan3A_87 = arith.constant 4 : i32
      %scan3A_88 = arith.addi %scan3A_86, %scan3A_87 : i32
      %scan3A_89 = arith.constant 1 : i32
      %scan3A_90 = scf.for %scan3A_93 = %scan3A_86 to %scan3A_88 step %scan3A_89 iter_args(%scan3A_94 = %scan3A_85) -> (i32)  : i32 {
        %mul3A_95 = arith.constant 5 : i32
        %mul3A_96 = arith.muli %scan3A_93, %mul3A_95 : i32
        %add3A = arith.constant 0 : i32
        %add3A_97 = arith.addi %mul3A_96, %add3A : i32
        %gt3A = arith.constant 0 : i32
        %gt3A_98 = arith.cmpi sgt, %scan3A_24, %gt3A : i32
        %gt3A_99 = arith.constant 0 : i32
        %gt3A_100 = arith.cmpi sgt, %scan3A_93, %gt3A_99 : i32
        %or3A = arith.ori %gt3A_98, %gt3A_100 : i1
        %convert_element_type3A = arith.extui %or3A : i1 to i32
        %cond3A = arith.constant 0 : i32
        %cond3A_101 = arith.cmpi ne, %convert_element_type3A, %cond3A : i32
        scf.if %cond3A_101 {
          %dma_wait3A_341 = arith.constant 4 : i32
          %dma_wait3A_342 = arith.constant 4 : i32
          %dma_wait3A_343 = arith.constant 0 : i32
          %dma_wait3A_344 = arith.constant 0 : i32
          %dma_wait3A_345 = tpu.memref_slice %arg10[%dma_wait3A_341, %dma_wait3A_343, %dma_wait3A_344] : memref<5x64x128xf32, #tpu.memory_space<vmem>> -> memref<1x64x128xf32, #tpu.memory_space<vmem>>
          %dma_wait3A_346 = tpu.memref_squeeze %dma_wait3A_345 : memref<1x64x128xf32, #tpu.memory_space<vmem>> -> memref<64x128xf32, #tpu.memory_space<vmem>>
          %dma_wait3A_347 = arith.constant 0 : i32
          %dma_wait3A_348 = tpu.memref_slice %arg9[%add3A_97, %dma_wait3A_347] : memref<20x64xi32, #tpu.memory_space<vmem>> -> memref<1x64xi32, #tpu.memory_space<vmem>>
          %dma_wait3A_349 = tpu.memref_squeeze %dma_wait3A_348 : memref<1x64xi32, #tpu.memory_space<vmem>> -> memref<64xi32, #tpu.memory_space<vmem>>
          %dma_wait3A_350 = arith.constant 0 : i32
          %dma_wait3A_351 = arith.constant 0 : i32
          %dma_wait3A_352 = tpu.memref_slice %arg7[%dma_wait3A_350, %dma_wait3A_351] : memref<10112x128xf32, #tpu.memory_space<vmem_shared>> -> memref<10112x128xf32, #tpu.memory_space<vmem_shared>>
          %dma_wait3A_353 = tpu.memref_slice %arg12[%dma_wait3A_342] : memref<5x!tpu.dma_semaphore, #tpu.memory_space<semaphore_mem>> -> memref<1x!tpu.dma_semaphore, #tpu.memory_space<semaphore_mem>>
          %dma_wait3A_354 = tpu.memref_squeeze %dma_wait3A_353 : memref<1x!tpu.dma_semaphore, #tpu.memory_space<semaphore_mem>> -> memref<!tpu.dma_semaphore, #tpu.memory_space<semaphore_mem>>
          tpu.wait_indirect_dma semaphore(%dma_wait3A_354 : memref<!tpu.dma_semaphore, #tpu.memory_space<semaphore_mem>>) src(%dma_wait3A_346 : memref<64x128xf32, #tpu.memory_space<vmem>>) dst(%dma_wait3A_352 : memref<10112x128xf32, #tpu.memory_space<vmem_shared>>)
        } else {
        }
        %add3A_102 = arith.constant 4 : i32
        %add3A_103 = arith.addi %add3A_97, %add3A_102 : i32
        %lt3A = arith.constant 20 : i32
        %lt3A_104 = arith.cmpi slt, %add3A_103, %lt3A : i32
        %convert_element_type3A_105 = arith.extui %lt3A_104 : i1 to i32
        %cond3A_106 = arith.constant 0 : i32
        %cond3A_107 = arith.cmpi ne, %convert_element_type3A_105, %cond3A_106 : i32
        scf.if %cond3A_107 {
          %add3A_341 = arith.constant 4 : i32
          %add3A_342 = arith.addi %add3A_97, %add3A_341 : i32
          %dma_start3A_343 = arith.constant 4 : i32
          %dma_start3A_344 = arith.constant 4 : i32
          %dma_start3A_345 = arith.constant 0 : i32
          %dma_start3A_346 = arith.constant 0 : i32
          %dma_start3A_347 = tpu.memref_slice %arg10[%dma_start3A_343, %dma_start3A_345, %dma_start3A_346] : memref<5x64x128xf32, #tpu.memory_space<vmem>> -> memref<1x64x128xf32, #tpu.memory_space<vmem>>
          %dma_start3A_348 = tpu.memref_squeeze %dma_start3A_347 : memref<1x64x128xf32, #tpu.memory_space<vmem>> -> memref<64x128xf32, #tpu.memory_space<vmem>>
          %dma_start3A_349 = arith.constant 0 : i32
          %dma_start3A_350 = tpu.memref_slice %arg8[%add3A_342, %dma_start3A_349] : memref<20x64xi32, #tpu.memory_space<vmem>> -> memref<1x64xi32, #tpu.memory_space<vmem>>
          %dma_start3A_351 = tpu.memref_squeeze %dma_start3A_350 : memref<1x64xi32, #tpu.memory_space<vmem>> -> memref<64xi32, #tpu.memory_space<vmem>>
          %dma_start3A_352 = arith.constant 0 : i32
          %dma_start3A_353 = arith.constant 0 : i32
          %dma_start3A_354 = tpu.memref_slice %arg2[%dma_start3A_352, %dma_start3A_353] : memref<20224x128xf32, #tpu.memory_space<hbm>> -> memref<20224x128xf32, #tpu.memory_space<hbm>>
          %dma_start3A_355 = tpu.memref_slice %arg11[%dma_start3A_344] : memref<5x!tpu.dma_semaphore, #tpu.memory_space<semaphore_mem>> -> memref<1x!tpu.dma_semaphore, #tpu.memory_space<semaphore_mem>>
          %dma_start3A_356 = tpu.memref_squeeze %dma_start3A_355 : memref<1x!tpu.dma_semaphore, #tpu.memory_space<semaphore_mem>> -> memref<!tpu.dma_semaphore, #tpu.memory_space<semaphore_mem>>
          tpu.enqueue_indirect_dma source(%dma_start3A_354 : memref<20224x128xf32, #tpu.memory_space<hbm>>) target(%dma_start3A_348 : memref<64x128xf32, #tpu.memory_space<vmem>>) offsets(%dma_start3A_351 : memref<64xi32, #tpu.memory_space<vmem>>) semaphore(%dma_start3A_356 : memref<!tpu.dma_semaphore, #tpu.memory_space<semaphore_mem>>)
        } else {
        }
        %dma_wait3A_108 = arith.constant 0 : i32
        %dma_wait3A_109 = arith.constant 0 : i32
        %dma_wait3A_110 = arith.constant 0 : i32
        %dma_wait3A_111 = arith.constant 0 : i32
        %dma_wait3A_112 = tpu.memref_slice %arg10[%dma_wait3A_108, %dma_wait3A_110, %dma_wait3A_111] : memref<5x64x128xf32, #tpu.memory_space<vmem>> -> memref<1x64x128xf32, #tpu.memory_space<vmem>>
        %dma_wait3A_113 = tpu.memref_squeeze %dma_wait3A_112 : memref<1x64x128xf32, #tpu.memory_space<vmem>> -> memref<64x128xf32, #tpu.memory_space<vmem>>
        %dma_wait3A_114 = arith.constant 0 : i32
        %dma_wait3A_115 = tpu.memref_slice %arg8[%add3A_97, %dma_wait3A_114] : memref<20x64xi32, #tpu.memory_space<vmem>> -> memref<1x64xi32, #tpu.memory_space<vmem>>
        %dma_wait3A_116 = tpu.memref_squeeze %dma_wait3A_115 : memref<1x64xi32, #tpu.memory_space<vmem>> -> memref<64xi32, #tpu.memory_space<vmem>>
        %dma_wait3A_117 = arith.constant 0 : i32
        %dma_wait3A_118 = arith.constant 0 : i32
        %dma_wait3A_119 = tpu.memref_slice %arg2[%dma_wait3A_117, %dma_wait3A_118] : memref<20224x128xf32, #tpu.memory_space<hbm>> -> memref<20224x128xf32, #tpu.memory_space<hbm>>
        %dma_wait3A_120 = tpu.memref_slice %arg11[%dma_wait3A_109] : memref<5x!tpu.dma_semaphore, #tpu.memory_space<semaphore_mem>> -> memref<1x!tpu.dma_semaphore, #tpu.memory_space<semaphore_mem>>
        %dma_wait3A_121 = tpu.memref_squeeze %dma_wait3A_120 : memref<1x!tpu.dma_semaphore, #tpu.memory_space<semaphore_mem>> -> memref<!tpu.dma_semaphore, #tpu.memory_space<semaphore_mem>>
        tpu.wait_indirect_dma semaphore(%dma_wait3A_121 : memref<!tpu.dma_semaphore, #tpu.memory_space<semaphore_mem>>) src(%dma_wait3A_119 : memref<20224x128xf32, #tpu.memory_space<hbm>>) dst(%dma_wait3A_113 : memref<64x128xf32, #tpu.memory_space<vmem>>)
        %dma_start3A_122 = arith.constant 0 : i32
        %dma_start3A_123 = arith.constant 0 : i32
        %dma_start3A_124 = arith.constant 0 : i32
        %dma_start3A_125 = arith.constant 0 : i32
        %dma_start3A_126 = tpu.memref_slice %arg10[%dma_start3A_122, %dma_start3A_124, %dma_start3A_125] : memref<5x64x128xf32, #tpu.memory_space<vmem>> -> memref<1x64x128xf32, #tpu.memory_space<vmem>>
        %dma_start3A_127 = tpu.memref_squeeze %dma_start3A_126 : memref<1x64x128xf32, #tpu.memory_space<vmem>> -> memref<64x128xf32, #tpu.memory_space<vmem>>
        %dma_start3A_128 = arith.constant 0 : i32
        %dma_start3A_129 = tpu.memref_slice %arg9[%add3A_97, %dma_start3A_128] : memref<20x64xi32, #tpu.memory_space<vmem>> -> memref<1x64xi32, #tpu.memory_space<vmem>>
        %dma_start3A_130 = tpu.memref_squeeze %dma_start3A_129 : memref<1x64xi32, #tpu.memory_space<vmem>> -> memref<64xi32, #tpu.memory_space<vmem>>
        %dma_start3A_131 = arith.constant 0 : i32
        %dma_start3A_132 = arith.constant 0 : i32
        %dma_start3A_133 = tpu.memref_slice %arg7[%dma_start3A_131, %dma_start3A_132] : memref<10112x128xf32, #tpu.memory_space<vmem_shared>> -> memref<10112x128xf32, #tpu.memory_space<vmem_shared>>
        %dma_start3A_134 = tpu.memref_slice %arg12[%dma_start3A_123] : memref<5x!tpu.dma_semaphore, #tpu.memory_space<semaphore_mem>> -> memref<1x!tpu.dma_semaphore, #tpu.memory_space<semaphore_mem>>
        %dma_start3A_135 = tpu.memref_squeeze %dma_start3A_134 : memref<1x!tpu.dma_semaphore, #tpu.memory_space<semaphore_mem>> -> memref<!tpu.dma_semaphore, #tpu.memory_space<semaphore_mem>>
        tpu.enqueue_indirect_dma source(%dma_start3A_127 : memref<64x128xf32, #tpu.memory_space<vmem>>) target(%dma_start3A_133 : memref<10112x128xf32, #tpu.memory_space<vmem_shared>>) offsets(%dma_start3A_130 : memref<64xi32, #tpu.memory_space<vmem>>) semaphore(%dma_start3A_135 : memref<!tpu.dma_semaphore, #tpu.memory_space<semaphore_mem>>) {add = true}
        %add3A_136 = arith.constant 1 : i32
        %add3A_137 = arith.addi %mul3A_96, %add3A_136 : i32
        %dma_wait3A_138 = arith.constant 0 : i32
        %dma_wait3A_139 = arith.constant 0 : i32
        %dma_wait3A_140 = arith.constant 0 : i32
        %dma_wait3A_141 = arith.constant 0 : i32
        %dma_wait3A_142 = tpu.memref_slice %arg10[%dma_wait3A_138, %dma_wait3A_140, %dma_wait3A_141] : memref<5x64x128xf32, #tpu.memory_space<vmem>> -> memref<1x64x128xf32, #tpu.memory_space<vmem>>
        %dma_wait3A_143 = tpu.memref_squeeze %dma_wait3A_142 : memref<1x64x128xf32, #tpu.memory_space<vmem>> -> memref<64x128xf32, #tpu.memory_space<vmem>>
        %dma_wait3A_144 = arith.constant 0 : i32
        %dma_wait3A_145 = tpu.memref_slice %arg9[%add3A_137, %dma_wait3A_144] : memref<20x64xi32, #tpu.memory_space<vmem>> -> memref<1x64xi32, #tpu.memory_space<vmem>>
        %dma_wait3A_146 = tpu.memref_squeeze %dma_wait3A_145 : memref<1x64xi32, #tpu.memory_space<vmem>> -> memref<64xi32, #tpu.memory_space<vmem>>
        %dma_wait3A_147 = arith.constant 0 : i32
        %dma_wait3A_148 = arith.constant 0 : i32
        %dma_wait3A_149 = tpu.memref_slice %arg7[%dma_wait3A_147, %dma_wait3A_148] : memref<10112x128xf32, #tpu.memory_space<vmem_shared>> -> memref<10112x128xf32, #tpu.memory_space<vmem_shared>>
        %dma_wait3A_150 = tpu.memref_slice %arg12[%dma_wait3A_139] : memref<5x!tpu.dma_semaphore, #tpu.memory_space<semaphore_mem>> -> memref<1x!tpu.dma_semaphore, #tpu.memory_space<semaphore_mem>>
        %dma_wait3A_151 = tpu.memref_squeeze %dma_wait3A_150 : memref<1x!tpu.dma_semaphore, #tpu.memory_space<semaphore_mem>> -> memref<!tpu.dma_semaphore, #tpu.memory_space<semaphore_mem>>
        tpu.wait_indirect_dma semaphore(%dma_wait3A_151 : memref<!tpu.dma_semaphore, #tpu.memory_space<semaphore_mem>>) src(%dma_wait3A_143 : memref<64x128xf32, #tpu.memory_space<vmem>>) dst(%dma_wait3A_149 : memref<10112x128xf32, #tpu.memory_space<vmem_shared>>)
        %add3A_152 = arith.constant 4 : i32
        %add3A_153 = arith.addi %add3A_137, %add3A_152 : i32
        %lt3A_154 = arith.constant 20 : i32
        %lt3A_155 = arith.cmpi slt, %add3A_153, %lt3A_154 : i32
        %convert_element_type3A_156 = arith.extui %lt3A_155 : i1 to i32
        %cond3A_157 = arith.constant 0 : i32
        %cond3A_158 = arith.cmpi ne, %convert_element_type3A_156, %cond3A_157 : i32
        scf.if %cond3A_158 {
          %add3A_341 = arith.constant 4 : i32
          %add3A_342 = arith.addi %add3A_137, %add3A_341 : i32
          %dma_start3A_343 = arith.constant 0 : i32
          %dma_start3A_344 = arith.constant 0 : i32
          %dma_start3A_345 = arith.constant 0 : i32
          %dma_start3A_346 = arith.constant 0 : i32
          %dma_start3A_347 = tpu.memref_slice %arg10[%dma_start3A_343, %dma_start3A_345, %dma_start3A_346] : memref<5x64x128xf32, #tpu.memory_space<vmem>> -> memref<1x64x128xf32, #tpu.memory_space<vmem>>
          %dma_start3A_348 = tpu.memref_squeeze %dma_start3A_347 : memref<1x64x128xf32, #tpu.memory_space<vmem>> -> memref<64x128xf32, #tpu.memory_space<vmem>>
          %dma_start3A_349 = arith.constant 0 : i32
          %dma_start3A_350 = tpu.memref_slice %arg8[%add3A_342, %dma_start3A_349] : memref<20x64xi32, #tpu.memory_space<vmem>> -> memref<1x64xi32, #tpu.memory_space<vmem>>
          %dma_start3A_351 = tpu.memref_squeeze %dma_start3A_350 : memref<1x64xi32, #tpu.memory_space<vmem>> -> memref<64xi32, #tpu.memory_space<vmem>>
          %dma_start3A_352 = arith.constant 0 : i32
          %dma_start3A_353 = arith.constant 0 : i32
          %dma_start3A_354 = tpu.memref_slice %arg2[%dma_start3A_352, %dma_start3A_353] : memref<20224x128xf32, #tpu.memory_space<hbm>> -> memref<20224x128xf32, #tpu.memory_space<hbm>>
          %dma_start3A_355 = tpu.memref_slice %arg11[%dma_start3A_344] : memref<5x!tpu.dma_semaphore, #tpu.memory_space<semaphore_mem>> -> memref<1x!tpu.dma_semaphore, #tpu.memory_space<semaphore_mem>>
          %dma_start3A_356 = tpu.memref_squeeze %dma_start3A_355 : memref<1x!tpu.dma_semaphore, #tpu.memory_space<semaphore_mem>> -> memref<!tpu.dma_semaphore, #tpu.memory_space<semaphore_mem>>
          tpu.enqueue_indirect_dma source(%dma_start3A_354 : memref<20224x128xf32, #tpu.memory_space<hbm>>) target(%dma_start3A_348 : memref<64x128xf32, #tpu.memory_space<vmem>>) offsets(%dma_start3A_351 : memref<64xi32, #tpu.memory_space<vmem>>) semaphore(%dma_start3A_356 : memref<!tpu.dma_semaphore, #tpu.memory_space<semaphore_mem>>)
        } else {
        }
        %dma_wait3A_159 = arith.constant 1 : i32
        %dma_wait3A_160 = arith.constant 1 : i32
        %dma_wait3A_161 = arith.constant 0 : i32
        %dma_wait3A_162 = arith.constant 0 : i32
        %dma_wait3A_163 = tpu.memref_slice %arg10[%dma_wait3A_159, %dma_wait3A_161, %dma_wait3A_162] : memref<5x64x128xf32, #tpu.memory_space<vmem>> -> memref<1x64x128xf32, #tpu.memory_space<vmem>>
        %dma_wait3A_164 = tpu.memref_squeeze %dma_wait3A_163 : memref<1x64x128xf32, #tpu.memory_space<vmem>> -> memref<64x128xf32, #tpu.memory_space<vmem>>
        %dma_wait3A_165 = arith.constant 0 : i32
        %dma_wait3A_166 = tpu.memref_slice %arg8[%add3A_137, %dma_wait3A_165] : memref<20x64xi32, #tpu.memory_space<vmem>> -> memref<1x64xi32, #tpu.memory_space<vmem>>
        %dma_wait3A_167 = tpu.memref_squeeze %dma_wait3A_166 : memref<1x64xi32, #tpu.memory_space<vmem>> -> memref<64xi32, #tpu.memory_space<vmem>>
        %dma_wait3A_168 = arith.constant 0 : i32
        %dma_wait3A_169 = arith.constant 0 : i32
        %dma_wait3A_170 = tpu.memref_slice %arg2[%dma_wait3A_168, %dma_wait3A_169] : memref<20224x128xf32, #tpu.memory_space<hbm>> -> memref<20224x128xf32, #tpu.memory_space<hbm>>
        %dma_wait3A_171 = tpu.memref_slice %arg11[%dma_wait3A_160] : memref<5x!tpu.dma_semaphore, #tpu.memory_space<semaphore_mem>> -> memref<1x!tpu.dma_semaphore, #tpu.memory_space<semaphore_mem>>
        %dma_wait3A_172 = tpu.memref_squeeze %dma_wait3A_171 : memref<1x!tpu.dma_semaphore, #tpu.memory_space<semaphore_mem>> -> memref<!tpu.dma_semaphore, #tpu.memory_space<semaphore_mem>>
        tpu.wait_indirect_dma semaphore(%dma_wait3A_172 : memref<!tpu.dma_semaphore, #tpu.memory_space<semaphore_mem>>) src(%dma_wait3A_170 : memref<20224x128xf32, #tpu.memory_space<hbm>>) dst(%dma_wait3A_164 : memref<64x128xf32, #tpu.memory_space<vmem>>)
        %dma_start3A_173 = arith.constant 1 : i32
        %dma_start3A_174 = arith.constant 1 : i32
        %dma_start3A_175 = arith.constant 0 : i32
        %dma_start3A_176 = arith.constant 0 : i32
        %dma_start3A_177 = tpu.memref_slice %arg10[%dma_start3A_173, %dma_start3A_175, %dma_start3A_176] : memref<5x64x128xf32, #tpu.memory_space<vmem>> -> memref<1x64x128xf32, #tpu.memory_space<vmem>>
        %dma_start3A_178 = tpu.memref_squeeze %dma_start3A_177 : memref<1x64x128xf32, #tpu.memory_space<vmem>> -> memref<64x128xf32, #tpu.memory_space<vmem>>
        %dma_start3A_179 = arith.constant 0 : i32
        %dma_start3A_180 = tpu.memref_slice %arg9[%add3A_137, %dma_start3A_179] : memref<20x64xi32, #tpu.memory_space<vmem>> -> memref<1x64xi32, #tpu.memory_space<vmem>>
        %dma_start3A_181 = tpu.memref_squeeze %dma_start3A_180 : memref<1x64xi32, #tpu.memory_space<vmem>> -> memref<64xi32, #tpu.memory_space<vmem>>
        %dma_start3A_182 = arith.constant 0 : i32
        %dma_start3A_183 = arith.constant 0 : i32
        %dma_start3A_184 = tpu.memref_slice %arg7[%dma_start3A_182, %dma_start3A_183] : memref<10112x128xf32, #tpu.memory_space<vmem_shared>> -> memref<10112x128xf32, #tpu.memory_space<vmem_shared>>
        %dma_start3A_185 = tpu.memref_slice %arg12[%dma_start3A_174] : memref<5x!tpu.dma_semaphore, #tpu.memory_space<semaphore_mem>> -> memref<1x!tpu.dma_semaphore, #tpu.memory_space<semaphore_mem>>
        %dma_start3A_186 = tpu.memref_squeeze %dma_start3A_185 : memref<1x!tpu.dma_semaphore, #tpu.memory_space<semaphore_mem>> -> memref<!tpu.dma_semaphore, #tpu.memory_space<semaphore_mem>>
        tpu.enqueue_indirect_dma source(%dma_start3A_178 : memref<64x128xf32, #tpu.memory_space<vmem>>) target(%dma_start3A_184 : memref<10112x128xf32, #tpu.memory_space<vmem_shared>>) offsets(%dma_start3A_181 : memref<64xi32, #tpu.memory_space<vmem>>) semaphore(%dma_start3A_186 : memref<!tpu.dma_semaphore, #tpu.memory_space<semaphore_mem>>) {add = true}
        %add3A_187 = arith.constant 2 : i32
        %add3A_188 = arith.addi %mul3A_96, %add3A_187 : i32
        %dma_wait3A_189 = arith.constant 1 : i32
        %dma_wait3A_190 = arith.constant 1 : i32
        %dma_wait3A_191 = arith.constant 0 : i32
        %dma_wait3A_192 = arith.constant 0 : i32
        %dma_wait3A_193 = tpu.memref_slice %arg10[%dma_wait3A_189, %dma_wait3A_191, %dma_wait3A_192] : memref<5x64x128xf32, #tpu.memory_space<vmem>> -> memref<1x64x128xf32, #tpu.memory_space<vmem>>
        %dma_wait3A_194 = tpu.memref_squeeze %dma_wait3A_193 : memref<1x64x128xf32, #tpu.memory_space<vmem>> -> memref<64x128xf32, #tpu.memory_space<vmem>>
        %dma_wait3A_195 = arith.constant 0 : i32
        %dma_wait3A_196 = tpu.memref_slice %arg9[%add3A_188, %dma_wait3A_195] : memref<20x64xi32, #tpu.memory_space<vmem>> -> memref<1x64xi32, #tpu.memory_space<vmem>>
        %dma_wait3A_197 = tpu.memref_squeeze %dma_wait3A_196 : memref<1x64xi32, #tpu.memory_space<vmem>> -> memref<64xi32, #tpu.memory_space<vmem>>
        %dma_wait3A_198 = arith.constant 0 : i32
        %dma_wait3A_199 = arith.constant 0 : i32
        %dma_wait3A_200 = tpu.memref_slice %arg7[%dma_wait3A_198, %dma_wait3A_199] : memref<10112x128xf32, #tpu.memory_space<vmem_shared>> -> memref<10112x128xf32, #tpu.memory_space<vmem_shared>>
        %dma_wait3A_201 = tpu.memref_slice %arg12[%dma_wait3A_190] : memref<5x!tpu.dma_semaphore, #tpu.memory_space<semaphore_mem>> -> memref<1x!tpu.dma_semaphore, #tpu.memory_space<semaphore_mem>>
        %dma_wait3A_202 = tpu.memref_squeeze %dma_wait3A_201 : memref<1x!tpu.dma_semaphore, #tpu.memory_space<semaphore_mem>> -> memref<!tpu.dma_semaphore, #tpu.memory_space<semaphore_mem>>
        tpu.wait_indirect_dma semaphore(%dma_wait3A_202 : memref<!tpu.dma_semaphore, #tpu.memory_space<semaphore_mem>>) src(%dma_wait3A_194 : memref<64x128xf32, #tpu.memory_space<vmem>>) dst(%dma_wait3A_200 : memref<10112x128xf32, #tpu.memory_space<vmem_shared>>)
        %add3A_203 = arith.constant 4 : i32
        %add3A_204 = arith.addi %add3A_188, %add3A_203 : i32
        %lt3A_205 = arith.constant 20 : i32
        %lt3A_206 = arith.cmpi slt, %add3A_204, %lt3A_205 : i32
        %convert_element_type3A_207 = arith.extui %lt3A_206 : i1 to i32
        %cond3A_208 = arith.constant 0 : i32
        %cond3A_209 = arith.cmpi ne, %convert_element_type3A_207, %cond3A_208 : i32
        scf.if %cond3A_209 {
          %add3A_341 = arith.constant 4 : i32
          %add3A_342 = arith.addi %add3A_188, %add3A_341 : i32
          %dma_start3A_343 = arith.constant 1 : i32
          %dma_start3A_344 = arith.constant 1 : i32
          %dma_start3A_345 = arith.constant 0 : i32
          %dma_start3A_346 = arith.constant 0 : i32
          %dma_start3A_347 = tpu.memref_slice %arg10[%dma_start3A_343, %dma_start3A_345, %dma_start3A_346] : memref<5x64x128xf32, #tpu.memory_space<vmem>> -> memref<1x64x128xf32, #tpu.memory_space<vmem>>
          %dma_start3A_348 = tpu.memref_squeeze %dma_start3A_347 : memref<1x64x128xf32, #tpu.memory_space<vmem>> -> memref<64x128xf32, #tpu.memory_space<vmem>>
          %dma_start3A_349 = arith.constant 0 : i32
          %dma_start3A_350 = tpu.memref_slice %arg8[%add3A_342, %dma_start3A_349] : memref<20x64xi32, #tpu.memory_space<vmem>> -> memref<1x64xi32, #tpu.memory_space<vmem>>
          %dma_start3A_351 = tpu.memref_squeeze %dma_start3A_350 : memref<1x64xi32, #tpu.memory_space<vmem>> -> memref<64xi32, #tpu.memory_space<vmem>>
          %dma_start3A_352 = arith.constant 0 : i32
          %dma_start3A_353 = arith.constant 0 : i32
          %dma_start3A_354 = tpu.memref_slice %arg2[%dma_start3A_352, %dma_start3A_353] : memref<20224x128xf32, #tpu.memory_space<hbm>> -> memref<20224x128xf32, #tpu.memory_space<hbm>>
          %dma_start3A_355 = tpu.memref_slice %arg11[%dma_start3A_344] : memref<5x!tpu.dma_semaphore, #tpu.memory_space<semaphore_mem>> -> memref<1x!tpu.dma_semaphore, #tpu.memory_space<semaphore_mem>>
          %dma_start3A_356 = tpu.memref_squeeze %dma_start3A_355 : memref<1x!tpu.dma_semaphore, #tpu.memory_space<semaphore_mem>> -> memref<!tpu.dma_semaphore, #tpu.memory_space<semaphore_mem>>
          tpu.enqueue_indirect_dma source(%dma_start3A_354 : memref<20224x128xf32, #tpu.memory_space<hbm>>) target(%dma_start3A_348 : memref<64x128xf32, #tpu.memory_space<vmem>>) offsets(%dma_start3A_351 : memref<64xi32, #tpu.memory_space<vmem>>) semaphore(%dma_start3A_356 : memref<!tpu.dma_semaphore, #tpu.memory_space<semaphore_mem>>)
        } else {
        }
        %dma_wait3A_210 = arith.constant 2 : i32
        %dma_wait3A_211 = arith.constant 2 : i32
        %dma_wait3A_212 = arith.constant 0 : i32
        %dma_wait3A_213 = arith.constant 0 : i32
        %dma_wait3A_214 = tpu.memref_slice %arg10[%dma_wait3A_210, %dma_wait3A_212, %dma_wait3A_213] : memref<5x64x128xf32, #tpu.memory_space<vmem>> -> memref<1x64x128xf32, #tpu.memory_space<vmem>>
        %dma_wait3A_215 = tpu.memref_squeeze %dma_wait3A_214 : memref<1x64x128xf32, #tpu.memory_space<vmem>> -> memref<64x128xf32, #tpu.memory_space<vmem>>
        %dma_wait3A_216 = arith.constant 0 : i32
        %dma_wait3A_217 = tpu.memref_slice %arg8[%add3A_188, %dma_wait3A_216] : memref<20x64xi32, #tpu.memory_space<vmem>> -> memref<1x64xi32, #tpu.memory_space<vmem>>
        %dma_wait3A_218 = tpu.memref_squeeze %dma_wait3A_217 : memref<1x64xi32, #tpu.memory_space<vmem>> -> memref<64xi32, #tpu.memory_space<vmem>>
        %dma_wait3A_219 = arith.constant 0 : i32
        %dma_wait3A_220 = arith.constant 0 : i32
        %dma_wait3A_221 = tpu.memref_slice %arg2[%dma_wait3A_219, %dma_wait3A_220] : memref<20224x128xf32, #tpu.memory_space<hbm>> -> memref<20224x128xf32, #tpu.memory_space<hbm>>
        %dma_wait3A_222 = tpu.memref_slice %arg11[%dma_wait3A_211] : memref<5x!tpu.dma_semaphore, #tpu.memory_space<semaphore_mem>> -> memref<1x!tpu.dma_semaphore, #tpu.memory_space<semaphore_mem>>
        %dma_wait3A_223 = tpu.memref_squeeze %dma_wait3A_222 : memref<1x!tpu.dma_semaphore, #tpu.memory_space<semaphore_mem>> -> memref<!tpu.dma_semaphore, #tpu.memory_space<semaphore_mem>>
        tpu.wait_indirect_dma semaphore(%dma_wait3A_223 : memref<!tpu.dma_semaphore, #tpu.memory_space<semaphore_mem>>) src(%dma_wait3A_221 : memref<20224x128xf32, #tpu.memory_space<hbm>>) dst(%dma_wait3A_215 : memref<64x128xf32, #tpu.memory_space<vmem>>)
        %dma_start3A_224 = arith.constant 2 : i32
        %dma_start3A_225 = arith.constant 2 : i32
        %dma_start3A_226 = arith.constant 0 : i32
        %dma_start3A_227 = arith.constant 0 : i32
        %dma_start3A_228 = tpu.memref_slice %arg10[%dma_start3A_224, %dma_start3A_226, %dma_start3A_227] : memref<5x64x128xf32, #tpu.memory_space<vmem>> -> memref<1x64x128xf32, #tpu.memory_space<vmem>>
        %dma_start3A_229 = tpu.memref_squeeze %dma_start3A_228 : memref<1x64x128xf32, #tpu.memory_space<vmem>> -> memref<64x128xf32, #tpu.memory_space<vmem>>
        %dma_start3A_230 = arith.constant 0 : i32
        %dma_start3A_231 = tpu.memref_slice %arg9[%add3A_188, %dma_start3A_230] : memref<20x64xi32, #tpu.memory_space<vmem>> -> memref<1x64xi32, #tpu.memory_space<vmem>>
        %dma_start3A_232 = tpu.memref_squeeze %dma_start3A_231 : memref<1x64xi32, #tpu.memory_space<vmem>> -> memref<64xi32, #tpu.memory_space<vmem>>
        %dma_start3A_233 = arith.constant 0 : i32
        %dma_start3A_234 = arith.constant 0 : i32
        %dma_start3A_235 = tpu.memref_slice %arg7[%dma_start3A_233, %dma_start3A_234] : memref<10112x128xf32, #tpu.memory_space<vmem_shared>> -> memref<10112x128xf32, #tpu.memory_space<vmem_shared>>
        %dma_start3A_236 = tpu.memref_slice %arg12[%dma_start3A_225] : memref<5x!tpu.dma_semaphore, #tpu.memory_space<semaphore_mem>> -> memref<1x!tpu.dma_semaphore, #tpu.memory_space<semaphore_mem>>
        %dma_start3A_237 = tpu.memref_squeeze %dma_start3A_236 : memref<1x!tpu.dma_semaphore, #tpu.memory_space<semaphore_mem>> -> memref<!tpu.dma_semaphore, #tpu.memory_space<semaphore_mem>>
        tpu.enqueue_indirect_dma source(%dma_start3A_229 : memref<64x128xf32, #tpu.memory_space<vmem>>) target(%dma_start3A_235 : memref<10112x128xf32, #tpu.memory_space<vmem_shared>>) offsets(%dma_start3A_232 : memref<64xi32, #tpu.memory_space<vmem>>) semaphore(%dma_start3A_237 : memref<!tpu.dma_semaphore, #tpu.memory_space<semaphore_mem>>) {add = true}
        %add3A_238 = arith.constant 3 : i32
        %add3A_239 = arith.addi %mul3A_96, %add3A_238 : i32
        %dma_wait3A_240 = arith.constant 2 : i32
        %dma_wait3A_241 = arith.constant 2 : i32
        %dma_wait3A_242 = arith.constant 0 : i32
        %dma_wait3A_243 = arith.constant 0 : i32
        %dma_wait3A_244 = tpu.memref_slice %arg10[%dma_wait3A_240, %dma_wait3A_242, %dma_wait3A_243] : memref<5x64x128xf32, #tpu.memory_space<vmem>> -> memref<1x64x128xf32, #tpu.memory_space<vmem>>
        %dma_wait3A_245 = tpu.memref_squeeze %dma_wait3A_244 : memref<1x64x128xf32, #tpu.memory_space<vmem>> -> memref<64x128xf32, #tpu.memory_space<vmem>>
        %dma_wait3A_246 = arith.constant 0 : i32
        %dma_wait3A_247 = tpu.memref_slice %arg9[%add3A_239, %dma_wait3A_246] : memref<20x64xi32, #tpu.memory_space<vmem>> -> memref<1x64xi32, #tpu.memory_space<vmem>>
        %dma_wait3A_248 = tpu.memref_squeeze %dma_wait3A_247 : memref<1x64xi32, #tpu.memory_space<vmem>> -> memref<64xi32, #tpu.memory_space<vmem>>
        %dma_wait3A_249 = arith.constant 0 : i32
        %dma_wait3A_250 = arith.constant 0 : i32
        %dma_wait3A_251 = tpu.memref_slice %arg7[%dma_wait3A_249, %dma_wait3A_250] : memref<10112x128xf32, #tpu.memory_space<vmem_shared>> -> memref<10112x128xf32, #tpu.memory_space<vmem_shared>>
        %dma_wait3A_252 = tpu.memref_slice %arg12[%dma_wait3A_241] : memref<5x!tpu.dma_semaphore, #tpu.memory_space<semaphore_mem>> -> memref<1x!tpu.dma_semaphore, #tpu.memory_space<semaphore_mem>>
        %dma_wait3A_253 = tpu.memref_squeeze %dma_wait3A_252 : memref<1x!tpu.dma_semaphore, #tpu.memory_space<semaphore_mem>> -> memref<!tpu.dma_semaphore, #tpu.memory_space<semaphore_mem>>
        tpu.wait_indirect_dma semaphore(%dma_wait3A_253 : memref<!tpu.dma_semaphore, #tpu.memory_space<semaphore_mem>>) src(%dma_wait3A_245 : memref<64x128xf32, #tpu.memory_space<vmem>>) dst(%dma_wait3A_251 : memref<10112x128xf32, #tpu.memory_space<vmem_shared>>)
        %add3A_254 = arith.constant 4 : i32
        %add3A_255 = arith.addi %add3A_239, %add3A_254 : i32
        %lt3A_256 = arith.constant 20 : i32
        %lt3A_257 = arith.cmpi slt, %add3A_255, %lt3A_256 : i32
        %convert_element_type3A_258 = arith.extui %lt3A_257 : i1 to i32
        %cond3A_259 = arith.constant 0 : i32
        %cond3A_260 = arith.cmpi ne, %convert_element_type3A_258, %cond3A_259 : i32
        scf.if %cond3A_260 {
          %add3A_341 = arith.constant 4 : i32
          %add3A_342 = arith.addi %add3A_239, %add3A_341 : i32
          %dma_start3A_343 = arith.constant 2 : i32
          %dma_start3A_344 = arith.constant 2 : i32
          %dma_start3A_345 = arith.constant 0 : i32
          %dma_start3A_346 = arith.constant 0 : i32
          %dma_start3A_347 = tpu.memref_slice %arg10[%dma_start3A_343, %dma_start3A_345, %dma_start3A_346] : memref<5x64x128xf32, #tpu.memory_space<vmem>> -> memref<1x64x128xf32, #tpu.memory_space<vmem>>
          %dma_start3A_348 = tpu.memref_squeeze %dma_start3A_347 : memref<1x64x128xf32, #tpu.memory_space<vmem>> -> memref<64x128xf32, #tpu.memory_space<vmem>>
          %dma_start3A_349 = arith.constant 0 : i32
          %dma_start3A_350 = tpu.memref_slice %arg8[%add3A_342, %dma_start3A_349] : memref<20x64xi32, #tpu.memory_space<vmem>> -> memref<1x64xi32, #tpu.memory_space<vmem>>
          %dma_start3A_351 = tpu.memref_squeeze %dma_start3A_350 : memref<1x64xi32, #tpu.memory_space<vmem>> -> memref<64xi32, #tpu.memory_space<vmem>>
          %dma_start3A_352 = arith.constant 0 : i32
          %dma_start3A_353 = arith.constant 0 : i32
          %dma_start3A_354 = tpu.memref_slice %arg2[%dma_start3A_352, %dma_start3A_353] : memref<20224x128xf32, #tpu.memory_space<hbm>> -> memref<20224x128xf32, #tpu.memory_space<hbm>>
          %dma_start3A_355 = tpu.memref_slice %arg11[%dma_start3A_344] : memref<5x!tpu.dma_semaphore, #tpu.memory_space<semaphore_mem>> -> memref<1x!tpu.dma_semaphore, #tpu.memory_space<semaphore_mem>>
          %dma_start3A_356 = tpu.memref_squeeze %dma_start3A_355 : memref<1x!tpu.dma_semaphore, #tpu.memory_space<semaphore_mem>> -> memref<!tpu.dma_semaphore, #tpu.memory_space<semaphore_mem>>
          tpu.enqueue_indirect_dma source(%dma_start3A_354 : memref<20224x128xf32, #tpu.memory_space<hbm>>) target(%dma_start3A_348 : memref<64x128xf32, #tpu.memory_space<vmem>>) offsets(%dma_start3A_351 : memref<64xi32, #tpu.memory_space<vmem>>) semaphore(%dma_start3A_356 : memref<!tpu.dma_semaphore, #tpu.memory_space<semaphore_mem>>)
        } else {
        }
        %dma_wait3A_261 = arith.constant 3 : i32
        %dma_wait3A_262 = arith.constant 3 : i32
        %dma_wait3A_263 = arith.constant 0 : i32
        %dma_wait3A_264 = arith.constant 0 : i32
        %dma_wait3A_265 = tpu.memref_slice %arg10[%dma_wait3A_261, %dma_wait3A_263, %dma_wait3A_264] : memref<5x64x128xf32, #tpu.memory_space<vmem>> -> memref<1x64x128xf32, #tpu.memory_space<vmem>>
        %dma_wait3A_266 = tpu.memref_squeeze %dma_wait3A_265 : memref<1x64x128xf32, #tpu.memory_space<vmem>> -> memref<64x128xf32, #tpu.memory_space<vmem>>
        %dma_wait3A_267 = arith.constant 0 : i32
        %dma_wait3A_268 = tpu.memref_slice %arg8[%add3A_239, %dma_wait3A_267] : memref<20x64xi32, #tpu.memory_space<vmem>> -> memref<1x64xi32, #tpu.memory_space<vmem>>
        %dma_wait3A_269 = tpu.memref_squeeze %dma_wait3A_268 : memref<1x64xi32, #tpu.memory_space<vmem>> -> memref<64xi32, #tpu.memory_space<vmem>>
        %dma_wait3A_270 = arith.constant 0 : i32
        %dma_wait3A_271 = arith.constant 0 : i32
        %dma_wait3A_272 = tpu.memref_slice %arg2[%dma_wait3A_270, %dma_wait3A_271] : memref<20224x128xf32, #tpu.memory_space<hbm>> -> memref<20224x128xf32, #tpu.memory_space<hbm>>
        %dma_wait3A_273 = tpu.memref_slice %arg11[%dma_wait3A_262] : memref<5x!tpu.dma_semaphore, #tpu.memory_space<semaphore_mem>> -> memref<1x!tpu.dma_semaphore, #tpu.memory_space<semaphore_mem>>
        %dma_wait3A_274 = tpu.memref_squeeze %dma_wait3A_273 : memref<1x!tpu.dma_semaphore, #tpu.memory_space<semaphore_mem>> -> memref<!tpu.dma_semaphore, #tpu.memory_space<semaphore_mem>>
        tpu.wait_indirect_dma semaphore(%dma_wait3A_274 : memref<!tpu.dma_semaphore, #tpu.memory_space<semaphore_mem>>) src(%dma_wait3A_272 : memref<20224x128xf32, #tpu.memory_space<hbm>>) dst(%dma_wait3A_266 : memref<64x128xf32, #tpu.memory_space<vmem>>)
        %dma_start3A_275 = arith.constant 3 : i32
        %dma_start3A_276 = arith.constant 3 : i32
        %dma_start3A_277 = arith.constant 0 : i32
        %dma_start3A_278 = arith.constant 0 : i32
        %dma_start3A_279 = tpu.memref_slice %arg10[%dma_start3A_275, %dma_start3A_277, %dma_start3A_278] : memref<5x64x128xf32, #tpu.memory_space<vmem>> -> memref<1x64x128xf32, #tpu.memory_space<vmem>>
        %dma_start3A_280 = tpu.memref_squeeze %dma_start3A_279 : memref<1x64x128xf32, #tpu.memory_space<vmem>> -> memref<64x128xf32, #tpu.memory_space<vmem>>
        %dma_start3A_281 = arith.constant 0 : i32
        %dma_start3A_282 = tpu.memref_slice %arg9[%add3A_239, %dma_start3A_281] : memref<20x64xi32, #tpu.memory_space<vmem>> -> memref<1x64xi32, #tpu.memory_space<vmem>>
        %dma_start3A_283 = tpu.memref_squeeze %dma_start3A_282 : memref<1x64xi32, #tpu.memory_space<vmem>> -> memref<64xi32, #tpu.memory_space<vmem>>
        %dma_start3A_284 = arith.constant 0 : i32
        %dma_start3A_285 = arith.constant 0 : i32
        %dma_start3A_286 = tpu.memref_slice %arg7[%dma_start3A_284, %dma_start3A_285] : memref<10112x128xf32, #tpu.memory_space<vmem_shared>> -> memref<10112x128xf32, #tpu.memory_space<vmem_shared>>
        %dma_start3A_287 = tpu.memref_slice %arg12[%dma_start3A_276] : memref<5x!tpu.dma_semaphore, #tpu.memory_space<semaphore_mem>> -> memref<1x!tpu.dma_semaphore, #tpu.memory_space<semaphore_mem>>
        %dma_start3A_288 = tpu.memref_squeeze %dma_start3A_287 : memref<1x!tpu.dma_semaphore, #tpu.memory_space<semaphore_mem>> -> memref<!tpu.dma_semaphore, #tpu.memory_space<semaphore_mem>>
        tpu.enqueue_indirect_dma source(%dma_start3A_280 : memref<64x128xf32, #tpu.memory_space<vmem>>) target(%dma_start3A_286 : memref<10112x128xf32, #tpu.memory_space<vmem_shared>>) offsets(%dma_start3A_283 : memref<64xi32, #tpu.memory_space<vmem>>) semaphore(%dma_start3A_288 : memref<!tpu.dma_semaphore, #tpu.memory_space<semaphore_mem>>) {add = true}
        %add3A_289 = arith.constant 4 : i32
        %add3A_290 = arith.addi %mul3A_96, %add3A_289 : i32
        %dma_wait3A_291 = arith.constant 3 : i32
        %dma_wait3A_292 = arith.constant 3 : i32
        %dma_wait3A_293 = arith.constant 0 : i32
        %dma_wait3A_294 = arith.constant 0 : i32
        %dma_wait3A_295 = tpu.memref_slice %arg10[%dma_wait3A_291, %dma_wait3A_293, %dma_wait3A_294] : memref<5x64x128xf32, #tpu.memory_space<vmem>> -> memref<1x64x128xf32, #tpu.memory_space<vmem>>
        %dma_wait3A_296 = tpu.memref_squeeze %dma_wait3A_295 : memref<1x64x128xf32, #tpu.memory_space<vmem>> -> memref<64x128xf32, #tpu.memory_space<vmem>>
        %dma_wait3A_297 = arith.constant 0 : i32
        %dma_wait3A_298 = tpu.memref_slice %arg9[%add3A_290, %dma_wait3A_297] : memref<20x64xi32, #tpu.memory_space<vmem>> -> memref<1x64xi32, #tpu.memory_space<vmem>>
        %dma_wait3A_299 = tpu.memref_squeeze %dma_wait3A_298 : memref<1x64xi32, #tpu.memory_space<vmem>> -> memref<64xi32, #tpu.memory_space<vmem>>
        %dma_wait3A_300 = arith.constant 0 : i32
        %dma_wait3A_301 = arith.constant 0 : i32
        %dma_wait3A_302 = tpu.memref_slice %arg7[%dma_wait3A_300, %dma_wait3A_301] : memref<10112x128xf32, #tpu.memory_space<vmem_shared>> -> memref<10112x128xf32, #tpu.memory_space<vmem_shared>>
        %dma_wait3A_303 = tpu.memref_slice %arg12[%dma_wait3A_292] : memref<5x!tpu.dma_semaphore, #tpu.memory_space<semaphore_mem>> -> memref<1x!tpu.dma_semaphore, #tpu.memory_space<semaphore_mem>>
        %dma_wait3A_304 = tpu.memref_squeeze %dma_wait3A_303 : memref<1x!tpu.dma_semaphore, #tpu.memory_space<semaphore_mem>> -> memref<!tpu.dma_semaphore, #tpu.memory_space<semaphore_mem>>
        tpu.wait_indirect_dma semaphore(%dma_wait3A_304 : memref<!tpu.dma_semaphore, #tpu.memory_space<semaphore_mem>>) src(%dma_wait3A_296 : memref<64x128xf32, #tpu.memory_space<vmem>>) dst(%dma_wait3A_302 : memref<10112x128xf32, #tpu.memory_space<vmem_shared>>)
        %add3A_305 = arith.constant 4 : i32
        %add3A_306 = arith.addi %add3A_290, %add3A_305 : i32
        %lt3A_307 = arith.constant 20 : i32
        %lt3A_308 = arith.cmpi slt, %add3A_306, %lt3A_307 : i32
        %convert_element_type3A_309 = arith.extui %lt3A_308 : i1 to i32
        %cond3A_310 = arith.constant 0 : i32
        %cond3A_311 = arith.cmpi ne, %convert_element_type3A_309, %cond3A_310 : i32
        scf.if %cond3A_311 {
          %add3A_341 = arith.constant 4 : i32
          %add3A_342 = arith.addi %add3A_290, %add3A_341 : i32
          %dma_start3A_343 = arith.constant 3 : i32
          %dma_start3A_344 = arith.constant 3 : i32
          %dma_start3A_345 = arith.constant 0 : i32
          %dma_start3A_346 = arith.constant 0 : i32
          %dma_start3A_347 = tpu.memref_slice %arg10[%dma_start3A_343, %dma_start3A_345, %dma_start3A_346] : memref<5x64x128xf32, #tpu.memory_space<vmem>> -> memref<1x64x128xf32, #tpu.memory_space<vmem>>
          %dma_start3A_348 = tpu.memref_squeeze %dma_start3A_347 : memref<1x64x128xf32, #tpu.memory_space<vmem>> -> memref<64x128xf32, #tpu.memory_space<vmem>>
          %dma_start3A_349 = arith.constant 0 : i32
          %dma_start3A_350 = tpu.memref_slice %arg8[%add3A_342, %dma_start3A_349] : memref<20x64xi32, #tpu.memory_space<vmem>> -> memref<1x64xi32, #tpu.memory_space<vmem>>
          %dma_start3A_351 = tpu.memref_squeeze %dma_start3A_350 : memref<1x64xi32, #tpu.memory_space<vmem>> -> memref<64xi32, #tpu.memory_space<vmem>>
          %dma_start3A_352 = arith.constant 0 : i32
          %dma_start3A_353 = arith.constant 0 : i32
          %dma_start3A_354 = tpu.memref_slice %arg2[%dma_start3A_352, %dma_start3A_353] : memref<20224x128xf32, #tpu.memory_space<hbm>> -> memref<20224x128xf32, #tpu.memory_space<hbm>>
          %dma_start3A_355 = tpu.memref_slice %arg11[%dma_start3A_344] : memref<5x!tpu.dma_semaphore, #tpu.memory_space<semaphore_mem>> -> memref<1x!tpu.dma_semaphore, #tpu.memory_space<semaphore_mem>>
          %dma_start3A_356 = tpu.memref_squeeze %dma_start3A_355 : memref<1x!tpu.dma_semaphore, #tpu.memory_space<semaphore_mem>> -> memref<!tpu.dma_semaphore, #tpu.memory_space<semaphore_mem>>
          tpu.enqueue_indirect_dma source(%dma_start3A_354 : memref<20224x128xf32, #tpu.memory_space<hbm>>) target(%dma_start3A_348 : memref<64x128xf32, #tpu.memory_space<vmem>>) offsets(%dma_start3A_351 : memref<64xi32, #tpu.memory_space<vmem>>) semaphore(%dma_start3A_356 : memref<!tpu.dma_semaphore, #tpu.memory_space<semaphore_mem>>)
        } else {
        }
        %dma_wait3A_312 = arith.constant 4 : i32
        %dma_wait3A_313 = arith.constant 4 : i32
        %dma_wait3A_314 = arith.constant 0 : i32
        %dma_wait3A_315 = arith.constant 0 : i32
        %dma_wait3A_316 = tpu.memref_slice %arg10[%dma_wait3A_312, %dma_wait3A_314, %dma_wait3A_315] : memref<5x64x128xf32, #tpu.memory_space<vmem>> -> memref<1x64x128xf32, #tpu.memory_space<vmem>>
        %dma_wait3A_317 = tpu.memref_squeeze %dma_wait3A_316 : memref<1x64x128xf32, #tpu.memory_space<vmem>> -> memref<64x128xf32, #tpu.memory_space<vmem>>
        %dma_wait3A_318 = arith.constant 0 : i32
        %dma_wait3A_319 = tpu.memref_slice %arg8[%add3A_290, %dma_wait3A_318] : memref<20x64xi32, #tpu.memory_space<vmem>> -> memref<1x64xi32, #tpu.memory_space<vmem>>
        %dma_wait3A_320 = tpu.memref_squeeze %dma_wait3A_319 : memref<1x64xi32, #tpu.memory_space<vmem>> -> memref<64xi32, #tpu.memory_space<vmem>>
        %dma_wait3A_321 = arith.constant 0 : i32
        %dma_wait3A_322 = arith.constant 0 : i32
        %dma_wait3A_323 = tpu.memref_slice %arg2[%dma_wait3A_321, %dma_wait3A_322] : memref<20224x128xf32, #tpu.memory_space<hbm>> -> memref<20224x128xf32, #tpu.memory_space<hbm>>
        %dma_wait3A_324 = tpu.memref_slice %arg11[%dma_wait3A_313] : memref<5x!tpu.dma_semaphore, #tpu.memory_space<semaphore_mem>> -> memref<1x!tpu.dma_semaphore, #tpu.memory_space<semaphore_mem>>
        %dma_wait3A_325 = tpu.memref_squeeze %dma_wait3A_324 : memref<1x!tpu.dma_semaphore, #tpu.memory_space<semaphore_mem>> -> memref<!tpu.dma_semaphore, #tpu.memory_space<semaphore_mem>>
        tpu.wait_indirect_dma semaphore(%dma_wait3A_325 : memref<!tpu.dma_semaphore, #tpu.memory_space<semaphore_mem>>) src(%dma_wait3A_323 : memref<20224x128xf32, #tpu.memory_space<hbm>>) dst(%dma_wait3A_317 : memref<64x128xf32, #tpu.memory_space<vmem>>)
        %dma_start3A_326 = arith.constant 4 : i32
        %dma_start3A_327 = arith.constant 4 : i32
        %dma_start3A_328 = arith.constant 0 : i32
        %dma_start3A_329 = arith.constant 0 : i32
        %dma_start3A_330 = tpu.memref_slice %arg10[%dma_start3A_326, %dma_start3A_328, %dma_start3A_329] : memref<5x64x128xf32, #tpu.memory_space<vmem>> -> memref<1x64x128xf32, #tpu.memory_space<vmem>>
        %dma_start3A_331 = tpu.memref_squeeze %dma_start3A_330 : memref<1x64x128xf32, #tpu.memory_space<vmem>> -> memref<64x128xf32, #tpu.memory_space<vmem>>
        %dma_start3A_332 = arith.constant 0 : i32
        %dma_start3A_333 = tpu.memref_slice %arg9[%add3A_290, %dma_start3A_332] : memref<20x64xi32, #tpu.memory_space<vmem>> -> memref<1x64xi32, #tpu.memory_space<vmem>>
        %dma_start3A_334 = tpu.memref_squeeze %dma_start3A_333 : memref<1x64xi32, #tpu.memory_space<vmem>> -> memref<64xi32, #tpu.memory_space<vmem>>
        %dma_start3A_335 = arith.constant 0 : i32
        %dma_start3A_336 = arith.constant 0 : i32
        %dma_start3A_337 = tpu.memref_slice %arg7[%dma_start3A_335, %dma_start3A_336] : memref<10112x128xf32, #tpu.memory_space<vmem_shared>> -> memref<10112x128xf32, #tpu.memory_space<vmem_shared>>
        %dma_start3A_338 = tpu.memref_slice %arg12[%dma_start3A_327] : memref<5x!tpu.dma_semaphore, #tpu.memory_space<semaphore_mem>> -> memref<1x!tpu.dma_semaphore, #tpu.memory_space<semaphore_mem>>
        %dma_start3A_339 = tpu.memref_squeeze %dma_start3A_338 : memref<1x!tpu.dma_semaphore, #tpu.memory_space<semaphore_mem>> -> memref<!tpu.dma_semaphore, #tpu.memory_space<semaphore_mem>>
        tpu.enqueue_indirect_dma source(%dma_start3A_331 : memref<64x128xf32, #tpu.memory_space<vmem>>) target(%dma_start3A_337 : memref<10112x128xf32, #tpu.memory_space<vmem_shared>>) offsets(%dma_start3A_334 : memref<64xi32, #tpu.memory_space<vmem>>) semaphore(%dma_start3A_339 : memref<!tpu.dma_semaphore, #tpu.memory_space<semaphore_mem>>) {add = true}
        %scan3A_340 = arith.constant 0 : i32
        scf.yield %scan3A_340 : i32
      }
      %scan3A_91 = arith.constant 4 : i32
      %scan3A_92 = arith.constant 0 : i32
      scf.yield %scan3A_92 : i32
    }
    %scan3A_6 = arith.constant 16 : i32
    %dma_wait3A = arith.constant 4 : i32
    %dma_wait3A_7 = arith.constant 19 : i32
    %dma_wait3A_8 = arith.constant 4 : i32
    %dma_wait3A_9 = arith.constant 0 : i32
    %dma_wait3A_10 = arith.constant 0 : i32
    %dma_wait3A_11 = tpu.memref_slice %arg10[%dma_wait3A, %dma_wait3A_9, %dma_wait3A_10] : memref<5x64x128xf32, #tpu.memory_space<vmem>> -> memref<1x64x128xf32, #tpu.memory_space<vmem>>
    %dma_wait3A_12 = tpu.memref_squeeze %dma_wait3A_11 : memref<1x64x128xf32, #tpu.memory_space<vmem>> -> memref<64x128xf32, #tpu.memory_space<vmem>>
    %dma_wait3A_13 = arith.constant 0 : i32
    %dma_wait3A_14 = tpu.memref_slice %arg9[%dma_wait3A_7, %dma_wait3A_13] : memref<20x64xi32, #tpu.memory_space<vmem>> -> memref<1x64xi32, #tpu.memory_space<vmem>>
    %dma_wait3A_15 = tpu.memref_squeeze %dma_wait3A_14 : memref<1x64xi32, #tpu.memory_space<vmem>> -> memref<64xi32, #tpu.memory_space<vmem>>
    %dma_wait3A_16 = arith.constant 0 : i32
    %dma_wait3A_17 = arith.constant 0 : i32
    %dma_wait3A_18 = tpu.memref_slice %arg7[%dma_wait3A_16, %dma_wait3A_17] : memref<10112x128xf32, #tpu.memory_space<vmem_shared>> -> memref<10112x128xf32, #tpu.memory_space<vmem_shared>>
    %dma_wait3A_19 = tpu.memref_slice %arg12[%dma_wait3A_8] : memref<5x!tpu.dma_semaphore, #tpu.memory_space<semaphore_mem>> -> memref<1x!tpu.dma_semaphore, #tpu.memory_space<semaphore_mem>>
    %dma_wait3A_20 = tpu.memref_squeeze %dma_wait3A_19 : memref<1x!tpu.dma_semaphore, #tpu.memory_space<semaphore_mem>> -> memref<!tpu.dma_semaphore, #tpu.memory_space<semaphore_mem>>
    tpu.wait_indirect_dma semaphore(%dma_wait3A_20 : memref<!tpu.dma_semaphore, #tpu.memory_space<semaphore_mem>>) src(%dma_wait3A_12 : memref<64x128xf32, #tpu.memory_space<vmem>>) dst(%dma_wait3A_18 : memref<10112x128xf32, #tpu.memory_space<vmem_shared>>)
    %barrier3A_21 = arith.constant 0 : index
    tpu.barrier barrier_id(%barrier3A_21)
    %mul3A_22 = arith.constant 632 : i32
    %mul3A_23 = arith.muli %arg1, %mul3A_22 : i32
    "tpu.region"() ({
      %run_scoped3A = tpu.sem_alloc : memref<!tpu.dma_semaphore, #tpu.memory_space<semaphore_mem>>
      %dma_start3A = arith.constant 0 : i32
      %dma_start3A_24 = arith.constant 0 : i32
      %dma_start3A_25 = tpu.memref_slice %arg6[%arg0, %dma_start3A, %dma_start3A_24] : memref<2x10112x128xf32, #tpu.memory_space<hbm>> -> memref<1x10112x128xf32, #tpu.memory_space<hbm>>
      %dma_start3A_26 = tpu.memref_squeeze %dma_start3A_25 : memref<1x10112x128xf32, #tpu.memory_space<hbm>> -> memref<10112x128xf32, #tpu.memory_space<hbm>>
      %dma_start3A_27 = arith.constant 0 : i32
      %dma_start3A_28 = tpu.memref_slice %dma_start3A_26[%mul3A_23, %dma_start3A_27] : memref<10112x128xf32, #tpu.memory_space<hbm>> -> memref<632x128xf32, #tpu.memory_space<hbm>>
      %dma_start3A_29 = arith.constant 0 : i32
      %dma_start3A_30 = tpu.memref_slice %arg7[%mul3A_23, %dma_start3A_29] : memref<10112x128xf32, #tpu.memory_space<vmem_shared>> -> memref<632x128xf32, #tpu.memory_space<vmem_shared>>
      tpu.enqueue_dma source(%dma_start3A_30 : memref<632x128xf32, #tpu.memory_space<vmem_shared>>) target(%dma_start3A_28 : memref<632x128xf32, #tpu.memory_space<hbm>>) target_semaphore(%run_scoped3A : memref<!tpu.dma_semaphore, #tpu.memory_space<semaphore_mem>>)
      %dma_wait3A_31 = arith.constant 0 : i32
      %dma_wait3A_32 = arith.constant 0 : i32
      %dma_wait3A_33 = tpu.memref_slice %arg6[%arg0, %dma_wait3A_31, %dma_wait3A_32] : memref<2x10112x128xf32, #tpu.memory_space<hbm>> -> memref<1x10112x128xf32, #tpu.memory_space<hbm>>
      %dma_wait3A_34 = tpu.memref_squeeze %dma_wait3A_33 : memref<1x10112x128xf32, #tpu.memory_space<hbm>> -> memref<10112x128xf32, #tpu.memory_space<hbm>>
      %dma_wait3A_35 = arith.constant 0 : i32
      %dma_wait3A_36 = tpu.memref_slice %dma_wait3A_34[%mul3A_23, %dma_wait3A_35] : memref<10112x128xf32, #tpu.memory_space<hbm>> -> memref<632x128xf32, #tpu.memory_space<hbm>>
      %dma_wait3A_37 = arith.constant 0 : i32
      %dma_wait3A_38 = tpu.memref_slice %arg7[%mul3A_23, %dma_wait3A_37] : memref<10112x128xf32, #tpu.memory_space<vmem_shared>> -> memref<632x128xf32, #tpu.memory_space<vmem_shared>>
      tpu.wait_dma2 semaphore(%run_scoped3A : memref<!tpu.dma_semaphore, #tpu.memory_space<semaphore_mem>>) src(%dma_wait3A_38 : memref<632x128xf32, #tpu.memory_space<vmem_shared>>) dst(%dma_wait3A_36 : memref<632x128xf32, #tpu.memory_space<hbm>>)
      tpu.yield
    }) : () -> ()
    return
  }
}

#map = affine_map<(d0, d1) -> (0, 0)>
#map1 = affine_map<(d0, d1) -> (0, 0, 0, 0, 0)>
#map2 = affine_map<(d0, d1) -> (0, 0, 0)>
module attributes {stable_mosaic.version = 14 : i64} {
  func.func @_conv_kernel(%arg0: i32, %arg1: i32, %arg2: memref<20224x128xf32, #tpu.memory_space<hbm>>, %arg3: memref<2x16x16x20x64xi32, #tpu.memory_space<hbm>>, %arg4: memref<2x16x16x20x64xi32, #tpu.memory_space<hbm>>, %arg5: memref<632x128xf32, #tpu.memory_space<hbm>>, %arg6: memref<2x10112x128xf32, #tpu.memory_space<hbm>>, %arg7: memref<10112x128xf32, #tpu.memory_space<vmem_shared>>, %arg8: memref<20x64xi32, #tpu.memory_space<vmem>>, %arg9: memref<20x64xi32, #tpu.memory_space<vmem>>, %arg10: memref<5x64x128xf32, #tpu.memory_space<vmem>>, %arg11: memref<5x!tpu.dma_semaphore, #tpu.memory_space<semaphore_mem>>, %arg12: memref<5x!tpu.dma_semaphore, #tpu.memory_space<semaphore_mem>>) attributes {dimension_semantics = [#tpu.dimension_semantics<core_parallel>, #tpu.dimension_semantics<subcore_parallel>], iteration_bounds = array<i64: 2, 16>, scalar_prefetch = 0 : i64, scratch_operands = 6 : i64, tpu.core_type = #tpu.core_type<sc_vector_subcore>, window_params = [{transform_indices = #map}, {transform_indices = #map1}, {transform_indices = #map1}, {transform_indices = #map}, {transform_indices = #map2}]} {
    %mul3A = arith.constant 632 : i32
    %mul3A_0 = arith.muli %arg1, %mul3A : i32
    "tpu.region"() ({
      %run_scoped3A = tpu.sem_alloc : memref<!tpu.dma_semaphore, #tpu.memory_space<semaphore_mem>>
      %dma_start3A = arith.constant 0 : i32
      %dma_start3A_24 = tpu.memref_slice %arg7[%mul3A_0, %dma_start3A] : memref<10112x128xf32, #tpu.memory_space<vmem_shared>> -> memref<632x128xf32, #tpu.memory_space<vmem_shared>>
      tpu.enqueue_dma source(%arg5 : memref<632x128xf32, #tpu.memory_space<hbm>>) target(%dma_start3A_24 : memref<632x128xf32, #tpu.memory_space<vmem_shared>>) target_semaphore(%run_scoped3A : memref<!tpu.dma_semaphore, #tpu.memory_space<semaphore_mem>>)
      %dma_wait3A_25 = arith.constant 0 : i32
      %dma_wait3A_26 = tpu.memref_slice %arg7[%mul3A_0, %dma_wait3A_25] : memref<10112x128xf32, #tpu.memory_space<vmem_shared>> -> memref<632x128xf32, #tpu.memory_space<vmem_shared>>
      tpu.wait_dma2 semaphore(%run_scoped3A : memref<!tpu.dma_semaphore, #tpu.memory_space<semaphore_mem>>) src(%arg5 : memref<632x128xf32, #tpu.memory_space<hbm>>) dst(%dma_wait3A_26 : memref<632x128xf32, #tpu.memory_space<vmem_shared>>)
      tpu.yield
    }) : () -> ()
    %barrier3A = arith.constant 0 : index
    tpu.barrier barrier_id(%barrier3A)
    %scan3A = arith.constant 0 : i32
    %scan3A_1 = arith.constant 0 : i32
    %scan3A_2 = arith.constant 16 : i32
    %scan3A_3 = arith.addi %scan3A_1, %scan3A_2 : i32
    %scan3A_4 = arith.constant 1 : i32
    %scan3A_5 = scf.for %scan3A_24 = %scan3A_1 to %scan3A_3 step %scan3A_4 iter_args(%scan3A_25 = %scan3A) -> (i32)  : i32 {
      "tpu.region"() ({
        %run_scoped3A = tpu.sem_alloc : memref<!tpu.dma_semaphore, #tpu.memory_space<semaphore_mem>>
        %dma_start3A_93 = arith.constant 0 : i32
        %dma_start3A_94 = arith.constant 0 : i32
        %dma_start3A_95 = tpu.memref_slice %arg3[%arg0, %arg1, %scan3A_24, %dma_start3A_93, %dma_start3A_94] : memref<2x16x16x20x64xi32, #tpu.memory_space<hbm>> -> memref<1x1x1x20x64xi32, #tpu.memory_space<hbm>>
        %dma_start3A_96 = tpu.memref_squeeze %dma_start3A_95 : memref<1x1x1x20x64xi32, #tpu.memory_space<hbm>> -> memref<20x64xi32, #tpu.memory_space<hbm>>
        %dma_start3A_97 = arith.constant 0 : i32
        %dma_start3A_98 = arith.constant 0 : i32
        %dma_start3A_99 = tpu.memref_slice %arg3[%arg0, %arg1, %scan3A_24, %dma_start3A_97, %dma_start3A_98] : memref<2x16x16x20x64xi32, #tpu.memory_space<hbm>> -> memref<1x1x1x20x64xi32, #tpu.memory_space<hbm>>
        %dma_start3A_100 = tpu.memref_squeeze %dma_start3A_99 : memref<1x1x1x20x64xi32, #tpu.memory_space<hbm>> -> memref<20x64xi32, #tpu.memory_space<hbm>>
        tpu.enqueue_dma source(%dma_start3A_100 : memref<20x64xi32, #tpu.memory_space<hbm>>) target(%arg8 : memref<20x64xi32, #tpu.memory_space<vmem>>) target_semaphore(%run_scoped3A : memref<!tpu.dma_semaphore, #tpu.memory_space<semaphore_mem>>)
        %dma_wait3A_101 = arith.constant 0 : i32
        %dma_wait3A_102 = arith.constant 0 : i32
        %dma_wait3A_103 = tpu.memref_slice %arg3[%arg0, %arg1, %scan3A_24, %dma_wait3A_101, %dma_wait3A_102] : memref<2x16x16x20x64xi32, #tpu.memory_space<hbm>> -> memref<1x1x1x20x64xi32, #tpu.memory_space<hbm>>
        %dma_wait3A_104 = tpu.memref_squeeze %dma_wait3A_103 : memref<1x1x1x20x64xi32, #tpu.memory_space<hbm>> -> memref<20x64xi32, #tpu.memory_space<hbm>>
        %dma_wait3A_105 = arith.constant 0 : i32
        %dma_wait3A_106 = arith.constant 0 : i32
        %dma_wait3A_107 = tpu.memref_slice %arg3[%arg0, %arg1, %scan3A_24, %dma_wait3A_105, %dma_wait3A_106] : memref<2x16x16x20x64xi32, #tpu.memory_space<hbm>> -> memref<1x1x1x20x64xi32, #tpu.memory_space<hbm>>
        %dma_wait3A_108 = tpu.memref_squeeze %dma_wait3A_107 : memref<1x1x1x20x64xi32, #tpu.memory_space<hbm>> -> memref<20x64xi32, #tpu.memory_space<hbm>>
        tpu.wait_dma2 semaphore(%run_scoped3A : memref<!tpu.dma_semaphore, #tpu.memory_space<semaphore_mem>>) src(%dma_wait3A_108 : memref<20x64xi32, #tpu.memory_space<hbm>>) dst(%arg8 : memref<20x64xi32, #tpu.memory_space<vmem>>)
        tpu.yield
      }) : () -> ()
      "tpu.region"() ({
        %run_scoped3A = tpu.sem_alloc : memref<!tpu.dma_semaphore, #tpu.memory_space<semaphore_mem>>
        %dma_start3A_93 = arith.constant 0 : i32
        %dma_start3A_94 = arith.constant 0 : i32
        %dma_start3A_95 = tpu.memref_slice %arg4[%arg0, %arg1, %scan3A_24, %dma_start3A_93, %dma_start3A_94] : memref<2x16x16x20x64xi32, #tpu.memory_space<hbm>> -> memref<1x1x1x20x64xi32, #tpu.memory_space<hbm>>
        %dma_start3A_96 = tpu.memref_squeeze %dma_start3A_95 : memref<1x1x1x20x64xi32, #tpu.memory_space<hbm>> -> memref<20x64xi32, #tpu.memory_space<hbm>>
        %dma_start3A_97 = arith.constant 0 : i32
        %dma_start3A_98 = arith.constant 0 : i32
        %dma_start3A_99 = tpu.memref_slice %arg4[%arg0, %arg1, %scan3A_24, %dma_start3A_97, %dma_start3A_98] : memref<2x16x16x20x64xi32, #tpu.memory_space<hbm>> -> memref<1x1x1x20x64xi32, #tpu.memory_space<hbm>>
        %dma_start3A_100 = tpu.memref_squeeze %dma_start3A_99 : memref<1x1x1x20x64xi32, #tpu.memory_space<hbm>> -> memref<20x64xi32, #tpu.memory_space<hbm>>
        tpu.enqueue_dma source(%dma_start3A_100 : memref<20x64xi32, #tpu.memory_space<hbm>>) target(%arg9 : memref<20x64xi32, #tpu.memory_space<vmem>>) target_semaphore(%run_scoped3A : memref<!tpu.dma_semaphore, #tpu.memory_space<semaphore_mem>>)
        %dma_wait3A_101 = arith.constant 0 : i32
        %dma_wait3A_102 = arith.constant 0 : i32
        %dma_wait3A_103 = tpu.memref_slice %arg4[%arg0, %arg1, %scan3A_24, %dma_wait3A_101, %dma_wait3A_102] : memref<2x16x16x20x64xi32, #tpu.memory_space<hbm>> -> memref<1x1x1x20x64xi32, #tpu.memory_space<hbm>>
        %dma_wait3A_104 = tpu.memref_squeeze %dma_wait3A_103 : memref<1x1x1x20x64xi32, #tpu.memory_space<hbm>> -> memref<20x64xi32, #tpu.memory_space<hbm>>
        %dma_wait3A_105 = arith.constant 0 : i32
        %dma_wait3A_106 = arith.constant 0 : i32
        %dma_wait3A_107 = tpu.memref_slice %arg4[%arg0, %arg1, %scan3A_24, %dma_wait3A_105, %dma_wait3A_106] : memref<2x16x16x20x64xi32, #tpu.memory_space<hbm>> -> memref<1x1x1x20x64xi32, #tpu.memory_space<hbm>>
        %dma_wait3A_108 = tpu.memref_squeeze %dma_wait3A_107 : memref<1x1x1x20x64xi32, #tpu.memory_space<hbm>> -> memref<20x64xi32, #tpu.memory_space<hbm>>
        tpu.wait_dma2 semaphore(%run_scoped3A : memref<!tpu.dma_semaphore, #tpu.memory_space<semaphore_mem>>) src(%dma_wait3A_108 : memref<20x64xi32, #tpu.memory_space<hbm>>) dst(%arg9 : memref<20x64xi32, #tpu.memory_space<vmem>>)
        tpu.yield
      }) : () -> ()
      %dma_start3A = arith.constant 0 : i32
      %dma_start3A_26 = arith.constant 0 : i32
      %dma_start3A_27 = arith.constant 0 : i32
      %dma_start3A_28 = arith.constant 0 : i32
      %dma_start3A_29 = arith.constant 0 : i32
      %dma_start3A_30 = tpu.memref_slice %arg10[%dma_start3A_26, %dma_start3A_28, %dma_start3A_29] : memref<5x64x128xf32, #tpu.memory_space<vmem>> -> memref<1x64x128xf32, #tpu.memory_space<vmem>>
      %dma_start3A_31 = tpu.memref_squeeze %dma_start3A_30 : memref<1x64x128xf32, #tpu.memory_space<vmem>> -> memref<64x128xf32, #tpu.memory_space<vmem>>
      %dma_start3A_32 = arith.constant 0 : i32
      %dma_start3A_33 = tpu.memref_slice %arg8[%dma_start3A, %dma_start3A_32] : memref<20x64xi32, #tpu.memory_space<vmem>> -> memref<1x64xi32, #tpu.memory_space<vmem>>
      %dma_start3A_34 = tpu.memref_squeeze %dma_start3A_33 : memref<1x64xi32, #tpu.memory_space<vmem>> -> memref<64xi32, #tpu.memory_space<vmem>>
      %dma_start3A_35 = arith.constant 0 : i32
      %dma_start3A_36 = arith.constant 0 : i32
      %dma_start3A_37 = tpu.memref_slice %arg2[%dma_start3A_35, %dma_start3A_36] : memref<20224x128xf32, #tpu.memory_space<hbm>> -> memref<20224x128xf32, #tpu.memory_space<hbm>>
      %dma_start3A_38 = tpu.memref_slice %arg11[%dma_start3A_27] : memref<5x!tpu.dma_semaphore, #tpu.memory_space<semaphore_mem>> -> memref<1x!tpu.dma_semaphore, #tpu.memory_space<semaphore_mem>>
      %dma_start3A_39 = tpu.memref_squeeze %dma_start3A_38 : memref<1x!tpu.dma_semaphore, #tpu.memory_space<semaphore_mem>> -> memref<!tpu.dma_semaphore, #tpu.memory_space<semaphore_mem>>
      tpu.enqueue_indirect_dma source(%dma_start3A_37 : memref<20224x128xf32, #tpu.memory_space<hbm>>) target(%dma_start3A_31 : memref<64x128xf32, #tpu.memory_space<vmem>>) offsets(%dma_start3A_34 : memref<64xi32, #tpu.memory_space<vmem>>) semaphore(%dma_start3A_39 : memref<!tpu.dma_semaphore, #tpu.memory_space<semaphore_mem>>)
      %dma_start3A_40 = arith.constant 1 : i32
      %dma_start3A_41 = arith.constant 1 : i32
      %dma_start3A_42 = arith.constant 1 : i32
      %dma_start3A_43 = arith.constant 0 : i32
      %dma_start3A_44 = arith.constant 0 : i32
      %dma_start3A_45 = tpu.memref_slice %arg10[%dma_start3A_41, %dma_start3A_43, %dma_start3A_44] : memref<5x64x128xf32, #tpu.memory_space<vmem>> -> memref<1x64x128xf32, #tpu.memory_space<vmem>>
      %dma_start3A_46 = tpu.memref_squeeze %dma_start3A_45 : memref<1x64x128xf32, #tpu.memory_space<vmem>> -> memref<64x128xf32, #tpu.memory_space<vmem>>
      %dma_start3A_47 = arith.constant 0 : i32
      %dma_start3A_48 = tpu.memref_slice %arg8[%dma_start3A_40, %dma_start3A_47] : memref<20x64xi32, #tpu.memory_space<vmem>> -> memref<1x64xi32, #tpu.memory_space<vmem>>
      %dma_start3A_49 = tpu.memref_squeeze %dma_start3A_48 : memref<1x64xi32, #tpu.memory_space<vmem>> -> memref<64xi32, #tpu.memory_space<vmem>>
      %dma_start3A_50 = arith.constant 0 : i32
      %dma_start3A_51 = arith.constant 0 : i32
      %dma_start3A_52 = tpu.memref_slice %arg2[%dma_start3A_50, %dma_start3A_51] : memref<20224x128xf32, #tpu.memory_space<hbm>> -> memref<20224x128xf32, #tpu.memory_space<hbm>>
      %dma_start3A_53 = tpu.memref_slice %arg11[%dma_start3A_42] : memref<5x!tpu.dma_semaphore, #tpu.memory_space<semaphore_mem>> -> memref<1x!tpu.dma_semaphore, #tpu.memory_space<semaphore_mem>>
      %dma_start3A_54 = tpu.memref_squeeze %dma_start3A_53 : memref<1x!tpu.dma_semaphore, #tpu.memory_space<semaphore_mem>> -> memref<!tpu.dma_semaphore, #tpu.memory_space<semaphore_mem>>
      tpu.enqueue_indirect_dma source(%dma_start3A_52 : memref<20224x128xf32, #tpu.memory_space<hbm>>) target(%dma_start3A_46 : memref<64x128xf32, #tpu.memory_space<vmem>>) offsets(%dma_start3A_49 : memref<64xi32, #tpu.memory_space<vmem>>) semaphore(%dma_start3A_54 : memref<!tpu.dma_semaphore, #tpu.memory_space<semaphore_mem>>)
      %dma_start3A_55 = arith.constant 2 : i32
      %dma_start3A_56 = arith.constant 2 : i32
      %dma_start3A_57 = arith.constant 2 : i32
      %dma_start3A_58 = arith.constant 0 : i32
      %dma_start3A_59 = arith.constant 0 : i32
      %dma_start3A_60 = tpu.memref_slice %arg10[%dma_start3A_56, %dma_start3A_58, %dma_start3A_59] : memref<5x64x128xf32, #tpu.memory_space<vmem>> -> memref<1x64x128xf32, #tpu.memory_space<vmem>>
      %dma_start3A_61 = tpu.memref_squeeze %dma_start3A_60 : memref<1x64x128xf32, #tpu.memory_space<vmem>> -> memref<64x128xf32, #tpu.memory_space<vmem>>
      %dma_start3A_62 = arith.constant 0 : i32
      %dma_start3A_63 = tpu.memref_slice %arg8[%dma_start3A_55, %dma_start3A_62] : memref<20x64xi32, #tpu.memory_space<vmem>> -> memref<1x64xi32, #tpu.memory_space<vmem>>
      %dma_start3A_64 = tpu.memref_squeeze %dma_start3A_63 : memref<1x64xi32, #tpu.memory_space<vmem>> -> memref<64xi32, #tpu.memory_space<vmem>>
      %dma_start3A_65 = arith.constant 0 : i32
      %dma_start3A_66 = arith.constant 0 : i32
      %dma_start3A_67 = tpu.memref_slice %arg2[%dma_start3A_65, %dma_start3A_66] : memref<20224x128xf32, #tpu.memory_space<hbm>> -> memref<20224x128xf32, #tpu.memory_space<hbm>>
      %dma_start3A_68 = tpu.memref_slice %arg11[%dma_start3A_57] : memref<5x!tpu.dma_semaphore, #tpu.memory_space<semaphore_mem>> -> memref<1x!tpu.dma_semaphore, #tpu.memory_space<semaphore_mem>>
      %dma_start3A_69 = tpu.memref_squeeze %dma_start3A_68 : memref<1x!tpu.dma_semaphore, #tpu.memory_space<semaphore_mem>> -> memref<!tpu.dma_semaphore, #tpu.memory_space<semaphore_mem>>
      tpu.enqueue_indirect_dma source(%dma_start3A_67 : memref<20224x128xf32, #tpu.memory_space<hbm>>) target(%dma_start3A_61 : memref<64x128xf32, #tpu.memory_space<vmem>>) offsets(%dma_start3A_64 : memref<64xi32, #tpu.memory_space<vmem>>) semaphore(%dma_start3A_69 : memref<!tpu.dma_semaphore, #tpu.memory_space<semaphore_mem>>)
      %dma_start3A_70 = arith.constant 3 : i32
      %dma_start3A_71 = arith.constant 3 : i32
      %dma_start3A_72 = arith.constant 3 : i32
      %dma_start3A_73 = arith.constant 0 : i32
      %dma_start3A_74 = arith.constant 0 : i32
      %dma_start3A_75 = tpu.memref_slice %arg10[%dma_start3A_71, %dma_start3A_73, %dma_start3A_74] : memref<5x64x128xf32, #tpu.memory_space<vmem>> -> memref<1x64x128xf32, #tpu.memory_space<vmem>>
      %dma_start3A_76 = tpu.memref_squeeze %dma_start3A_75 : memref<1x64x128xf32, #tpu.memory_space<vmem>> -> memref<64x128xf32, #tpu.memory_space<vmem>>
      %dma_start3A_77 = arith.constant 0 : i32
      %dma_start3A_78 = tpu.memref_slice %arg8[%dma_start3A_70, %dma_start3A_77] : memref<20x64xi32, #tpu.memory_space<vmem>> -> memref<1x64xi32, #tpu.memory_space<vmem>>
      %dma_start3A_79 = tpu.memref_squeeze %dma_start3A_78 : memref<1x64xi32, #tpu.memory_space<vmem>> -> memref<64xi32, #tpu.memory_space<vmem>>
      %dma_start3A_80 = arith.constant 0 : i32
      %dma_start3A_81 = arith.constant 0 : i32
      %dma_start3A_82 = tpu.memref_slice %arg2[%dma_start3A_80, %dma_start3A_81] : memref<20224x128xf32, #tpu.memory_space<hbm>> -> memref<20224x128xf32, #tpu.memory_space<hbm>>
      %dma_start3A_83 = tpu.memref_slice %arg11[%dma_start3A_72] : memref<5x!tpu.dma_semaphore, #tpu.memory_space<semaphore_mem>> -> memref<1x!tpu.dma_semaphore, #tpu.memory_space<semaphore_mem>>
      %dma_start3A_84 = tpu.memref_squeeze %dma_start3A_83 : memref<1x!tpu.dma_semaphore, #tpu.memory_space<semaphore_mem>> -> memref<!tpu.dma_semaphore, #tpu.memory_space<semaphore_mem>>
      tpu.enqueue_indirect_dma source(%dma_start3A_82 : memref<20224x128xf32, #tpu.memory_space<hbm>>) target(%dma_start3A_76 : memref<64x128xf32, #tpu.memory_space<vmem>>) offsets(%dma_start3A_79 : memref<64xi32, #tpu.memory_space<vmem>>) semaphore(%dma_start3A_84 : memref<!tpu.dma_semaphore, #tpu.memory_space<semaphore_mem>>)
      %scan3A_85 = arith.constant 0 : i32
      %scan3A_86 = arith.constant 0 : i32
      %scan3A_87 = arith.constant 4 : i32
      %scan3A_88 = arith.addi %scan3A_86, %scan3A_87 : i32
      %scan3A_89 = arith.constant 1 : i32
      %scan3A_90 = scf.for %scan3A_93 = %scan3A_86 to %scan3A_88 step %scan3A_89 iter_args(%scan3A_94 = %scan3A_85) -> (i32)  : i32 {
        %mul3A_95 = arith.constant 5 : i32
        %mul3A_96 = arith.muli %scan3A_93, %mul3A_95 : i32
        %add3A = arith.constant 0 : i32
        %add3A_97 = arith.addi %mul3A_96, %add3A : i32
        %gt3A = arith.constant 0 : i32
        %gt3A_98 = arith.cmpi sgt, %scan3A_24, %gt3A : i32
        %gt3A_99 = arith.constant 0 : i32
        %gt3A_100 = arith.cmpi sgt, %scan3A_93, %gt3A_99 : i32
        %or3A = arith.ori %gt3A_98, %gt3A_100 : i1
        %convert_element_type3A = arith.extui %or3A : i1 to i32
        %cond3A = arith.constant 0 : i32
        %cond3A_101 = arith.cmpi ne, %convert_element_type3A, %cond3A : i32
        scf.if %cond3A_101 {
          %dma_wait3A_341 = arith.constant 4 : i32
          %dma_wait3A_342 = arith.constant 4 : i32
          %dma_wait3A_343 = arith.constant 0 : i32
          %dma_wait3A_344 = arith.constant 0 : i32
          %dma_wait3A_345 = tpu.memref_slice %arg10[%dma_wait3A_341, %dma_wait3A_343, %dma_wait3A_344] : memref<5x64x128xf32, #tpu.memory_space<vmem>> -> memref<1x64x128xf32, #tpu.memory_space<vmem>>
          %dma_wait3A_346 = tpu.memref_squeeze %dma_wait3A_345 : memref<1x64x128xf32, #tpu.memory_space<vmem>> -> memref<64x128xf32, #tpu.memory_space<vmem>>
          %dma_wait3A_347 = arith.constant 0 : i32
          %dma_wait3A_348 = tpu.memref_slice %arg9[%add3A_97, %dma_wait3A_347] : memref<20x64xi32, #tpu.memory_space<vmem>> -> memref<1x64xi32, #tpu.memory_space<vmem>>
          %dma_wait3A_349 = tpu.memref_squeeze %dma_wait3A_348 : memref<1x64xi32, #tpu.memory_space<vmem>> -> memref<64xi32, #tpu.memory_space<vmem>>
          %dma_wait3A_350 = arith.constant 0 : i32
          %dma_wait3A_351 = arith.constant 0 : i32
          %dma_wait3A_352 = tpu.memref_slice %arg7[%dma_wait3A_350, %dma_wait3A_351] : memref<10112x128xf32, #tpu.memory_space<vmem_shared>> -> memref<10112x128xf32, #tpu.memory_space<vmem_shared>>
          %dma_wait3A_353 = tpu.memref_slice %arg12[%dma_wait3A_342] : memref<5x!tpu.dma_semaphore, #tpu.memory_space<semaphore_mem>> -> memref<1x!tpu.dma_semaphore, #tpu.memory_space<semaphore_mem>>
          %dma_wait3A_354 = tpu.memref_squeeze %dma_wait3A_353 : memref<1x!tpu.dma_semaphore, #tpu.memory_space<semaphore_mem>> -> memref<!tpu.dma_semaphore, #tpu.memory_space<semaphore_mem>>
          tpu.wait_indirect_dma semaphore(%dma_wait3A_354 : memref<!tpu.dma_semaphore, #tpu.memory_space<semaphore_mem>>) src(%dma_wait3A_346 : memref<64x128xf32, #tpu.memory_space<vmem>>) dst(%dma_wait3A_352 : memref<10112x128xf32, #tpu.memory_space<vmem_shared>>)
        } else {
        }
        %add3A_102 = arith.constant 4 : i32
        %add3A_103 = arith.addi %add3A_97, %add3A_102 : i32
        %lt3A = arith.constant 20 : i32
        %lt3A_104 = arith.cmpi slt, %add3A_103, %lt3A : i32
        %convert_element_type3A_105 = arith.extui %lt3A_104 : i1 to i32
        %cond3A_106 = arith.constant 0 : i32
        %cond3A_107 = arith.cmpi ne, %convert_element_type3A_105, %cond3A_106 : i32
        scf.if %cond3A_107 {
          %add3A_341 = arith.constant 4 : i32
          %add3A_342 = arith.addi %add3A_97, %add3A_341 : i32
          %dma_start3A_343 = arith.constant 4 : i32
          %dma_start3A_344 = arith.constant 4 : i32
          %dma_start3A_345 = arith.constant 0 : i32
          %dma_start3A_346 = arith.constant 0 : i32
          %dma_start3A_347 = tpu.memref_slice %arg10[%dma_start3A_343, %dma_start3A_345, %dma_start3A_346] : memref<5x64x128xf32, #tpu.memory_space<vmem>> -> memref<1x64x128xf32, #tpu.memory_space<vmem>>
          %dma_start3A_348 = tpu.memref_squeeze %dma_start3A_347 : memref<1x64x128xf32, #tpu.memory_space<vmem>> -> memref<64x128xf32, #tpu.memory_space<vmem>>
          %dma_start3A_349 = arith.constant 0 : i32
          %dma_start3A_350 = tpu.memref_slice %arg8[%add3A_342, %dma_start3A_349] : memref<20x64xi32, #tpu.memory_space<vmem>> -> memref<1x64xi32, #tpu.memory_space<vmem>>
          %dma_start3A_351 = tpu.memref_squeeze %dma_start3A_350 : memref<1x64xi32, #tpu.memory_space<vmem>> -> memref<64xi32, #tpu.memory_space<vmem>>
          %dma_start3A_352 = arith.constant 0 : i32
          %dma_start3A_353 = arith.constant 0 : i32
          %dma_start3A_354 = tpu.memref_slice %arg2[%dma_start3A_352, %dma_start3A_353] : memref<20224x128xf32, #tpu.memory_space<hbm>> -> memref<20224x128xf32, #tpu.memory_space<hbm>>
          %dma_start3A_355 = tpu.memref_slice %arg11[%dma_start3A_344] : memref<5x!tpu.dma_semaphore, #tpu.memory_space<semaphore_mem>> -> memref<1x!tpu.dma_semaphore, #tpu.memory_space<semaphore_mem>>
          %dma_start3A_356 = tpu.memref_squeeze %dma_start3A_355 : memref<1x!tpu.dma_semaphore, #tpu.memory_space<semaphore_mem>> -> memref<!tpu.dma_semaphore, #tpu.memory_space<semaphore_mem>>
          tpu.enqueue_indirect_dma source(%dma_start3A_354 : memref<20224x128xf32, #tpu.memory_space<hbm>>) target(%dma_start3A_348 : memref<64x128xf32, #tpu.memory_space<vmem>>) offsets(%dma_start3A_351 : memref<64xi32, #tpu.memory_space<vmem>>) semaphore(%dma_start3A_356 : memref<!tpu.dma_semaphore, #tpu.memory_space<semaphore_mem>>)
        } else {
        }
        %dma_wait3A_108 = arith.constant 0 : i32
        %dma_wait3A_109 = arith.constant 0 : i32
        %dma_wait3A_110 = arith.constant 0 : i32
        %dma_wait3A_111 = arith.constant 0 : i32
        %dma_wait3A_112 = tpu.memref_slice %arg10[%dma_wait3A_108, %dma_wait3A_110, %dma_wait3A_111] : memref<5x64x128xf32, #tpu.memory_space<vmem>> -> memref<1x64x128xf32, #tpu.memory_space<vmem>>
        %dma_wait3A_113 = tpu.memref_squeeze %dma_wait3A_112 : memref<1x64x128xf32, #tpu.memory_space<vmem>> -> memref<64x128xf32, #tpu.memory_space<vmem>>
        %dma_wait3A_114 = arith.constant 0 : i32
        %dma_wait3A_115 = tpu.memref_slice %arg8[%add3A_97, %dma_wait3A_114] : memref<20x64xi32, #tpu.memory_space<vmem>> -> memref<1x64xi32, #tpu.memory_space<vmem>>
        %dma_wait3A_116 = tpu.memref_squeeze %dma_wait3A_115 : memref<1x64xi32, #tpu.memory_space<vmem>> -> memref<64xi32, #tpu.memory_space<vmem>>
        %dma_wait3A_117 = arith.constant 0 : i32
        %dma_wait3A_118 = arith.constant 0 : i32
        %dma_wait3A_119 = tpu.memref_slice %arg2[%dma_wait3A_117, %dma_wait3A_118] : memref<20224x128xf32, #tpu.memory_space<hbm>> -> memref<20224x128xf32, #tpu.memory_space<hbm>>
        %dma_wait3A_120 = tpu.memref_slice %arg11[%dma_wait3A_109] : memref<5x!tpu.dma_semaphore, #tpu.memory_space<semaphore_mem>> -> memref<1x!tpu.dma_semaphore, #tpu.memory_space<semaphore_mem>>
        %dma_wait3A_121 = tpu.memref_squeeze %dma_wait3A_120 : memref<1x!tpu.dma_semaphore, #tpu.memory_space<semaphore_mem>> -> memref<!tpu.dma_semaphore, #tpu.memory_space<semaphore_mem>>
        tpu.wait_indirect_dma semaphore(%dma_wait3A_121 : memref<!tpu.dma_semaphore, #tpu.memory_space<semaphore_mem>>) src(%dma_wait3A_119 : memref<20224x128xf32, #tpu.memory_space<hbm>>) dst(%dma_wait3A_113 : memref<64x128xf32, #tpu.memory_space<vmem>>)
        %dma_start3A_122 = arith.constant 0 : i32
        %dma_start3A_123 = arith.constant 0 : i32
        %dma_start3A_124 = arith.constant 0 : i32
        %dma_start3A_125 = arith.constant 0 : i32
        %dma_start3A_126 = tpu.memref_slice %arg10[%dma_start3A_122, %dma_start3A_124, %dma_start3A_125] : memref<5x64x128xf32, #tpu.memory_space<vmem>> -> memref<1x64x128xf32, #tpu.memory_space<vmem>>
        %dma_start3A_127 = tpu.memref_squeeze %dma_start3A_126 : memref<1x64x128xf32, #tpu.memory_space<vmem>> -> memref<64x128xf32, #tpu.memory_space<vmem>>
        %dma_start3A_128 = arith.constant 0 : i32
        %dma_start3A_129 = tpu.memref_slice %arg9[%add3A_97, %dma_start3A_128] : memref<20x64xi32, #tpu.memory_space<vmem>> -> memref<1x64xi32, #tpu.memory_space<vmem>>
        %dma_start3A_130 = tpu.memref_squeeze %dma_start3A_129 : memref<1x64xi32, #tpu.memory_space<vmem>> -> memref<64xi32, #tpu.memory_space<vmem>>
        %dma_start3A_131 = arith.constant 0 : i32
        %dma_start3A_132 = arith.constant 0 : i32
        %dma_start3A_133 = tpu.memref_slice %arg7[%dma_start3A_131, %dma_start3A_132] : memref<10112x128xf32, #tpu.memory_space<vmem_shared>> -> memref<10112x128xf32, #tpu.memory_space<vmem_shared>>
        %dma_start3A_134 = tpu.memref_slice %arg12[%dma_start3A_123] : memref<5x!tpu.dma_semaphore, #tpu.memory_space<semaphore_mem>> -> memref<1x!tpu.dma_semaphore, #tpu.memory_space<semaphore_mem>>
        %dma_start3A_135 = tpu.memref_squeeze %dma_start3A_134 : memref<1x!tpu.dma_semaphore, #tpu.memory_space<semaphore_mem>> -> memref<!tpu.dma_semaphore, #tpu.memory_space<semaphore_mem>>
        tpu.enqueue_indirect_dma source(%dma_start3A_127 : memref<64x128xf32, #tpu.memory_space<vmem>>) target(%dma_start3A_133 : memref<10112x128xf32, #tpu.memory_space<vmem_shared>>) offsets(%dma_start3A_130 : memref<64xi32, #tpu.memory_space<vmem>>) semaphore(%dma_start3A_135 : memref<!tpu.dma_semaphore, #tpu.memory_space<semaphore_mem>>) {add = true}
        %add3A_136 = arith.constant 1 : i32
        %add3A_137 = arith.addi %mul3A_96, %add3A_136 : i32
        %dma_wait3A_138 = arith.constant 0 : i32
        %dma_wait3A_139 = arith.constant 0 : i32
        %dma_wait3A_140 = arith.constant 0 : i32
        %dma_wait3A_141 = arith.constant 0 : i32
        %dma_wait3A_142 = tpu.memref_slice %arg10[%dma_wait3A_138, %dma_wait3A_140, %dma_wait3A_141] : memref<5x64x128xf32, #tpu.memory_space<vmem>> -> memref<1x64x128xf32, #tpu.memory_space<vmem>>
        %dma_wait3A_143 = tpu.memref_squeeze %dma_wait3A_142 : memref<1x64x128xf32, #tpu.memory_space<vmem>> -> memref<64x128xf32, #tpu.memory_space<vmem>>
        %dma_wait3A_144 = arith.constant 0 : i32
        %dma_wait3A_145 = tpu.memref_slice %arg9[%add3A_137, %dma_wait3A_144] : memref<20x64xi32, #tpu.memory_space<vmem>> -> memref<1x64xi32, #tpu.memory_space<vmem>>
        %dma_wait3A_146 = tpu.memref_squeeze %dma_wait3A_145 : memref<1x64xi32, #tpu.memory_space<vmem>> -> memref<64xi32, #tpu.memory_space<vmem>>
        %dma_wait3A_147 = arith.constant 0 : i32
        %dma_wait3A_148 = arith.constant 0 : i32
        %dma_wait3A_149 = tpu.memref_slice %arg7[%dma_wait3A_147, %dma_wait3A_148] : memref<10112x128xf32, #tpu.memory_space<vmem_shared>> -> memref<10112x128xf32, #tpu.memory_space<vmem_shared>>
        %dma_wait3A_150 = tpu.memref_slice %arg12[%dma_wait3A_139] : memref<5x!tpu.dma_semaphore, #tpu.memory_space<semaphore_mem>> -> memref<1x!tpu.dma_semaphore, #tpu.memory_space<semaphore_mem>>
        %dma_wait3A_151 = tpu.memref_squeeze %dma_wait3A_150 : memref<1x!tpu.dma_semaphore, #tpu.memory_space<semaphore_mem>> -> memref<!tpu.dma_semaphore, #tpu.memory_space<semaphore_mem>>
        tpu.wait_indirect_dma semaphore(%dma_wait3A_151 : memref<!tpu.dma_semaphore, #tpu.memory_space<semaphore_mem>>) src(%dma_wait3A_143 : memref<64x128xf32, #tpu.memory_space<vmem>>) dst(%dma_wait3A_149 : memref<10112x128xf32, #tpu.memory_space<vmem_shared>>)
        %add3A_152 = arith.constant 4 : i32
        %add3A_153 = arith.addi %add3A_137, %add3A_152 : i32
        %lt3A_154 = arith.constant 20 : i32
        %lt3A_155 = arith.cmpi slt, %add3A_153, %lt3A_154 : i32
        %convert_element_type3A_156 = arith.extui %lt3A_155 : i1 to i32
        %cond3A_157 = arith.constant 0 : i32
        %cond3A_158 = arith.cmpi ne, %convert_element_type3A_156, %cond3A_157 : i32
        scf.if %cond3A_158 {
          %add3A_341 = arith.constant 4 : i32
          %add3A_342 = arith.addi %add3A_137, %add3A_341 : i32
          %dma_start3A_343 = arith.constant 0 : i32
          %dma_start3A_344 = arith.constant 0 : i32
          %dma_start3A_345 = arith.constant 0 : i32
          %dma_start3A_346 = arith.constant 0 : i32
          %dma_start3A_347 = tpu.memref_slice %arg10[%dma_start3A_343, %dma_start3A_345, %dma_start3A_346] : memref<5x64x128xf32, #tpu.memory_space<vmem>> -> memref<1x64x128xf32, #tpu.memory_space<vmem>>
          %dma_start3A_348 = tpu.memref_squeeze %dma_start3A_347 : memref<1x64x128xf32, #tpu.memory_space<vmem>> -> memref<64x128xf32, #tpu.memory_space<vmem>>
          %dma_start3A_349 = arith.constant 0 : i32
          %dma_start3A_350 = tpu.memref_slice %arg8[%add3A_342, %dma_start3A_349] : memref<20x64xi32, #tpu.memory_space<vmem>> -> memref<1x64xi32, #tpu.memory_space<vmem>>
          %dma_start3A_351 = tpu.memref_squeeze %dma_start3A_350 : memref<1x64xi32, #tpu.memory_space<vmem>> -> memref<64xi32, #tpu.memory_space<vmem>>
          %dma_start3A_352 = arith.constant 0 : i32
          %dma_start3A_353 = arith.constant 0 : i32
          %dma_start3A_354 = tpu.memref_slice %arg2[%dma_start3A_352, %dma_start3A_353] : memref<20224x128xf32, #tpu.memory_space<hbm>> -> memref<20224x128xf32, #tpu.memory_space<hbm>>
          %dma_start3A_355 = tpu.memref_slice %arg11[%dma_start3A_344] : memref<5x!tpu.dma_semaphore, #tpu.memory_space<semaphore_mem>> -> memref<1x!tpu.dma_semaphore, #tpu.memory_space<semaphore_mem>>
          %dma_start3A_356 = tpu.memref_squeeze %dma_start3A_355 : memref<1x!tpu.dma_semaphore, #tpu.memory_space<semaphore_mem>> -> memref<!tpu.dma_semaphore, #tpu.memory_space<semaphore_mem>>
          tpu.enqueue_indirect_dma source(%dma_start3A_354 : memref<20224x128xf32, #tpu.memory_space<hbm>>) target(%dma_start3A_348 : memref<64x128xf32, #tpu.memory_space<vmem>>) offsets(%dma_start3A_351 : memref<64xi32, #tpu.memory_space<vmem>>) semaphore(%dma_start3A_356 : memref<!tpu.dma_semaphore, #tpu.memory_space<semaphore_mem>>)
        } else {
        }
        %dma_wait3A_159 = arith.constant 1 : i32
        %dma_wait3A_160 = arith.constant 1 : i32
        %dma_wait3A_161 = arith.constant 0 : i32
        %dma_wait3A_162 = arith.constant 0 : i32
        %dma_wait3A_163 = tpu.memref_slice %arg10[%dma_wait3A_159, %dma_wait3A_161, %dma_wait3A_162] : memref<5x64x128xf32, #tpu.memory_space<vmem>> -> memref<1x64x128xf32, #tpu.memory_space<vmem>>
        %dma_wait3A_164 = tpu.memref_squeeze %dma_wait3A_163 : memref<1x64x128xf32, #tpu.memory_space<vmem>> -> memref<64x128xf32, #tpu.memory_space<vmem>>
        %dma_wait3A_165 = arith.constant 0 : i32
        %dma_wait3A_166 = tpu.memref_slice %arg8[%add3A_137, %dma_wait3A_165] : memref<20x64xi32, #tpu.memory_space<vmem>> -> memref<1x64xi32, #tpu.memory_space<vmem>>
        %dma_wait3A_167 = tpu.memref_squeeze %dma_wait3A_166 : memref<1x64xi32, #tpu.memory_space<vmem>> -> memref<64xi32, #tpu.memory_space<vmem>>
        %dma_wait3A_168 = arith.constant 0 : i32
        %dma_wait3A_169 = arith.constant 0 : i32
        %dma_wait3A_170 = tpu.memref_slice %arg2[%dma_wait3A_168, %dma_wait3A_169] : memref<20224x128xf32, #tpu.memory_space<hbm>> -> memref<20224x128xf32, #tpu.memory_space<hbm>>
        %dma_wait3A_171 = tpu.memref_slice %arg11[%dma_wait3A_160] : memref<5x!tpu.dma_semaphore, #tpu.memory_space<semaphore_mem>> -> memref<1x!tpu.dma_semaphore, #tpu.memory_space<semaphore_mem>>
        %dma_wait3A_172 = tpu.memref_squeeze %dma_wait3A_171 : memref<1x!tpu.dma_semaphore, #tpu.memory_space<semaphore_mem>> -> memref<!tpu.dma_semaphore, #tpu.memory_space<semaphore_mem>>
        tpu.wait_indirect_dma semaphore(%dma_wait3A_172 : memref<!tpu.dma_semaphore, #tpu.memory_space<semaphore_mem>>) src(%dma_wait3A_170 : memref<20224x128xf32, #tpu.memory_space<hbm>>) dst(%dma_wait3A_164 : memref<64x128xf32, #tpu.memory_space<vmem>>)
        %dma_start3A_173 = arith.constant 1 : i32
        %dma_start3A_174 = arith.constant 1 : i32
        %dma_start3A_175 = arith.constant 0 : i32
        %dma_start3A_176 = arith.constant 0 : i32
        %dma_start3A_177 = tpu.memref_slice %arg10[%dma_start3A_173, %dma_start3A_175, %dma_start3A_176] : memref<5x64x128xf32, #tpu.memory_space<vmem>> -> memref<1x64x128xf32, #tpu.memory_space<vmem>>
        %dma_start3A_178 = tpu.memref_squeeze %dma_start3A_177 : memref<1x64x128xf32, #tpu.memory_space<vmem>> -> memref<64x128xf32, #tpu.memory_space<vmem>>
        %dma_start3A_179 = arith.constant 0 : i32
        %dma_start3A_180 = tpu.memref_slice %arg9[%add3A_137, %dma_start3A_179] : memref<20x64xi32, #tpu.memory_space<vmem>> -> memref<1x64xi32, #tpu.memory_space<vmem>>
        %dma_start3A_181 = tpu.memref_squeeze %dma_start3A_180 : memref<1x64xi32, #tpu.memory_space<vmem>> -> memref<64xi32, #tpu.memory_space<vmem>>
        %dma_start3A_182 = arith.constant 0 : i32
        %dma_start3A_183 = arith.constant 0 : i32
        %dma_start3A_184 = tpu.memref_slice %arg7[%dma_start3A_182, %dma_start3A_183] : memref<10112x128xf32, #tpu.memory_space<vmem_shared>> -> memref<10112x128xf32, #tpu.memory_space<vmem_shared>>
        %dma_start3A_185 = tpu.memref_slice %arg12[%dma_start3A_174] : memref<5x!tpu.dma_semaphore, #tpu.memory_space<semaphore_mem>> -> memref<1x!tpu.dma_semaphore, #tpu.memory_space<semaphore_mem>>
        %dma_start3A_186 = tpu.memref_squeeze %dma_start3A_185 : memref<1x!tpu.dma_semaphore, #tpu.memory_space<semaphore_mem>> -> memref<!tpu.dma_semaphore, #tpu.memory_space<semaphore_mem>>
        tpu.enqueue_indirect_dma source(%dma_start3A_178 : memref<64x128xf32, #tpu.memory_space<vmem>>) target(%dma_start3A_184 : memref<10112x128xf32, #tpu.memory_space<vmem_shared>>) offsets(%dma_start3A_181 : memref<64xi32, #tpu.memory_space<vmem>>) semaphore(%dma_start3A_186 : memref<!tpu.dma_semaphore, #tpu.memory_space<semaphore_mem>>) {add = true}
        %add3A_187 = arith.constant 2 : i32
        %add3A_188 = arith.addi %mul3A_96, %add3A_187 : i32
        %dma_wait3A_189 = arith.constant 1 : i32
        %dma_wait3A_190 = arith.constant 1 : i32
        %dma_wait3A_191 = arith.constant 0 : i32
        %dma_wait3A_192 = arith.constant 0 : i32
        %dma_wait3A_193 = tpu.memref_slice %arg10[%dma_wait3A_189, %dma_wait3A_191, %dma_wait3A_192] : memref<5x64x128xf32, #tpu.memory_space<vmem>> -> memref<1x64x128xf32, #tpu.memory_space<vmem>>
        %dma_wait3A_194 = tpu.memref_squeeze %dma_wait3A_193 : memref<1x64x128xf32, #tpu.memory_space<vmem>> -> memref<64x128xf32, #tpu.memory_space<vmem>>
        %dma_wait3A_195 = arith.constant 0 : i32
        %dma_wait3A_196 = tpu.memref_slice %arg9[%add3A_188, %dma_wait3A_195] : memref<20x64xi32, #tpu.memory_space<vmem>> -> memref<1x64xi32, #tpu.memory_space<vmem>>
        %dma_wait3A_197 = tpu.memref_squeeze %dma_wait3A_196 : memref<1x64xi32, #tpu.memory_space<vmem>> -> memref<64xi32, #tpu.memory_space<vmem>>
        %dma_wait3A_198 = arith.constant 0 : i32
        %dma_wait3A_199 = arith.constant 0 : i32
        %dma_wait3A_200 = tpu.memref_slice %arg7[%dma_wait3A_198, %dma_wait3A_199] : memref<10112x128xf32, #tpu.memory_space<vmem_shared>> -> memref<10112x128xf32, #tpu.memory_space<vmem_shared>>
        %dma_wait3A_201 = tpu.memref_slice %arg12[%dma_wait3A_190] : memref<5x!tpu.dma_semaphore, #tpu.memory_space<semaphore_mem>> -> memref<1x!tpu.dma_semaphore, #tpu.memory_space<semaphore_mem>>
        %dma_wait3A_202 = tpu.memref_squeeze %dma_wait3A_201 : memref<1x!tpu.dma_semaphore, #tpu.memory_space<semaphore_mem>> -> memref<!tpu.dma_semaphore, #tpu.memory_space<semaphore_mem>>
        tpu.wait_indirect_dma semaphore(%dma_wait3A_202 : memref<!tpu.dma_semaphore, #tpu.memory_space<semaphore_mem>>) src(%dma_wait3A_194 : memref<64x128xf32, #tpu.memory_space<vmem>>) dst(%dma_wait3A_200 : memref<10112x128xf32, #tpu.memory_space<vmem_shared>>)
        %add3A_203 = arith.constant 4 : i32
        %add3A_204 = arith.addi %add3A_188, %add3A_203 : i32
        %lt3A_205 = arith.constant 20 : i32
        %lt3A_206 = arith.cmpi slt, %add3A_204, %lt3A_205 : i32
        %convert_element_type3A_207 = arith.extui %lt3A_206 : i1 to i32
        %cond3A_208 = arith.constant 0 : i32
        %cond3A_209 = arith.cmpi ne, %convert_element_type3A_207, %cond3A_208 : i32
        scf.if %cond3A_209 {
          %add3A_341 = arith.constant 4 : i32
          %add3A_342 = arith.addi %add3A_188, %add3A_341 : i32
          %dma_start3A_343 = arith.constant 1 : i32
          %dma_start3A_344 = arith.constant 1 : i32
          %dma_start3A_345 = arith.constant 0 : i32
          %dma_start3A_346 = arith.constant 0 : i32
          %dma_start3A_347 = tpu.memref_slice %arg10[%dma_start3A_343, %dma_start3A_345, %dma_start3A_346] : memref<5x64x128xf32, #tpu.memory_space<vmem>> -> memref<1x64x128xf32, #tpu.memory_space<vmem>>
          %dma_start3A_348 = tpu.memref_squeeze %dma_start3A_347 : memref<1x64x128xf32, #tpu.memory_space<vmem>> -> memref<64x128xf32, #tpu.memory_space<vmem>>
          %dma_start3A_349 = arith.constant 0 : i32
          %dma_start3A_350 = tpu.memref_slice %arg8[%add3A_342, %dma_start3A_349] : memref<20x64xi32, #tpu.memory_space<vmem>> -> memref<1x64xi32, #tpu.memory_space<vmem>>
          %dma_start3A_351 = tpu.memref_squeeze %dma_start3A_350 : memref<1x64xi32, #tpu.memory_space<vmem>> -> memref<64xi32, #tpu.memory_space<vmem>>
          %dma_start3A_352 = arith.constant 0 : i32
          %dma_start3A_353 = arith.constant 0 : i32
          %dma_start3A_354 = tpu.memref_slice %arg2[%dma_start3A_352, %dma_start3A_353] : memref<20224x128xf32, #tpu.memory_space<hbm>> -> memref<20224x128xf32, #tpu.memory_space<hbm>>
          %dma_start3A_355 = tpu.memref_slice %arg11[%dma_start3A_344] : memref<5x!tpu.dma_semaphore, #tpu.memory_space<semaphore_mem>> -> memref<1x!tpu.dma_semaphore, #tpu.memory_space<semaphore_mem>>
          %dma_start3A_356 = tpu.memref_squeeze %dma_start3A_355 : memref<1x!tpu.dma_semaphore, #tpu.memory_space<semaphore_mem>> -> memref<!tpu.dma_semaphore, #tpu.memory_space<semaphore_mem>>
          tpu.enqueue_indirect_dma source(%dma_start3A_354 : memref<20224x128xf32, #tpu.memory_space<hbm>>) target(%dma_start3A_348 : memref<64x128xf32, #tpu.memory_space<vmem>>) offsets(%dma_start3A_351 : memref<64xi32, #tpu.memory_space<vmem>>) semaphore(%dma_start3A_356 : memref<!tpu.dma_semaphore, #tpu.memory_space<semaphore_mem>>)
        } else {
        }
        %dma_wait3A_210 = arith.constant 2 : i32
        %dma_wait3A_211 = arith.constant 2 : i32
        %dma_wait3A_212 = arith.constant 0 : i32
        %dma_wait3A_213 = arith.constant 0 : i32
        %dma_wait3A_214 = tpu.memref_slice %arg10[%dma_wait3A_210, %dma_wait3A_212, %dma_wait3A_213] : memref<5x64x128xf32, #tpu.memory_space<vmem>> -> memref<1x64x128xf32, #tpu.memory_space<vmem>>
        %dma_wait3A_215 = tpu.memref_squeeze %dma_wait3A_214 : memref<1x64x128xf32, #tpu.memory_space<vmem>> -> memref<64x128xf32, #tpu.memory_space<vmem>>
        %dma_wait3A_216 = arith.constant 0 : i32
        %dma_wait3A_217 = tpu.memref_slice %arg8[%add3A_188, %dma_wait3A_216] : memref<20x64xi32, #tpu.memory_space<vmem>> -> memref<1x64xi32, #tpu.memory_space<vmem>>
        %dma_wait3A_218 = tpu.memref_squeeze %dma_wait3A_217 : memref<1x64xi32, #tpu.memory_space<vmem>> -> memref<64xi32, #tpu.memory_space<vmem>>
        %dma_wait3A_219 = arith.constant 0 : i32
        %dma_wait3A_220 = arith.constant 0 : i32
        %dma_wait3A_221 = tpu.memref_slice %arg2[%dma_wait3A_219, %dma_wait3A_220] : memref<20224x128xf32, #tpu.memory_space<hbm>> -> memref<20224x128xf32, #tpu.memory_space<hbm>>
        %dma_wait3A_222 = tpu.memref_slice %arg11[%dma_wait3A_211] : memref<5x!tpu.dma_semaphore, #tpu.memory_space<semaphore_mem>> -> memref<1x!tpu.dma_semaphore, #tpu.memory_space<semaphore_mem>>
        %dma_wait3A_223 = tpu.memref_squeeze %dma_wait3A_222 : memref<1x!tpu.dma_semaphore, #tpu.memory_space<semaphore_mem>> -> memref<!tpu.dma_semaphore, #tpu.memory_space<semaphore_mem>>
        tpu.wait_indirect_dma semaphore(%dma_wait3A_223 : memref<!tpu.dma_semaphore, #tpu.memory_space<semaphore_mem>>) src(%dma_wait3A_221 : memref<20224x128xf32, #tpu.memory_space<hbm>>) dst(%dma_wait3A_215 : memref<64x128xf32, #tpu.memory_space<vmem>>)
        %dma_start3A_224 = arith.constant 2 : i32
        %dma_start3A_225 = arith.constant 2 : i32
        %dma_start3A_226 = arith.constant 0 : i32
        %dma_start3A_227 = arith.constant 0 : i32
        %dma_start3A_228 = tpu.memref_slice %arg10[%dma_start3A_224, %dma_start3A_226, %dma_start3A_227] : memref<5x64x128xf32, #tpu.memory_space<vmem>> -> memref<1x64x128xf32, #tpu.memory_space<vmem>>
        %dma_start3A_229 = tpu.memref_squeeze %dma_start3A_228 : memref<1x64x128xf32, #tpu.memory_space<vmem>> -> memref<64x128xf32, #tpu.memory_space<vmem>>
        %dma_start3A_230 = arith.constant 0 : i32
        %dma_start3A_231 = tpu.memref_slice %arg9[%add3A_188, %dma_start3A_230] : memref<20x64xi32, #tpu.memory_space<vmem>> -> memref<1x64xi32, #tpu.memory_space<vmem>>
        %dma_start3A_232 = tpu.memref_squeeze %dma_start3A_231 : memref<1x64xi32, #tpu.memory_space<vmem>> -> memref<64xi32, #tpu.memory_space<vmem>>
        %dma_start3A_233 = arith.constant 0 : i32
        %dma_start3A_234 = arith.constant 0 : i32
        %dma_start3A_235 = tpu.memref_slice %arg7[%dma_start3A_233, %dma_start3A_234] : memref<10112x128xf32, #tpu.memory_space<vmem_shared>> -> memref<10112x128xf32, #tpu.memory_space<vmem_shared>>
        %dma_start3A_236 = tpu.memref_slice %arg12[%dma_start3A_225] : memref<5x!tpu.dma_semaphore, #tpu.memory_space<semaphore_mem>> -> memref<1x!tpu.dma_semaphore, #tpu.memory_space<semaphore_mem>>
        %dma_start3A_237 = tpu.memref_squeeze %dma_start3A_236 : memref<1x!tpu.dma_semaphore, #tpu.memory_space<semaphore_mem>> -> memref<!tpu.dma_semaphore, #tpu.memory_space<semaphore_mem>>
        tpu.enqueue_indirect_dma source(%dma_start3A_229 : memref<64x128xf32, #tpu.memory_space<vmem>>) target(%dma_start3A_235 : memref<10112x128xf32, #tpu.memory_space<vmem_shared>>) offsets(%dma_start3A_232 : memref<64xi32, #tpu.memory_space<vmem>>) semaphore(%dma_start3A_237 : memref<!tpu.dma_semaphore, #tpu.memory_space<semaphore_mem>>) {add = true}
        %add3A_238 = arith.constant 3 : i32
        %add3A_239 = arith.addi %mul3A_96, %add3A_238 : i32
        %dma_wait3A_240 = arith.constant 2 : i32
        %dma_wait3A_241 = arith.constant 2 : i32
        %dma_wait3A_242 = arith.constant 0 : i32
        %dma_wait3A_243 = arith.constant 0 : i32
        %dma_wait3A_244 = tpu.memref_slice %arg10[%dma_wait3A_240, %dma_wait3A_242, %dma_wait3A_243] : memref<5x64x128xf32, #tpu.memory_space<vmem>> -> memref<1x64x128xf32, #tpu.memory_space<vmem>>
        %dma_wait3A_245 = tpu.memref_squeeze %dma_wait3A_244 : memref<1x64x128xf32, #tpu.memory_space<vmem>> -> memref<64x128xf32, #tpu.memory_space<vmem>>
        %dma_wait3A_246 = arith.constant 0 : i32
        %dma_wait3A_247 = tpu.memref_slice %arg9[%add3A_239, %dma_wait3A_246] : memref<20x64xi32, #tpu.memory_space<vmem>> -> memref<1x64xi32, #tpu.memory_space<vmem>>
        %dma_wait3A_248 = tpu.memref_squeeze %dma_wait3A_247 : memref<1x64xi32, #tpu.memory_space<vmem>> -> memref<64xi32, #tpu.memory_space<vmem>>
        %dma_wait3A_249 = arith.constant 0 : i32
        %dma_wait3A_250 = arith.constant 0 : i32
        %dma_wait3A_251 = tpu.memref_slice %arg7[%dma_wait3A_249, %dma_wait3A_250] : memref<10112x128xf32, #tpu.memory_space<vmem_shared>> -> memref<10112x128xf32, #tpu.memory_space<vmem_shared>>
        %dma_wait3A_252 = tpu.memref_slice %arg12[%dma_wait3A_241] : memref<5x!tpu.dma_semaphore, #tpu.memory_space<semaphore_mem>> -> memref<1x!tpu.dma_semaphore, #tpu.memory_space<semaphore_mem>>
        %dma_wait3A_253 = tpu.memref_squeeze %dma_wait3A_252 : memref<1x!tpu.dma_semaphore, #tpu.memory_space<semaphore_mem>> -> memref<!tpu.dma_semaphore, #tpu.memory_space<semaphore_mem>>
        tpu.wait_indirect_dma semaphore(%dma_wait3A_253 : memref<!tpu.dma_semaphore, #tpu.memory_space<semaphore_mem>>) src(%dma_wait3A_245 : memref<64x128xf32, #tpu.memory_space<vmem>>) dst(%dma_wait3A_251 : memref<10112x128xf32, #tpu.memory_space<vmem_shared>>)
        %add3A_254 = arith.constant 4 : i32
        %add3A_255 = arith.addi %add3A_239, %add3A_254 : i32
        %lt3A_256 = arith.constant 20 : i32
        %lt3A_257 = arith.cmpi slt, %add3A_255, %lt3A_256 : i32
        %convert_element_type3A_258 = arith.extui %lt3A_257 : i1 to i32
        %cond3A_259 = arith.constant 0 : i32
        %cond3A_260 = arith.cmpi ne, %convert_element_type3A_258, %cond3A_259 : i32
        scf.if %cond3A_260 {
          %add3A_341 = arith.constant 4 : i32
          %add3A_342 = arith.addi %add3A_239, %add3A_341 : i32
          %dma_start3A_343 = arith.constant 2 : i32
          %dma_start3A_344 = arith.constant 2 : i32
          %dma_start3A_345 = arith.constant 0 : i32
          %dma_start3A_346 = arith.constant 0 : i32
          %dma_start3A_347 = tpu.memref_slice %arg10[%dma_start3A_343, %dma_start3A_345, %dma_start3A_346] : memref<5x64x128xf32, #tpu.memory_space<vmem>> -> memref<1x64x128xf32, #tpu.memory_space<vmem>>
          %dma_start3A_348 = tpu.memref_squeeze %dma_start3A_347 : memref<1x64x128xf32, #tpu.memory_space<vmem>> -> memref<64x128xf32, #tpu.memory_space<vmem>>
          %dma_start3A_349 = arith.constant 0 : i32
          %dma_start3A_350 = tpu.memref_slice %arg8[%add3A_342, %dma_start3A_349] : memref<20x64xi32, #tpu.memory_space<vmem>> -> memref<1x64xi32, #tpu.memory_space<vmem>>
          %dma_start3A_351 = tpu.memref_squeeze %dma_start3A_350 : memref<1x64xi32, #tpu.memory_space<vmem>> -> memref<64xi32, #tpu.memory_space<vmem>>
          %dma_start3A_352 = arith.constant 0 : i32
          %dma_start3A_353 = arith.constant 0 : i32
          %dma_start3A_354 = tpu.memref_slice %arg2[%dma_start3A_352, %dma_start3A_353] : memref<20224x128xf32, #tpu.memory_space<hbm>> -> memref<20224x128xf32, #tpu.memory_space<hbm>>
          %dma_start3A_355 = tpu.memref_slice %arg11[%dma_start3A_344] : memref<5x!tpu.dma_semaphore, #tpu.memory_space<semaphore_mem>> -> memref<1x!tpu.dma_semaphore, #tpu.memory_space<semaphore_mem>>
          %dma_start3A_356 = tpu.memref_squeeze %dma_start3A_355 : memref<1x!tpu.dma_semaphore, #tpu.memory_space<semaphore_mem>> -> memref<!tpu.dma_semaphore, #tpu.memory_space<semaphore_mem>>
          tpu.enqueue_indirect_dma source(%dma_start3A_354 : memref<20224x128xf32, #tpu.memory_space<hbm>>) target(%dma_start3A_348 : memref<64x128xf32, #tpu.memory_space<vmem>>) offsets(%dma_start3A_351 : memref<64xi32, #tpu.memory_space<vmem>>) semaphore(%dma_start3A_356 : memref<!tpu.dma_semaphore, #tpu.memory_space<semaphore_mem>>)
        } else {
        }
        %dma_wait3A_261 = arith.constant 3 : i32
        %dma_wait3A_262 = arith.constant 3 : i32
        %dma_wait3A_263 = arith.constant 0 : i32
        %dma_wait3A_264 = arith.constant 0 : i32
        %dma_wait3A_265 = tpu.memref_slice %arg10[%dma_wait3A_261, %dma_wait3A_263, %dma_wait3A_264] : memref<5x64x128xf32, #tpu.memory_space<vmem>> -> memref<1x64x128xf32, #tpu.memory_space<vmem>>
        %dma_wait3A_266 = tpu.memref_squeeze %dma_wait3A_265 : memref<1x64x128xf32, #tpu.memory_space<vmem>> -> memref<64x128xf32, #tpu.memory_space<vmem>>
        %dma_wait3A_267 = arith.constant 0 : i32
        %dma_wait3A_268 = tpu.memref_slice %arg8[%add3A_239, %dma_wait3A_267] : memref<20x64xi32, #tpu.memory_space<vmem>> -> memref<1x64xi32, #tpu.memory_space<vmem>>
        %dma_wait3A_269 = tpu.memref_squeeze %dma_wait3A_268 : memref<1x64xi32, #tpu.memory_space<vmem>> -> memref<64xi32, #tpu.memory_space<vmem>>
        %dma_wait3A_270 = arith.constant 0 : i32
        %dma_wait3A_271 = arith.constant 0 : i32
        %dma_wait3A_272 = tpu.memref_slice %arg2[%dma_wait3A_270, %dma_wait3A_271] : memref<20224x128xf32, #tpu.memory_space<hbm>> -> memref<20224x128xf32, #tpu.memory_space<hbm>>
        %dma_wait3A_273 = tpu.memref_slice %arg11[%dma_wait3A_262] : memref<5x!tpu.dma_semaphore, #tpu.memory_space<semaphore_mem>> -> memref<1x!tpu.dma_semaphore, #tpu.memory_space<semaphore_mem>>
        %dma_wait3A_274 = tpu.memref_squeeze %dma_wait3A_273 : memref<1x!tpu.dma_semaphore, #tpu.memory_space<semaphore_mem>> -> memref<!tpu.dma_semaphore, #tpu.memory_space<semaphore_mem>>
        tpu.wait_indirect_dma semaphore(%dma_wait3A_274 : memref<!tpu.dma_semaphore, #tpu.memory_space<semaphore_mem>>) src(%dma_wait3A_272 : memref<20224x128xf32, #tpu.memory_space<hbm>>) dst(%dma_wait3A_266 : memref<64x128xf32, #tpu.memory_space<vmem>>)
        %dma_start3A_275 = arith.constant 3 : i32
        %dma_start3A_276 = arith.constant 3 : i32
        %dma_start3A_277 = arith.constant 0 : i32
        %dma_start3A_278 = arith.constant 0 : i32
        %dma_start3A_279 = tpu.memref_slice %arg10[%dma_start3A_275, %dma_start3A_277, %dma_start3A_278] : memref<5x64x128xf32, #tpu.memory_space<vmem>> -> memref<1x64x128xf32, #tpu.memory_space<vmem>>
        %dma_start3A_280 = tpu.memref_squeeze %dma_start3A_279 : memref<1x64x128xf32, #tpu.memory_space<vmem>> -> memref<64x128xf32, #tpu.memory_space<vmem>>
        %dma_start3A_281 = arith.constant 0 : i32
        %dma_start3A_282 = tpu.memref_slice %arg9[%add3A_239, %dma_start3A_281] : memref<20x64xi32, #tpu.memory_space<vmem>> -> memref<1x64xi32, #tpu.memory_space<vmem>>
        %dma_start3A_283 = tpu.memref_squeeze %dma_start3A_282 : memref<1x64xi32, #tpu.memory_space<vmem>> -> memref<64xi32, #tpu.memory_space<vmem>>
        %dma_start3A_284 = arith.constant 0 : i32
        %dma_start3A_285 = arith.constant 0 : i32
        %dma_start3A_286 = tpu.memref_slice %arg7[%dma_start3A_284, %dma_start3A_285] : memref<10112x128xf32, #tpu.memory_space<vmem_shared>> -> memref<10112x128xf32, #tpu.memory_space<vmem_shared>>
        %dma_start3A_287 = tpu.memref_slice %arg12[%dma_start3A_276] : memref<5x!tpu.dma_semaphore, #tpu.memory_space<semaphore_mem>> -> memref<1x!tpu.dma_semaphore, #tpu.memory_space<semaphore_mem>>
        %dma_start3A_288 = tpu.memref_squeeze %dma_start3A_287 : memref<1x!tpu.dma_semaphore, #tpu.memory_space<semaphore_mem>> -> memref<!tpu.dma_semaphore, #tpu.memory_space<semaphore_mem>>
        tpu.enqueue_indirect_dma source(%dma_start3A_280 : memref<64x128xf32, #tpu.memory_space<vmem>>) target(%dma_start3A_286 : memref<10112x128xf32, #tpu.memory_space<vmem_shared>>) offsets(%dma_start3A_283 : memref<64xi32, #tpu.memory_space<vmem>>) semaphore(%dma_start3A_288 : memref<!tpu.dma_semaphore, #tpu.memory_space<semaphore_mem>>) {add = true}
        %add3A_289 = arith.constant 4 : i32
        %add3A_290 = arith.addi %mul3A_96, %add3A_289 : i32
        %dma_wait3A_291 = arith.constant 3 : i32
        %dma_wait3A_292 = arith.constant 3 : i32
        %dma_wait3A_293 = arith.constant 0 : i32
        %dma_wait3A_294 = arith.constant 0 : i32
        %dma_wait3A_295 = tpu.memref_slice %arg10[%dma_wait3A_291, %dma_wait3A_293, %dma_wait3A_294] : memref<5x64x128xf32, #tpu.memory_space<vmem>> -> memref<1x64x128xf32, #tpu.memory_space<vmem>>
        %dma_wait3A_296 = tpu.memref_squeeze %dma_wait3A_295 : memref<1x64x128xf32, #tpu.memory_space<vmem>> -> memref<64x128xf32, #tpu.memory_space<vmem>>
        %dma_wait3A_297 = arith.constant 0 : i32
        %dma_wait3A_298 = tpu.memref_slice %arg9[%add3A_290, %dma_wait3A_297] : memref<20x64xi32, #tpu.memory_space<vmem>> -> memref<1x64xi32, #tpu.memory_space<vmem>>
        %dma_wait3A_299 = tpu.memref_squeeze %dma_wait3A_298 : memref<1x64xi32, #tpu.memory_space<vmem>> -> memref<64xi32, #tpu.memory_space<vmem>>
        %dma_wait3A_300 = arith.constant 0 : i32
        %dma_wait3A_301 = arith.constant 0 : i32
        %dma_wait3A_302 = tpu.memref_slice %arg7[%dma_wait3A_300, %dma_wait3A_301] : memref<10112x128xf32, #tpu.memory_space<vmem_shared>> -> memref<10112x128xf32, #tpu.memory_space<vmem_shared>>
        %dma_wait3A_303 = tpu.memref_slice %arg12[%dma_wait3A_292] : memref<5x!tpu.dma_semaphore, #tpu.memory_space<semaphore_mem>> -> memref<1x!tpu.dma_semaphore, #tpu.memory_space<semaphore_mem>>
        %dma_wait3A_304 = tpu.memref_squeeze %dma_wait3A_303 : memref<1x!tpu.dma_semaphore, #tpu.memory_space<semaphore_mem>> -> memref<!tpu.dma_semaphore, #tpu.memory_space<semaphore_mem>>
        tpu.wait_indirect_dma semaphore(%dma_wait3A_304 : memref<!tpu.dma_semaphore, #tpu.memory_space<semaphore_mem>>) src(%dma_wait3A_296 : memref<64x128xf32, #tpu.memory_space<vmem>>) dst(%dma_wait3A_302 : memref<10112x128xf32, #tpu.memory_space<vmem_shared>>)
        %add3A_305 = arith.constant 4 : i32
        %add3A_306 = arith.addi %add3A_290, %add3A_305 : i32
        %lt3A_307 = arith.constant 20 : i32
        %lt3A_308 = arith.cmpi slt, %add3A_306, %lt3A_307 : i32
        %convert_element_type3A_309 = arith.extui %lt3A_308 : i1 to i32
        %cond3A_310 = arith.constant 0 : i32
        %cond3A_311 = arith.cmpi ne, %convert_element_type3A_309, %cond3A_310 : i32
        scf.if %cond3A_311 {
          %add3A_341 = arith.constant 4 : i32
          %add3A_342 = arith.addi %add3A_290, %add3A_341 : i32
          %dma_start3A_343 = arith.constant 3 : i32
          %dma_start3A_344 = arith.constant 3 : i32
          %dma_start3A_345 = arith.constant 0 : i32
          %dma_start3A_346 = arith.constant 0 : i32
          %dma_start3A_347 = tpu.memref_slice %arg10[%dma_start3A_343, %dma_start3A_345, %dma_start3A_346] : memref<5x64x128xf32, #tpu.memory_space<vmem>> -> memref<1x64x128xf32, #tpu.memory_space<vmem>>
          %dma_start3A_348 = tpu.memref_squeeze %dma_start3A_347 : memref<1x64x128xf32, #tpu.memory_space<vmem>> -> memref<64x128xf32, #tpu.memory_space<vmem>>
          %dma_start3A_349 = arith.constant 0 : i32
          %dma_start3A_350 = tpu.memref_slice %arg8[%add3A_342, %dma_start3A_349] : memref<20x64xi32, #tpu.memory_space<vmem>> -> memref<1x64xi32, #tpu.memory_space<vmem>>
          %dma_start3A_351 = tpu.memref_squeeze %dma_start3A_350 : memref<1x64xi32, #tpu.memory_space<vmem>> -> memref<64xi32, #tpu.memory_space<vmem>>
          %dma_start3A_352 = arith.constant 0 : i32
          %dma_start3A_353 = arith.constant 0 : i32
          %dma_start3A_354 = tpu.memref_slice %arg2[%dma_start3A_352, %dma_start3A_353] : memref<20224x128xf32, #tpu.memory_space<hbm>> -> memref<20224x128xf32, #tpu.memory_space<hbm>>
          %dma_start3A_355 = tpu.memref_slice %arg11[%dma_start3A_344] : memref<5x!tpu.dma_semaphore, #tpu.memory_space<semaphore_mem>> -> memref<1x!tpu.dma_semaphore, #tpu.memory_space<semaphore_mem>>
          %dma_start3A_356 = tpu.memref_squeeze %dma_start3A_355 : memref<1x!tpu.dma_semaphore, #tpu.memory_space<semaphore_mem>> -> memref<!tpu.dma_semaphore, #tpu.memory_space<semaphore_mem>>
          tpu.enqueue_indirect_dma source(%dma_start3A_354 : memref<20224x128xf32, #tpu.memory_space<hbm>>) target(%dma_start3A_348 : memref<64x128xf32, #tpu.memory_space<vmem>>) offsets(%dma_start3A_351 : memref<64xi32, #tpu.memory_space<vmem>>) semaphore(%dma_start3A_356 : memref<!tpu.dma_semaphore, #tpu.memory_space<semaphore_mem>>)
        } else {
        }
        %dma_wait3A_312 = arith.constant 4 : i32
        %dma_wait3A_313 = arith.constant 4 : i32
        %dma_wait3A_314 = arith.constant 0 : i32
        %dma_wait3A_315 = arith.constant 0 : i32
        %dma_wait3A_316 = tpu.memref_slice %arg10[%dma_wait3A_312, %dma_wait3A_314, %dma_wait3A_315] : memref<5x64x128xf32, #tpu.memory_space<vmem>> -> memref<1x64x128xf32, #tpu.memory_space<vmem>>
        %dma_wait3A_317 = tpu.memref_squeeze %dma_wait3A_316 : memref<1x64x128xf32, #tpu.memory_space<vmem>> -> memref<64x128xf32, #tpu.memory_space<vmem>>
        %dma_wait3A_318 = arith.constant 0 : i32
        %dma_wait3A_319 = tpu.memref_slice %arg8[%add3A_290, %dma_wait3A_318] : memref<20x64xi32, #tpu.memory_space<vmem>> -> memref<1x64xi32, #tpu.memory_space<vmem>>
        %dma_wait3A_320 = tpu.memref_squeeze %dma_wait3A_319 : memref<1x64xi32, #tpu.memory_space<vmem>> -> memref<64xi32, #tpu.memory_space<vmem>>
        %dma_wait3A_321 = arith.constant 0 : i32
        %dma_wait3A_322 = arith.constant 0 : i32
        %dma_wait3A_323 = tpu.memref_slice %arg2[%dma_wait3A_321, %dma_wait3A_322] : memref<20224x128xf32, #tpu.memory_space<hbm>> -> memref<20224x128xf32, #tpu.memory_space<hbm>>
        %dma_wait3A_324 = tpu.memref_slice %arg11[%dma_wait3A_313] : memref<5x!tpu.dma_semaphore, #tpu.memory_space<semaphore_mem>> -> memref<1x!tpu.dma_semaphore, #tpu.memory_space<semaphore_mem>>
        %dma_wait3A_325 = tpu.memref_squeeze %dma_wait3A_324 : memref<1x!tpu.dma_semaphore, #tpu.memory_space<semaphore_mem>> -> memref<!tpu.dma_semaphore, #tpu.memory_space<semaphore_mem>>
        tpu.wait_indirect_dma semaphore(%dma_wait3A_325 : memref<!tpu.dma_semaphore, #tpu.memory_space<semaphore_mem>>) src(%dma_wait3A_323 : memref<20224x128xf32, #tpu.memory_space<hbm>>) dst(%dma_wait3A_317 : memref<64x128xf32, #tpu.memory_space<vmem>>)
        %dma_start3A_326 = arith.constant 4 : i32
        %dma_start3A_327 = arith.constant 4 : i32
        %dma_start3A_328 = arith.constant 0 : i32
        %dma_start3A_329 = arith.constant 0 : i32
        %dma_start3A_330 = tpu.memref_slice %arg10[%dma_start3A_326, %dma_start3A_328, %dma_start3A_329] : memref<5x64x128xf32, #tpu.memory_space<vmem>> -> memref<1x64x128xf32, #tpu.memory_space<vmem>>
        %dma_start3A_331 = tpu.memref_squeeze %dma_start3A_330 : memref<1x64x128xf32, #tpu.memory_space<vmem>> -> memref<64x128xf32, #tpu.memory_space<vmem>>
        %dma_start3A_332 = arith.constant 0 : i32
        %dma_start3A_333 = tpu.memref_slice %arg9[%add3A_290, %dma_start3A_332] : memref<20x64xi32, #tpu.memory_space<vmem>> -> memref<1x64xi32, #tpu.memory_space<vmem>>
        %dma_start3A_334 = tpu.memref_squeeze %dma_start3A_333 : memref<1x64xi32, #tpu.memory_space<vmem>> -> memref<64xi32, #tpu.memory_space<vmem>>
        %dma_start3A_335 = arith.constant 0 : i32
        %dma_start3A_336 = arith.constant 0 : i32
        %dma_start3A_337 = tpu.memref_slice %arg7[%dma_start3A_335, %dma_start3A_336] : memref<10112x128xf32, #tpu.memory_space<vmem_shared>> -> memref<10112x128xf32, #tpu.memory_space<vmem_shared>>
        %dma_start3A_338 = tpu.memref_slice %arg12[%dma_start3A_327] : memref<5x!tpu.dma_semaphore, #tpu.memory_space<semaphore_mem>> -> memref<1x!tpu.dma_semaphore, #tpu.memory_space<semaphore_mem>>
        %dma_start3A_339 = tpu.memref_squeeze %dma_start3A_338 : memref<1x!tpu.dma_semaphore, #tpu.memory_space<semaphore_mem>> -> memref<!tpu.dma_semaphore, #tpu.memory_space<semaphore_mem>>
        tpu.enqueue_indirect_dma source(%dma_start3A_331 : memref<64x128xf32, #tpu.memory_space<vmem>>) target(%dma_start3A_337 : memref<10112x128xf32, #tpu.memory_space<vmem_shared>>) offsets(%dma_start3A_334 : memref<64xi32, #tpu.memory_space<vmem>>) semaphore(%dma_start3A_339 : memref<!tpu.dma_semaphore, #tpu.memory_space<semaphore_mem>>) {add = true}
        %scan3A_340 = arith.constant 0 : i32
        scf.yield %scan3A_340 : i32
      }
      %scan3A_91 = arith.constant 4 : i32
      %scan3A_92 = arith.constant 0 : i32
      scf.yield %scan3A_92 : i32
    }
    %scan3A_6 = arith.constant 16 : i32
    %dma_wait3A = arith.constant 4 : i32
    %dma_wait3A_7 = arith.constant 19 : i32
    %dma_wait3A_8 = arith.constant 4 : i32
    %dma_wait3A_9 = arith.constant 0 : i32
    %dma_wait3A_10 = arith.constant 0 : i32
    %dma_wait3A_11 = tpu.memref_slice %arg10[%dma_wait3A, %dma_wait3A_9, %dma_wait3A_10] : memref<5x64x128xf32, #tpu.memory_space<vmem>> -> memref<1x64x128xf32, #tpu.memory_space<vmem>>
    %dma_wait3A_12 = tpu.memref_squeeze %dma_wait3A_11 : memref<1x64x128xf32, #tpu.memory_space<vmem>> -> memref<64x128xf32, #tpu.memory_space<vmem>>
    %dma_wait3A_13 = arith.constant 0 : i32
    %dma_wait3A_14 = tpu.memref_slice %arg9[%dma_wait3A_7, %dma_wait3A_13] : memref<20x64xi32, #tpu.memory_space<vmem>> -> memref<1x64xi32, #tpu.memory_space<vmem>>
    %dma_wait3A_15 = tpu.memref_squeeze %dma_wait3A_14 : memref<1x64xi32, #tpu.memory_space<vmem>> -> memref<64xi32, #tpu.memory_space<vmem>>
    %dma_wait3A_16 = arith.constant 0 : i32
    %dma_wait3A_17 = arith.constant 0 : i32
    %dma_wait3A_18 = tpu.memref_slice %arg7[%dma_wait3A_16, %dma_wait3A_17] : memref<10112x128xf32, #tpu.memory_space<vmem_shared>> -> memref<10112x128xf32, #tpu.memory_space<vmem_shared>>
    %dma_wait3A_19 = tpu.memref_slice %arg12[%dma_wait3A_8] : memref<5x!tpu.dma_semaphore, #tpu.memory_space<semaphore_mem>> -> memref<1x!tpu.dma_semaphore, #tpu.memory_space<semaphore_mem>>
    %dma_wait3A_20 = tpu.memref_squeeze %dma_wait3A_19 : memref<1x!tpu.dma_semaphore, #tpu.memory_space<semaphore_mem>> -> memref<!tpu.dma_semaphore, #tpu.memory_space<semaphore_mem>>
    tpu.wait_indirect_dma semaphore(%dma_wait3A_20 : memref<!tpu.dma_semaphore, #tpu.memory_space<semaphore_mem>>) src(%dma_wait3A_12 : memref<64x128xf32, #tpu.memory_space<vmem>>) dst(%dma_wait3A_18 : memref<10112x128xf32, #tpu.memory_space<vmem_shared>>)
    %barrier3A_21 = arith.constant 0 : index
    tpu.barrier barrier_id(%barrier3A_21)
    %mul3A_22 = arith.constant 632 : i32
    %mul3A_23 = arith.muli %arg1, %mul3A_22 : i32
    "tpu.region"() ({
      %run_scoped3A = tpu.sem_alloc : memref<!tpu.dma_semaphore, #tpu.memory_space<semaphore_mem>>
      %dma_start3A = arith.constant 0 : i32
      %dma_start3A_24 = arith.constant 0 : i32
      %dma_start3A_25 = tpu.memref_slice %arg6[%arg0, %dma_start3A, %dma_start3A_24] : memref<2x10112x128xf32, #tpu.memory_space<hbm>> -> memref<1x10112x128xf32, #tpu.memory_space<hbm>>
      %dma_start3A_26 = tpu.memref_squeeze %dma_start3A_25 : memref<1x10112x128xf32, #tpu.memory_space<hbm>> -> memref<10112x128xf32, #tpu.memory_space<hbm>>
      %dma_start3A_27 = arith.constant 0 : i32
      %dma_start3A_28 = tpu.memref_slice %dma_start3A_26[%mul3A_23, %dma_start3A_27] : memref<10112x128xf32, #tpu.memory_space<hbm>> -> memref<632x128xf32, #tpu.memory_space<hbm>>
      %dma_start3A_29 = arith.constant 0 : i32
      %dma_start3A_30 = tpu.memref_slice %arg7[%mul3A_23, %dma_start3A_29] : memref<10112x128xf32, #tpu.memory_space<vmem_shared>> -> memref<632x128xf32, #tpu.memory_space<vmem_shared>>
      tpu.enqueue_dma source(%dma_start3A_30 : memref<632x128xf32, #tpu.memory_space<vmem_shared>>) target(%dma_start3A_28 : memref<632x128xf32, #tpu.memory_space<hbm>>) target_semaphore(%run_scoped3A : memref<!tpu.dma_semaphore, #tpu.memory_space<semaphore_mem>>)
      %dma_wait3A_31 = arith.constant 0 : i32
      %dma_wait3A_32 = arith.constant 0 : i32
      %dma_wait3A_33 = tpu.memref_slice %arg6[%arg0, %dma_wait3A_31, %dma_wait3A_32] : memref<2x10112x128xf32, #tpu.memory_space<hbm>> -> memref<1x10112x128xf32, #tpu.memory_space<hbm>>
      %dma_wait3A_34 = tpu.memref_squeeze %dma_wait3A_33 : memref<1x10112x128xf32, #tpu.memory_space<hbm>> -> memref<10112x128xf32, #tpu.memory_space<hbm>>
      %dma_wait3A_35 = arith.constant 0 : i32
      %dma_wait3A_36 = tpu.memref_slice %dma_wait3A_34[%mul3A_23, %dma_wait3A_35] : memref<10112x128xf32, #tpu.memory_space<hbm>> -> memref<632x128xf32, #tpu.memory_space<hbm>>
      %dma_wait3A_37 = arith.constant 0 : i32
      %dma_wait3A_38 = tpu.memref_slice %arg7[%mul3A_23, %dma_wait3A_37] : memref<10112x128xf32, #tpu.memory_space<vmem_shared>> -> memref<632x128xf32, #tpu.memory_space<vmem_shared>>
      tpu.wait_dma2 semaphore(%run_scoped3A : memref<!tpu.dma_semaphore, #tpu.memory_space<semaphore_mem>>) src(%dma_wait3A_38 : memref<632x128xf32, #tpu.memory_space<vmem_shared>>) dst(%dma_wait3A_36 : memref<632x128xf32, #tpu.memory_space<hbm>>)
      tpu.yield
    }) : () -> ()
    return
  }
}

module attributes {stable_mosaic.version = 14 : i64} {
  func.func @_k1_body(%arg0: i32, %arg1: i32, %arg2: memref<1x1264x128xf32, #tpu.memory_space<vmem>>, %arg3: memref<1x1264x128xf32, #tpu.memory_space<vmem>>, %arg4: memref<128x128xf32, #tpu.memory_space<vmem>>, %arg5: memref<1x1264x128xf32, #tpu.memory_space<vmem>>) attributes {dimension_semantics = [#tpu.dimension_semantics<arbitrary>, #tpu.dimension_semantics<arbitrary>], iteration_bounds = array<i64: 2, 8>, scalar_prefetch = 0 : i64, scratch_operands = 0 : i64, tpu.core_type = #tpu.core_type<tc>, window_params = [{transform_indices = @transform_0, window_bounds = array<i64: 1, 1264, 128>}, {transform_indices = @transform_1, window_bounds = array<i64: 1, 1264, 128>}, {pipeline_mode = #tpu.pipeline_mode<synchronous>, transform_indices = @transform_2, window_bounds = array<i64: 128, 128>}, {transform_indices = @transform_3, window_bounds = array<i64: 1, 1264, 128>}]} {
    %get3A = arith.constant 0 : index
    %get3A_0 = arith.constant 0 : index
    %get3A_1 = arith.constant 0 : index
    %get3A_2 = vector.load %arg2[%get3A, %get3A_0, %get3A_1] : memref<1x1264x128xf32, #tpu.memory_space<vmem>>, vector<1x1264x128xf32>
    %get3A_3 = vector.shape_cast %get3A_2 : vector<1x1264x128xf32> to vector<1264x128xf32>
    %get3A_4 = arith.constant 0 : index
    %get3A_5 = arith.constant 0 : index
    %get3A_6 = vector.load %arg4[%get3A_4, %get3A_5] : memref<128x128xf32, #tpu.memory_space<vmem>>, vector<128x128xf32>
    %dot_general3A = arith.constant dense<0.000000e+00> : vector<1264x128xf32>
    %dot_general3A_7 = tpu.matmul %get3A_3, %get3A_6, %dot_general3A {dimension_numbers = #tpu.dot_dimension_numbers<[1], [0], [0], [1], [0, 0, 1, 1], [], []>, transpose_lhs_hint = false} : vector<1264x128xf32>, vector<128x128xf32>, vector<1264x128xf32> -> vector<1264x128xf32>
    %get3A_8 = arith.constant 0 : index
    %get3A_9 = arith.constant 0 : index
    %get3A_10 = arith.constant 0 : index
    %get3A_11 = vector.load %arg3[%get3A_8, %get3A_9, %get3A_10] : memref<1x1264x128xf32, #tpu.memory_space<vmem>>, vector<1x1264x1xf32>
    %get3A_12 = vector.shape_cast %get3A_11 : vector<1x1264x1xf32> to vector<1264x1xf32>
    %add3A = arith.constant 1.000000e+00 : f32
    %add3A_13 = vector.broadcast %add3A : f32 to vector<1264x1xf32>
    %add3A_14 = arith.addf %get3A_12, %add3A_13 : vector<1264x1xf32>
    %rsqrt3A = math.rsqrt %add3A_14 : vector<1264x1xf32>
    %mul3A = vector.broadcast %rsqrt3A : vector<1264x1xf32> to vector<1264x128xf32>
    %mul3A_15 = arith.mulf %mul3A, %dot_general3A_7 : vector<1264x128xf32>
    %swap3A = arith.constant 0 : index
    %swap3A_16 = arith.constant 0 : index
    %swap3A_17 = arith.constant 0 : index
    %swap3A_18 = vector.load %arg5[%swap3A, %swap3A_16, %swap3A_17] : memref<1x1264x128xf32, #tpu.memory_space<vmem>>, vector<1x1264x128xf32>
    %swap3A_19 = vector.shape_cast %swap3A_18 : vector<1x1264x128xf32> to vector<1264x128xf32>
    %swap3A_20 = vector.shape_cast %mul3A_15 : vector<1264x128xf32> to vector<1x1264x128xf32>
    tpu.vector_store %arg5[%swap3A, %swap3A_16, %swap3A_17], %swap3A_20 {strides = array<i32>} : memref<1x1264x128xf32, #tpu.memory_space<vmem>>, vector<1x1264x128xf32>,
    return
  }
  func.func @transform_0(%arg0: i32, %arg1: i32) -> (i32, i32, i32) {
    %c0_i32 = arith.constant 0 : i32
    %c0_i32_0 = arith.constant 0 : i32
    return %arg0, %arg1, %c0_i32 : i32, i32, i32
  }
  func.func @transform_1(%arg0: i32, %arg1: i32) -> (i32, i32, i32) {
    %c0_i32 = arith.constant 0 : i32
    %c0_i32_0 = arith.constant 0 : i32
    return %arg0, %arg1, %c0_i32 : i32, i32, i32
  }
  func.func @transform_2(%arg0: i32, %arg1: i32) -> (i32, i32) {
    %c0_i32 = arith.constant 0 : i32
    %c0_i32_0 = arith.constant 0 : i32
    %c0_i32_1 = arith.constant 0 : i32
    return %c0_i32, %c0_i32_0 : i32, i32
  }
  func.func @transform_3(%arg0: i32, %arg1: i32) -> (i32, i32, i32) {
    %c0_i32 = arith.constant 0 : i32
    %c0_i32_0 = arith.constant 0 : i32
    return %arg0, %arg1, %c0_i32 : i32, i32, i32
  }
}

module attributes {stable_mosaic.version = 14 : i64} {
  func.func @_k3_body(%arg0: i32, %arg1: i32, %arg2: memref<1x1264x128xf32, #tpu.memory_space<vmem>>, %arg3: memref<1x1264x128xf32, #tpu.memory_space<vmem>>, %arg4: memref<1x1264x128xf32, #tpu.memory_space<vmem>>, %arg5: memref<1x128xf32, #tpu.memory_space<vmem>>, %arg6: memref<128x128xf32, #tpu.memory_space<vmem>>, %arg7: memref<1x1264x128xf32, #tpu.memory_space<vmem>>) attributes {dimension_semantics = [#tpu.dimension_semantics<arbitrary>, #tpu.dimension_semantics<arbitrary>], iteration_bounds = array<i64: 2, 8>, scalar_prefetch = 0 : i64, scratch_operands = 0 : i64, tpu.core_type = #tpu.core_type<tc>, window_params = [{transform_indices = @transform_0, window_bounds = array<i64: 1, 1264, 128>}, {transform_indices = @transform_1, window_bounds = array<i64: 1, 1264, 128>}, {transform_indices = @transform_2, window_bounds = array<i64: 1, 1264, 128>}, {pipeline_mode = #tpu.pipeline_mode<synchronous>, transform_indices = @transform_3, window_bounds = array<i64: 1, 128>}, {pipeline_mode = #tpu.pipeline_mode<synchronous>, transform_indices = @transform_4, window_bounds = array<i64: 128, 128>}, {transform_indices = @transform_5, window_bounds = array<i64: 1, 1264, 128>}]} {
    %get3A = arith.constant 0 : index
    %get3A_0 = arith.constant 0 : index
    %get3A_1 = arith.constant 0 : index
    %get3A_2 = vector.load %arg4[%get3A, %get3A_0, %get3A_1] : memref<1x1264x128xf32, #tpu.memory_space<vmem>>, vector<1x1264x1xf32>
    %get3A_3 = vector.shape_cast %get3A_2 : vector<1x1264x1xf32> to vector<1264x1xf32>
    %add3A = arith.constant 1.000000e+00 : f32
    %add3A_4 = vector.broadcast %add3A : f32 to vector<1264x1xf32>
    %add3A_5 = arith.addf %get3A_3, %add3A_4 : vector<1264x1xf32>
    %rsqrt3A = math.rsqrt %add3A_5 : vector<1264x1xf32>
    %get3A_6 = arith.constant 0 : index
    %get3A_7 = arith.constant 0 : index
    %get3A_8 = arith.constant 0 : index
    %get3A_9 = vector.load %arg2[%get3A_6, %get3A_7, %get3A_8] : memref<1x1264x128xf32, #tpu.memory_space<vmem>>, vector<1x1264x128xf32>
    %get3A_10 = vector.shape_cast %get3A_9 : vector<1x1264x128xf32> to vector<1264x128xf32>
    %get3A_11 = arith.constant 0 : index
    %get3A_12 = arith.constant 0 : index
    %get3A_13 = arith.constant 0 : index
    %get3A_14 = vector.load %arg3[%get3A_11, %get3A_12, %get3A_13] : memref<1x1264x128xf32, #tpu.memory_space<vmem>>, vector<1x1264x128xf32>
    %get3A_15 = vector.shape_cast %get3A_14 : vector<1x1264x128xf32> to vector<1264x128xf32>
    %add3A_16 = arith.addf %get3A_10, %get3A_15 : vector<1264x128xf32>
    %mul3A = vector.broadcast %rsqrt3A : vector<1264x1xf32> to vector<1264x128xf32>
    %mul3A_17 = arith.mulf %mul3A, %add3A_16 : vector<1264x128xf32>
    %get3A_18 = arith.constant 0 : index
    %get3A_19 = arith.constant 0 : index
    %get3A_20 = vector.load %arg5[%get3A_18, %get3A_19] : memref<1x128xf32, #tpu.memory_space<vmem>>, vector<1x128xf32>
    %add3A_21 = vector.broadcast %get3A_20 : vector<1x128xf32> to vector<1264x128xf32>
    %add3A_22 = arith.addf %mul3A_17, %add3A_21 : vector<1264x128xf32>
    %max3A = arith.constant 0.000000e+00 : f32
    %max3A_23 = vector.broadcast %max3A : f32 to vector<1264x128xf32>
    %max3A_24 = arith.maximumf %add3A_22, %max3A_23 : vector<1264x128xf32>
    %get3A_25 = arith.constant 0 : index
    %get3A_26 = arith.constant 0 : index
    %get3A_27 = vector.load %arg6[%get3A_25, %get3A_26] : memref<128x128xf32, #tpu.memory_space<vmem>>, vector<128x128xf32>
    %dot_general3A = arith.constant dense<0.000000e+00> : vector<1264x128xf32>
    %dot_general3A_28 = tpu.matmul %max3A_24, %get3A_27, %dot_general3A {dimension_numbers = #tpu.dot_dimension_numbers<[1], [0], [0], [1], [0, 0, 1, 1], [], []>, transpose_lhs_hint = false} : vector<1264x128xf32>, vector<128x128xf32>, vector<1264x128xf32> -> vector<1264x128xf32>
    %mul3A_29 = vector.broadcast %rsqrt3A : vector<1264x1xf32> to vector<1264x128xf32>
    %mul3A_30 = arith.mulf %mul3A_29, %dot_general3A_28 : vector<1264x128xf32>
    %swap3A = arith.constant 0 : index
    %swap3A_31 = arith.constant 0 : index
    %swap3A_32 = arith.constant 0 : index
    %swap3A_33 = vector.load %arg7[%swap3A, %swap3A_31, %swap3A_32] : memref<1x1264x128xf32, #tpu.memory_space<vmem>>, vector<1x1264x128xf32>
    %swap3A_34 = vector.shape_cast %swap3A_33 : vector<1x1264x128xf32> to vector<1264x128xf32>
    %swap3A_35 = vector.shape_cast %mul3A_30 : vector<1264x128xf32> to vector<1x1264x128xf32>
    tpu.vector_store %arg7[%swap3A, %swap3A_31, %swap3A_32], %swap3A_35 {strides = array<i32>} : memref<1x1264x128xf32, #tpu.memory_space<vmem>>, vector<1x1264x128xf32>,
    return
  }
  func.func @transform_0(%arg0: i32, %arg1: i32) -> (i32, i32, i32) {
    %c0_i32 = arith.constant 0 : i32
    %c0_i32_0 = arith.constant 0 : i32
    return %arg0, %arg1, %c0_i32 : i32, i32, i32
  }
  func.func @transform_1(%arg0: i32, %arg1: i32) -> (i32, i32, i32) {
    %c0_i32 = arith.constant 0 : i32
    %c0_i32_0 = arith.constant 0 : i32
    return %arg0, %arg1, %c0_i32 : i32, i32, i32
  }
  func.func @transform_2(%arg0: i32, %arg1: i32) -> (i32, i32, i32) {
    %c0_i32 = arith.constant 0 : i32
    %c0_i32_0 = arith.constant 0 : i32
    return %arg0, %arg1, %c0_i32 : i32, i32, i32
  }
  func.func @transform_3(%arg0: i32, %arg1: i32) -> (i32, i32) {
    %c0_i32 = arith.constant 0 : i32
    %c0_i32_0 = arith.constant 0 : i32
    %c0_i32_1 = arith.constant 0 : i32
    return %c0_i32, %c0_i32_0 : i32, i32
  }
  func.func @transform_4(%arg0: i32, %arg1: i32) -> (i32, i32) {
    %c0_i32 = arith.constant 0 : i32
    %c0_i32_0 = arith.constant 0 : i32
    %c0_i32_1 = arith.constant 0 : i32
    return %c0_i32, %c0_i32_0 : i32, i32
  }
  func.func @transform_5(%arg0: i32, %arg1: i32) -> (i32, i32, i32) {
    %c0_i32 = arith.constant 0 : i32
    %c0_i32_0 = arith.constant 0 : i32
    return %arg0, %arg1, %c0_i32 : i32, i32, i32
  }
}

module attributes {stable_mosaic.version = 14 : i64} {
  func.func @_k5_body(%arg0: i32, %arg1: i32, %arg2: memref<1x1264x128xf32, #tpu.memory_space<vmem>>, %arg3: memref<1x1264x128xf32, #tpu.memory_space<vmem>>, %arg4: memref<1x1264x128xf32, #tpu.memory_space<vmem>>, %arg5: memref<1x128xf32, #tpu.memory_space<vmem>>, %arg6: memref<1x1264x1xf32, #tpu.memory_space<vmem>>, %arg7: memref<128x128xf32, #tpu.memory_space<vmem>>, %arg8: memref<1x128xf32, #tpu.memory_space<vmem>>, %arg9: memref<128x64xf32, #tpu.memory_space<vmem>>, %arg10: memref<1x64xf32, #tpu.memory_space<vmem>>, %arg11: memref<64x64xf32, #tpu.memory_space<vmem>>, %arg12: memref<64x128xf32, #tpu.memory_space<vmem>>, %arg13: memref<64x128xf32, #tpu.memory_space<vmem>>, %arg14: memref<64x128xf32, #tpu.memory_space<vmem>>, %arg15: memref<64x128xf32, #tpu.memory_space<vmem>>) attributes {dimension_semantics = [#tpu.dimension_semantics<arbitrary>, #tpu.dimension_semantics<arbitrary>], iteration_bounds = array<i64: 2, 8>, scalar_prefetch = 0 : i64, scratch_operands = 4 : i64, tpu.core_type = #tpu.core_type<tc>, window_params = [{transform_indices = @transform_0, window_bounds = array<i64: 1, 1264, 128>}, {transform_indices = @transform_1, window_bounds = array<i64: 1, 1264, 128>}, {transform_indices = @transform_2, window_bounds = array<i64: 1, 1264, 128>}, {pipeline_mode = #tpu.pipeline_mode<synchronous>, transform_indices = @transform_3, window_bounds = array<i64: 1, 128>}, {transform_indices = @transform_4, window_bounds = array<i64: 1, 1264, 1>}, {pipeline_mode = #tpu.pipeline_mode<synchronous>, transform_indices = @transform_5, window_bounds = array<i64: 128, 128>}, {pipeline_mode = #tpu.pipeline_mode<synchronous>, transform_indices = @transform_6, window_bounds = array<i64: 1, 128>}, {pipeline_mode = #tpu.pipeline_mode<synchronous>, transform_indices = @transform_7, window_bounds = array<i64: 128, 64>}, {pipeline_mode = #tpu.pipeline_mode<synchronous>, transform_indices = @transform_8, window_bounds = array<i64: 1, 64>}, {pipeline_mode = #tpu.pipeline_mode<synchronous>, transform_indices = @transform_9, window_bounds = array<i64: 64, 64>}]} {
    %get3A = arith.constant 0 : index
    %get3A_0 = arith.constant 0 : index
    %get3A_1 = arith.constant 0 : index
    %get3A_2 = vector.load %arg4[%get3A, %get3A_0, %get3A_1] : memref<1x1264x128xf32, #tpu.memory_space<vmem>>, vector<1x1264x1xf32>
    %get3A_3 = vector.shape_cast %get3A_2 : vector<1x1264x1xf32> to vector<1264x1xf32>
    %add3A = arith.constant 1.000000e+00 : f32
    %add3A_4 = vector.broadcast %add3A : f32 to vector<1264x1xf32>
    %add3A_5 = arith.addf %get3A_3, %add3A_4 : vector<1264x1xf32>
    %rsqrt3A = math.rsqrt %add3A_5 : vector<1264x1xf32>
    %get3A_6 = arith.constant 0 : index
    %get3A_7 = arith.constant 0 : index
    %get3A_8 = arith.constant 0 : index
    %get3A_9 = vector.load %arg2[%get3A_6, %get3A_7, %get3A_8] : memref<1x1264x128xf32, #tpu.memory_space<vmem>>, vector<1x1264x128xf32>
    %get3A_10 = vector.shape_cast %get3A_9 : vector<1x1264x128xf32> to vector<1264x128xf32>
    %get3A_11 = arith.constant 0 : index
    %get3A_12 = arith.constant 0 : index
    %get3A_13 = arith.constant 0 : index
    %get3A_14 = vector.load %arg3[%get3A_11, %get3A_12, %get3A_13] : memref<1x1264x128xf32, #tpu.memory_space<vmem>>, vector<1x1264x128xf32>
    %get3A_15 = vector.shape_cast %get3A_14 : vector<1x1264x128xf32> to vector<1264x128xf32>
    %add3A_16 = arith.addf %get3A_10, %get3A_15 : vector<1264x128xf32>
    %mul3A = vector.broadcast %rsqrt3A : vector<1264x1xf32> to vector<1264x128xf32>
    %mul3A_17 = arith.mulf %mul3A, %add3A_16 : vector<1264x128xf32>
    %get3A_18 = arith.constant 0 : index
    %get3A_19 = arith.constant 0 : index
    %get3A_20 = vector.load %arg5[%get3A_18, %get3A_19] : memref<1x128xf32, #tpu.memory_space<vmem>>, vector<1x128xf32>
    %add3A_21 = vector.broadcast %get3A_20 : vector<1x128xf32> to vector<1264x128xf32>
    %add3A_22 = arith.addf %mul3A_17, %add3A_21 : vector<1264x128xf32>
    %max3A = arith.constant 0.000000e+00 : f32
    %max3A_23 = vector.broadcast %max3A : f32 to vector<1264x128xf32>
    %max3A_24 = arith.maximumf %add3A_22, %max3A_23 : vector<1264x128xf32>
    %iota3A = tpu.iota {dimensions = array<i32: 1>} : vector<1264x64xi32>
    %convert_element_type3A = arith.sitofp %iota3A : vector<1264x64xi32> to vector<1264x64xf32>
    %get3A_25 = arith.constant 0 : index
    %get3A_26 = arith.constant 0 : index
    %get3A_27 = arith.constant 0 : index
    %get3A_28 = vector.load %arg6[%get3A_25, %get3A_26, %get3A_27] : memref<1x1264x1xf32, #tpu.memory_space<vmem>>, vector<1x1264x1xf32>
    %get3A_29 = vector.shape_cast %get3A_28 : vector<1x1264x1xf32> to vector<1264x1xf32>
    %eq3A = vector.broadcast %get3A_29 : vector<1264x1xf32> to vector<1264x64xf32>
    %eq3A_30 = arith.cmpf oeq, %eq3A, %convert_element_type3A : vector<1264x64xf32>
    %convert_element_type3A_31 = arith.extui %eq3A_30 : vector<1264x64xi1> to vector<1264x64xi32>
    %convert_element_type3A_32 = arith.sitofp %convert_element_type3A_31 : vector<1264x64xi32> to vector<1264x64xf32>
    %dot_general3A = arith.constant dense<0.000000e+00> : vector<64x128xf32>
    %dot_general3A_33 = tpu.matmul %convert_element_type3A_32, %max3A_24, %dot_general3A {dimension_numbers = #tpu.dot_dimension_numbers<[0], [0], [1], [1], [0, 1, 1, 1], [], []>, transpose_lhs_hint = false} : vector<1264x64xf32>, vector<1264x128xf32>, vector<64x128xf32> -> vector<64x128xf32>
    %reduce_sum3A = arith.constant dense<0.000000e+00> : vector<64xf32>
    %reduce_sum3A_34 = vector.multi_reduction <add>, %convert_element_type3A_32, %reduce_sum3A [0] : vector<1264x64xf32> to vector<64xf32>
    %broadcast_in_dim3A = vector.shape_cast %reduce_sum3A_34 : vector<64xf32> to vector<64x1xf32>
    %broadcast_in_dim3A_35 = vector.shape_cast %broadcast_in_dim3A : vector<64x1xf32> to vector<64x1xf32>
    %broadcast_in_dim3A_36 = vector.broadcast %broadcast_in_dim3A_35 : vector<64x1xf32> to vector<64x128xf32>
    %eq3A_37 = arith.constant 0 : i32
    %eq3A_38 = arith.cmpi eq, %arg0, %eq3A_37 : i32
    %convert_element_type3A_39 = arith.extui %eq3A_38 : i1 to i32
    %cond3A = arith.constant 0 : i32
    %cond3A_40 = arith.cmpi ne, %convert_element_type3A_39, %cond3A : i32
    scf.if %cond3A_40 {
      %eq3A_53 = arith.constant 0 : i32
      %eq3A_54 = arith.cmpi eq, %arg1, %eq3A_53 : i32
      %convert_element_type3A_55 = arith.extui %eq3A_54 : i1 to i32
      %cond3A_56 = arith.constant 0 : i32
      %cond3A_57 = arith.cmpi ne, %convert_element_type3A_55, %cond3A_56 : i32
      scf.if %cond3A_57 {
        %swap3A = arith.constant 0 : index
        %swap3A_62 = arith.constant 0 : index
        %swap3A_63 = vector.load %arg12[%swap3A, %swap3A_62] : memref<64x128xf32, #tpu.memory_space<vmem>>, vector<64x128xf32>
        tpu.vector_store %arg12[%swap3A, %swap3A_62], %dot_general3A_33 {strides = array<i32>} : memref<64x128xf32, #tpu.memory_space<vmem>>, vector<64x128xf32>,
        %swap3A_64 = arith.constant 0 : index
        %swap3A_65 = arith.constant 0 : index
        %swap3A_66 = vector.load %arg13[%swap3A_64, %swap3A_65] : memref<64x128xf32, #tpu.memory_space<vmem>>, vector<64x128xf32>
        tpu.vector_store %arg13[%swap3A_64, %swap3A_65], %broadcast_in_dim3A_36 {strides = array<i32>} : memref<64x128xf32, #tpu.memory_space<vmem>>, vector<64x128xf32>,
      } else {
      }
      %ne3A = arith.constant 0 : i32
      %ne3A_58 = arith.cmpi ne, %arg1, %ne3A : i32
      %convert_element_type3A_59 = arith.extui %ne3A_58 : i1 to i32
      %cond3A_60 = arith.constant 0 : i32
      %cond3A_61 = arith.cmpi ne, %convert_element_type3A_59, %cond3A_60 : i32
      scf.if %cond3A_61 {
        %get3A_62 = arith.constant 0 : index
        %get3A_63 = arith.constant 0 : index
        %get3A_64 = vector.load %arg12[%get3A_62, %get3A_63] : memref<64x128xf32, #tpu.memory_space<vmem>>, vector<64x128xf32>
        %add3A_65 = arith.addf %get3A_64, %dot_general3A_33 : vector<64x128xf32>
        %swap3A = arith.constant 0 : index
        %swap3A_66 = arith.constant 0 : index
        %swap3A_67 = vector.load %arg12[%swap3A, %swap3A_66] : memref<64x128xf32, #tpu.memory_space<vmem>>, vector<64x128xf32>
        tpu.vector_store %arg12[%swap3A, %swap3A_66], %add3A_65 {strides = array<i32>} : memref<64x128xf32, #tpu.memory_space<vmem>>, vector<64x128xf32>,
        %get3A_68 = arith.constant 0 : index
        %get3A_69 = arith.constant 0 : index
        %get3A_70 = vector.load %arg13[%get3A_68, %get3A_69] : memref<64x128xf32, #tpu.memory_space<vmem>>, vector<64x128xf32>
        %add3A_71 = arith.addf %get3A_70, %broadcast_in_dim3A_36 : vector<64x128xf32>
        %swap3A_72 = arith.constant 0 : index
        %swap3A_73 = arith.constant 0 : index
        %swap3A_74 = vector.load %arg13[%swap3A_72, %swap3A_73] : memref<64x128xf32, #tpu.memory_space<vmem>>, vector<64x128xf32>
        tpu.vector_store %arg13[%swap3A_72, %swap3A_73], %add3A_71 {strides = array<i32>} : memref<64x128xf32, #tpu.memory_space<vmem>>, vector<64x128xf32>,
      } else {
      }
    } else {
    }
    %eq3A_41 = arith.constant 1 : i32
    %eq3A_42 = arith.cmpi eq, %arg0, %eq3A_41 : i32
    %convert_element_type3A_43 = arith.extui %eq3A_42 : i1 to i32
    %cond3A_44 = arith.constant 0 : i32
    %cond3A_45 = arith.cmpi ne, %convert_element_type3A_43, %cond3A_44 : i32
    scf.if %cond3A_45 {
      %eq3A_53 = arith.constant 0 : i32
      %eq3A_54 = arith.cmpi eq, %arg1, %eq3A_53 : i32
      %convert_element_type3A_55 = arith.extui %eq3A_54 : i1 to i32
      %cond3A_56 = arith.constant 0 : i32
      %cond3A_57 = arith.cmpi ne, %convert_element_type3A_55, %cond3A_56 : i32
      scf.if %cond3A_57 {
        %swap3A = arith.constant 0 : index
        %swap3A_62 = arith.constant 0 : index
        %swap3A_63 = vector.load %arg14[%swap3A, %swap3A_62] : memref<64x128xf32, #tpu.memory_space<vmem>>, vector<64x128xf32>
        tpu.vector_store %arg14[%swap3A, %swap3A_62], %dot_general3A_33 {strides = array<i32>} : memref<64x128xf32, #tpu.memory_space<vmem>>, vector<64x128xf32>,
        %swap3A_64 = arith.constant 0 : index
        %swap3A_65 = arith.constant 0 : index
        %swap3A_66 = vector.load %arg15[%swap3A_64, %swap3A_65] : memref<64x128xf32, #tpu.memory_space<vmem>>, vector<64x128xf32>
        tpu.vector_store %arg15[%swap3A_64, %swap3A_65], %broadcast_in_dim3A_36 {strides = array<i32>} : memref<64x128xf32, #tpu.memory_space<vmem>>, vector<64x128xf32>,
      } else {
      }
      %ne3A = arith.constant 0 : i32
      %ne3A_58 = arith.cmpi ne, %arg1, %ne3A : i32
      %convert_element_type3A_59 = arith.extui %ne3A_58 : i1 to i32
      %cond3A_60 = arith.constant 0 : i32
      %cond3A_61 = arith.cmpi ne, %convert_element_type3A_59, %cond3A_60 : i32
      scf.if %cond3A_61 {
        %get3A_62 = arith.constant 0 : index
        %get3A_63 = arith.constant 0 : index
        %get3A_64 = vector.load %arg14[%get3A_62, %get3A_63] : memref<64x128xf32, #tpu.memory_space<vmem>>, vector<64x128xf32>
        %add3A_65 = arith.addf %get3A_64, %dot_general3A_33 : vector<64x128xf32>
        %swap3A = arith.constant 0 : index
        %swap3A_66 = arith.constant 0 : index
        %swap3A_67 = vector.load %arg14[%swap3A, %swap3A_66] : memref<64x128xf32, #tpu.memory_space<vmem>>, vector<64x128xf32>
        tpu.vector_store %arg14[%swap3A, %swap3A_66], %add3A_65 {strides = array<i32>} : memref<64x128xf32, #tpu.memory_space<vmem>>, vector<64x128xf32>,
        %get3A_68 = arith.constant 0 : index
        %get3A_69 = arith.constant 0 : index
        %get3A_70 = vector.load %arg15[%get3A_68, %get3A_69] : memref<64x128xf32, #tpu.memory_space<vmem>>, vector<64x128xf32>
        %add3A_71 = arith.addf %get3A_70, %broadcast_in_dim3A_36 : vector<64x128xf32>
        %swap3A_72 = arith.constant 0 : index
        %swap3A_73 = arith.constant 0 : index
        %swap3A_74 = vector.load %arg15[%swap3A_72, %swap3A_73] : memref<64x128xf32, #tpu.memory_space<vmem>>, vector<64x128xf32>
        tpu.vector_store %arg15[%swap3A_72, %swap3A_73], %add3A_71 {strides = array<i32>} : memref<64x128xf32, #tpu.memory_space<vmem>>, vector<64x128xf32>,
      } else {
      }
    } else {
    }
    %eq3A_46 = arith.constant 1 : i32
    %eq3A_47 = arith.cmpi eq, %arg0, %eq3A_46 : i32
    %eq3A_48 = arith.constant 7 : i32
    %eq3A_49 = arith.cmpi eq, %arg1, %eq3A_48 : i32
    %and3A = arith.andi %eq3A_47, %eq3A_49 : i1
    %convert_element_type3A_50 = arith.extui %and3A : i1 to i32
    %cond3A_51 = arith.constant 0 : i32
    %cond3A_52 = arith.cmpi ne, %convert_element_type3A_50, %cond3A_51 : i32
    scf.if %cond3A_52 {
      %get3A_53 = arith.constant 0 : index
      %get3A_54 = arith.constant 0 : index
      %get3A_55 = vector.load %arg12[%get3A_53, %get3A_54] : memref<64x128xf32, #tpu.memory_space<vmem>>, vector<64x128xf32>
      %get3A_56 = arith.constant 0 : index
      %get3A_57 = arith.constant 0 : index
      %get3A_58 = vector.load %arg13[%get3A_56, %get3A_57] : memref<64x128xf32, #tpu.memory_space<vmem>>, vector<64x128xf32>
      %max3A_59 = arith.constant 1.000000e+00 : f32
      %max3A_60 = vector.broadcast %max3A_59 : f32 to vector<64x128xf32>
      %max3A_61 = arith.maximumf %get3A_58, %max3A_60 : vector<64x128xf32>
      %div3A = arith.divf %get3A_55, %max3A_61 : vector<64x128xf32>
      %get3A_62 = arith.constant 0 : index
      %get3A_63 = arith.constant 0 : index
      %get3A_64 = vector.load %arg14[%get3A_62, %get3A_63] : memref<64x128xf32, #tpu.memory_space<vmem>>, vector<64x128xf32>
      %get3A_65 = arith.constant 0 : index
      %get3A_66 = arith.constant 0 : index
      %get3A_67 = vector.load %arg15[%get3A_65, %get3A_66] : memref<64x128xf32, #tpu.memory_space<vmem>>, vector<64x128xf32>
      %max3A_68 = arith.constant 1.000000e+00 : f32
      %max3A_69 = vector.broadcast %max3A_68 : f32 to vector<64x128xf32>
      %max3A_70 = arith.maximumf %get3A_67, %max3A_69 : vector<64x128xf32>
      %div3A_71 = arith.divf %get3A_64, %max3A_70 : vector<64x128xf32>
      %sub3A = arith.subf %div3A, %div3A_71 : vector<64x128xf32>
      %get3A_72 = arith.constant 0 : index
      %get3A_73 = arith.constant 0 : index
      %get3A_74 = vector.load %arg7[%get3A_72, %get3A_73] : memref<128x128xf32, #tpu.memory_space<vmem>>, vector<128x128xf32>
      %dot_general3A_75 = arith.constant dense<0.000000e+00> : vector<64x128xf32>
      %dot_general3A_76 = tpu.matmul %sub3A, %get3A_74, %dot_general3A_75 {dimension_numbers = #tpu.dot_dimension_numbers<[1], [0], [0], [1], [0, 0, 1, 1], [], []>, transpose_lhs_hint = false} : vector<64x128xf32>, vector<128x128xf32>, vector<64x128xf32> -> vector<64x128xf32>
      %get3A_77 = arith.constant 0 : index
      %get3A_78 = arith.constant 0 : index
      %get3A_79 = vector.load %arg8[%get3A_77, %get3A_78] : memref<1x128xf32, #tpu.memory_space<vmem>>, vector<1x128xf32>
      %add3A_80 = vector.broadcast %get3A_79 : vector<1x128xf32> to vector<64x128xf32>
      %add3A_81 = arith.addf %dot_general3A_76, %add3A_80 : vector<64x128xf32>
      %max3A_82 = arith.constant 0.000000e+00 : f32
      %max3A_83 = vector.broadcast %max3A_82 : f32 to vector<64x128xf32>
      %max3A_84 = arith.maximumf %add3A_81, %max3A_83 : vector<64x128xf32>
      %get3A_85 = arith.constant 0 : index
      %get3A_86 = arith.constant 0 : index
      %get3A_87 = vector.load %arg9[%get3A_85, %get3A_86] : memref<128x64xf32, #tpu.memory_space<vmem>>, vector<128x64xf32>
      %dot_general3A_88 = arith.constant dense<0.000000e+00> : vector<64x64xf32>
      %dot_general3A_89 = tpu.matmul %max3A_84, %get3A_87, %dot_general3A_88 {dimension_numbers = #tpu.dot_dimension_numbers<[1], [0], [0], [1], [0, 0, 1, 1], [], []>, transpose_lhs_hint = false} : vector<64x128xf32>, vector<128x64xf32>, vector<64x64xf32> -> vector<64x64xf32>
      %get3A_90 = arith.constant 0 : index
      %get3A_91 = arith.constant 0 : index
      %get3A_92 = vector.load %arg10[%get3A_90, %get3A_91] : memref<1x64xf32, #tpu.memory_space<vmem>>, vector<1x64xf32>
      %add3A_93 = vector.broadcast %get3A_92 : vector<1x64xf32> to vector<64x64xf32>
      %add3A_94 = arith.addf %dot_general3A_89, %add3A_93 : vector<64x64xf32>
      %swap3A = arith.constant 0 : index
      %swap3A_95 = arith.constant 0 : index
      %swap3A_96 = vector.load %arg11[%swap3A, %swap3A_95] : memref<64x64xf32, #tpu.memory_space<vmem>>, vector<64x64xf32>
      tpu.vector_store %arg11[%swap3A, %swap3A_95], %add3A_94 {strides = array<i32>} : memref<64x64xf32, #tpu.memory_space<vmem>>, vector<64x64xf32>,
    } else {
    }
    return
  }
  func.func @transform_0(%arg0: i32, %arg1: i32) -> (i32, i32, i32) {
    %c0_i32 = arith.constant 0 : i32
    %c0_i32_0 = arith.constant 0 : i32
    return %arg0, %arg1, %c0_i32 : i32, i32, i32
  }
  func.func @transform_1(%arg0: i32, %arg1: i32) -> (i32, i32, i32) {
    %c0_i32 = arith.constant 0 : i32
    %c0_i32_0 = arith.constant 0 : i32
    return %arg0, %arg1, %c0_i32 : i32, i32, i32
  }
  func.func @transform_2(%arg0: i32, %arg1: i32) -> (i32, i32, i32) {
    %c0_i32 = arith.constant 0 : i32
    %c0_i32_0 = arith.constant 0 : i32
    return %arg0, %arg1, %c0_i32 : i32, i32, i32
  }
  func.func @transform_3(%arg0: i32, %arg1: i32) -> (i32, i32) {
    %c0_i32 = arith.constant 0 : i32
    %c0_i32_0 = arith.constant 0 : i32
    %c0_i32_1 = arith.constant 0 : i32
    return %c0_i32, %c0_i32_0 : i32, i32
  }
  func.func @transform_4(%arg0: i32, %arg1: i32) -> (i32, i32, i32) {
    %c0_i32 = arith.constant 0 : i32
    %c0_i32_0 = arith.constant 0 : i32
    return %arg0, %arg1, %c0_i32 : i32, i32, i32
  }
  func.func @transform_5(%arg0: i32, %arg1: i32) -> (i32, i32) {
    %c0_i32 = arith.constant 0 : i32
    %c0_i32_0 = arith.constant 0 : i32
    %c0_i32_1 = arith.constant 0 : i32
    return %c0_i32, %c0_i32_0 : i32, i32
  }
  func.func @transform_6(%arg0: i32, %arg1: i32) -> (i32, i32) {
    %c0_i32 = arith.constant 0 : i32
    %c0_i32_0 = arith.constant 0 : i32
    %c0_i32_1 = arith.constant 0 : i32
    return %c0_i32, %c0_i32_0 : i32, i32
  }
  func.func @transform_7(%arg0: i32, %arg1: i32) -> (i32, i32) {
    %c0_i32 = arith.constant 0 : i32
    %c0_i32_0 = arith.constant 0 : i32
    %c0_i32_1 = arith.constant 0 : i32
    return %c0_i32, %c0_i32_0 : i32, i32
  }
  func.func @transform_8(%arg0: i32, %arg1: i32) -> (i32, i32) {
    %c0_i32 = arith.constant 0 : i32
    %c0_i32_0 = arith.constant 0 : i32
    %c0_i32_1 = arith.constant 0 : i32
    return %c0_i32, %c0_i32_0 : i32, i32
  }
  func.func @transform_9(%arg0: i32, %arg1: i32) -> (i32, i32) {
    %c0_i32 = arith.constant 0 : i32
    %c0_i32_0 = arith.constant 0 : i32
    %c0_i32_1 = arith.constant 0 : i32
    return %c0_i32, %c0_i32_0 : i32, i32
  }
}

</mosaic_0001>

<sc_bundles>
// kernel: kernel.11.cloned.1.call-start
scs
__scs_entry_jumppad:
0x0: {  	(pc) =	sbr.rel $0x88, $3  }
0x1: {  	(tag) =	ssettag $0x0;
	lr =	simm.s32 $0x1  }
0x2: {  	[smem:$0x3F93] =	sst lr;
	_ =	strace $0xD0000000  }
0x3: {  	_ = 	snop  }
0x4: {  	_ = 	snop  }
0x5: {  	_ = 	snop  }
0x6: {  	_ = 	snop  }
0x7: {  	_ = 	snop  }
__scs_overlays_trampoline_lowered:
0x8: {  	[smem:$0x3FA2] =	sst s0  }
0x9: {  	[smem:$0x3FA3] =	sst s1  }
0xa: {  	[smem:$0x3FA4] =	sst s2  }
0xb: {  	[smem:$0x3FA5] =	sst s3  }
0xc: {  	[smem:$0x3FA6] =	sst s4  }
0xd: {  	[smem:$0x3FA7] =	sst s5  }
0xe: {  	[smem:$0x3FA8] =	sst s6  }
0xf: {  	[smem:$0x3FA9] =	sst s7  }
0x10: {  	[smem:$0x3FAA] =	sst s8  }
0x11: {  	[smem:$0x3FAB] =	sst s9;
	s0 =	simm.s32 @!p0 $0x0  }
0x12: {  	s1 =	sld [smem:$0x3F91];
	s0 =	simm.s32 @p0 $0x1  }
0x13: {  	[smem:$0x3FAC] =	sst s0;
	s0 =	simm.s32 @!p1 $0x0  }
0x14: {  	s2 =	sld [smem:$0x3F90];
	s0 =	simm.s32 @p1 $0x1  }
0x15: {  	[smem:$0x3FAD] =	sst s0;
	s0 =	simm.s32 @!p2 $0x0  }
0x16: {  	s3 =	sld [smem:$0x3FDB];
	s0 =	simm.s32 @p2 $0x1  }
0x17: {  	s4 =	simm.s32 $0x1BF5;
	[smem:$0x3FAF] =	sst s0  }
0x18: {  	s0 =	sld [smem:$0x3F92];
	_ =	swait.ge [sflag:s4], $0x0  }
0x19: {  	s7 =	sld [smem:$0x3F93]  }
0x1a: {  	s8 =	sadd.s32 $0xFFFFE003, lr  }
0x1b: {  	s9 =	sadd.s32 $0xFFFFFEF7, lr;
	s5 =	simm.s32 $0xFFFFFFFF;
	p2 =	slt.u32 s8, $0xFFFFF086  }
0x1c: {  	p1 =	slt.u32 s9, $0xF7A;
	s5 =	simm.s32 @!p2 $0x0  }
0x1d: {  	s5 =	simm.s32 @p1 $0x1;
	p0 =	seq.s32 s7, s2  }
0x1e: {  	s7 =	smul.u32 @!p0 $0xF7A, s2;
	p2 =	seq.s32 @!p0 s5, $0x0  }
0x1f: {  	s9 =	smul.u32 $0xF7A, s1;
	s8 =	simm.s32 @!p0 $0x1BF5;
	p2 =	por !p2, p0  }
0x20: {  	[sflag:s8] =	ssyncset.s32 @!p0 $0xFFFFF086;
	s6 =	sadd.s32 @!p0 s3, s7;
	s7 =	simm.s32 @!p0 $0x108  }
0x21: {  	s3 =	sadd.s32 s3, s9;
	s6 =	sadd.s32 @!p0 $0x88, s6;
	s7 =	simm.s32 @p2 $0x1082  }
0x22: {  	[simem:s7], [sflag:s8] =	dma.local @!p0 [hbm:s6], $0xF7A  }
0x23: {  	s9 =	sor.u32 $0xD0000000, s2;
	s6 =	simm.s32 $0x108;
	_ =	swait.ge @!p0 [sflag:s8], $0x0  }
0x24: {  	s3 =	sadd.s32 $0x88, s3;
	s6 =	simm.s32 @!p1 $0x1082;
	[sflag:s4] =	ssyncset.s32 $0xFFFFF086  }
0x25: {  	[simem:s6], [sflag:s4] =	dma.local [hbm:s3], $0xF7A  }
0x26: {  	[smem:$0x3F93] =	sst s1;
	(tag) =	ssettag s2;
	_ =	strace s9  }
0x27: {  	s1 =	sld [smem:$0x3FA3]  }
0x28: {  	s2 =	sld [smem:$0x3FA4]  }
0x29: {  	s4 =	sld [smem:$0x3FA6]  }
0x2a: {  	p0 =	seq.s32 s5, $0x0;
	s5 =	sld [smem:$0x3FA7]  }
0x2b: {  	s6 =	sld [smem:$0x3FA8]  }
0x2c: {  	s7 =	sld [smem:$0x3FA9]  }
0x2d: {  	s3 =	simm.s32 $0x108;
	s8 =	sld [smem:$0x3FAA]  }
0x2e: {  	s3 =	simm.s32 @!p0 $0x1082;
	s9 =	sld [smem:$0x3FAB]  }
0x2f: {  	lr =	sadd.s32 s0, s3;
	s0 =	sld [smem:$0x3FA2]  }
0x30: {  	s3 =	sld [smem:$0x3FA5]  }
0x31: {  	[smem:$0x3FAE] =	sst s10  }
0x32: {  	s10 =	sld [smem:$0x3FAC];
	_ =	sdelay $0x3  }
0x33: {  	p0 =	seq.s32 s10, $0x1;
	s10 =	sld [smem:$0x3FAE];
	_ =	sdelay $0x3  }
0x34: {  	[smem:$0x3FAE] =	sst s10  }
0x35: {  	s10 =	sld [smem:$0x3FAD];
	_ =	sdelay $0x3  }
0x36: {  	p1 =	seq.s32 s10, $0x1;
	s10 =	sld [smem:$0x3FAE];
	_ =	sdelay $0x3  }
0x37: {  	[smem:$0x3FAE] =	sst s10  }
0x38: {  	s10 =	sld [smem:$0x3FAF]  }
0x39: {  	_ = 	snop;
	(pc) =	sbr.ind lr, $3  }
0x3a: {  	_ = 	snop  }
0x3b: {  	_ = 	snop  }
0x3c: {  	p2 =	seq.s32 s10, $0x1;
	s10 =	sld [smem:$0x3FAE]  }
0x3d: {  	_ =	shalt  }
0x3e: {  	_ =	shalt  }
0x3f: {  	_ =	shalt  }
0x40: {  	_ =	shalt  }
0x41: {  	_ =	shalt  }
0x42: {  	_ =	shalt  }
0x43: {  	_ =	shalt  }
0x44: {  	_ =	shalt  }
0x45: {  	_ =	shalt  }
0x46: {  	_ =	shalt  }
0x47: {  	_ =	shalt  }
0x48: {  	_ =	shalt  }
0x49: {  	_ =	shalt  }
0x4a: {  	_ =	shalt  }
0x4b: {  	_ =	shalt  }
0x4c: {  	_ =	shalt  }
0x4d: {  	_ =	shalt  }
0x4e: {  	_ =	shalt  }
0x4f: {  	_ =	shalt  }
0x50: {  	_ =	shalt  }
0x51: {  	_ =	shalt  }
0x52: {  	_ =	shalt  }
0x53: {  	_ =	shalt  }
0x54: {  	_ =	shalt  }
0x55: {  	_ =	shalt  }
0x56: {  	_ =	shalt  }
0x57: {  	_ =	shalt  }
0x58: {  	_ =	shalt  }
0x59: {  	_ =	shalt  }
0x5a: {  	_ =	shalt  }
0x5b: {  	_ =	shalt  }
0x5c: {  	_ =	shalt  }
0x5d: {  	_ =	shalt  }
0x5e: {  	_ =	shalt  }
0x5f: {  	_ =	shalt  }
0x60: {  	_ =	shalt  }
0x61: {  	_ =	shalt  }
0x62: {  	_ =	shalt  }
0x63: {  	_ =	shalt  }
0x64: {  	_ =	shalt  }
0x65: {  	_ =	shalt  }
0x66: {  	_ =	shalt  }
0x67: {  	_ =	shalt  }
0x68: {  	_ =	shalt  }
0x69: {  	_ =	shalt  }
0x6a: {  	_ =	shalt  }
0x6b: {  	_ =	shalt  }
0x6c: {  	_ =	shalt  }
0x6d: {  	_ =	shalt  }
0x6e: {  	_ =	shalt  }
0x6f: {  	_ =	shalt  }
0x70: {  	_ =	shalt  }
0x71: {  	_ =	shalt  }
0x72: {  	_ =	shalt  }
0x73: {  	_ =	shalt  }
0x74: {  	_ =	shalt  }
0x75: {  	_ =	shalt  }
0x76: {  	_ =	shalt  }
0x77: {  	_ =	shalt  }
0x78: {  	_ =	shalt  }
0x79: {  	_ =	shalt  }
0x7a: {  	_ =	shalt  }
0x7b: {  	_ =	shalt  }
0x7c: {  	_ =	shalt  }
0x7d: {  	_ =	shalt  }
0x7e: {  	_ =	shalt  }
0x7f: {  	_ =	shalt  }
0x80: {  	_ =	shalt  }
0x81: {  	_ =	shalt  }
0x82: {  	_ =	shalt  }
0x83: {  	_ =	shalt  }
0x84: {  	_ =	shalt  }
0x85: {  	_ =	shalt  }
0x86: {  	_ =	shalt  }
0x87: {  	_ =	shalt  }
.Lfunc_end0:
.L_simem_size_0:
called_computation.1_lowered:
.L_overlay_start_0:
0x88: {  	s2 =	sld [smem:$0x3FD9]  }
0x89: {  	s3 =	sld [smem:$0x3FFE];
	_ =	sdelay $0x1  }
0x8a: {  	s1 =	srdreg.scid  }
0x8b: {  	s0 =	sand.u32 $0x1, s1  }
0x8c: {  	s16 =	sshll.u32 s0, $0xA;
	s2 =	sadd.s32 s3, s2  }
0x8d: {  	s2 =	sadd.s32 s2, s16  }
0x8e: {  	[smem:$0x3FBA] =	sst s2  }
0x8f: {  	_ = 	snop  }
0x90: {  	(tm) =	ssettm $0x1  }
0x91: {  	s17 =	sld [smem:$0x3FFB];
	_ =	sdelay $0x3  }
0x92: {  	_ =	strace s17  }
0x93: {  	s2 =	sld [smem:$0x3FFC];
	_ =	sdelay $0x3  }
0x94: {  	_ =	strace s2  }
0x95: {  	s2 =	sld [smem:$0x3FFD];
	_ =	sdelay $0x3  }
0x96: {  	_ =	strace s2  }
0x97: {  	_ =	strace $0x8FFFFFFF  }
0x98: {  	s18 =	sld [smem:$0x3FDB];
	_ =	sdelay $0x1  }
0x99: {  	s19 =	simm.s32 $_scs_section_size  }
0x9a: {  	s4 =	simm.s32 $_size__tile_overlayer_lowered;
	s5 =	simm.s32 $_tile_overlayer_lowered  }
0x9b: {  	s22 =	simm.s32 $0x1BFF;
	s21 =	sshll.u32 s5, $0x1;
	s2 =	sadd.s32 s19, s18  }
0x9c: {  	s6 =	simm.s32 $0x0;
	s20 =	sshll.u32 s4, $0x1;
	s4 =	sadd.s32 s21, s2  }
0x9d: {  	[timem:s6], [sflag:s22] =	dma.local [hbm:s4], s20  }
0x9e: {  	_ =	swait.ge [sflag:s22], s20  }
0x9f: {  	s3 =	ssub.s32 $0x0, s20;
	[sflag:s22] =	ssyncset.done $0x0  }
0xa0: {  	[sflag:s22] =	ssyncadd.s32 s3;
	_ =	sdelay $0x1  }
0xa1: {  	s23 =	simm.s32 $0x1B8B  }
0xa2: {  	_ =	swait.ge [sflag:s23], $0x1  }
0xa3: {  	[sflag:s23] =	ssyncset.done $0x0  }
0xa4: {  	s25 =	simm.s32 $0x1B8E;
	s24 =	sld [smem:$0x3FFE];
	[sflag:s23] =	ssyncadd.s32 $0xFFFFFFFF  }
0xa5: {  	s26 =	simm.s32 $execute0_lowered;
	[smem:$0x3FD2] =	sst s25  }
0xa6: {  	s4 =	sshll.u32 s26, $0x1;
	_ =	strace $0x80000049;
	[dreg:$0x1] =	wrdreg $0xFFFFFFFF  }
0xa7: {  	s28 =	simm.s32 $_size_execute0_lowered;
	s2 =	sadd.s32 s2, s4;
	[dreg:$0x0] =	wrdreg $0x0  }
0xa8: {  	s4 =	sshll.u32 s28, $0x1;
	[dreg:$0x2] =	wrdreg s2  }
0xa9: {  	[dreg:$0x3] =	wrdreg s4  }
0xaa: {  	[dreg:$0x4] =	wrdreg $0xC0  }
0xab: {  	_ =	task [dreg:s6], $0x5FFFF  }
0xac: {  	[dreg:$0x1] =	wrdreg $0xFFFFFFFF  }
0xad: {  	[dreg:$0x0] =	wrdreg $0x60  }
0xae: {  	[dreg:$0x2] =	wrdreg s24  }
0xaf: {  	[dreg:$0x3] =	wrdreg $0x0  }
0xb0: {  	[dreg:$0x4] =	wrdreg $0x9  }
0xb1: {  	_ =	task.clear_ibuf [dreg:s6], $0x5FFFF;
	_ =	strace $0x90000049  }
0xb2: {  	s29 =	simm.s32 $0x9;
	_ =	strace $0x8000004B  }
0xb3: {  	_ =	swait.ge [sflag:s29], $0x1  }
0xb4: {  	[sflag:s29] =	ssyncadd.s32 $0xFFFFFFFF  }
0xb5: {  	_ =	strace $0x9000004B  }
0xb6: {  	_ =	sfence  }
0xb7: {  	s30 =	sld [smem:$0x0];
	_ =	sdelay $0x2  }
0xb8: {  	s31 =	sshll.u32 s1, $0xD;
	s1 =	sshrl.u32 s1, $0x2  }
0xb9: {  	s3 =	sand.u32 $0x4000, s31;
	s1 =	sadd.s32 s1, s30  }
0xba: {  	s0 =	sor.u32 s3, s0;
	s1 =	sshll.u32 s1, $0x11  }
0xbb: {  	s0 =	sor.u32 s1, s0  }
0xbc: {  	s0 =	sadd.s32 $0x8F2B, s0  }
0xbd: {  	[sflag:s0] =	ssyncadd.remote.s32 $0x1  }
0xbe: {  	_ =	sfence.sel $0xFFFF  }
0xbf: {  	[dreg:$0x0] =	wrdreg $0xFFFFFFFF;
	(pc) =	sbr.abs _section_cstart, $3  }
0xc0: {  	[dreg:$0x1] =	wrdreg $0xFFFFFFFF  }
0xc1: {  	_ =	task.clear_ibuf [dreg:s6], $0x2FFFF;
	_ =	strace $0x9FFFFFFF  }
0xc2: {  	(tm) =	ssettm $0x7FFFFFFF  }
0xc3: {  	_ =	shalt  }
tec
execute0_lowered:
.L_overlay_start_1:
0x0: {  	(tag) =	ssettag $0x1  }
0x1: {  	s0 =	srdreg.scid;
	s8 =	stileid.u32  }
0x2: {  	s0 =	sand.u32 $0x1, s0;
	s3 =	smul.u32 $0xC000, s8  }
0x3: {  	s1 =	smul.u32 $0xC0000, s0  }
0x4: {  	s5 =	rddreg [dreg:$0x0]  }
0x5: {  	s2 =	rddreg [dreg:$0x1];
	s1 =	sadd.s32 s3, s1;
	s3 =	simm.s32 $0x0  }
0x6: {  	s25 =	simm.s32 $0x13C80;
	[smem:$0x7FF] =	sst s3  }
0x7: {  	s26 =	simm.s32 $0x13D00;
	_ =	strace $0x8000004A;
	[dreg:$0x5] =	wrdreg s25  }
0x8: {  	s6 =	simm.s32 $0x13E00;
	[dreg:$0x6] =	wrdreg s26  }
0x9: {  	s7 =	simm.s32 $0x13E80;
	[dreg:$0x8] =	wrdreg s6  }
0xa: {  	s9 =	simm.s32 $0x14880;
	[dreg:$0x9] =	wrdreg s7  }
0xb: {  	s10 =	simm.s32 $0x13F00;
	[dreg:$0xa] =	wrdreg s9  }
0xc: {  	s11 =	simm.s32 $0x14900;
	[dreg:$0xb] =	wrdreg s10  }
0xd: {  	s12 =	simm.s32 $0x13F80;
	[dreg:$0xc] =	wrdreg s11  }
0xe: {  	s14 =	simm.s32 $0x14980;
	s16 =	simm.s32 $0x14000;
	[dreg:$0xd] =	wrdreg s12  }
0xf: {  	s17 =	simm.s32 $0x14A00;
	s19 =	simm.s32 $0x14080;
	[dreg:$0xe] =	wrdreg s14  }
0x10: {  	s20 =	simm.s32 $0x14A80;
	s22 =	simm.s32 $0x14100;
	[dreg:$0xf] =	wrdreg s16  }
0x11: {  	s23 =	simm.s32 $0x14B00;
	s28 =	simm.s32 $0x5;
	[dreg:$0x10] =	wrdreg s17  }
0x12: {  	s29 =	simm.s32 $0xA;
	s30 =	simm.s32 $0x15000;
	[dreg:$0x11] =	wrdreg s19  }
0x13: {  	s15 =	smul.u32 $0x4F000, s8;
	s21 =	sshll.u32 s8, $0x6;
	[dreg:$0x12] =	wrdreg s20  }
0x14: {  	s31 =	simm.s32 $0x15080;
	s24 =	sor.u32 $0x1C0B, s21;
	[dreg:$0x13] =	wrdreg s22  }
0x15: {  	s18 =	sshrl.u32 s15, $0x2;
	s15 =	simm.s32 $0x14380;
	[dreg:$0x14] =	wrdreg s23  }
0x16: {  	s21 =	simm.s32 $0x14500;
	s1 =	sshrl.u32 s1, $0x3;
	[dreg:$0x1d] =	wrdreg s15  }
0x17: {  	s1 =	sadd.s32 s1, s5;
	s6 =	smul.u32 $0x27800, s0;
	[smem:$0x7F7] =	sst s21  }
0x18: {  	s7 =	sadd.s32 $0x63A00, s5;
	s0 =	ssub.s32 $0x2, s0;
	[smem:$0x7FC] =	sst s24  }
0x19: {  	s25 =	simm.s32 $0x14180;
	s26 =	smul.u32 $0x2780, s8;
	[smem:$0x7F2] =	sst s7  }
0x1a: {  	s8 =	simm.s32 $0x14B80;
	s9 =	simm.s32 $0x14200;
	[dreg:$0x15] =	wrdreg s25  }
0x1b: {  	s10 =	simm.s32 $0x14C00;
	s11 =	simm.s32 $0x14280;
	[dreg:$0x16] =	wrdreg s8  }
0x1c: {  	s12 =	simm.s32 $0x14C80;
	s14 =	simm.s32 $0x14D00;
	[dreg:$0x17] =	wrdreg s9  }
0x1d: {  	s16 =	simm.s32 $0x14D80;
	s15 =	simm.s32 $0x19400;
	[dreg:$0x18] =	wrdreg s10  }
0x1e: {  	s17 =	simm.s32 $0x14400;
	s19 =	simm.s32 $0x14480;
	[dreg:$0x19] =	wrdreg s11  }
0x1f: {  	s20 =	simm.s32 $0x14E80;
	s22 =	simm.s32 $0x14F00;
	[dreg:$0x1a] =	wrdreg s12  }
0x20: {  	s21 =	simm.s32 $0x7;
	s23 =	simm.s32 $0x14580;
	[dreg:$0x1c] =	wrdreg s14  }
0x21: {  	s4 =	sadd.s32 $0x3A00, s1;
	s1 =	sadd.s32 $0x33A00, s1;
	[dreg:$0x1e] =	wrdreg s16  }
0x22: {  	s13 =	sshrl.u32 s0, $0x1;
	s9 =	simm.s32 $0xB;
	[dreg:$0x1f] =	wrdreg s17  }
0x23: {  	s10 =	simm.s32 $0x13C00;
	s11 =	simm.s32 $0x14800;
	[smem:$0x7F5] =	sst s19  }
0x24: {  	s12 =	simm.s32 $0x40;
	s14 =	simm.s32 $0x17400;
	[smem:$0x7F6] =	sst s20  }
0x25: {  	s16 =	simm.s32 $0x1B400;
	s17 =	simm.s32 $0x1D400;
	[smem:$0x7F8] =	sst s22  }
0x26: {  	s19 =	simm.s32 $0x6;
	s20 =	simm.s32 $0x2;
	[smem:$0x7F9] =	sst s23  }
0x27: {  	s22 =	simm.s32 $0x3;
	s25 =	simm.s32 $0x14F80;
	[dreg:$0x3] =	wrdreg s4  }
0x28: {  	s23 =	simm.s32 $0x8;
	s7 =	simm.s32 $0x0;
	[dreg:$0x4] =	wrdreg s1  }
0x29: {  	s4 =	simm.s32 $0x13D80;
	s0 =	ssub.s32 s0, s13;
	s13 =	simm.s32 $0x14300  }
0x2a: {  	[smem:$0x7FA] =	sst s25;
	s25 =	simm.s32 $0x4;
	s1 =	simm.s32 $0x15100  }
0x2b: {  	[dreg:$0x7] =	wrdreg s4;
	s4 =	sadd.s32 $0xB5200, s5;
	s5 =	sadd.s32 s6, s5  }
0x2c: {  	s6 =	sadd.s32 s18, s2;
	s0 =	smax.u32 s0, $0x1;
	[dreg:$0x1b] =	wrdreg s13  }
0x2d: {  	s13 =	simm.s32 $0x15400;
	s18 =	simm.s32 $0x14E00;
	[smem:$0x7F3] =	sst s0  }
0x2e: {  	s5 =	sadd.s32 $0x104200, s5;
	s6 =	sshrl.u32 s6, $0x3;
	[smem:$0x7F4] =	sst s18  }
0x2f: {  	s18 =	simm.s32 $0x1;
	s26 =	sadd.s32 s26, s5;
	[smem:$0x7FD] =	sst s6  }
0x30: {  	s0 =	simm.s32 $0x15180;
	[smem:$0x7FB] =	sst s26;
	s26 =	simm.s32 $0x9  }
.LBB2_1:
0x31: {  	s5 =	sld [smem:$0x7F2];
	_ =	sdelay $0x1  }
0x32: {  	[smem:$0x7F1] =	sst s7  }
0x33: {  	[spmem:s6], [sflag:s24] =	dma.local [hbm:s5], $0x2780  }
0x34: {  	_ =	swait.ge [sflag:s9], $0x2780  }
0x35: {  	[sflag:s9] =	ssyncset.done $0x0  }
0x36: {  	[sflag:s9] =	ssyncadd.s32 $0xFFFFD880  }
0x37: {  	[bflag:$0x0] =	sbarrier.arrive $0xFFFF  }
0x38: {  	s24 =	rddreg [dreg:$0x4]  }
0x39: {  	s6 =	sadd.s32 $0x0, s24  }
0x3a: {  	[tilespmem:s10], [sflag:$0xB] =	stream.linear.gather [hbm4b:s6+s3], $0xA00, $0x38;
	[tilespmem:$0x1F400] =	vst v63  }
0x3b: {  	_ =	swait.ge [sflag:s9], $0xA00  }
0x3c: {  	s5 =	rddreg [dreg:$0x3];
	[sflag:s9] =	ssyncset.done $0x0  }
0x3d: {  	[sflag:s9] =	ssyncadd.s32 $0xFFFFF600;
	s6 =	sadd.s32 $0x0, s5  }
0x3e: {  	[tilespmem:s11], [sflag:$0xB] =	stream.linear.gather [hbm4b:s6+s3], $0xA00, $0x38;
	[tilespmem:$0x1F400] =	vst v63  }
0x3f: {  	_ =	swait.ge [sflag:s9], $0xA00  }
0x40: {  	[sflag:s9] =	ssyncset.done $0x0  }
0x41: {  	[sflag:s9] =	ssyncadd.s32 $0xFFFFF600  }
0x42: {  	[tilespmem:s13], [sflag:$0x1] =	stream.indirect.gather [hbm4b:s4+s12], $0x80, s10, s12, $0xb8;
	[tilespmem:$0x1F400] =	vst v63  }
0x43: {  	s7 =	rddreg [dreg:$0x5]  }
0x44: {  	[tilespmem:s14], [sflag:$0x2] =	stream.indirect.gather [hbm4b:s4+s12], $0x80, s7, s12, $0xb8;
	[tilespmem:$0x1F400] =	vst v63  }
0x45: {  	p0 =	por $0x1, $0x1;
	s8 =	rddreg [dreg:$0x6]  }
0x46: {  	[tilespmem:s15], [sflag:$0x3] =	stream.indirect.gather [hbm4b:s4+s12], $0x80, s8, s12, $0xb8;
	[tilespmem:$0x1F400] =	vst v63  }
0x47: {  	s6 =	simm.s32 @!p0 $0xA;
	s24 =	rddreg [dreg:$0x7]  }
0x48: {  	[tilespmem:s16], [sflag:$0x4] =	stream.indirect.gather [hbm4b:s4+s12], $0x80, s24, s12, $0xb8;
	[tilespmem:$0x1F400] =	vst v63  }
0x49: {  	_ =	swait.ge @!p0 [sflag:s6], $0x2000  }
0x4a: {  	[sflag:s6] =	ssyncset.done @!p0 $0x0  }
0x4b: {  	s5 =	rddreg [dreg:$0x8];
	[sflag:s6] =	ssyncadd.s32 @!p0 $0xFFFFE000  }
0x4c: {  	[tilespmem:s17], [sflag:$0x5] =	stream.indirect.gather [hbm4b:s4+s12], $0x80, s5, s12, $0xb8;
	[tilespmem:$0x1F400] =	vst v63  }
0x4d: {  	_ =	swait.ge [sflag:s18], $0x2000  }
0x4e: {  	[sflag:s18] =	ssyncset.done $0x0  }
0x4f: {  	[sflag:s18] =	ssyncadd.s32 $0xFFFFE000  }
0x50: {  	[spmem:s2] =	stream.indirect.scatter.add.f32 [tilespmem:s13], [sflag:$0x6], $0x80, s11, s12, $0xb8;
	[tilespmem:$0x1F400] =	vst v63  }
0x51: {  	_ =	swait.ge [sflag:s19], $0x2000  }
0x52: {  	[sflag:s19] =	ssyncset.done $0x0  }
0x53: {  	s8 =	rddreg [dreg:$0x9];
	[sflag:s19] =	ssyncadd.s32 $0xFFFFE000  }
0x54: {  	[tilespmem:s13], [sflag:$0x1] =	stream.indirect.gather [hbm4b:s4+s12], $0x80, s8, s12, $0xb8;
	[tilespmem:$0x1F400] =	vst v63  }
0x55: {  	_ =	swait.ge [sflag:s20], $0x2000  }
0x56: {  	[sflag:s20] =	ssyncset.done $0x0  }
0x57: {  	s24 =	rddreg [dreg:$0xa];
	[sflag:s20] =	ssyncadd.s32 $0xFFFFE000  }
0x58: {  	[spmem:s2] =	stream.indirect.scatter.add.f32 [tilespmem:s14], [sflag:$0x7], $0x80, s24, s12, $0xb8;
	[tilespmem:$0x1F400] =	vst v63  }
0x59: {  	_ =	swait.ge [sflag:s21], $0x2000  }
0x5a: {  	[sflag:s21] =	ssyncset.done $0x0  }
0x5b: {  	s5 =	rddreg [dreg:$0xb];
	[sflag:s21] =	ssyncadd.s32 $0xFFFFE000  }
0x5c: {  	[tilespmem:s14], [sflag:$0x2] =	stream.indirect.gather [hbm4b:s4+s12], $0x80, s5, s12, $0xb8;
	[tilespmem:$0x1F400] =	vst v63  }
0x5d: {  	_ =	swait.ge [sflag:s22], $0x2000  }
0x5e: {  	[sflag:s22] =	ssyncset.done $0x0  }
0x5f: {  	s7 =	rddreg [dreg:$0xc];
	[sflag:s22] =	ssyncadd.s32 $0xFFFFE000  }
0x60: {  	[spmem:s2] =	stream.indirect.scatter.add.f32 [tilespmem:s15], [sflag:$0x8], $0x80, s7, s12, $0xb8;
	[tilespmem:$0x1F400] =	vst v63  }
0x61: {  	_ =	swait.ge [sflag:s23], $0x2000  }
0x62: {  	[sflag:s23] =	ssyncset.done $0x0  }
0x63: {  	s8 =	rddreg [dreg:$0xd];
	[sflag:s23] =	ssyncadd.s32 $0xFFFFE000  }
0x64: {  	[tilespmem:s15], [sflag:$0x3] =	stream.indirect.gather [hbm4b:s4+s12], $0x80, s8, s12, $0xb8;
	[tilespmem:$0x1F400] =	vst v63  }
0x65: {  	_ =	swait.ge [sflag:s25], $0x2000  }
0x66: {  	[sflag:s25] =	ssyncset.done $0x0  }
0x67: {  	s24 =	rddreg [dreg:$0xe];
	[sflag:s25] =	ssyncadd.s32 $0xFFFFE000  }
0x68: {  	[spmem:s2] =	stream.indirect.scatter.add.f32 [tilespmem:s16], [sflag:$0x9], $0x80, s24, s12, $0xb8;
	[tilespmem:$0x1F400] =	vst v63  }
0x69: {  	_ =	swait.ge [sflag:s26], $0x2000  }
0x6a: {  	[sflag:s26] =	ssyncset.done $0x0  }
0x6b: {  	s5 =	rddreg [dreg:$0xf];
	[sflag:s26] =	ssyncadd.s32 $0xFFFFE000  }
0x6c: {  	[tilespmem:s16], [sflag:$0x4] =	stream.indirect.gather [hbm4b:s4+s12], $0x80, s5, s12, $0xb8;
	[tilespmem:$0x1F400] =	vst v63  }
0x6d: {  	_ =	swait.ge [sflag:s28], $0x2000  }
0x6e: {  	[sflag:s28] =	ssyncset.done $0x0  }
0x6f: {  	s7 =	rddreg [dreg:$0x10];
	[sflag:s28] =	ssyncadd.s32 $0xFFFFE000  }
0x70: {  	[spmem:s2] =	stream.indirect.scatter.add.f32 [tilespmem:s17], [sflag:$0xA], $0x80, s7, s12, $0xb8;
	[tilespmem:$0x1F400] =	vst v63  }
0x71: {  	_ =	swait.ge [sflag:s29], $0x2000  }
0x72: {  	[sflag:s29] =	ssyncset.done $0x0  }
0x73: {  	s8 =	rddreg [dreg:$0x11];
	[sflag:s29] =	ssyncadd.s32 $0xFFFFE000  }
0x74: {  	[tilespmem:s17], [sflag:$0x5] =	stream.indirect.gather [hbm4b:s4+s12], $0x80, s8, s12, $0xb8;
	[tilespmem:$0x1F400] =	vst v63  }
0x75: {  	_ =	swait.ge [sflag:s18], $0x2000  }
0x76: {  	[sflag:s18] =	ssyncset.done $0x0  }
0x77: {  	s24 =	rddreg [dreg:$0x12];
	[sflag:s18] =	ssyncadd.s32 $0xFFFFE000  }
0x78: {  	[spmem:s2] =	stream.indirect.scatter.add.f32 [tilespmem:s13], [sflag:$0x6], $0x80, s24, s12, $0xb8;
	[tilespmem:$0x1F400] =	vst v63  }
0x79: {  	_ =	swait.ge [sflag:s19], $0x2000  }
0x7a: {  	[sflag:s19] =	ssyncset.done $0x0  }
0x7b: {  	s5 =	rddreg [dreg:$0x13];
	[sflag:s19] =	ssyncadd.s32 $0xFFFFE000  }
0x7c: {  	[tilespmem:s13], [sflag:$0x1] =	stream.indirect.gather [hbm4b:s4+s12], $0x80, s5, s12, $0xb8;
	[tilespmem:$0x1F400] =	vst v63  }
0x7d: {  	_ =	swait.ge [sflag:s20], $0x2000  }
0x7e: {  	[sflag:s20] =	ssyncset.done $0x0  }
0x7f: {  	s7 =	rddreg [dreg:$0x14];
	[sflag:s20] =	ssyncadd.s32 $0xFFFFE000  }
0x80: {  	[spmem:s2] =	stream.indirect.scatter.add.f32 [tilespmem:s14], [sflag:$0x7], $0x80, s7, s12, $0xb8;
	[tilespmem:$0x1F400] =	vst v63  }
0x81: {  	_ =	swait.ge [sflag:s21], $0x2000  }
0x82: {  	[sflag:s21] =	ssyncset.done $0x0  }
0x83: {  	s8 =	rddreg [dreg:$0x15];
	[sflag:s21] =	ssyncadd.s32 $0xFFFFE000  }
0x84: {  	[tilespmem:s14], [sflag:$0x2] =	stream.indirect.gather [hbm4b:s4+s12], $0x80, s8, s12, $0xb8;
	[tilespmem:$0x1F400] =	vst v63  }
0x85: {  	_ =	swait.ge [sflag:s22], $0x2000  }
0x86: {  	[sflag:s22] =	ssyncset.done $0x0  }
0x87: {  	s24 =	rddreg [dreg:$0x16];
	[sflag:s22] =	ssyncadd.s32 $0xFFFFE000  }
0x88: {  	[spmem:s2] =	stream.indirect.scatter.add.f32 [tilespmem:s15], [sflag:$0x8], $0x80, s24, s12, $0xb8;
	[tilespmem:$0x1F400] =	vst v63  }
0x89: {  	_ =	swait.ge [sflag:s23], $0x2000  }
0x8a: {  	[sflag:s23] =	ssyncset.done $0x0  }
0x8b: {  	s5 =	rddreg [dreg:$0x17];
	[sflag:s23] =	ssyncadd.s32 $0xFFFFE000  }
0x8c: {  	[tilespmem:s15], [sflag:$0x3] =	stream.indirect.gather [hbm4b:s4+s12], $0x80, s5, s12, $0xb8;
	[tilespmem:$0x1F400] =	vst v63  }
0x8d: {  	_ =	swait.ge [sflag:s25], $0x2000  }
0x8e: {  	[sflag:s25] =	ssyncset.done $0x0  }
0x8f: {  	s7 =	rddreg [dreg:$0x18];
	[sflag:s25] =	ssyncadd.s32 $0xFFFFE000  }
0x90: {  	[spmem:s2] =	stream.indirect.scatter.add.f32 [tilespmem:s16], [sflag:$0x9], $0x80, s7, s12, $0xb8;
	[tilespmem:$0x1F400] =	vst v63  }
0x91: {  	_ =	swait.ge [sflag:s26], $0x2000  }
0x92: {  	[sflag:s26] =	ssyncset.done $0x0  }
0x93: {  	s8 =	rddreg [dreg:$0x19];
	[sflag:s26] =	ssyncadd.s32 $0xFFFFE000  }
0x94: {  	[tilespmem:s16], [sflag:$0x4] =	stream.indirect.gather [hbm4b:s4+s12], $0x80, s8, s12, $0xb8;
	[tilespmem:$0x1F400] =	vst v63  }
0x95: {  	_ =	swait.ge [sflag:s28], $0x2000  }
0x96: {  	[sflag:s28] =	ssyncset.done $0x0  }
0x97: {  	s24 =	rddreg [dreg:$0x1a];
	[sflag:s28] =	ssyncadd.s32 $0xFFFFE000  }
0x98: {  	[spmem:s2] =	stream.indirect.scatter.add.f32 [tilespmem:s17], [sflag:$0xA], $0x80, s24, s12, $0xb8;
	[tilespmem:$0x1F400] =	vst v63  }
0x99: {  	_ =	swait.ge [sflag:s29], $0x2000  }
0x9a: {  	[sflag:s29] =	ssyncset.done $0x0  }
0x9b: {  	s5 =	rddreg [dreg:$0x1b];
	[sflag:s29] =	ssyncadd.s32 $0xFFFFE000  }
0x9c: {  	[tilespmem:s17], [sflag:$0x5] =	stream.indirect.gather [hbm4b:s4+s12], $0x80, s5, s12, $0xb8;
	[tilespmem:$0x1F400] =	vst v63  }
0x9d: {  	_ =	swait.ge [sflag:s18], $0x2000  }
0x9e: {  	[sflag:s18] =	ssyncset.done $0x0  }
0x9f: {  	s7 =	rddreg [dreg:$0x1c];
	[sflag:s18] =	ssyncadd.s32 $0xFFFFE000  }
0xa0: {  	[spmem:s2] =	stream.indirect.scatter.add.f32 [tilespmem:s13], [sflag:$0x6], $0x80, s7, s12, $0xb8;
	[tilespmem:$0x1F400] =	vst v63  }
0xa1: {  	_ =	swait.ge [sflag:s19], $0x2000  }
0xa2: {  	[sflag:s19] =	ssyncset.done $0x0  }
0xa3: {  	s8 =	rddreg [dreg:$0x1d];
	[sflag:s19] =	ssyncadd.s32 $0xFFFFE000  }
0xa4: {  	[tilespmem:s13], [sflag:$0x1] =	stream.indirect.gather [hbm4b:s4+s12], $0x80, s8, s12, $0xb8;
	[tilespmem:$0x1F400] =	vst v63  }
0xa5: {  	_ =	swait.ge [sflag:s20], $0x2000  }
0xa6: {  	[sflag:s20] =	ssyncset.done $0x0  }
0xa7: {  	s24 =	rddreg [dreg:$0x1e];
	[sflag:s20] =	ssyncadd.s32 $0xFFFFE000  }
0xa8: {  	[spmem:s2] =	stream.indirect.scatter.add.f32 [tilespmem:s14], [sflag:$0x7], $0x80, s24, s12, $0xb8;
	[tilespmem:$0x1F400] =	vst v63  }
0xa9: {  	_ =	swait.ge [sflag:s21], $0x2000  }
0xaa: {  	[sflag:s21] =	ssyncset.done $0x0  }
0xab: {  	s5 =	rddreg [dreg:$0x1f];
	[sflag:s21] =	ssyncadd.s32 $0xFFFFE000  }
0xac: {  	[tilespmem:s14], [sflag:$0x2] =	stream.indirect.gather [hbm4b:s4+s12], $0x80, s5, s12, $0xb8;
	[tilespmem:$0x1F400] =	vst v63  }
0xad: {  	_ =	swait.ge [sflag:s22], $0x2000  }
0xae: {  	s7 =	sld [smem:$0x7F4]  }
0xaf: {  	[sflag:s22] =	ssyncset.done $0x0  }
0xb0: {  	[sflag:s22] =	ssyncadd.s32 $0xFFFFE000  }
0xb1: {  	[spmem:s2] =	stream.indirect.scatter.add.f32 [tilespmem:s15], [sflag:$0x8], $0x80, s7, s12, $0xb8;
	[tilespmem:$0x1F400] =	vst v63  }
0xb2: {  	_ =	swait.ge [sflag:s23], $0x2000  }
0xb3: {  	s8 =	sld [smem:$0x7F5]  }
0xb4: {  	[sflag:s23] =	ssyncset.done $0x0  }
0xb5: {  	[sflag:s23] =	ssyncadd.s32 $0xFFFFE000  }
0xb6: {  	[tilespmem:s15], [sflag:$0x3] =	stream.indirect.gather [hbm4b:s4+s12], $0x80, s8, s12, $0xb8;
	[tilespmem:$0x1F400] =	vst v63  }
0xb7: {  	_ =	swait.ge [sflag:s25], $0x2000  }
0xb8: {  	s24 =	sld [smem:$0x7F6]  }
0xb9: {  	[sflag:s25] =	ssyncset.done $0x0  }
0xba: {  	[sflag:s25] =	ssyncadd.s32 $0xFFFFE000  }
0xbb: {  	[spmem:s2] =	stream.indirect.scatter.add.f32 [tilespmem:s16], [sflag:$0x9], $0x80, s24, s12, $0xb8;
	[tilespmem:$0x1F400] =	vst v63  }
0xbc: {  	_ =	swait.ge [sflag:s26], $0x2000  }
0xbd: {  	s5 =	sld [smem:$0x7F7]  }
0xbe: {  	[sflag:s26] =	ssyncset.done $0x0  }
0xbf: {  	[sflag:s26] =	ssyncadd.s32 $0xFFFFE000  }
0xc0: {  	[tilespmem:s16], [sflag:$0x4] =	stream.indirect.gather [hbm4b:s4+s12], $0x80, s5, s12, $0xb8;
	[tilespmem:$0x1F400] =	vst v63  }
0xc1: {  	_ =	swait.ge [sflag:s28], $0x2000  }
0xc2: {  	s7 =	sld [smem:$0x7F8]  }
0xc3: {  	[sflag:s28] =	ssyncset.done $0x0  }
0xc4: {  	[sflag:s28] =	ssyncadd.s32 $0xFFFFE000  }
0xc5: {  	[spmem:s2] =	stream.indirect.scatter.add.f32 [tilespmem:s17], [sflag:$0xA], $0x80, s7, s12, $0xb8;
	[tilespmem:$0x1F400] =	vst v63  }
0xc6: {  	_ =	swait.ge [sflag:s29], $0x2000  }
0xc7: {  	s8 =	sld [smem:$0x7F9]  }
0xc8: {  	[sflag:s29] =	ssyncset.done $0x0  }
0xc9: {  	[sflag:s29] =	ssyncadd.s32 $0xFFFFE000  }
0xca: {  	[tilespmem:s17], [sflag:$0x5] =	stream.indirect.gather [hbm4b:s4+s12], $0x80, s8, s12, $0xb8;
	[tilespmem:$0x1F400] =	vst v63  }
0xcb: {  	_ =	swait.ge [sflag:s18], $0x2000  }
0xcc: {  	s24 =	sld [smem:$0x7FA]  }
0xcd: {  	[sflag:s18] =	ssyncset.done $0x0  }
0xce: {  	[sflag:s18] =	ssyncadd.s32 $0xFFFFE000  }
0xcf: {  	[spmem:s2] =	stream.indirect.scatter.add.f32 [tilespmem:s13], [sflag:$0x6], $0x80, s24, s12, $0xb8;
	[tilespmem:$0x1F400] =	vst v63  }
0xd0: {  	_ =	swait.ge [sflag:s19], $0x2000  }
0xd1: {  	[sflag:s19] =	ssyncset.done $0x0  }
0xd2: {  	[sflag:s19] =	ssyncadd.s32 $0xFFFFE000  }
0xd3: {  	_ =	swait.ge [sflag:s20], $0x2000  }
0xd4: {  	[sflag:s20] =	ssyncset.done $0x0  }
0xd5: {  	[sflag:s20] =	ssyncadd.s32 $0xFFFFE000  }
0xd6: {  	[spmem:s2] =	stream.indirect.scatter.add.f32 [tilespmem:s14], [sflag:$0x7], $0x80, s30, s12, $0xb8;
	[tilespmem:$0x1F400] =	vst v63  }
0xd7: {  	_ =	swait.ge [sflag:s21], $0x2000  }
0xd8: {  	[sflag:s21] =	ssyncset.done $0x0  }
0xd9: {  	[sflag:s21] =	ssyncadd.s32 $0xFFFFE000  }
0xda: {  	_ =	swait.ge [sflag:s22], $0x2000  }
0xdb: {  	[sflag:s22] =	ssyncset.done $0x0  }
0xdc: {  	[sflag:s22] =	ssyncadd.s32 $0xFFFFE000  }
0xdd: {  	[spmem:s2] =	stream.indirect.scatter.add.f32 [tilespmem:s15], [sflag:$0x8], $0x80, s31, s12, $0xb8;
	[tilespmem:$0x1F400] =	vst v63  }
0xde: {  	_ =	swait.ge [sflag:s23], $0x2000  }
0xdf: {  	[sflag:s23] =	ssyncset.done $0x0  }
0xe0: {  	[sflag:s23] =	ssyncadd.s32 $0xFFFFE000  }
0xe1: {  	_ =	swait.ge [sflag:s25], $0x2000  }
0xe2: {  	[sflag:s25] =	ssyncset.done $0x0  }
0xe3: {  	[sflag:s25] =	ssyncadd.s32 $0xFFFFE000  }
0xe4: {  	[spmem:s2] =	stream.indirect.scatter.add.f32 [tilespmem:s16], [sflag:$0x9], $0x80, s1, s12, $0xb8;
	[tilespmem:$0x1F400] =	vst v63  }
0xe5: {  	_ =	swait.ge [sflag:s26], $0x2000  }
0xe6: {  	[sflag:s26] =	ssyncset.done $0x0  }
0xe7: {  	[sflag:s26] =	ssyncadd.s32 $0xFFFFE000  }
0xe8: {  	s7 =	simm.s32 $0x180;
	_ =	swait.ge [sflag:s28], $0x2000  }
0xe9: {  	s24 =	simm.s32 $0x300;
	s6 =	rddreg [dreg:$0x4];
	[sflag:s28] =	ssyncset.done $0x0  }
.LBB2_2:
0xea: {  	[sflag:s28] =	ssyncadd.s32 $0xFFFFE000  }
0xeb: {  	[spmem:s2] =	stream.indirect.scatter.add.f32 [tilespmem:s17], [sflag:$0xA], $0x80, s0, s12, $0xb8;
	[tilespmem:$0x1F400] =	vst v63  }
0xec: {  	s6 =	sadd.s32 s7, s6  }
0xed: {  	[tilespmem:s10], [sflag:$0xB] =	stream.linear.gather [hbm4b:s6+s3], $0xA00, $0x38;
	[tilespmem:$0x1F400] =	vst v63  }
0xee: {  	_ =	swait.ge [sflag:s9], $0xA00  }
0xef: {  	s5 =	rddreg [dreg:$0x3];
	[sflag:s9] =	ssyncset.done $0x0  }
0xf0: {  	[sflag:s9] =	ssyncadd.s32 $0xFFFFF600;
	s6 =	sadd.s32 s7, s5  }
0xf1: {  	[tilespmem:s11], [sflag:$0xB] =	stream.linear.gather [hbm4b:s6+s3], $0xA00, $0x38;
	[tilespmem:$0x1F400] =	vst v63  }
0xf2: {  	_ =	swait.ge [sflag:s9], $0xA00  }
0xf3: {  	[sflag:s9] =	ssyncset.done $0x0  }
0xf4: {  	[sflag:s9] =	ssyncadd.s32 $0xFFFFF600  }
0xf5: {  	[tilespmem:s13], [sflag:$0x1] =	stream.indirect.gather [hbm4b:s4+s12], $0x80, s10, s12, $0xb8;
	[tilespmem:$0x1F400] =	vst v63  }
0xf6: {  	s6 =	rddreg [dreg:$0x5]  }
0xf7: {  	[tilespmem:s14], [sflag:$0x2] =	stream.indirect.gather [hbm4b:s4+s12], $0x80, s6, s12, $0xb8;
	[tilespmem:$0x1F400] =	vst v63  }
0xf8: {  	p1 =	seq.s32 s7, $0x0;
	s5 =	rddreg [dreg:$0x6]  }
0xf9: {  	[tilespmem:s15], [sflag:$0x3] =	stream.indirect.gather [hbm4b:s4+s12], $0x80, s5, s12, $0xb8;
	[tilespmem:$0x1F400] =	vst v63  }
0xfa: {  	s6 =	rddreg [dreg:$0x7];
	s5 =	simm.s32 @!p1 $0xA  }
0xfb: {  	[tilespmem:s16], [sflag:$0x4] =	stream.indirect.gather [hbm4b:s4+s12], $0x80, s6, s12, $0xb8;
	[tilespmem:$0x1F400] =	vst v63  }
0xfc: {  	_ =	swait.ge @!p1 [sflag:s5], $0x2000  }
0xfd: {  	s8 =	smov.u32 s24;
	[sflag:s5] =	ssyncset.done @!p1 $0x0  }
0xfe: {  	s7 =	smov.u32 s8;
	s8 =	rddreg [dreg:$0x8];
	[sflag:s5] =	ssyncadd.s32 @!p1 $0xFFFFE000  }
0xff: {  	[tilespmem:s17], [sflag:$0x5] =	stream.indirect.gather [hbm4b:s4+s12], $0x80, s8, s12, $0xb8;
	[tilespmem:$0x1F400] =	vst v63  }
0x100: {  	_ =	swait.ge [sflag:s18], $0x2000  }
0x101: {  	[sflag:s18] =	ssyncset.done $0x0  }
0x102: {  	[sflag:s18] =	ssyncadd.s32 $0xFFFFE000  }
0x103: {  	[spmem:s2] =	stream.indirect.scatter.add.f32 [tilespmem:s13], [sflag:$0x6], $0x80, s11, s12, $0xb8;
	[tilespmem:$0x1F400] =	vst v63  }
0x104: {  	_ =	swait.ge [sflag:s19], $0x2000  }
0x105: {  	[sflag:s19] =	ssyncset.done $0x0  }
0x106: {  	s6 =	rddreg [dreg:$0x9];
	[sflag:s19] =	ssyncadd.s32 $0xFFFFE000  }
0x107: {  	[tilespmem:s13], [sflag:$0x1] =	stream.indirect.gather [hbm4b:s4+s12], $0x80, s6, s12, $0xb8;
	[tilespmem:$0x1F400] =	vst v63  }
0x108: {  	_ =	swait.ge [sflag:s20], $0x2000  }
0x109: {  	[sflag:s20] =	ssyncset.done $0x0  }
0x10a: {  	s8 =	rddreg [dreg:$0xa];
	[sflag:s20] =	ssyncadd.s32 $0xFFFFE000  }
0x10b: {  	[spmem:s2] =	stream.indirect.scatter.add.f32 [tilespmem:s14], [sflag:$0x7], $0x80, s8, s12, $0xb8;
	[tilespmem:$0x1F400] =	vst v63  }
0x10c: {  	_ =	swait.ge [sflag:s21], $0x2000  }
0x10d: {  	[sflag:s21] =	ssyncset.done $0x0  }
0x10e: {  	s6 =	rddreg [dreg:$0xb];
	[sflag:s21] =	ssyncadd.s32 $0xFFFFE000  }
0x10f: {  	[tilespmem:s14], [sflag:$0x2] =	stream.indirect.gather [hbm4b:s4+s12], $0x80, s6, s12, $0xb8;
	[tilespmem:$0x1F400] =	vst v63  }
0x110: {  	_ =	swait.ge [sflag:s22], $0x2000  }
0x111: {  	[sflag:s22] =	ssyncset.done $0x0  }
0x112: {  	s8 =	rddreg [dreg:$0xc];
	[sflag:s22] =	ssyncadd.s32 $0xFFFFE000  }
0x113: {  	[spmem:s2] =	stream.indirect.scatter.add.f32 [tilespmem:s15], [sflag:$0x8], $0x80, s8, s12, $0xb8;
	[tilespmem:$0x1F400] =	vst v63  }
0x114: {  	_ =	swait.ge [sflag:s23], $0x2000  }
0x115: {  	[sflag:s23] =	ssyncset.done $0x0  }
0x116: {  	s6 =	rddreg [dreg:$0xd];
	[sflag:s23] =	ssyncadd.s32 $0xFFFFE000  }
0x117: {  	[tilespmem:s15], [sflag:$0x3] =	stream.indirect.gather [hbm4b:s4+s12], $0x80, s6, s12, $0xb8;
	[tilespmem:$0x1F400] =	vst v63  }
0x118: {  	_ =	swait.ge [sflag:s25], $0x2000  }
0x119: {  	[sflag:s25] =	ssyncset.done $0x0  }
0x11a: {  	s8 =	rddreg [dreg:$0xe];
	[sflag:s25] =	ssyncadd.s32 $0xFFFFE000  }
0x11b: {  	[spmem:s2] =	stream.indirect.scatter.add.f32 [tilespmem:s16], [sflag:$0x9], $0x80, s8, s12, $0xb8;
	[tilespmem:$0x1F400] =	vst v63  }
0x11c: {  	_ =	swait.ge [sflag:s26], $0x2000  }
0x11d: {  	[sflag:s26] =	ssyncset.done $0x0  }
0x11e: {  	s6 =	rddreg [dreg:$0xf];
	[sflag:s26] =	ssyncadd.s32 $0xFFFFE000  }
0x11f: {  	[tilespmem:s16], [sflag:$0x4] =	stream.indirect.gather [hbm4b:s4+s12], $0x80, s6, s12, $0xb8;
	[tilespmem:$0x1F400] =	vst v63  }
0x120: {  	_ =	swait.ge [sflag:s28], $0x2000  }
0x121: {  	[sflag:s28] =	ssyncset.done $0x0  }
0x122: {  	s8 =	rddreg [dreg:$0x10];
	[sflag:s28] =	ssyncadd.s32 $0xFFFFE000  }
0x123: {  	[spmem:s2] =	stream.indirect.scatter.add.f32 [tilespmem:s17], [sflag:$0xA], $0x80, s8, s12, $0xb8;
	[tilespmem:$0x1F400] =	vst v63  }
0x124: {  	_ =	swait.ge [sflag:s29], $0x2000  }
0x125: {  	[sflag:s29] =	ssyncset.done $0x0  }
0x126: {  	s6 =	rddreg [dreg:$0x11];
	[sflag:s29] =	ssyncadd.s32 $0xFFFFE000  }
0x127: {  	[tilespmem:s17], [sflag:$0x5] =	stream.indirect.gather [hbm4b:s4+s12], $0x80, s6, s12, $0xb8;
	[tilespmem:$0x1F400] =	vst v63  }
0x128: {  	_ =	swait.ge [sflag:s18], $0x2000  }
0x129: {  	[sflag:s18] =	ssyncset.done $0x0  }
0x12a: {  	s8 =	rddreg [dreg:$0x12];
	[sflag:s18] =	ssyncadd.s32 $0xFFFFE000  }
0x12b: {  	[spmem:s2] =	stream.indirect.scatter.add.f32 [tilespmem:s13], [sflag:$0x6], $0x80, s8, s12, $0xb8;
	[tilespmem:$0x1F400] =	vst v63  }
0x12c: {  	_ =	swait.ge [sflag:s19], $0x2000  }
0x12d: {  	[sflag:s19] =	ssyncset.done $0x0  }
0x12e: {  	s6 =	rddreg [dreg:$0x13];
	[sflag:s19] =	ssyncadd.s32 $0xFFFFE000  }
0x12f: {  	[tilespmem:s13], [sflag:$0x1] =	stream.indirect.gather [hbm4b:s4+s12], $0x80, s6, s12, $0xb8;
	[tilespmem:$0x1F400] =	vst v63  }
0x130: {  	_ =	swait.ge [sflag:s20], $0x2000  }
0x131: {  	[sflag:s20] =	ssyncset.done $0x0  }
0x132: {  	s8 =	rddreg [dreg:$0x14];
	[sflag:s20] =	ssyncadd.s32 $0xFFFFE000  }
0x133: {  	[spmem:s2] =	stream.indirect.scatter.add.f32 [tilespmem:s14], [sflag:$0x7], $0x80, s8, s12, $0xb8;
	[tilespmem:$0x1F400] =	vst v63  }
0x134: {  	_ =	swait.ge [sflag:s21], $0x2000  }
0x135: {  	[sflag:s21] =	ssyncset.done $0x0  }
0x136: {  	s6 =	rddreg [dreg:$0x15];
	[sflag:s21] =	ssyncadd.s32 $0xFFFFE000  }
0x137: {  	[tilespmem:s14], [sflag:$0x2] =	stream.indirect.gather [hbm4b:s4+s12], $0x80, s6, s12, $0xb8;
	[tilespmem:$0x1F400] =	vst v63  }
0x138: {  	_ =	swait.ge [sflag:s22], $0x2000  }
0x139: {  	[sflag:s22] =	ssyncset.done $0x0  }
0x13a: {  	s8 =	rddreg [dreg:$0x16];
	[sflag:s22] =	ssyncadd.s32 $0xFFFFE000  }
0x13b: {  	[spmem:s2] =	stream.indirect.scatter.add.f32 [tilespmem:s15], [sflag:$0x8], $0x80, s8, s12, $0xb8;
	[tilespmem:$0x1F400] =	vst v63  }
0x13c: {  	_ =	swait.ge [sflag:s23], $0x2000  }
0x13d: {  	[sflag:s23] =	ssyncset.done $0x0  }
0x13e: {  	s6 =	rddreg [dreg:$0x17];
	[sflag:s23] =	ssyncadd.s32 $0xFFFFE000  }
0x13f: {  	[tilespmem:s15], [sflag:$0x3] =	stream.indirect.gather [hbm4b:s4+s12], $0x80, s6, s12, $0xb8;
	[tilespmem:$0x1F400] =	vst v63  }
0x140: {  	_ =	swait.ge [sflag:s25], $0x2000  }
0x141: {  	[sflag:s25] =	ssyncset.done $0x0  }
0x142: {  	s8 =	rddreg [dreg:$0x18];
	[sflag:s25] =	ssyncadd.s32 $0xFFFFE000  }
0x143: {  	[spmem:s2] =	stream.indirect.scatter.add.f32 [tilespmem:s16], [sflag:$0x9], $0x80, s8, s12, $0xb8;
	[tilespmem:$0x1F400] =	vst v63  }
0x144: {  	_ =	swait.ge [sflag:s26], $0x2000  }
0x145: {  	[sflag:s26] =	ssyncset.done $0x0  }
0x146: {  	s6 =	rddreg [dreg:$0x19];
	[sflag:s26] =	ssyncadd.s32 $0xFFFFE000  }
0x147: {  	[tilespmem:s16], [sflag:$0x4] =	stream.indirect.gather [hbm4b:s4+s12], $0x80, s6, s12, $0xb8;
	[tilespmem:$0x1F400] =	vst v63  }
0x148: {  	_ =	swait.ge [sflag:s28], $0x2000  }
0x149: {  	[sflag:s28] =	ssyncset.done $0x0  }
0x14a: {  	s8 =	rddreg [dreg:$0x1a];
	[sflag:s28] =	ssyncadd.s32 $0xFFFFE000  }
0x14b: {  	[spmem:s2] =	stream.indirect.scatter.add.f32 [tilespmem:s17], [sflag:$0xA], $0x80, s8, s12, $0xb8;
	[tilespmem:$0x1F400] =	vst v63  }
0x14c: {  	_ =	swait.ge [sflag:s29], $0x2000  }
0x14d: {  	[sflag:s29] =	ssyncset.done $0x0  }
0x14e: {  	s6 =	rddreg [dreg:$0x1b];
	[sflag:s29] =	ssyncadd.s32 $0xFFFFE000  }
0x14f: {  	[tilespmem:s17], [sflag:$0x5] =	stream.indirect.gather [hbm4b:s4+s12], $0x80, s6, s12, $0xb8;
	[tilespmem:$0x1F400] =	vst v63  }
0x150: {  	_ =	swait.ge [sflag:s18], $0x2000  }
0x151: {  	[sflag:s18] =	ssyncset.done $0x0  }
0x152: {  	s8 =	rddreg [dreg:$0x1c];
	[sflag:s18] =	ssyncadd.s32 $0xFFFFE000  }
0x153: {  	[spmem:s2] =	stream.indirect.scatter.add.f32 [tilespmem:s13], [sflag:$0x6], $0x80, s8, s12, $0xb8;
	[tilespmem:$0x1F400] =	vst v63  }
0x154: {  	_ =	swait.ge [sflag:s19], $0x2000  }
0x155: {  	[sflag:s19] =	ssyncset.done $0x0  }
0x156: {  	s6 =	rddreg [dreg:$0x1d];
	[sflag:s19] =	ssyncadd.s32 $0xFFFFE000  }
0x157: {  	[tilespmem:s13], [sflag:$0x1] =	stream.indirect.gather [hbm4b:s4+s12], $0x80, s6, s12, $0xb8;
	[tilespmem:$0x1F400] =	vst v63  }
0x158: {  	_ =	swait.ge [sflag:s20], $0x2000  }
0x159: {  	[sflag:s20] =	ssyncset.done $0x0  }
0x15a: {  	s8 =	rddreg [dreg:$0x1e];
	[sflag:s20] =	ssyncadd.s32 $0xFFFFE000  }
0x15b: {  	[spmem:s2] =	stream.indirect.scatter.add.f32 [tilespmem:s14], [sflag:$0x7], $0x80, s8, s12, $0xb8;
	[tilespmem:$0x1F400] =	vst v63  }
0x15c: {  	_ =	swait.ge [sflag:s21], $0x2000  }
0x15d: {  	[sflag:s21] =	ssyncset.done $0x0  }
0x15e: {  	s6 =	rddreg [dreg:$0x1f];
	[sflag:s21] =	ssyncadd.s32 $0xFFFFE000  }
0x15f: {  	[tilespmem:s14], [sflag:$0x2] =	stream.indirect.gather [hbm4b:s4+s12], $0x80, s6, s12, $0xb8;
	[tilespmem:$0x1F400] =	vst v63  }
0x160: {  	_ =	swait.ge [sflag:s22], $0x2000  }
0x161: {  	s8 =	sld [smem:$0x7F4]  }
0x162: {  	[sflag:s22] =	ssyncset.done $0x0  }
0x163: {  	[sflag:s22] =	ssyncadd.s32 $0xFFFFE000  }
0x164: {  	[spmem:s2] =	stream.indirect.scatter.add.f32 [tilespmem:s15], [sflag:$0x8], $0x80, s8, s12, $0xb8;
	[tilespmem:$0x1F400] =	vst v63  }
0x165: {  	_ =	swait.ge [sflag:s23], $0x2000  }
0x166: {  	s6 =	sld [smem:$0x7F5]  }
0x167: {  	[sflag:s23] =	ssyncset.done $0x0  }
0x168: {  	[sflag:s23] =	ssyncadd.s32 $0xFFFFE000  }
0x169: {  	[tilespmem:s15], [sflag:$0x3] =	stream.indirect.gather [hbm4b:s4+s12], $0x80, s6, s12, $0xb8;
	[tilespmem:$0x1F400] =	vst v63  }
0x16a: {  	_ =	swait.ge [sflag:s25], $0x2000  }
0x16b: {  	s8 =	sld [smem:$0x7F6]  }
0x16c: {  	[sflag:s25] =	ssyncset.done $0x0  }
0x16d: {  	[sflag:s25] =	ssyncadd.s32 $0xFFFFE000  }
0x16e: {  	[spmem:s2] =	stream.indirect.scatter.add.f32 [tilespmem:s16], [sflag:$0x9], $0x80, s8, s12, $0xb8;
	[tilespmem:$0x1F400] =	vst v63  }
0x16f: {  	_ =	swait.ge [sflag:s26], $0x2000  }
0x170: {  	s6 =	sld [smem:$0x7F7]  }
0x171: {  	[sflag:s26] =	ssyncset.done $0x0  }
0x172: {  	[sflag:s26] =	ssyncadd.s32 $0xFFFFE000  }
0x173: {  	[tilespmem:s16], [sflag:$0x4] =	stream.indirect.gather [hbm4b:s4+s12], $0x80, s6, s12, $0xb8;
	[tilespmem:$0x1F400] =	vst v63  }
0x174: {  	_ =	swait.ge [sflag:s28], $0x2000  }
0x175: {  	s8 =	sld [smem:$0x7F8]  }
0x176: {  	[sflag:s28] =	ssyncset.done $0x0  }
0x177: {  	[sflag:s28] =	ssyncadd.s32 $0xFFFFE000  }
0x178: {  	[spmem:s2] =	stream.indirect.scatter.add.f32 [tilespmem:s17], [sflag:$0xA], $0x80, s8, s12, $0xb8;
	[tilespmem:$0x1F400] =	vst v63  }
0x179: {  	_ =	swait.ge [sflag:s29], $0x2000  }
0x17a: {  	s6 =	sld [smem:$0x7F9]  }
0x17b: {  	[sflag:s29] =	ssyncset.done $0x0  }
0x17c: {  	[sflag:s29] =	ssyncadd.s32 $0xFFFFE000  }
0x17d: {  	[tilespmem:s17], [sflag:$0x5] =	stream.indirect.gather [hbm4b:s4+s12], $0x80, s6, s12, $0xb8;
	[tilespmem:$0x1F400] =	vst v63  }
0x17e: {  	_ =	swait.ge [sflag:s18], $0x2000  }
0x17f: {  	s8 =	sld [smem:$0x7FA]  }
0x180: {  	[sflag:s18] =	ssyncset.done $0x0  }
0x181: {  	[sflag:s18] =	ssyncadd.s32 $0xFFFFE000  }
0x182: {  	[spmem:s2] =	stream.indirect.scatter.add.f32 [tilespmem:s13], [sflag:$0x6], $0x80, s8, s12, $0xb8;
	[tilespmem:$0x1F400] =	vst v63  }
0x183: {  	_ =	swait.ge [sflag:s19], $0x2000  }
0x184: {  	[sflag:s19] =	ssyncset.done $0x0  }
0x185: {  	[sflag:s19] =	ssyncadd.s32 $0xFFFFE000  }
0x186: {  	_ =	swait.ge [sflag:s20], $0x2000  }
0x187: {  	[sflag:s20] =	ssyncset.done $0x0  }
0x188: {  	[sflag:s20] =	ssyncadd.s32 $0xFFFFE000  }
0x189: {  	[spmem:s2] =	stream.indirect.scatter.add.f32 [tilespmem:s14], [sflag:$0x7], $0x80, s30, s12, $0xb8;
	[tilespmem:$0x1F400] =	vst v63  }
0x18a: {  	_ =	swait.ge [sflag:s21], $0x2000  }
0x18b: {  	[sflag:s21] =	ssyncset.done $0x0  }
0x18c: {  	[sflag:s21] =	ssyncadd.s32 $0xFFFFE000  }
0x18d: {  	_ =	swait.ge [sflag:s22], $0x2000  }
0x18e: {  	[sflag:s22] =	ssyncset.done $0x0  }
0x18f: {  	[sflag:s22] =	ssyncadd.s32 $0xFFFFE000  }
0x190: {  	[spmem:s2] =	stream.indirect.scatter.add.f32 [tilespmem:s15], [sflag:$0x8], $0x80, s31, s12, $0xb8;
	[tilespmem:$0x1F400] =	vst v63  }
0x191: {  	_ =	swait.ge [sflag:s23], $0x2000  }
0x192: {  	[sflag:s23] =	ssyncset.done $0x0  }
0x193: {  	[sflag:s23] =	ssyncadd.s32 $0xFFFFE000  }
0x194: {  	_ =	swait.ge [sflag:s25], $0x2000  }
0x195: {  	s24 =	sadd.s32 $0x180, s24;
	[sflag:s25] =	ssyncset.done $0x0  }
0x196: {  	p0 =	sne.s32 s24, $0x1800;
	[sflag:s25] =	ssyncadd.s32 $0xFFFFE000  }
0x197: {  	[spmem:s2] =	stream.indirect.scatter.add.f32 [tilespmem:s16], [sflag:$0x9], $0x80, s1, s12, $0xb8;
	[tilespmem:$0x1F400] =	vst v63  }
.Ltmp0:
0x198: {  	_ =	swait.ge [sflag:s26], $0x2000;
	(pc) =	sbr.rel @p0 .LBB2_2-.Ltmp0, $4  }
0x199: {  	[sflag:s26] =	ssyncset.done $0x0  }
0x19a: {  	[sflag:s26] =	ssyncadd.s32 $0xFFFFE000  }
0x19b: {  	_ =	swait.ge [sflag:s28], $0x2000  }
0x19c: {  	s6 =	rddreg [dreg:$0x4];
	[sflag:s28] =	ssyncset.done $0x0  }
0x19d: {  	[sflag:s28] =	ssyncadd.s32 $0xFFFFE000  }
0x19e: {  	[spmem:s2] =	stream.indirect.scatter.add.f32 [tilespmem:s17], [sflag:$0xA], $0x80, s0, s12, $0xb8;
	[tilespmem:$0x1F400] =	vst v63  }
0x19f: {  	s5 =	sadd.s32 s7, s6  }
0x1a0: {  	[tilespmem:s10], [sflag:$0xB] =	stream.linear.gather [hbm4b:s5+s3], $0xA00, $0x38;
	[tilespmem:$0x1F400] =	vst v63  }
0x1a1: {  	_ =	swait.ge [sflag:s9], $0xA00  }
0x1a2: {  	s6 =	rddreg [dreg:$0x3];
	[sflag:s9] =	ssyncset.done $0x0  }
0x1a3: {  	[sflag:s9] =	ssyncadd.s32 $0xFFFFF600;
	s5 =	sadd.s32 s7, s6  }
0x1a4: {  	[tilespmem:s11], [sflag:$0xB] =	stream.linear.gather [hbm4b:s5+s3], $0xA00, $0x38;
	[tilespmem:$0x1F400] =	vst v63  }
0x1a5: {  	_ =	swait.ge [sflag:s9], $0xA00  }
0x1a6: {  	[sflag:s9] =	ssyncset.done $0x0  }
0x1a7: {  	[sflag:s9] =	ssyncadd.s32 $0xFFFFF600  }
0x1a8: {  	[tilespmem:s13], [sflag:$0x1] =	stream.indirect.gather [hbm4b:s4+s12], $0x80, s10, s12, $0xb8;
	[tilespmem:$0x1F400] =	vst v63  }
0x1a9: {  	s8 =	rddreg [dreg:$0x5]  }
0x1aa: {  	[tilespmem:s14], [sflag:$0x2] =	stream.indirect.gather [hbm4b:s4+s12], $0x80, s8, s12, $0xb8;
	[tilespmem:$0x1F400] =	vst v63  }
0x1ab: {  	p0 =	seq.s32 s7, $0x0;
	s24 =	rddreg [dreg:$0x6]  }
0x1ac: {  	[tilespmem:s15], [sflag:$0x3] =	stream.indirect.gather [hbm4b:s4+s12], $0x80, s24, s12, $0xb8;
	[tilespmem:$0x1F400] =	vst v63  }
0x1ad: {  	s5 =	simm.s32 @!p0 $0xA;
	s8 =	rddreg [dreg:$0x7]  }
0x1ae: {  	[tilespmem:s16], [sflag:$0x4] =	stream.indirect.gather [hbm4b:s4+s12], $0x80, s8, s12, $0xb8;
	[tilespmem:$0x1F400] =	vst v63  }
0x1af: {  	_ =	swait.ge @!p0 [sflag:s5], $0x2000  }
0x1b0: {  	[sflag:s5] =	ssyncset.done @!p0 $0x0  }
0x1b1: {  	s24 =	rddreg [dreg:$0x8];
	[sflag:s5] =	ssyncadd.s32 @!p0 $0xFFFFE000  }
0x1b2: {  	[tilespmem:s17], [sflag:$0x5] =	stream.indirect.gather [hbm4b:s4+s12], $0x80, s24, s12, $0xb8;
	[tilespmem:$0x1F400] =	vst v63  }
0x1b3: {  	_ =	swait.ge [sflag:s18], $0x2000  }
0x1b4: {  	[sflag:s18] =	ssyncset.done $0x0  }
0x1b5: {  	[sflag:s18] =	ssyncadd.s32 $0xFFFFE000  }
0x1b6: {  	[spmem:s2] =	stream.indirect.scatter.add.f32 [tilespmem:s13], [sflag:$0x6], $0x80, s11, s12, $0xb8;
	[tilespmem:$0x1F400] =	vst v63  }
0x1b7: {  	_ =	swait.ge [sflag:s19], $0x2000  }
0x1b8: {  	[sflag:s19] =	ssyncset.done $0x0  }
0x1b9: {  	s6 =	rddreg [dreg:$0x9];
	[sflag:s19] =	ssyncadd.s32 $0xFFFFE000  }
0x1ba: {  	[tilespmem:s13], [sflag:$0x1] =	stream.indirect.gather [hbm4b:s4+s12], $0x80, s6, s12, $0xb8;
	[tilespmem:$0x1F400] =	vst v63  }
0x1bb: {  	_ =	swait.ge [sflag:s20], $0x2000  }
0x1bc: {  	[sflag:s20] =	ssyncset.done $0x0  }
0x1bd: {  	s7 =	rddreg [dreg:$0xa];
	[sflag:s20] =	ssyncadd.s32 $0xFFFFE000  }
0x1be: {  	[spmem:s2] =	stream.indirect.scatter.add.f32 [tilespmem:s14], [sflag:$0x7], $0x80, s7, s12, $0xb8;
	[tilespmem:$0x1F400] =	vst v63  }
0x1bf: {  	_ =	swait.ge [sflag:s21], $0x2000  }
0x1c0: {  	[sflag:s21] =	ssyncset.done $0x0  }
0x1c1: {  	s8 =	rddreg [dreg:$0xb];
	[sflag:s21] =	ssyncadd.s32 $0xFFFFE000  }
0x1c2: {  	[tilespmem:s14], [sflag:$0x2] =	stream.indirect.gather [hbm4b:s4+s12], $0x80, s8, s12, $0xb8;
	[tilespmem:$0x1F400] =	vst v63  }
0x1c3: {  	_ =	swait.ge [sflag:s22], $0x2000  }
0x1c4: {  	[sflag:s22] =	ssyncset.done $0x0  }
0x1c5: {  	s24 =	rddreg [dreg:$0xc];
	[sflag:s22] =	ssyncadd.s32 $0xFFFFE000  }
0x1c6: {  	[spmem:s2] =	stream.indirect.scatter.add.f32 [tilespmem:s15], [sflag:$0x8], $0x80, s24, s12, $0xb8;
	[tilespmem:$0x1F400] =	vst v63  }
0x1c7: {  	_ =	swait.ge [sflag:s23], $0x2000  }
0x1c8: {  	[sflag:s23] =	ssyncset.done $0x0  }
0x1c9: {  	s6 =	rddreg [dreg:$0xd];
	[sflag:s23] =	ssyncadd.s32 $0xFFFFE000  }
0x1ca: {  	[tilespmem:s15], [sflag:$0x3] =	stream.indirect.gather [hbm4b:s4+s12], $0x80, s6, s12, $0xb8;
	[tilespmem:$0x1F400] =	vst v63  }
0x1cb: {  	_ =	swait.ge [sflag:s25], $0x2000  }
0x1cc: {  	[sflag:s25] =	ssyncset.done $0x0  }
0x1cd: {  	s7 =	rddreg [dreg:$0xe];
	[sflag:s25] =	ssyncadd.s32 $0xFFFFE000  }
0x1ce: {  	[spmem:s2] =	stream.indirect.scatter.add.f32 [tilespmem:s16], [sflag:$0x9], $0x80, s7, s12, $0xb8;
	[tilespmem:$0x1F400] =	vst v63  }
0x1cf: {  	_ =	swait.ge [sflag:s26], $0x2000  }
0x1d0: {  	[sflag:s26] =	ssyncset.done $0x0  }
0x1d1: {  	s8 =	rddreg [dreg:$0xf];
	[sflag:s26] =	ssyncadd.s32 $0xFFFFE000  }
0x1d2: {  	[tilespmem:s16], [sflag:$0x4] =	stream.indirect.gather [hbm4b:s4+s12], $0x80, s8, s12, $0xb8;
	[tilespmem:$0x1F400] =	vst v63  }
0x1d3: {  	_ =	swait.ge [sflag:s28], $0x2000  }
0x1d4: {  	[sflag:s28] =	ssyncset.done $0x0  }
0x1d5: {  	s24 =	rddreg [dreg:$0x10];
	[sflag:s28] =	ssyncadd.s32 $0xFFFFE000  }
0x1d6: {  	[spmem:s2] =	stream.indirect.scatter.add.f32 [tilespmem:s17], [sflag:$0xA], $0x80, s24, s12, $0xb8;
	[tilespmem:$0x1F400] =	vst v63  }
0x1d7: {  	_ =	swait.ge [sflag:s29], $0x2000  }
0x1d8: {  	[sflag:s29] =	ssyncset.done $0x0  }
0x1d9: {  	s6 =	rddreg [dreg:$0x11];
	[sflag:s29] =	ssyncadd.s32 $0xFFFFE000  }
0x1da: {  	[tilespmem:s17], [sflag:$0x5] =	stream.indirect.gather [hbm4b:s4+s12], $0x80, s6, s12, $0xb8;
	[tilespmem:$0x1F400] =	vst v63  }
0x1db: {  	_ =	swait.ge [sflag:s18], $0x2000  }
0x1dc: {  	[sflag:s18] =	ssyncset.done $0x0  }
0x1dd: {  	s7 =	rddreg [dreg:$0x12];
	[sflag:s18] =	ssyncadd.s32 $0xFFFFE000  }
0x1de: {  	[spmem:s2] =	stream.indirect.scatter.add.f32 [tilespmem:s13], [sflag:$0x6], $0x80, s7, s12, $0xb8;
	[tilespmem:$0x1F400] =	vst v63  }
0x1df: {  	_ =	swait.ge [sflag:s19], $0x2000  }
0x1e0: {  	[sflag:s19] =	ssyncset.done $0x0  }
0x1e1: {  	s8 =	rddreg [dreg:$0x13];
	[sflag:s19] =	ssyncadd.s32 $0xFFFFE000  }
0x1e2: {  	[tilespmem:s13], [sflag:$0x1] =	stream.indirect.gather [hbm4b:s4+s12], $0x80, s8, s12, $0xb8;
	[tilespmem:$0x1F400] =	vst v63  }
0x1e3: {  	_ =	swait.ge [sflag:s20], $0x2000  }
0x1e4: {  	[sflag:s20] =	ssyncset.done $0x0  }
0x1e5: {  	s24 =	rddreg [dreg:$0x14];
	[sflag:s20] =	ssyncadd.s32 $0xFFFFE000  }
0x1e6: {  	[spmem:s2] =	stream.indirect.scatter.add.f32 [tilespmem:s14], [sflag:$0x7], $0x80, s24, s12, $0xb8;
	[tilespmem:$0x1F400] =	vst v63  }
0x1e7: {  	_ =	swait.ge [sflag:s21], $0x2000  }
0x1e8: {  	[sflag:s21] =	ssyncset.done $0x0  }
0x1e9: {  	s6 =	rddreg [dreg:$0x15];
	[sflag:s21] =	ssyncadd.s32 $0xFFFFE000  }
0x1ea: {  	[tilespmem:s14], [sflag:$0x2] =	stream.indirect.gather [hbm4b:s4+s12], $0x80, s6, s12, $0xb8;
	[tilespmem:$0x1F400] =	vst v63  }
0x1eb: {  	_ =	swait.ge [sflag:s22], $0x2000  }
0x1ec: {  	[sflag:s22] =	ssyncset.done $0x0  }
0x1ed: {  	s7 =	rddreg [dreg:$0x16];
	[sflag:s22] =	ssyncadd.s32 $0xFFFFE000  }
0x1ee: {  	[spmem:s2] =	stream.indirect.scatter.add.f32 [tilespmem:s15], [sflag:$0x8], $0x80, s7, s12, $0xb8;
	[tilespmem:$0x1F400] =	vst v63  }
0x1ef: {  	_ =	swait.ge [sflag:s23], $0x2000  }
0x1f0: {  	[sflag:s23] =	ssyncset.done $0x0  }
0x1f1: {  	s8 =	rddreg [dreg:$0x17];
	[sflag:s23] =	ssyncadd.s32 $0xFFFFE000  }
0x1f2: {  	[tilespmem:s15], [sflag:$0x3] =	stream.indirect.gather [hbm4b:s4+s12], $0x80, s8, s12, $0xb8;
	[tilespmem:$0x1F400] =	vst v63  }
0x1f3: {  	_ =	swait.ge [sflag:s25], $0x2000  }
0x1f4: {  	[sflag:s25] =	ssyncset.done $0x0  }
0x1f5: {  	s24 =	rddreg [dreg:$0x18];
	[sflag:s25] =	ssyncadd.s32 $0xFFFFE000  }
0x1f6: {  	[spmem:s2] =	stream.indirect.scatter.add.f32 [tilespmem:s16], [sflag:$0x9], $0x80, s24, s12, $0xb8;
	[tilespmem:$0x1F400] =	vst v63  }
0x1f7: {  	_ =	swait.ge [sflag:s26], $0x2000  }
0x1f8: {  	[sflag:s26] =	ssyncset.done $0x0  }
0x1f9: {  	s6 =	rddreg [dreg:$0x19];
	[sflag:s26] =	ssyncadd.s32 $0xFFFFE000  }
0x1fa: {  	[tilespmem:s16], [sflag:$0x4] =	stream.indirect.gather [hbm4b:s4+s12], $0x80, s6, s12, $0xb8;
	[tilespmem:$0x1F400] =	vst v63  }
0x1fb: {  	_ =	swait.ge [sflag:s28], $0x2000  }
0x1fc: {  	[sflag:s28] =	ssyncset.done $0x0  }
0x1fd: {  	s7 =	rddreg [dreg:$0x1a];
	[sflag:s28] =	ssyncadd.s32 $0xFFFFE000  }
0x1fe: {  	[spmem:s2] =	stream.indirect.scatter.add.f32 [tilespmem:s17], [sflag:$0xA], $0x80, s7, s12, $0xb8;
	[tilespmem:$0x1F400] =	vst v63  }
0x1ff: {  	_ =	swait.ge [sflag:s29], $0x2000  }
0x200: {  	[sflag:s29] =	ssyncset.done $0x0  }
0x201: {  	s8 =	rddreg [dreg:$0x1b];
	[sflag:s29] =	ssyncadd.s32 $0xFFFFE000  }
0x202: {  	[tilespmem:s17], [sflag:$0x5] =	stream.indirect.gather [hbm4b:s4+s12], $0x80, s8, s12, $0xb8;
	[tilespmem:$0x1F400] =	vst v63  }
0x203: {  	_ =	swait.ge [sflag:s18], $0x2000  }
0x204: {  	[sflag:s18] =	ssyncset.done $0x0  }
0x205: {  	s24 =	rddreg [dreg:$0x1c];
	[sflag:s18] =	ssyncadd.s32 $0xFFFFE000  }
0x206: {  	[spmem:s2] =	stream.indirect.scatter.add.f32 [tilespmem:s13], [sflag:$0x6], $0x80, s24, s12, $0xb8;
	[tilespmem:$0x1F400] =	vst v63  }
0x207: {  	_ =	swait.ge [sflag:s19], $0x2000  }
0x208: {  	[sflag:s19] =	ssyncset.done $0x0  }
0x209: {  	s6 =	rddreg [dreg:$0x1d];
	[sflag:s19] =	ssyncadd.s32 $0xFFFFE000  }
0x20a: {  	[tilespmem:s13], [sflag:$0x1] =	stream.indirect.gather [hbm4b:s4+s12], $0x80, s6, s12, $0xb8;
	[tilespmem:$0x1F400] =	vst v63  }
0x20b: {  	_ =	swait.ge [sflag:s20], $0x2000  }
0x20c: {  	[sflag:s20] =	ssyncset.done $0x0  }
0x20d: {  	s7 =	rddreg [dreg:$0x1e];
	[sflag:s20] =	ssyncadd.s32 $0xFFFFE000  }
0x20e: {  	[spmem:s2] =	stream.indirect.scatter.add.f32 [tilespmem:s14], [sflag:$0x7], $0x80, s7, s12, $0xb8;
	[tilespmem:$0x1F400] =	vst v63  }
0x20f: {  	_ =	swait.ge [sflag:s21], $0x2000  }
0x210: {  	[sflag:s21] =	ssyncset.done $0x0  }
0x211: {  	s8 =	rddreg [dreg:$0x1f];
	[sflag:s21] =	ssyncadd.s32 $0xFFFFE000  }
0x212: {  	[tilespmem:s14], [sflag:$0x2] =	stream.indirect.gather [hbm4b:s4+s12], $0x80, s8, s12, $0xb8;
	[tilespmem:$0x1F400] =	vst v63  }
0x213: {  	_ =	swait.ge [sflag:s22], $0x2000  }
0x214: {  	s24 =	sld [smem:$0x7F4]  }
0x215: {  	[sflag:s22] =	ssyncset.done $0x0  }
0x216: {  	[sflag:s22] =	ssyncadd.s32 $0xFFFFE000  }
0x217: {  	[spmem:s2] =	stream.indirect.scatter.add.f32 [tilespmem:s15], [sflag:$0x8], $0x80, s24, s12, $0xb8;
	[tilespmem:$0x1F400] =	vst v63  }
0x218: {  	_ =	swait.ge [sflag:s23], $0x2000  }
0x219: {  	s6 =	sld [smem:$0x7F5]  }
0x21a: {  	[sflag:s23] =	ssyncset.done $0x0  }
0x21b: {  	[sflag:s23] =	ssyncadd.s32 $0xFFFFE000  }
0x21c: {  	[tilespmem:s15], [sflag:$0x3] =	stream.indirect.gather [hbm4b:s4+s12], $0x80, s6, s12, $0xb8;
	[tilespmem:$0x1F400] =	vst v63  }
0x21d: {  	_ =	swait.ge [sflag:s25], $0x2000  }
0x21e: {  	s7 =	sld [smem:$0x7F6]  }
0x21f: {  	[sflag:s25] =	ssyncset.done $0x0  }
0x220: {  	[sflag:s25] =	ssyncadd.s32 $0xFFFFE000  }
0x221: {  	[spmem:s2] =	stream.indirect.scatter.add.f32 [tilespmem:s16], [sflag:$0x9], $0x80, s7, s12, $0xb8;
	[tilespmem:$0x1F400] =	vst v63  }
0x222: {  	_ =	swait.ge [sflag:s26], $0x2000  }
0x223: {  	s8 =	sld [smem:$0x7F7]  }
0x224: {  	[sflag:s26] =	ssyncset.done $0x0  }
0x225: {  	[sflag:s26] =	ssyncadd.s32 $0xFFFFE000  }
0x226: {  	[tilespmem:s16], [sflag:$0x4] =	stream.indirect.gather [hbm4b:s4+s12], $0x80, s8, s12, $0xb8;
	[tilespmem:$0x1F400] =	vst v63  }
0x227: {  	_ =	swait.ge [sflag:s28], $0x2000  }
0x228: {  	s24 =	sld [smem:$0x7F8]  }
0x229: {  	[sflag:s28] =	ssyncset.done $0x0  }
0x22a: {  	[sflag:s28] =	ssyncadd.s32 $0xFFFFE000  }
0x22b: {  	[spmem:s2] =	stream.indirect.scatter.add.f32 [tilespmem:s17], [sflag:$0xA], $0x80, s24, s12, $0xb8;
	[tilespmem:$0x1F400] =	vst v63  }
0x22c: {  	_ =	swait.ge [sflag:s29], $0x2000  }
0x22d: {  	s6 =	sld [smem:$0x7F9]  }
0x22e: {  	[sflag:s29] =	ssyncset.done $0x0  }
0x22f: {  	[sflag:s29] =	ssyncadd.s32 $0xFFFFE000  }
0x230: {  	[tilespmem:s17], [sflag:$0x5] =	stream.indirect.gather [hbm4b:s4+s12], $0x80, s6, s12, $0xb8;
	[tilespmem:$0x1F400] =	vst v63  }
0x231: {  	_ =	swait.ge [sflag:s18], $0x2000  }
0x232: {  	s7 =	sld [smem:$0x7FA]  }
0x233: {  	[sflag:s18] =	ssyncset.done $0x0  }
0x234: {  	[sflag:s18] =	ssyncadd.s32 $0xFFFFE000  }
0x235: {  	[spmem:s2] =	stream.indirect.scatter.add.f32 [tilespmem:s13], [sflag:$0x6], $0x80, s7, s12, $0xb8;
	[tilespmem:$0x1F400] =	vst v63  }
0x236: {  	_ =	swait.ge [sflag:s19], $0x2000  }
0x237: {  	[sflag:s19] =	ssyncset.done $0x0  }
0x238: {  	[sflag:s19] =	ssyncadd.s32 $0xFFFFE000  }
0x239: {  	_ =	swait.ge [sflag:s20], $0x2000  }
0x23a: {  	[sflag:s20] =	ssyncset.done $0x0  }
0x23b: {  	[sflag:s20] =	ssyncadd.s32 $0xFFFFE000  }
0x23c: {  	[spmem:s2] =	stream.indirect.scatter.add.f32 [tilespmem:s14], [sflag:$0x7], $0x80, s30, s12, $0xb8;
	[tilespmem:$0x1F400] =	vst v63  }
0x23d: {  	_ =	swait.ge [sflag:s21], $0x2000  }
0x23e: {  	[sflag:s21] =	ssyncset.done $0x0  }
0x23f: {  	[sflag:s21] =	ssyncadd.s32 $0xFFFFE000  }
0x240: {  	_ =	swait.ge [sflag:s22], $0x2000  }
0x241: {  	[sflag:s22] =	ssyncset.done $0x0  }
0x242: {  	[sflag:s22] =	ssyncadd.s32 $0xFFFFE000  }
0x243: {  	[spmem:s2] =	stream.indirect.scatter.add.f32 [tilespmem:s15], [sflag:$0x8], $0x80, s31, s12, $0xb8;
	[tilespmem:$0x1F400] =	vst v63  }
0x244: {  	_ =	swait.ge [sflag:s23], $0x2000  }
0x245: {  	[sflag:s23] =	ssyncset.done $0x0  }
0x246: {  	[sflag:s23] =	ssyncadd.s32 $0xFFFFE000  }
0x247: {  	_ =	swait.ge [sflag:s25], $0x2000  }
0x248: {  	[sflag:s25] =	ssyncset.done $0x0  }
0x249: {  	[sflag:s25] =	ssyncadd.s32 $0xFFFFE000  }
0x24a: {  	[spmem:s2] =	stream.indirect.scatter.add.f32 [tilespmem:s16], [sflag:$0x9], $0x80, s1, s12, $0xb8;
	[tilespmem:$0x1F400] =	vst v63  }
0x24b: {  	_ =	swait.ge [sflag:s26], $0x2000  }
0x24c: {  	[sflag:s26] =	ssyncset.done $0x0  }
0x24d: {  	[sflag:s26] =	ssyncadd.s32 $0xFFFFE000  }
0x24e: {  	_ =	swait.ge [sflag:s28], $0x2000  }
0x24f: {  	[sflag:s28] =	ssyncset.done $0x0  }
0x250: {  	[sflag:s28] =	ssyncadd.s32 $0xFFFFE000  }
0x251: {  	[spmem:s2] =	stream.indirect.scatter.add.f32 [tilespmem:s17], [sflag:$0xA], $0x80, s0, s12, $0xb8;
	[tilespmem:$0x1F400] =	vst v63  }
0x252: {  	_ =	swait.ge [sflag:s29], $0x2000  }
0x253: {  	[sflag:s29] =	ssyncset.done $0x0  }
0x254: {  	[sflag:s29] =	ssyncadd.s32 $0xFFFFE000  }
0x255: {  	[bflag:$0x0] =	sbarrier.arrive $0xFFFF  }
0x256: {  	s24 =	sld [smem:$0x7FC]  }
0x257: {  	s6 =	sld [smem:$0x7FD]  }
0x258: {  	s8 =	sld [smem:$0x7FB];
	_ =	sdelay $0x2  }
0x259: {  	[hbm:s8], [sflag:s24] =	dma.local [spmem:s6], $0x2780  }
0x25a: {  	_ =	swait.ge [sflag:s9], $0x2780  }
0x25b: {  	s5 =	sld [smem:$0x7F1]  }
0x25c: {  	s8 =	sld [smem:$0x7F3];
	_ =	sdelay $0x1  }
0x25d: {  	s7 =	sadd.s32 $0x1, s5  }
0x25e: {  	p0 =	sne.s32 s7, s8  }
.Ltmp1:
0x25f: {  	_ = 	snop;
	(pc) =	sbr.rel @p0 .LBB2_1-.Ltmp1, $3  }
0x260: {  	_ =	sdelay $0x1  }
0x261: {  	[sflag:s9] =	ssyncset.done $0x0  }
0x262: {  	[sflag:s9] =	ssyncadd.s32 $0xFFFFD880  }
0x263: {  	_ =	sfence.sel $0x180000  }
0x264: {  	[bflag:$0x0] =	sbarrier.arrive $0xFFFF  }
0x265: {  	_ =	strace $0x9000004A  }
0x266: {  	s0 =	stileid.u32;
	[bflag:$0x2] =	sbarrier.arrive $0xFFFF  }
0x267: {  	p0 =	sne.s32 s0, $0x0;
	s0 =	rddreg [dreg:$0x2]  }
0x268: {  	s0 =	sadd.s32 @!p0 $0x100000, s0  }
0x269: {  	[sflag:s0] =	ssyncadd.tile.s32 @!p0 $0x1;
	_ =	shalt  }
.Lfunc_end2:
_tile_overlayer_lowered:
.L_overlay_start_2:
0x26a: {  	(tag) =	ssettag $0x2  }
0x26b: {  	s0 =	rddreg [dreg:$0x0];
	s2 =	stileid.u32  }
0x26c: {  	s1 =	rddreg [dreg:$0x1];
	p0 =	sne.s32 s2, $0x0  }
0x26d: {  	s3 =	rddreg [dreg:$0x2];
	[bflag:$0x3] =	sbarrier.arrive $0xFFFF;
	s2 =	simm.s32 @!p0 $0x1C0B  }
0x26e: {  	[timem:s3], [sflag:s2] =	dma.local @!p0 [hbm:s0], s1  }
0x26f: {  	s0 =	simm.s32 @!p0 $0xB  }
0x270: {  	_ =	swait.ge @!p0 [sflag:s0], s1  }
0x271: {  	s1 =	ssub.s32 @!p0 $0x0, s1;
	[sflag:s0] =	ssyncset.done @!p0 $0x0  }
0x272: {  	[sflag:s0] =	ssyncadd.s32 @!p0 s1  }
0x273: {  	[bflag:$0x3] =	sbarrier.arrive $0xFFFF  }
0x274: {  	_ =	shalt  }

// kernel: kernel.14.cloned.1.call-start
scs
__scs_entry_jumppad:
0x0: {  	(pc) =	sbr.rel $0x88, $3  }
0x1: {  	(tag) =	ssettag $0x0;
	lr =	simm.s32 $0x1  }
0x2: {  	[smem:$0x3F93] =	sst lr;
	_ =	strace $0xD0000000  }
0x3: {  	_ = 	snop  }
0x4: {  	_ = 	snop  }
0x5: {  	_ = 	snop  }
0x6: {  	_ = 	snop  }
0x7: {  	_ = 	snop  }
__scs_overlays_trampoline_lowered:
0x8: {  	[smem:$0x3FA2] =	sst s0  }
0x9: {  	[smem:$0x3FA3] =	sst s1  }
0xa: {  	[smem:$0x3FA4] =	sst s2  }
0xb: {  	[smem:$0x3FA5] =	sst s3  }
0xc: {  	[smem:$0x3FA6] =	sst s4  }
0xd: {  	[smem:$0x3FA7] =	sst s5  }
0xe: {  	[smem:$0x3FA8] =	sst s6  }
0xf: {  	[smem:$0x3FA9] =	sst s7  }
0x10: {  	[smem:$0x3FAA] =	sst s8  }
0x11: {  	[smem:$0x3FAB] =	sst s9;
	s0 =	simm.s32 @!p0 $0x0  }
0x12: {  	s1 =	sld [smem:$0x3F91];
	s0 =	simm.s32 @p0 $0x1  }
0x13: {  	[smem:$0x3FAC] =	sst s0;
	s0 =	simm.s32 @!p1 $0x0  }
0x14: {  	s2 =	sld [smem:$0x3F90];
	s0 =	simm.s32 @p1 $0x1  }
0x15: {  	[smem:$0x3FAD] =	sst s0;
	s0 =	simm.s32 @!p2 $0x0  }
0x16: {  	s3 =	sld [smem:$0x3FDB];
	s0 =	simm.s32 @p2 $0x1  }
0x17: {  	s4 =	simm.s32 $0x1BF5;
	[smem:$0x3FAF] =	sst s0  }
0x18: {  	s0 =	sld [smem:$0x3F92];
	_ =	swait.ge [sflag:s4], $0x0  }
0x19: {  	s7 =	sld [smem:$0x3F93]  }
0x1a: {  	s8 =	sadd.s32 $0xFFFFE003, lr  }
0x1b: {  	s9 =	sadd.s32 $0xFFFFFEF7, lr;
	s5 =	simm.s32 $0xFFFFFFFF;
	p2 =	slt.u32 s8, $0xFFFFF086  }
0x1c: {  	p1 =	slt.u32 s9, $0xF7A;
	s5 =	simm.s32 @!p2 $0x0  }
0x1d: {  	s5 =	simm.s32 @p1 $0x1;
	p0 =	seq.s32 s7, s2  }
0x1e: {  	s7 =	smul.u32 @!p0 $0xF7A, s2;
	p2 =	seq.s32 @!p0 s5, $0x0  }
0x1f: {  	s9 =	smul.u32 $0xF7A, s1;
	s8 =	simm.s32 @!p0 $0x1BF5;
	p2 =	por !p2, p0  }
0x20: {  	[sflag:s8] =	ssyncset.s32 @!p0 $0xFFFFF086;
	s6 =	sadd.s32 @!p0 s3, s7;
	s7 =	simm.s32 @!p0 $0x108  }
0x21: {  	s3 =	sadd.s32 s3, s9;
	s6 =	sadd.s32 @!p0 $0x88, s6;
	s7 =	simm.s32 @p2 $0x1082  }
0x22: {  	[simem:s7], [sflag:s8] =	dma.local @!p0 [hbm:s6], $0xF7A  }
0x23: {  	s9 =	sor.u32 $0xD0000000, s2;
	s6 =	simm.s32 $0x108;
	_ =	swait.ge @!p0 [sflag:s8], $0x0  }
0x24: {  	s3 =	sadd.s32 $0x88, s3;
	s6 =	simm.s32 @!p1 $0x1082;
	[sflag:s4] =	ssyncset.s32 $0xFFFFF086  }
0x25: {  	[simem:s6], [sflag:s4] =	dma.local [hbm:s3], $0xF7A  }
0x26: {  	[smem:$0x3F93] =	sst s1;
	(tag) =	ssettag s2;
	_ =	strace s9  }
0x27: {  	s1 =	sld [smem:$0x3FA3]  }
0x28: {  	s2 =	sld [smem:$0x3FA4]  }
0x29: {  	s4 =	sld [smem:$0x3FA6]  }
0x2a: {  	p0 =	seq.s32 s5, $0x0;
	s5 =	sld [smem:$0x3FA7]  }
0x2b: {  	s6 =	sld [smem:$0x3FA8]  }
0x2c: {  	s7 =	sld [smem:$0x3FA9]  }
0x2d: {  	s3 =	simm.s32 $0x108;
	s8 =	sld [smem:$0x3FAA]  }
0x2e: {  	s3 =	simm.s32 @!p0 $0x1082;
	s9 =	sld [smem:$0x3FAB]  }
0x2f: {  	lr =	sadd.s32 s0, s3;
	s0 =	sld [smem:$0x3FA2]  }
0x30: {  	s3 =	sld [smem:$0x3FA5]  }
0x31: {  	[smem:$0x3FAE] =	sst s10  }
0x32: {  	s10 =	sld [smem:$0x3FAC];
	_ =	sdelay $0x3  }
0x33: {  	p0 =	seq.s32 s10, $0x1;
	s10 =	sld [smem:$0x3FAE];
	_ =	sdelay $0x3  }
0x34: {  	[smem:$0x3FAE] =	sst s10  }
0x35: {  	s10 =	sld [smem:$0x3FAD];
	_ =	sdelay $0x3  }
0x36: {  	p1 =	seq.s32 s10, $0x1;
	s10 =	sld [smem:$0x3FAE];
	_ =	sdelay $0x3  }
0x37: {  	[smem:$0x3FAE] =	sst s10  }
0x38: {  	s10 =	sld [smem:$0x3FAF]  }
0x39: {  	_ = 	snop;
	(pc) =	sbr.ind lr, $3  }
0x3a: {  	_ = 	snop  }
0x3b: {  	_ = 	snop  }
0x3c: {  	p2 =	seq.s32 s10, $0x1;
	s10 =	sld [smem:$0x3FAE]  }
0x3d: {  	_ =	shalt  }
0x3e: {  	_ =	shalt  }
0x3f: {  	_ =	shalt  }
0x40: {  	_ =	shalt  }
0x41: {  	_ =	shalt  }
0x42: {  	_ =	shalt  }
0x43: {  	_ =	shalt  }
0x44: {  	_ =	shalt  }
0x45: {  	_ =	shalt  }
0x46: {  	_ =	shalt  }
0x47: {  	_ =	shalt  }
0x48: {  	_ =	shalt  }
0x49: {  	_ =	shalt  }
0x4a: {  	_ =	shalt  }
0x4b: {  	_ =	shalt  }
0x4c: {  	_ =	shalt  }
0x4d: {  	_ =	shalt  }
0x4e: {  	_ =	shalt  }
0x4f: {  	_ =	shalt  }
0x50: {  	_ =	shalt  }
0x51: {  	_ =	shalt  }
0x52: {  	_ =	shalt  }
0x53: {  	_ =	shalt  }
0x54: {  	_ =	shalt  }
0x55: {  	_ =	shalt  }
0x56: {  	_ =	shalt  }
0x57: {  	_ =	shalt  }
0x58: {  	_ =	shalt  }
0x59: {  	_ =	shalt  }
0x5a: {  	_ =	shalt  }
0x5b: {  	_ =	shalt  }
0x5c: {  	_ =	shalt  }
0x5d: {  	_ =	shalt  }
0x5e: {  	_ =	shalt  }
0x5f: {  	_ =	shalt  }
0x60: {  	_ =	shalt  }
0x61: {  	_ =	shalt  }
0x62: {  	_ =	shalt  }
0x63: {  	_ =	shalt  }
0x64: {  	_ =	shalt  }
0x65: {  	_ =	shalt  }
0x66: {  	_ =	shalt  }
0x67: {  	_ =	shalt  }
0x68: {  	_ =	shalt  }
0x69: {  	_ =	shalt  }
0x6a: {  	_ =	shalt  }
0x6b: {  	_ =	shalt  }
0x6c: {  	_ =	shalt  }
0x6d: {  	_ =	shalt  }
0x6e: {  	_ =	shalt  }
0x6f: {  	_ =	shalt  }
0x70: {  	_ =	shalt  }
0x71: {  	_ =	shalt  }
0x72: {  	_ =	shalt  }
0x73: {  	_ =	shalt  }
0x74: {  	_ =	shalt  }
0x75: {  	_ =	shalt  }
0x76: {  	_ =	shalt  }
0x77: {  	_ =	shalt  }
0x78: {  	_ =	shalt  }
0x79: {  	_ =	shalt  }
0x7a: {  	_ =	shalt  }
0x7b: {  	_ =	shalt  }
0x7c: {  	_ =	shalt  }
0x7d: {  	_ =	shalt  }
0x7e: {  	_ =	shalt  }
0x7f: {  	_ =	shalt  }
0x80: {  	_ =	shalt  }
0x81: {  	_ =	shalt  }
0x82: {  	_ =	shalt  }
0x83: {  	_ =	shalt  }
0x84: {  	_ =	shalt  }
0x85: {  	_ =	shalt  }
0x86: {  	_ =	shalt  }
0x87: {  	_ =	shalt  }
.Lfunc_end0:
.L_simem_size_0:
called_computation.2_lowered:
.L_overlay_start_0:
0x88: {  	s2 =	sld [smem:$0x3FD9]  }
0x89: {  	s3 =	sld [smem:$0x3FFE];
	_ =	sdelay $0x1  }
0x8a: {  	s1 =	srdreg.scid  }
0x8b: {  	s0 =	sand.u32 $0x1, s1  }
0x8c: {  	s16 =	sshll.u32 s0, $0xA;
	s2 =	sadd.s32 s3, s2  }
0x8d: {  	s2 =	sadd.s32 s2, s16  }
0x8e: {  	[smem:$0x3FBA] =	sst s2  }
0x8f: {  	_ = 	snop  }
0x90: {  	(tm) =	ssettm $0x1  }
0x91: {  	s17 =	sld [smem:$0x3FFB];
	_ =	sdelay $0x3  }
0x92: {  	_ =	strace s17  }
0x93: {  	s2 =	sld [smem:$0x3FFC];
	_ =	sdelay $0x3  }
0x94: {  	_ =	strace s2  }
0x95: {  	s2 =	sld [smem:$0x3FFD];
	_ =	sdelay $0x3  }
0x96: {  	_ =	strace s2  }
0x97: {  	_ =	strace $0x8FFFFFFF  }
0x98: {  	s18 =	sld [smem:$0x3FDB];
	_ =	sdelay $0x1  }
0x99: {  	s19 =	simm.s32 $_scs_section_size  }
0x9a: {  	s4 =	simm.s32 $_size__tile_overlayer_lowered;
	s5 =	simm.s32 $_tile_overlayer_lowered  }
0x9b: {  	s22 =	simm.s32 $0x1BFF;
	s21 =	sshll.u32 s5, $0x1;
	s2 =	sadd.s32 s19, s18  }
0x9c: {  	s6 =	simm.s32 $0x0;
	s20 =	sshll.u32 s4, $0x1;
	s4 =	sadd.s32 s21, s2  }
0x9d: {  	[timem:s6], [sflag:s22] =	dma.local [hbm:s4], s20  }
0x9e: {  	_ =	swait.ge [sflag:s22], s20  }
0x9f: {  	s3 =	ssub.s32 $0x0, s20;
	[sflag:s22] =	ssyncset.done $0x0  }
0xa0: {  	[sflag:s22] =	ssyncadd.s32 s3;
	_ =	sdelay $0x1  }
0xa1: {  	s23 =	simm.s32 $0x1B8B  }
0xa2: {  	_ =	swait.ge [sflag:s23], $0x1  }
0xa3: {  	[sflag:s23] =	ssyncset.done $0x0  }
0xa4: {  	s25 =	simm.s32 $0x1B8E;
	s24 =	sld [smem:$0x3FFE];
	[sflag:s23] =	ssyncadd.s32 $0xFFFFFFFF  }
0xa5: {  	s26 =	simm.s32 $execute0_lowered;
	[smem:$0x3FD2] =	sst s25  }
0xa6: {  	s4 =	sshll.u32 s26, $0x1;
	_ =	strace $0x8000004C;
	[dreg:$0x1] =	wrdreg $0xFFFFFFFF  }
0xa7: {  	s28 =	simm.s32 $_size_execute0_lowered;
	s2 =	sadd.s32 s2, s4;
	[dreg:$0x0] =	wrdreg $0x0  }
0xa8: {  	s4 =	sshll.u32 s28, $0x1;
	[dreg:$0x2] =	wrdreg s2  }
0xa9: {  	[dreg:$0x3] =	wrdreg s4  }
0xaa: {  	[dreg:$0x4] =	wrdreg $0xC0  }
0xab: {  	_ =	task [dreg:s6], $0x5FFFF  }
0xac: {  	[dreg:$0x1] =	wrdreg $0xFFFFFFFF  }
0xad: {  	[dreg:$0x0] =	wrdreg $0x60  }
0xae: {  	[dreg:$0x2] =	wrdreg s24  }
0xaf: {  	[dreg:$0x3] =	wrdreg $0x0  }
0xb0: {  	[dreg:$0x4] =	wrdreg $0x9  }
0xb1: {  	_ =	task.clear_ibuf [dreg:s6], $0x5FFFF;
	_ =	strace $0x9000004C  }
0xb2: {  	s29 =	simm.s32 $0x9;
	_ =	strace $0x8000004E  }
0xb3: {  	_ =	swait.ge [sflag:s29], $0x1  }
0xb4: {  	[sflag:s29] =	ssyncadd.s32 $0xFFFFFFFF  }
0xb5: {  	_ =	strace $0x9000004E  }
0xb6: {  	_ =	sfence  }
0xb7: {  	s30 =	sld [smem:$0x0];
	_ =	sdelay $0x2  }
0xb8: {  	s31 =	sshll.u32 s1, $0xD;
	s1 =	sshrl.u32 s1, $0x2  }
0xb9: {  	s3 =	sand.u32 $0x4000, s31;
	s1 =	sadd.s32 s1, s30  }
0xba: {  	s0 =	sor.u32 s3, s0;
	s1 =	sshll.u32 s1, $0x11  }
0xbb: {  	s0 =	sor.u32 s1, s0  }
0xbc: {  	s0 =	sadd.s32 $0x8F2B, s0  }
0xbd: {  	[sflag:s0] =	ssyncadd.remote.s32 $0x1  }
0xbe: {  	_ =	sfence.sel $0xFFFF  }
0xbf: {  	[dreg:$0x0] =	wrdreg $0xFFFFFFFF;
	(pc) =	sbr.abs _section_cstart, $3  }
0xc0: {  	[dreg:$0x1] =	wrdreg $0xFFFFFFFF  }
0xc1: {  	_ =	task.clear_ibuf [dreg:s6], $0x2FFFF;
	_ =	strace $0x9FFFFFFF  }
0xc2: {  	(tm) =	ssettm $0x7FFFFFFF  }
0xc3: {  	_ =	shalt  }
tec
execute0_lowered:
.L_overlay_start_1:
0x0: {  	(tag) =	ssettag $0x1  }
0x1: {  	s0 =	srdreg.scid;
	s8 =	stileid.u32  }
0x2: {  	s0 =	sand.u32 $0x1, s0;
	s3 =	smul.u32 $0xC000, s8  }
0x3: {  	s1 =	smul.u32 $0xC0000, s0  }
0x4: {  	s5 =	rddreg [dreg:$0x0]  }
0x5: {  	s2 =	rddreg [dreg:$0x1];
	s1 =	sadd.s32 s3, s1;
	s3 =	simm.s32 $0x0  }
0x6: {  	s25 =	simm.s32 $0x13C80;
	[smem:$0x7FF] =	sst s3  }
0x7: {  	s26 =	simm.s32 $0x13D00;
	_ =	strace $0x8000004D;
	[dreg:$0x5] =	wrdreg s25  }
0x8: {  	s6 =	simm.s32 $0x13E00;
	[dreg:$0x6] =	wrdreg s26  }
0x9: {  	s7 =	simm.s32 $0x13E80;
	[dreg:$0x8] =	wrdreg s6  }
0xa: {  	s9 =	simm.s32 $0x14880;
	[dreg:$0x9] =	wrdreg s7  }
0xb: {  	s10 =	simm.s32 $0x13F00;
	[dreg:$0xa] =	wrdreg s9  }
0xc: {  	s11 =	simm.s32 $0x14900;
	[dreg:$0xb] =	wrdreg s10  }
0xd: {  	s12 =	simm.s32 $0x13F80;
	[dreg:$0xc] =	wrdreg s11  }
0xe: {  	s14 =	simm.s32 $0x14980;
	s16 =	simm.s32 $0x14000;
	[dreg:$0xd] =	wrdreg s12  }
0xf: {  	s17 =	simm.s32 $0x14A00;
	s19 =	simm.s32 $0x14080;
	[dreg:$0xe] =	wrdreg s14  }
0x10: {  	s20 =	simm.s32 $0x14A80;
	s22 =	simm.s32 $0x14100;
	[dreg:$0xf] =	wrdreg s16  }
0x11: {  	s23 =	simm.s32 $0x14B00;
	s28 =	simm.s32 $0x5;
	[dreg:$0x10] =	wrdreg s17  }
0x12: {  	s29 =	simm.s32 $0xA;
	s30 =	simm.s32 $0x15000;
	[dreg:$0x11] =	wrdreg s19  }
0x13: {  	s15 =	smul.u32 $0x4F000, s8;
	s21 =	sshll.u32 s8, $0x6;
	[dreg:$0x12] =	wrdreg s20  }
0x14: {  	s31 =	simm.s32 $0x15080;
	s24 =	sor.u32 $0x1C0B, s21;
	[dreg:$0x13] =	wrdreg s22  }
0x15: {  	s18 =	sshrl.u32 s15, $0x2;
	s15 =	simm.s32 $0x14380;
	[dreg:$0x14] =	wrdreg s23  }
0x16: {  	s21 =	simm.s32 $0x14500;
	s1 =	sshrl.u32 s1, $0x3;
	[dreg:$0x1d] =	wrdreg s15  }
0x17: {  	s1 =	sadd.s32 s1, s5;
	s6 =	smul.u32 $0x27800, s0;
	[smem:$0x7F7] =	sst s21  }
0x18: {  	s7 =	sadd.s32 $0x63A00, s5;
	s0 =	ssub.s32 $0x2, s0;
	[smem:$0x7FC] =	sst s24  }
0x19: {  	s25 =	simm.s32 $0x14180;
	s26 =	smul.u32 $0x2780, s8;
	[smem:$0x7F2] =	sst s7  }
0x1a: {  	s8 =	simm.s32 $0x14B80;
	s9 =	simm.s32 $0x14200;
	[dreg:$0x15] =	wrdreg s25  }
0x1b: {  	s10 =	simm.s32 $0x14C00;
	s11 =	simm.s32 $0x14280;
	[dreg:$0x16] =	wrdreg s8  }
0x1c: {  	s12 =	simm.s32 $0x14C80;
	s14 =	simm.s32 $0x14D00;
	[dreg:$0x17] =	wrdreg s9  }
0x1d: {  	s16 =	simm.s32 $0x14D80;
	s15 =	simm.s32 $0x19400;
	[dreg:$0x18] =	wrdreg s10  }
0x1e: {  	s17 =	simm.s32 $0x14400;
	s19 =	simm.s32 $0x14480;
	[dreg:$0x19] =	wrdreg s11  }
0x1f: {  	s20 =	simm.s32 $0x14E80;
	s22 =	simm.s32 $0x14F00;
	[dreg:$0x1a] =	wrdreg s12  }
0x20: {  	s21 =	simm.s32 $0x7;
	s23 =	simm.s32 $0x14580;
	[dreg:$0x1c] =	wrdreg s14  }
0x21: {  	s4 =	sadd.s32 $0x3A00, s1;
	s1 =	sadd.s32 $0x33A00, s1;
	[dreg:$0x1e] =	wrdreg s16  }
0x22: {  	s13 =	sshrl.u32 s0, $0x1;
	s9 =	simm.s32 $0xB;
	[dreg:$0x1f] =	wrdreg s17  }
0x23: {  	s10 =	simm.s32 $0x13C00;
	s11 =	simm.s32 $0x14800;
	[smem:$0x7F5] =	sst s19  }
0x24: {  	s12 =	simm.s32 $0x40;
	s14 =	simm.s32 $0x17400;
	[smem:$0x7F6] =	sst s20  }
0x25: {  	s16 =	simm.s32 $0x1B400;
	s17 =	simm.s32 $0x1D400;
	[smem:$0x7F8] =	sst s22  }
0x26: {  	s19 =	simm.s32 $0x6;
	s20 =	simm.s32 $0x2;
	[smem:$0x7F9] =	sst s23  }
0x27: {  	s22 =	simm.s32 $0x3;
	s25 =	simm.s32 $0x14F80;
	[dreg:$0x3] =	wrdreg s4  }
0x28: {  	s23 =	simm.s32 $0x8;
	s7 =	simm.s32 $0x0;
	[dreg:$0x4] =	wrdreg s1  }
0x29: {  	s4 =	simm.s32 $0x13D80;
	s0 =	ssub.s32 s0, s13;
	s13 =	simm.s32 $0x14300  }
0x2a: {  	[smem:$0x7FA] =	sst s25;
	s25 =	simm.s32 $0x4;
	s1 =	simm.s32 $0x15100  }
0x2b: {  	[dreg:$0x7] =	wrdreg s4;
	s4 =	sadd.s32 $0xB5200, s5;
	s5 =	sadd.s32 s6, s5  }
0x2c: {  	s6 =	sadd.s32 s18, s2;
	s0 =	smax.u32 s0, $0x1;
	[dreg:$0x1b] =	wrdreg s13  }
0x2d: {  	s13 =	simm.s32 $0x15400;
	s18 =	simm.s32 $0x14E00;
	[smem:$0x7F3] =	sst s0  }
0x2e: {  	s5 =	sadd.s32 $0x104200, s5;
	s6 =	sshrl.u32 s6, $0x3;
	[smem:$0x7F4] =	sst s18  }
0x2f: {  	s18 =	simm.s32 $0x1;
	s26 =	sadd.s32 s26, s5;
	[smem:$0x7FD] =	sst s6  }
0x30: {  	s0 =	simm.s32 $0x15180;
	[smem:$0x7FB] =	sst s26;
	s26 =	simm.s32 $0x9  }
.LBB2_1:
0x31: {  	s5 =	sld [smem:$0x7F2];
	_ =	sdelay $0x1  }
0x32: {  	[smem:$0x7F1] =	sst s7  }
0x33: {  	[spmem:s6], [sflag:s24] =	dma.local [hbm:s5], $0x2780  }
0x34: {  	_ =	swait.ge [sflag:s9], $0x2780  }
0x35: {  	[sflag:s9] =	ssyncset.done $0x0  }
0x36: {  	[sflag:s9] =	ssyncadd.s32 $0xFFFFD880  }
0x37: {  	[bflag:$0x0] =	sbarrier.arrive $0xFFFF  }
0x38: {  	s24 =	rddreg [dreg:$0x4]  }
0x39: {  	s6 =	sadd.s32 $0x0, s24  }
0x3a: {  	[tilespmem:s10], [sflag:$0xB] =	stream.linear.gather [hbm4b:s6+s3], $0xA00, $0x38;
	[tilespmem:$0x1F400] =	vst v63  }
0x3b: {  	_ =	swait.ge [sflag:s9], $0xA00  }
0x3c: {  	s5 =	rddreg [dreg:$0x3];
	[sflag:s9] =	ssyncset.done $0x0  }
0x3d: {  	[sflag:s9] =	ssyncadd.s32 $0xFFFFF600;
	s6 =	sadd.s32 $0x0, s5  }
0x3e: {  	[tilespmem:s11], [sflag:$0xB] =	stream.linear.gather [hbm4b:s6+s3], $0xA00, $0x38;
	[tilespmem:$0x1F400] =	vst v63  }
0x3f: {  	_ =	swait.ge [sflag:s9], $0xA00  }
0x40: {  	[sflag:s9] =	ssyncset.done $0x0  }
0x41: {  	[sflag:s9] =	ssyncadd.s32 $0xFFFFF600  }
0x42: {  	[tilespmem:s13], [sflag:$0x1] =	stream.indirect.gather [hbm4b:s4+s12], $0x80, s10, s12, $0xb8;
	[tilespmem:$0x1F400] =	vst v63  }
0x43: {  	s7 =	rddreg [dreg:$0x5]  }
0x44: {  	[tilespmem:s14], [sflag:$0x2] =	stream.indirect.gather [hbm4b:s4+s12], $0x80, s7, s12, $0xb8;
	[tilespmem:$0x1F400] =	vst v63  }
0x45: {  	p0 =	por $0x1, $0x1;
	s8 =	rddreg [dreg:$0x6]  }
0x46: {  	[tilespmem:s15], [sflag:$0x3] =	stream.indirect.gather [hbm4b:s4+s12], $0x80, s8, s12, $0xb8;
	[tilespmem:$0x1F400] =	vst v63  }
0x47: {  	s6 =	simm.s32 @!p0 $0xA;
	s24 =	rddreg [dreg:$0x7]  }
0x48: {  	[tilespmem:s16], [sflag:$0x4] =	stream.indirect.gather [hbm4b:s4+s12], $0x80, s24, s12, $0xb8;
	[tilespmem:$0x1F400] =	vst v63  }
0x49: {  	_ =	swait.ge @!p0 [sflag:s6], $0x2000  }
0x4a: {  	[sflag:s6] =	ssyncset.done @!p0 $0x0  }
0x4b: {  	s5 =	rddreg [dreg:$0x8];
	[sflag:s6] =	ssyncadd.s32 @!p0 $0xFFFFE000  }
0x4c: {  	[tilespmem:s17], [sflag:$0x5] =	stream.indirect.gather [hbm4b:s4+s12], $0x80, s5, s12, $0xb8;
	[tilespmem:$0x1F400] =	vst v63  }
0x4d: {  	_ =	swait.ge [sflag:s18], $0x2000  }
0x4e: {  	[sflag:s18] =	ssyncset.done $0x0  }
0x4f: {  	[sflag:s18] =	ssyncadd.s32 $0xFFFFE000  }
0x50: {  	[spmem:s2] =	stream.indirect.scatter.add.f32 [tilespmem:s13], [sflag:$0x6], $0x80, s11, s12, $0xb8;
	[tilespmem:$0x1F400] =	vst v63  }
0x51: {  	_ =	swait.ge [sflag:s19], $0x2000  }
0x52: {  	[sflag:s19] =	ssyncset.done $0x0  }
0x53: {  	s8 =	rddreg [dreg:$0x9];
	[sflag:s19] =	ssyncadd.s32 $0xFFFFE000  }
0x54: {  	[tilespmem:s13], [sflag:$0x1] =	stream.indirect.gather [hbm4b:s4+s12], $0x80, s8, s12, $0xb8;
	[tilespmem:$0x1F400] =	vst v63  }
0x55: {  	_ =	swait.ge [sflag:s20], $0x2000  }
0x56: {  	[sflag:s20] =	ssyncset.done $0x0  }
0x57: {  	s24 =	rddreg [dreg:$0xa];
	[sflag:s20] =	ssyncadd.s32 $0xFFFFE000  }
0x58: {  	[spmem:s2] =	stream.indirect.scatter.add.f32 [tilespmem:s14], [sflag:$0x7], $0x80, s24, s12, $0xb8;
	[tilespmem:$0x1F400] =	vst v63  }
0x59: {  	_ =	swait.ge [sflag:s21], $0x2000  }
0x5a: {  	[sflag:s21] =	ssyncset.done $0x0  }
0x5b: {  	s5 =	rddreg [dreg:$0xb];
	[sflag:s21] =	ssyncadd.s32 $0xFFFFE000  }
0x5c: {  	[tilespmem:s14], [sflag:$0x2] =	stream.indirect.gather [hbm4b:s4+s12], $0x80, s5, s12, $0xb8;
	[tilespmem:$0x1F400] =	vst v63  }
0x5d: {  	_ =	swait.ge [sflag:s22], $0x2000  }
0x5e: {  	[sflag:s22] =	ssyncset.done $0x0  }
0x5f: {  	s7 =	rddreg [dreg:$0xc];
	[sflag:s22] =	ssyncadd.s32 $0xFFFFE000  }
0x60: {  	[spmem:s2] =	stream.indirect.scatter.add.f32 [tilespmem:s15], [sflag:$0x8], $0x80, s7, s12, $0xb8;
	[tilespmem:$0x1F400] =	vst v63  }
0x61: {  	_ =	swait.ge [sflag:s23], $0x2000  }
0x62: {  	[sflag:s23] =	ssyncset.done $0x0  }
0x63: {  	s8 =	rddreg [dreg:$0xd];
	[sflag:s23] =	ssyncadd.s32 $0xFFFFE000  }
0x64: {  	[tilespmem:s15], [sflag:$0x3] =	stream.indirect.gather [hbm4b:s4+s12], $0x80, s8, s12, $0xb8;
	[tilespmem:$0x1F400] =	vst v63  }
0x65: {  	_ =	swait.ge [sflag:s25], $0x2000  }
0x66: {  	[sflag:s25] =	ssyncset.done $0x0  }
0x67: {  	s24 =	rddreg [dreg:$0xe];
	[sflag:s25] =	ssyncadd.s32 $0xFFFFE000  }
0x68: {  	[spmem:s2] =	stream.indirect.scatter.add.f32 [tilespmem:s16], [sflag:$0x9], $0x80, s24, s12, $0xb8;
	[tilespmem:$0x1F400] =	vst v63  }
0x69: {  	_ =	swait.ge [sflag:s26], $0x2000  }
0x6a: {  	[sflag:s26] =	ssyncset.done $0x0  }
0x6b: {  	s5 =	rddreg [dreg:$0xf];
	[sflag:s26] =	ssyncadd.s32 $0xFFFFE000  }
0x6c: {  	[tilespmem:s16], [sflag:$0x4] =	stream.indirect.gather [hbm4b:s4+s12], $0x80, s5, s12, $0xb8;
	[tilespmem:$0x1F400] =	vst v63  }
0x6d: {  	_ =	swait.ge [sflag:s28], $0x2000  }
0x6e: {  	[sflag:s28] =	ssyncset.done $0x0  }
0x6f: {  	s7 =	rddreg [dreg:$0x10];
	[sflag:s28] =	ssyncadd.s32 $0xFFFFE000  }
0x70: {  	[spmem:s2] =	stream.indirect.scatter.add.f32 [tilespmem:s17], [sflag:$0xA], $0x80, s7, s12, $0xb8;
	[tilespmem:$0x1F400] =	vst v63  }
0x71: {  	_ =	swait.ge [sflag:s29], $0x2000  }
0x72: {  	[sflag:s29] =	ssyncset.done $0x0  }
0x73: {  	s8 =	rddreg [dreg:$0x11];
	[sflag:s29] =	ssyncadd.s32 $0xFFFFE000  }
0x74: {  	[tilespmem:s17], [sflag:$0x5] =	stream.indirect.gather [hbm4b:s4+s12], $0x80, s8, s12, $0xb8;
	[tilespmem:$0x1F400] =	vst v63  }
0x75: {  	_ =	swait.ge [sflag:s18], $0x2000  }
0x76: {  	[sflag:s18] =	ssyncset.done $0x0  }
0x77: {  	s24 =	rddreg [dreg:$0x12];
	[sflag:s18] =	ssyncadd.s32 $0xFFFFE000  }
0x78: {  	[spmem:s2] =	stream.indirect.scatter.add.f32 [tilespmem:s13], [sflag:$0x6], $0x80, s24, s12, $0xb8;
	[tilespmem:$0x1F400] =	vst v63  }
0x79: {  	_ =	swait.ge [sflag:s19], $0x2000  }
0x7a: {  	[sflag:s19] =	ssyncset.done $0x0  }
0x7b: {  	s5 =	rddreg [dreg:$0x13];
	[sflag:s19] =	ssyncadd.s32 $0xFFFFE000  }
0x7c: {  	[tilespmem:s13], [sflag:$0x1] =	stream.indirect.gather [hbm4b:s4+s12], $0x80, s5, s12, $0xb8;
	[tilespmem:$0x1F400] =	vst v63  }
0x7d: {  	_ =	swait.ge [sflag:s20], $0x2000  }
0x7e: {  	[sflag:s20] =	ssyncset.done $0x0  }
0x7f: {  	s7 =	rddreg [dreg:$0x14];
	[sflag:s20] =	ssyncadd.s32 $0xFFFFE000  }
0x80: {  	[spmem:s2] =	stream.indirect.scatter.add.f32 [tilespmem:s14], [sflag:$0x7], $0x80, s7, s12, $0xb8;
	[tilespmem:$0x1F400] =	vst v63  }
0x81: {  	_ =	swait.ge [sflag:s21], $0x2000  }
0x82: {  	[sflag:s21] =	ssyncset.done $0x0  }
0x83: {  	s8 =	rddreg [dreg:$0x15];
	[sflag:s21] =	ssyncadd.s32 $0xFFFFE000  }
0x84: {  	[tilespmem:s14], [sflag:$0x2] =	stream.indirect.gather [hbm4b:s4+s12], $0x80, s8, s12, $0xb8;
	[tilespmem:$0x1F400] =	vst v63  }
0x85: {  	_ =	swait.ge [sflag:s22], $0x2000  }
0x86: {  	[sflag:s22] =	ssyncset.done $0x0  }
0x87: {  	s24 =	rddreg [dreg:$0x16];
	[sflag:s22] =	ssyncadd.s32 $0xFFFFE000  }
0x88: {  	[spmem:s2] =	stream.indirect.scatter.add.f32 [tilespmem:s15], [sflag:$0x8], $0x80, s24, s12, $0xb8;
	[tilespmem:$0x1F400] =	vst v63  }
0x89: {  	_ =	swait.ge [sflag:s23], $0x2000  }
0x8a: {  	[sflag:s23] =	ssyncset.done $0x0  }
0x8b: {  	s5 =	rddreg [dreg:$0x17];
	[sflag:s23] =	ssyncadd.s32 $0xFFFFE000  }
0x8c: {  	[tilespmem:s15], [sflag:$0x3] =	stream.indirect.gather [hbm4b:s4+s12], $0x80, s5, s12, $0xb8;
	[tilespmem:$0x1F400] =	vst v63  }
0x8d: {  	_ =	swait.ge [sflag:s25], $0x2000  }
0x8e: {  	[sflag:s25] =	ssyncset.done $0x0  }
0x8f: {  	s7 =	rddreg [dreg:$0x18];
	[sflag:s25] =	ssyncadd.s32 $0xFFFFE000  }
0x90: {  	[spmem:s2] =	stream.indirect.scatter.add.f32 [tilespmem:s16], [sflag:$0x9], $0x80, s7, s12, $0xb8;
	[tilespmem:$0x1F400] =	vst v63  }
0x91: {  	_ =	swait.ge [sflag:s26], $0x2000  }
0x92: {  	[sflag:s26] =	ssyncset.done $0x0  }
0x93: {  	s8 =	rddreg [dreg:$0x19];
	[sflag:s26] =	ssyncadd.s32 $0xFFFFE000  }
0x94: {  	[tilespmem:s16], [sflag:$0x4] =	stream.indirect.gather [hbm4b:s4+s12], $0x80, s8, s12, $0xb8;
	[tilespmem:$0x1F400] =	vst v63  }
0x95: {  	_ =	swait.ge [sflag:s28], $0x2000  }
0x96: {  	[sflag:s28] =	ssyncset.done $0x0  }
0x97: {  	s24 =	rddreg [dreg:$0x1a];
	[sflag:s28] =	ssyncadd.s32 $0xFFFFE000  }
0x98: {  	[spmem:s2] =	stream.indirect.scatter.add.f32 [tilespmem:s17], [sflag:$0xA], $0x80, s24, s12, $0xb8;
	[tilespmem:$0x1F400] =	vst v63  }
0x99: {  	_ =	swait.ge [sflag:s29], $0x2000  }
0x9a: {  	[sflag:s29] =	ssyncset.done $0x0  }
0x9b: {  	s5 =	rddreg [dreg:$0x1b];
	[sflag:s29] =	ssyncadd.s32 $0xFFFFE000  }
0x9c: {  	[tilespmem:s17], [sflag:$0x5] =	stream.indirect.gather [hbm4b:s4+s12], $0x80, s5, s12, $0xb8;
	[tilespmem:$0x1F400] =	vst v63  }
0x9d: {  	_ =	swait.ge [sflag:s18], $0x2000  }
0x9e: {  	[sflag:s18] =	ssyncset.done $0x0  }
0x9f: {  	s7 =	rddreg [dreg:$0x1c];
	[sflag:s18] =	ssyncadd.s32 $0xFFFFE000  }
0xa0: {  	[spmem:s2] =	stream.indirect.scatter.add.f32 [tilespmem:s13], [sflag:$0x6], $0x80, s7, s12, $0xb8;
	[tilespmem:$0x1F400] =	vst v63  }
0xa1: {  	_ =	swait.ge [sflag:s19], $0x2000  }
0xa2: {  	[sflag:s19] =	ssyncset.done $0x0  }
0xa3: {  	s8 =	rddreg [dreg:$0x1d];
	[sflag:s19] =	ssyncadd.s32 $0xFFFFE000  }
0xa4: {  	[tilespmem:s13], [sflag:$0x1] =	stream.indirect.gather [hbm4b:s4+s12], $0x80, s8, s12, $0xb8;
	[tilespmem:$0x1F400] =	vst v63  }
0xa5: {  	_ =	swait.ge [sflag:s20], $0x2000  }
0xa6: {  	[sflag:s20] =	ssyncset.done $0x0  }
0xa7: {  	s24 =	rddreg [dreg:$0x1e];
	[sflag:s20] =	ssyncadd.s32 $0xFFFFE000  }
0xa8: {  	[spmem:s2] =	stream.indirect.scatter.add.f32 [tilespmem:s14], [sflag:$0x7], $0x80, s24, s12, $0xb8;
	[tilespmem:$0x1F400] =	vst v63  }
0xa9: {  	_ =	swait.ge [sflag:s21], $0x2000  }
0xaa: {  	[sflag:s21] =	ssyncset.done $0x0  }
0xab: {  	s5 =	rddreg [dreg:$0x1f];
	[sflag:s21] =	ssyncadd.s32 $0xFFFFE000  }
0xac: {  	[tilespmem:s14], [sflag:$0x2] =	stream.indirect.gather [hbm4b:s4+s12], $0x80, s5, s12, $0xb8;
	[tilespmem:$0x1F400] =	vst v63  }
0xad: {  	_ =	swait.ge [sflag:s22], $0x2000  }
0xae: {  	s7 =	sld [smem:$0x7F4]  }
0xaf: {  	[sflag:s22] =	ssyncset.done $0x0  }
0xb0: {  	[sflag:s22] =	ssyncadd.s32 $0xFFFFE000  }
0xb1: {  	[spmem:s2] =	stream.indirect.scatter.add.f32 [tilespmem:s15], [sflag:$0x8], $0x80, s7, s12, $0xb8;
	[tilespmem:$0x1F400] =	vst v63  }
0xb2: {  	_ =	swait.ge [sflag:s23], $0x2000  }
0xb3: {  	s8 =	sld [smem:$0x7F5]  }
0xb4: {  	[sflag:s23] =	ssyncset.done $0x0  }
0xb5: {  	[sflag:s23] =	ssyncadd.s32 $0xFFFFE000  }
0xb6: {  	[tilespmem:s15], [sflag:$0x3] =	stream.indirect.gather [hbm4b:s4+s12], $0x80, s8, s12, $0xb8;
	[tilespmem:$0x1F400] =	vst v63  }
0xb7: {  	_ =	swait.ge [sflag:s25], $0x2000  }
0xb8: {  	s24 =	sld [smem:$0x7F6]  }
0xb9: {  	[sflag:s25] =	ssyncset.done $0x0  }
0xba: {  	[sflag:s25] =	ssyncadd.s32 $0xFFFFE000  }
0xbb: {  	[spmem:s2] =	stream.indirect.scatter.add.f32 [tilespmem:s16], [sflag:$0x9], $0x80, s24, s12, $0xb8;
	[tilespmem:$0x1F400] =	vst v63  }
0xbc: {  	_ =	swait.ge [sflag:s26], $0x2000  }
0xbd: {  	s5 =	sld [smem:$0x7F7]  }
0xbe: {  	[sflag:s26] =	ssyncset.done $0x0  }
0xbf: {  	[sflag:s26] =	ssyncadd.s32 $0xFFFFE000  }
0xc0: {  	[tilespmem:s16], [sflag:$0x4] =	stream.indirect.gather [hbm4b:s4+s12], $0x80, s5, s12, $0xb8;
	[tilespmem:$0x1F400] =	vst v63  }
0xc1: {  	_ =	swait.ge [sflag:s28], $0x2000  }
0xc2: {  	s7 =	sld [smem:$0x7F8]  }
0xc3: {  	[sflag:s28] =	ssyncset.done $0x0  }
0xc4: {  	[sflag:s28] =	ssyncadd.s32 $0xFFFFE000  }
0xc5: {  	[spmem:s2] =	stream.indirect.scatter.add.f32 [tilespmem:s17], [sflag:$0xA], $0x80, s7, s12, $0xb8;
	[tilespmem:$0x1F400] =	vst v63  }
0xc6: {  	_ =	swait.ge [sflag:s29], $0x2000  }
0xc7: {  	s8 =	sld [smem:$0x7F9]  }
0xc8: {  	[sflag:s29] =	ssyncset.done $0x0  }
0xc9: {  	[sflag:s29] =	ssyncadd.s32 $0xFFFFE000  }
0xca: {  	[tilespmem:s17], [sflag:$0x5] =	stream.indirect.gather [hbm4b:s4+s12], $0x80, s8, s12, $0xb8;
	[tilespmem:$0x1F400] =	vst v63  }
0xcb: {  	_ =	swait.ge [sflag:s18], $0x2000  }
0xcc: {  	s24 =	sld [smem:$0x7FA]  }
0xcd: {  	[sflag:s18] =	ssyncset.done $0x0  }
0xce: {  	[sflag:s18] =	ssyncadd.s32 $0xFFFFE000  }
0xcf: {  	[spmem:s2] =	stream.indirect.scatter.add.f32 [tilespmem:s13], [sflag:$0x6], $0x80, s24, s12, $0xb8;
	[tilespmem:$0x1F400] =	vst v63  }
0xd0: {  	_ =	swait.ge [sflag:s19], $0x2000  }
0xd1: {  	[sflag:s19] =	ssyncset.done $0x0  }
0xd2: {  	[sflag:s19] =	ssyncadd.s32 $0xFFFFE000  }
0xd3: {  	_ =	swait.ge [sflag:s20], $0x2000  }
0xd4: {  	[sflag:s20] =	ssyncset.done $0x0  }
0xd5: {  	[sflag:s20] =	ssyncadd.s32 $0xFFFFE000  }
0xd6: {  	[spmem:s2] =	stream.indirect.scatter.add.f32 [tilespmem:s14], [sflag:$0x7], $0x80, s30, s12, $0xb8;
	[tilespmem:$0x1F400] =	vst v63  }
0xd7: {  	_ =	swait.ge [sflag:s21], $0x2000  }
0xd8: {  	[sflag:s21] =	ssyncset.done $0x0  }
0xd9: {  	[sflag:s21] =	ssyncadd.s32 $0xFFFFE000  }
0xda: {  	_ =	swait.ge [sflag:s22], $0x2000  }
0xdb: {  	[sflag:s22] =	ssyncset.done $0x0  }
0xdc: {  	[sflag:s22] =	ssyncadd.s32 $0xFFFFE000  }
0xdd: {  	[spmem:s2] =	stream.indirect.scatter.add.f32 [tilespmem:s15], [sflag:$0x8], $0x80, s31, s12, $0xb8;
	[tilespmem:$0x1F400] =	vst v63  }
0xde: {  	_ =	swait.ge [sflag:s23], $0x2000  }
0xdf: {  	[sflag:s23] =	ssyncset.done $0x0  }
0xe0: {  	[sflag:s23] =	ssyncadd.s32 $0xFFFFE000  }
0xe1: {  	_ =	swait.ge [sflag:s25], $0x2000  }
0xe2: {  	[sflag:s25] =	ssyncset.done $0x0  }
0xe3: {  	[sflag:s25] =	ssyncadd.s32 $0xFFFFE000  }
0xe4: {  	[spmem:s2] =	stream.indirect.scatter.add.f32 [tilespmem:s16], [sflag:$0x9], $0x80, s1, s12, $0xb8;
	[tilespmem:$0x1F400] =	vst v63  }
0xe5: {  	_ =	swait.ge [sflag:s26], $0x2000  }
0xe6: {  	[sflag:s26] =	ssyncset.done $0x0  }
0xe7: {  	[sflag:s26] =	ssyncadd.s32 $0xFFFFE000  }
0xe8: {  	s7 =	simm.s32 $0x180;
	_ =	swait.ge [sflag:s28], $0x2000  }
0xe9: {  	s24 =	simm.s32 $0x300;
	s6 =	rddreg [dreg:$0x4];
	[sflag:s28] =	ssyncset.done $0x0  }
.LBB2_2:
0xea: {  	[sflag:s28] =	ssyncadd.s32 $0xFFFFE000  }
0xeb: {  	[spmem:s2] =	stream.indirect.scatter.add.f32 [tilespmem:s17], [sflag:$0xA], $0x80, s0, s12, $0xb8;
	[tilespmem:$0x1F400] =	vst v63  }
0xec: {  	s6 =	sadd.s32 s7, s6  }
0xed: {  	[tilespmem:s10], [sflag:$0xB] =	stream.linear.gather [hbm4b:s6+s3], $0xA00, $0x38;
	[tilespmem:$0x1F400] =	vst v63  }
0xee: {  	_ =	swait.ge [sflag:s9], $0xA00  }
0xef: {  	s5 =	rddreg [dreg:$0x3];
	[sflag:s9] =	ssyncset.done $0x0  }
0xf0: {  	[sflag:s9] =	ssyncadd.s32 $0xFFFFF600;
	s6 =	sadd.s32 s7, s5  }
0xf1: {  	[tilespmem:s11], [sflag:$0xB] =	stream.linear.gather [hbm4b:s6+s3], $0xA00, $0x38;
	[tilespmem:$0x1F400] =	vst v63  }
0xf2: {  	_ =	swait.ge [sflag:s9], $0xA00  }
0xf3: {  	[sflag:s9] =	ssyncset.done $0x0  }
0xf4: {  	[sflag:s9] =	ssyncadd.s32 $0xFFFFF600  }
0xf5: {  	[tilespmem:s13], [sflag:$0x1] =	stream.indirect.gather [hbm4b:s4+s12], $0x80, s10, s12, $0xb8;
	[tilespmem:$0x1F400] =	vst v63  }
0xf6: {  	s6 =	rddreg [dreg:$0x5]  }
0xf7: {  	[tilespmem:s14], [sflag:$0x2] =	stream.indirect.gather [hbm4b:s4+s12], $0x80, s6, s12, $0xb8;
	[tilespmem:$0x1F400] =	vst v63  }
0xf8: {  	p1 =	seq.s32 s7, $0x0;
	s5 =	rddreg [dreg:$0x6]  }
0xf9: {  	[tilespmem:s15], [sflag:$0x3] =	stream.indirect.gather [hbm4b:s4+s12], $0x80, s5, s12, $0xb8;
	[tilespmem:$0x1F400] =	vst v63  }
0xfa: {  	s6 =	rddreg [dreg:$0x7];
	s5 =	simm.s32 @!p1 $0xA  }
0xfb: {  	[tilespmem:s16], [sflag:$0x4] =	stream.indirect.gather [hbm4b:s4+s12], $0x80, s6, s12, $0xb8;
	[tilespmem:$0x1F400] =	vst v63  }
0xfc: {  	_ =	swait.ge @!p1 [sflag:s5], $0x2000  }
0xfd: {  	s8 =	smov.u32 s24;
	[sflag:s5] =	ssyncset.done @!p1 $0x0  }
0xfe: {  	s7 =	smov.u32 s8;
	s8 =	rddreg [dreg:$0x8];
	[sflag:s5] =	ssyncadd.s32 @!p1 $0xFFFFE000  }
0xff: {  	[tilespmem:s17], [sflag:$0x5] =	stream.indirect.gather [hbm4b:s4+s12], $0x80, s8, s12, $0xb8;
	[tilespmem:$0x1F400] =	vst v63  }
0x100: {  	_ =	swait.ge [sflag:s18], $0x2000  }
0x101: {  	[sflag:s18] =	ssyncset.done $0x0  }
0x102: {  	[sflag:s18] =	ssyncadd.s32 $0xFFFFE000  }
0x103: {  	[spmem:s2] =	stream.indirect.scatter.add.f32 [tilespmem:s13], [sflag:$0x6], $0x80, s11, s12, $0xb8;
	[tilespmem:$0x1F400] =	vst v63  }
0x104: {  	_ =	swait.ge [sflag:s19], $0x2000  }
0x105: {  	[sflag:s19] =	ssyncset.done $0x0  }
0x106: {  	s6 =	rddreg [dreg:$0x9];
	[sflag:s19] =	ssyncadd.s32 $0xFFFFE000  }
0x107: {  	[tilespmem:s13], [sflag:$0x1] =	stream.indirect.gather [hbm4b:s4+s12], $0x80, s6, s12, $0xb8;
	[tilespmem:$0x1F400] =	vst v63  }
0x108: {  	_ =	swait.ge [sflag:s20], $0x2000  }
0x109: {  	[sflag:s20] =	ssyncset.done $0x0  }
0x10a: {  	s8 =	rddreg [dreg:$0xa];
	[sflag:s20] =	ssyncadd.s32 $0xFFFFE000  }
0x10b: {  	[spmem:s2] =	stream.indirect.scatter.add.f32 [tilespmem:s14], [sflag:$0x7], $0x80, s8, s12, $0xb8;
	[tilespmem:$0x1F400] =	vst v63  }
0x10c: {  	_ =	swait.ge [sflag:s21], $0x2000  }
0x10d: {  	[sflag:s21] =	ssyncset.done $0x0  }
0x10e: {  	s6 =	rddreg [dreg:$0xb];
	[sflag:s21] =	ssyncadd.s32 $0xFFFFE000  }
0x10f: {  	[tilespmem:s14], [sflag:$0x2] =	stream.indirect.gather [hbm4b:s4+s12], $0x80, s6, s12, $0xb8;
	[tilespmem:$0x1F400] =	vst v63  }
0x110: {  	_ =	swait.ge [sflag:s22], $0x2000  }
0x111: {  	[sflag:s22] =	ssyncset.done $0x0  }
0x112: {  	s8 =	rddreg [dreg:$0xc];
	[sflag:s22] =	ssyncadd.s32 $0xFFFFE000  }
0x113: {  	[spmem:s2] =	stream.indirect.scatter.add.f32 [tilespmem:s15], [sflag:$0x8], $0x80, s8, s12, $0xb8;
	[tilespmem:$0x1F400] =	vst v63  }
0x114: {  	_ =	swait.ge [sflag:s23], $0x2000  }
0x115: {  	[sflag:s23] =	ssyncset.done $0x0  }
0x116: {  	s6 =	rddreg [dreg:$0xd];
	[sflag:s23] =	ssyncadd.s32 $0xFFFFE000  }
0x117: {  	[tilespmem:s15], [sflag:$0x3] =	stream.indirect.gather [hbm4b:s4+s12], $0x80, s6, s12, $0xb8;
	[tilespmem:$0x1F400] =	vst v63  }
0x118: {  	_ =	swait.ge [sflag:s25], $0x2000  }
0x119: {  	[sflag:s25] =	ssyncset.done $0x0  }
0x11a: {  	s8 =	rddreg [dreg:$0xe];
	[sflag:s25] =	ssyncadd.s32 $0xFFFFE000  }
0x11b: {  	[spmem:s2] =	stream.indirect.scatter.add.f32 [tilespmem:s16], [sflag:$0x9], $0x80, s8, s12, $0xb8;
	[tilespmem:$0x1F400] =	vst v63  }
0x11c: {  	_ =	swait.ge [sflag:s26], $0x2000  }
0x11d: {  	[sflag:s26] =	ssyncset.done $0x0  }
0x11e: {  	s6 =	rddreg [dreg:$0xf];
	[sflag:s26] =	ssyncadd.s32 $0xFFFFE000  }
0x11f: {  	[tilespmem:s16], [sflag:$0x4] =	stream.indirect.gather [hbm4b:s4+s12], $0x80, s6, s12, $0xb8;
	[tilespmem:$0x1F400] =	vst v63  }
0x120: {  	_ =	swait.ge [sflag:s28], $0x2000  }
0x121: {  	[sflag:s28] =	ssyncset.done $0x0  }
0x122: {  	s8 =	rddreg [dreg:$0x10];
	[sflag:s28] =	ssyncadd.s32 $0xFFFFE000  }
0x123: {  	[spmem:s2] =	stream.indirect.scatter.add.f32 [tilespmem:s17], [sflag:$0xA], $0x80, s8, s12, $0xb8;
	[tilespmem:$0x1F400] =	vst v63  }
0x124: {  	_ =	swait.ge [sflag:s29], $0x2000  }
0x125: {  	[sflag:s29] =	ssyncset.done $0x0  }
0x126: {  	s6 =	rddreg [dreg:$0x11];
	[sflag:s29] =	ssyncadd.s32 $0xFFFFE000  }
0x127: {  	[tilespmem:s17], [sflag:$0x5] =	stream.indirect.gather [hbm4b:s4+s12], $0x80, s6, s12, $0xb8;
	[tilespmem:$0x1F400] =	vst v63  }
0x128: {  	_ =	swait.ge [sflag:s18], $0x2000  }
0x129: {  	[sflag:s18] =	ssyncset.done $0x0  }
0x12a: {  	s8 =	rddreg [dreg:$0x12];
	[sflag:s18] =	ssyncadd.s32 $0xFFFFE000  }
0x12b: {  	[spmem:s2] =	stream.indirect.scatter.add.f32 [tilespmem:s13], [sflag:$0x6], $0x80, s8, s12, $0xb8;
	[tilespmem:$0x1F400] =	vst v63  }
0x12c: {  	_ =	swait.ge [sflag:s19], $0x2000  }
0x12d: {  	[sflag:s19] =	ssyncset.done $0x0  }
0x12e: {  	s6 =	rddreg [dreg:$0x13];
	[sflag:s19] =	ssyncadd.s32 $0xFFFFE000  }
0x12f: {  	[tilespmem:s13], [sflag:$0x1] =	stream.indirect.gather [hbm4b:s4+s12], $0x80, s6, s12, $0xb8;
	[tilespmem:$0x1F400] =	vst v63  }
0x130: {  	_ =	swait.ge [sflag:s20], $0x2000  }
0x131: {  	[sflag:s20] =	ssyncset.done $0x0  }
0x132: {  	s8 =	rddreg [dreg:$0x14];
	[sflag:s20] =	ssyncadd.s32 $0xFFFFE000  }
0x133: {  	[spmem:s2] =	stream.indirect.scatter.add.f32 [tilespmem:s14], [sflag:$0x7], $0x80, s8, s12, $0xb8;
	[tilespmem:$0x1F400] =	vst v63  }
0x134: {  	_ =	swait.ge [sflag:s21], $0x2000  }
0x135: {  	[sflag:s21] =	ssyncset.done $0x0  }
0x136: {  	s6 =	rddreg [dreg:$0x15];
	[sflag:s21] =	ssyncadd.s32 $0xFFFFE000  }
0x137: {  	[tilespmem:s14], [sflag:$0x2] =	stream.indirect.gather [hbm4b:s4+s12], $0x80, s6, s12, $0xb8;
	[tilespmem:$0x1F400] =	vst v63  }
0x138: {  	_ =	swait.ge [sflag:s22], $0x2000  }
0x139: {  	[sflag:s22] =	ssyncset.done $0x0  }
0x13a: {  	s8 =	rddreg [dreg:$0x16];
	[sflag:s22] =	ssyncadd.s32 $0xFFFFE000  }
0x13b: {  	[spmem:s2] =	stream.indirect.scatter.add.f32 [tilespmem:s15], [sflag:$0x8], $0x80, s8, s12, $0xb8;
	[tilespmem:$0x1F400] =	vst v63  }
0x13c: {  	_ =	swait.ge [sflag:s23], $0x2000  }
0x13d: {  	[sflag:s23] =	ssyncset.done $0x0  }
0x13e: {  	s6 =	rddreg [dreg:$0x17];
	[sflag:s23] =	ssyncadd.s32 $0xFFFFE000  }
0x13f: {  	[tilespmem:s15], [sflag:$0x3] =	stream.indirect.gather [hbm4b:s4+s12], $0x80, s6, s12, $0xb8;
	[tilespmem:$0x1F400] =	vst v63  }
0x140: {  	_ =	swait.ge [sflag:s25], $0x2000  }
0x141: {  	[sflag:s25] =	ssyncset.done $0x0  }
0x142: {  	s8 =	rddreg [dreg:$0x18];
	[sflag:s25] =	ssyncadd.s32 $0xFFFFE000  }
0x143: {  	[spmem:s2] =	stream.indirect.scatter.add.f32 [tilespmem:s16], [sflag:$0x9], $0x80, s8, s12, $0xb8;
	[tilespmem:$0x1F400] =	vst v63  }
0x144: {  	_ =	swait.ge [sflag:s26], $0x2000  }
0x145: {  	[sflag:s26] =	ssyncset.done $0x0  }
0x146: {  	s6 =	rddreg [dreg:$0x19];
	[sflag:s26] =	ssyncadd.s32 $0xFFFFE000  }
0x147: {  	[tilespmem:s16], [sflag:$0x4] =	stream.indirect.gather [hbm4b:s4+s12], $0x80, s6, s12, $0xb8;
	[tilespmem:$0x1F400] =	vst v63  }
0x148: {  	_ =	swait.ge [sflag:s28], $0x2000  }
0x149: {  	[sflag:s28] =	ssyncset.done $0x0  }
0x14a: {  	s8 =	rddreg [dreg:$0x1a];
	[sflag:s28] =	ssyncadd.s32 $0xFFFFE000  }
0x14b: {  	[spmem:s2] =	stream.indirect.scatter.add.f32 [tilespmem:s17], [sflag:$0xA], $0x80, s8, s12, $0xb8;
	[tilespmem:$0x1F400] =	vst v63  }
0x14c: {  	_ =	swait.ge [sflag:s29], $0x2000  }
0x14d: {  	[sflag:s29] =	ssyncset.done $0x0  }
0x14e: {  	s6 =	rddreg [dreg:$0x1b];
	[sflag:s29] =	ssyncadd.s32 $0xFFFFE000  }
0x14f: {  	[tilespmem:s17], [sflag:$0x5] =	stream.indirect.gather [hbm4b:s4+s12], $0x80, s6, s12, $0xb8;
	[tilespmem:$0x1F400] =	vst v63  }
0x150: {  	_ =	swait.ge [sflag:s18], $0x2000  }
0x151: {  	[sflag:s18] =	ssyncset.done $0x0  }
0x152: {  	s8 =	rddreg [dreg:$0x1c];
	[sflag:s18] =	ssyncadd.s32 $0xFFFFE000  }
0x153: {  	[spmem:s2] =	stream.indirect.scatter.add.f32 [tilespmem:s13], [sflag:$0x6], $0x80, s8, s12, $0xb8;
	[tilespmem:$0x1F400] =	vst v63  }
0x154: {  	_ =	swait.ge [sflag:s19], $0x2000  }
0x155: {  	[sflag:s19] =	ssyncset.done $0x0  }
0x156: {  	s6 =	rddreg [dreg:$0x1d];
	[sflag:s19] =	ssyncadd.s32 $0xFFFFE000  }
0x157: {  	[tilespmem:s13], [sflag:$0x1] =	stream.indirect.gather [hbm4b:s4+s12], $0x80, s6, s12, $0xb8;
	[tilespmem:$0x1F400] =	vst v63  }
0x158: {  	_ =	swait.ge [sflag:s20], $0x2000  }
0x159: {  	[sflag:s20] =	ssyncset.done $0x0  }
0x15a: {  	s8 =	rddreg [dreg:$0x1e];
	[sflag:s20] =	ssyncadd.s32 $0xFFFFE000  }
0x15b: {  	[spmem:s2] =	stream.indirect.scatter.add.f32 [tilespmem:s14], [sflag:$0x7], $0x80, s8, s12, $0xb8;
	[tilespmem:$0x1F400] =	vst v63  }
0x15c: {  	_ =	swait.ge [sflag:s21], $0x2000  }
0x15d: {  	[sflag:s21] =	ssyncset.done $0x0  }
0x15e: {  	s6 =	rddreg [dreg:$0x1f];
	[sflag:s21] =	ssyncadd.s32 $0xFFFFE000  }
0x15f: {  	[tilespmem:s14], [sflag:$0x2] =	stream.indirect.gather [hbm4b:s4+s12], $0x80, s6, s12, $0xb8;
	[tilespmem:$0x1F400] =	vst v63  }
0x160: {  	_ =	swait.ge [sflag:s22], $0x2000  }
0x161: {  	s8 =	sld [smem:$0x7F4]  }
0x162: {  	[sflag:s22] =	ssyncset.done $0x0  }
0x163: {  	[sflag:s22] =	ssyncadd.s32 $0xFFFFE000  }
0x164: {  	[spmem:s2] =	stream.indirect.scatter.add.f32 [tilespmem:s15], [sflag:$0x8], $0x80, s8, s12, $0xb8;
	[tilespmem:$0x1F400] =	vst v63  }
0x165: {  	_ =	swait.ge [sflag:s23], $0x2000  }
0x166: {  	s6 =	sld [smem:$0x7F5]  }
0x167: {  	[sflag:s23] =	ssyncset.done $0x0  }
0x168: {  	[sflag:s23] =	ssyncadd.s32 $0xFFFFE000  }
0x169: {  	[tilespmem:s15], [sflag:$0x3] =	stream.indirect.gather [hbm4b:s4+s12], $0x80, s6, s12, $0xb8;
	[tilespmem:$0x1F400] =	vst v63  }
0x16a: {  	_ =	swait.ge [sflag:s25], $0x2000  }
0x16b: {  	s8 =	sld [smem:$0x7F6]  }
0x16c: {  	[sflag:s25] =	ssyncset.done $0x0  }
0x16d: {  	[sflag:s25] =	ssyncadd.s32 $0xFFFFE000  }
0x16e: {  	[spmem:s2] =	stream.indirect.scatter.add.f32 [tilespmem:s16], [sflag:$0x9], $0x80, s8, s12, $0xb8;
	[tilespmem:$0x1F400] =	vst v63  }
0x16f: {  	_ =	swait.ge [sflag:s26], $0x2000  }
0x170: {  	s6 =	sld [smem:$0x7F7]  }
0x171: {  	[sflag:s26] =	ssyncset.done $0x0  }
0x172: {  	[sflag:s26] =	ssyncadd.s32 $0xFFFFE000  }
0x173: {  	[tilespmem:s16], [sflag:$0x4] =	stream.indirect.gather [hbm4b:s4+s12], $0x80, s6, s12, $0xb8;
	[tilespmem:$0x1F400] =	vst v63  }
0x174: {  	_ =	swait.ge [sflag:s28], $0x2000  }
0x175: {  	s8 =	sld [smem:$0x7F8]  }
0x176: {  	[sflag:s28] =	ssyncset.done $0x0  }
0x177: {  	[sflag:s28] =	ssyncadd.s32 $0xFFFFE000  }
0x178: {  	[spmem:s2] =	stream.indirect.scatter.add.f32 [tilespmem:s17], [sflag:$0xA], $0x80, s8, s12, $0xb8;
	[tilespmem:$0x1F400] =	vst v63  }
0x179: {  	_ =	swait.ge [sflag:s29], $0x2000  }
0x17a: {  	s6 =	sld [smem:$0x7F9]  }
0x17b: {  	[sflag:s29] =	ssyncset.done $0x0  }
0x17c: {  	[sflag:s29] =	ssyncadd.s32 $0xFFFFE000  }
0x17d: {  	[tilespmem:s17], [sflag:$0x5] =	stream.indirect.gather [hbm4b:s4+s12], $0x80, s6, s12, $0xb8;
	[tilespmem:$0x1F400] =	vst v63  }
0x17e: {  	_ =	swait.ge [sflag:s18], $0x2000  }
0x17f: {  	s8 =	sld [smem:$0x7FA]  }
0x180: {  	[sflag:s18] =	ssyncset.done $0x0  }
0x181: {  	[sflag:s18] =	ssyncadd.s32 $0xFFFFE000  }
0x182: {  	[spmem:s2] =	stream.indirect.scatter.add.f32 [tilespmem:s13], [sflag:$0x6], $0x80, s8, s12, $0xb8;
	[tilespmem:$0x1F400] =	vst v63  }
0x183: {  	_ =	swait.ge [sflag:s19], $0x2000  }
0x184: {  	[sflag:s19] =	ssyncset.done $0x0  }
0x185: {  	[sflag:s19] =	ssyncadd.s32 $0xFFFFE000  }
0x186: {  	_ =	swait.ge [sflag:s20], $0x2000  }
0x187: {  	[sflag:s20] =	ssyncset.done $0x0  }
0x188: {  	[sflag:s20] =	ssyncadd.s32 $0xFFFFE000  }
0x189: {  	[spmem:s2] =	stream.indirect.scatter.add.f32 [tilespmem:s14], [sflag:$0x7], $0x80, s30, s12, $0xb8;
	[tilespmem:$0x1F400] =	vst v63  }
0x18a: {  	_ =	swait.ge [sflag:s21], $0x2000  }
0x18b: {  	[sflag:s21] =	ssyncset.done $0x0  }
0x18c: {  	[sflag:s21] =	ssyncadd.s32 $0xFFFFE000  }
0x18d: {  	_ =	swait.ge [sflag:s22], $0x2000  }
0x18e: {  	[sflag:s22] =	ssyncset.done $0x0  }
0x18f: {  	[sflag:s22] =	ssyncadd.s32 $0xFFFFE000  }
0x190: {  	[spmem:s2] =	stream.indirect.scatter.add.f32 [tilespmem:s15], [sflag:$0x8], $0x80, s31, s12, $0xb8;
	[tilespmem:$0x1F400] =	vst v63  }
0x191: {  	_ =	swait.ge [sflag:s23], $0x2000  }
0x192: {  	[sflag:s23] =	ssyncset.done $0x0  }
0x193: {  	[sflag:s23] =	ssyncadd.s32 $0xFFFFE000  }
0x194: {  	_ =	swait.ge [sflag:s25], $0x2000  }
0x195: {  	s24 =	sadd.s32 $0x180, s24;
	[sflag:s25] =	ssyncset.done $0x0  }
0x196: {  	p0 =	sne.s32 s24, $0x1800;
	[sflag:s25] =	ssyncadd.s32 $0xFFFFE000  }
0x197: {  	[spmem:s2] =	stream.indirect.scatter.add.f32 [tilespmem:s16], [sflag:$0x9], $0x80, s1, s12, $0xb8;
	[tilespmem:$0x1F400] =	vst v63  }
.Ltmp0:
0x198: {  	_ =	swait.ge [sflag:s26], $0x2000;
	(pc) =	sbr.rel @p0 .LBB2_2-.Ltmp0, $4  }
0x199: {  	[sflag:s26] =	ssyncset.done $0x0  }
0x19a: {  	[sflag:s26] =	ssyncadd.s32 $0xFFFFE000  }
0x19b: {  	_ =	swait.ge [sflag:s28], $0x2000  }
0x19c: {  	s6 =	rddreg [dreg:$0x4];
	[sflag:s28] =	ssyncset.done $0x0  }
0x19d: {  	[sflag:s28] =	ssyncadd.s32 $0xFFFFE000  }
0x19e: {  	[spmem:s2] =	stream.indirect.scatter.add.f32 [tilespmem:s17], [sflag:$0xA], $0x80, s0, s12, $0xb8;
	[tilespmem:$0x1F400] =	vst v63  }
0x19f: {  	s5 =	sadd.s32 s7, s6  }
0x1a0: {  	[tilespmem:s10], [sflag:$0xB] =	stream.linear.gather [hbm4b:s5+s3], $0xA00, $0x38;
	[tilespmem:$0x1F400] =	vst v63  }
0x1a1: {  	_ =	swait.ge [sflag:s9], $0xA00  }
0x1a2: {  	s6 =	rddreg [dreg:$0x3];
	[sflag:s9] =	ssyncset.done $0x0  }
0x1a3: {  	[sflag:s9] =	ssyncadd.s32 $0xFFFFF600;
	s5 =	sadd.s32 s7, s6  }
0x1a4: {  	[tilespmem:s11], [sflag:$0xB] =	stream.linear.gather [hbm4b:s5+s3], $0xA00, $0x38;
	[tilespmem:$0x1F400] =	vst v63  }
0x1a5: {  	_ =	swait.ge [sflag:s9], $0xA00  }
0x1a6: {  	[sflag:s9] =	ssyncset.done $0x0  }
0x1a7: {  	[sflag:s9] =	ssyncadd.s32 $0xFFFFF600  }
0x1a8: {  	[tilespmem:s13], [sflag:$0x1] =	stream.indirect.gather [hbm4b:s4+s12], $0x80, s10, s12, $0xb8;
	[tilespmem:$0x1F400] =	vst v63  }
0x1a9: {  	s8 =	rddreg [dreg:$0x5]  }
0x1aa: {  	[tilespmem:s14], [sflag:$0x2] =	stream.indirect.gather [hbm4b:s4+s12], $0x80, s8, s12, $0xb8;
	[tilespmem:$0x1F400] =	vst v63  }
0x1ab: {  	p0 =	seq.s32 s7, $0x0;
	s24 =	rddreg [dreg:$0x6]  }
0x1ac: {  	[tilespmem:s15], [sflag:$0x3] =	stream.indirect.gather [hbm4b:s4+s12], $0x80, s24, s12, $0xb8;
	[tilespmem:$0x1F400] =	vst v63  }
0x1ad: {  	s5 =	simm.s32 @!p0 $0xA;
	s8 =	rddreg [dreg:$0x7]  }
0x1ae: {  	[tilespmem:s16], [sflag:$0x4] =	stream.indirect.gather [hbm4b:s4+s12], $0x80, s8, s12, $0xb8;
	[tilespmem:$0x1F400] =	vst v63  }
0x1af: {  	_ =	swait.ge @!p0 [sflag:s5], $0x2000  }
0x1b0: {  	[sflag:s5] =	ssyncset.done @!p0 $0x0  }
0x1b1: {  	s24 =	rddreg [dreg:$0x8];
	[sflag:s5] =	ssyncadd.s32 @!p0 $0xFFFFE000  }
0x1b2: {  	[tilespmem:s17], [sflag:$0x5] =	stream.indirect.gather [hbm4b:s4+s12], $0x80, s24, s12, $0xb8;
	[tilespmem:$0x1F400] =	vst v63  }
0x1b3: {  	_ =	swait.ge [sflag:s18], $0x2000  }
0x1b4: {  	[sflag:s18] =	ssyncset.done $0x0  }
0x1b5: {  	[sflag:s18] =	ssyncadd.s32 $0xFFFFE000  }
0x1b6: {  	[spmem:s2] =	stream.indirect.scatter.add.f32 [tilespmem:s13], [sflag:$0x6], $0x80, s11, s12, $0xb8;
	[tilespmem:$0x1F400] =	vst v63  }
0x1b7: {  	_ =	swait.ge [sflag:s19], $0x2000  }
0x1b8: {  	[sflag:s19] =	ssyncset.done $0x0  }
0x1b9: {  	s6 =	rddreg [dreg:$0x9];
	[sflag:s19] =	ssyncadd.s32 $0xFFFFE000  }
0x1ba: {  	[tilespmem:s13], [sflag:$0x1] =	stream.indirect.gather [hbm4b:s4+s12], $0x80, s6, s12, $0xb8;
	[tilespmem:$0x1F400] =	vst v63  }
0x1bb: {  	_ =	swait.ge [sflag:s20], $0x2000  }
0x1bc: {  	[sflag:s20] =	ssyncset.done $0x0  }
0x1bd: {  	s7 =	rddreg [dreg:$0xa];
	[sflag:s20] =	ssyncadd.s32 $0xFFFFE000  }
0x1be: {  	[spmem:s2] =	stream.indirect.scatter.add.f32 [tilespmem:s14], [sflag:$0x7], $0x80, s7, s12, $0xb8;
	[tilespmem:$0x1F400] =	vst v63  }
0x1bf: {  	_ =	swait.ge [sflag:s21], $0x2000  }
0x1c0: {  	[sflag:s21] =	ssyncset.done $0x0  }
0x1c1: {  	s8 =	rddreg [dreg:$0xb];
	[sflag:s21] =	ssyncadd.s32 $0xFFFFE000  }
0x1c2: {  	[tilespmem:s14], [sflag:$0x2] =	stream.indirect.gather [hbm4b:s4+s12], $0x80, s8, s12, $0xb8;
	[tilespmem:$0x1F400] =	vst v63  }
0x1c3: {  	_ =	swait.ge [sflag:s22], $0x2000  }
0x1c4: {  	[sflag:s22] =	ssyncset.done $0x0  }
0x1c5: {  	s24 =	rddreg [dreg:$0xc];
	[sflag:s22] =	ssyncadd.s32 $0xFFFFE000  }
0x1c6: {  	[spmem:s2] =	stream.indirect.scatter.add.f32 [tilespmem:s15], [sflag:$0x8], $0x80, s24, s12, $0xb8;
	[tilespmem:$0x1F400] =	vst v63  }
0x1c7: {  	_ =	swait.ge [sflag:s23], $0x2000  }
0x1c8: {  	[sflag:s23] =	ssyncset.done $0x0  }
0x1c9: {  	s6 =	rddreg [dreg:$0xd];
	[sflag:s23] =	ssyncadd.s32 $0xFFFFE000  }
0x1ca: {  	[tilespmem:s15], [sflag:$0x3] =	stream.indirect.gather [hbm4b:s4+s12], $0x80, s6, s12, $0xb8;
	[tilespmem:$0x1F400] =	vst v63  }
0x1cb: {  	_ =	swait.ge [sflag:s25], $0x2000  }
0x1cc: {  	[sflag:s25] =	ssyncset.done $0x0  }
0x1cd: {  	s7 =	rddreg [dreg:$0xe];
	[sflag:s25] =	ssyncadd.s32 $0xFFFFE000  }
0x1ce: {  	[spmem:s2] =	stream.indirect.scatter.add.f32 [tilespmem:s16], [sflag:$0x9], $0x80, s7, s12, $0xb8;
	[tilespmem:$0x1F400] =	vst v63  }
0x1cf: {  	_ =	swait.ge [sflag:s26], $0x2000  }
0x1d0: {  	[sflag:s26] =	ssyncset.done $0x0  }
0x1d1: {  	s8 =	rddreg [dreg:$0xf];
	[sflag:s26] =	ssyncadd.s32 $0xFFFFE000  }
0x1d2: {  	[tilespmem:s16], [sflag:$0x4] =	stream.indirect.gather [hbm4b:s4+s12], $0x80, s8, s12, $0xb8;
	[tilespmem:$0x1F400] =	vst v63  }
0x1d3: {  	_ =	swait.ge [sflag:s28], $0x2000  }
0x1d4: {  	[sflag:s28] =	ssyncset.done $0x0  }
0x1d5: {  	s24 =	rddreg [dreg:$0x10];
	[sflag:s28] =	ssyncadd.s32 $0xFFFFE000  }
0x1d6: {  	[spmem:s2] =	stream.indirect.scatter.add.f32 [tilespmem:s17], [sflag:$0xA], $0x80, s24, s12, $0xb8;
	[tilespmem:$0x1F400] =	vst v63  }
0x1d7: {  	_ =	swait.ge [sflag:s29], $0x2000  }
0x1d8: {  	[sflag:s29] =	ssyncset.done $0x0  }
0x1d9: {  	s6 =	rddreg [dreg:$0x11];
	[sflag:s29] =	ssyncadd.s32 $0xFFFFE000  }
0x1da: {  	[tilespmem:s17], [sflag:$0x5] =	stream.indirect.gather [hbm4b:s4+s12], $0x80, s6, s12, $0xb8;
	[tilespmem:$0x1F400] =	vst v63  }
0x1db: {  	_ =	swait.ge [sflag:s18], $0x2000  }
0x1dc: {  	[sflag:s18] =	ssyncset.done $0x0  }
0x1dd: {  	s7 =	rddreg [dreg:$0x12];
	[sflag:s18] =	ssyncadd.s32 $0xFFFFE000  }
0x1de: {  	[spmem:s2] =	stream.indirect.scatter.add.f32 [tilespmem:s13], [sflag:$0x6], $0x80, s7, s12, $0xb8;
	[tilespmem:$0x1F400] =	vst v63  }
0x1df: {  	_ =	swait.ge [sflag:s19], $0x2000  }
0x1e0: {  	[sflag:s19] =	ssyncset.done $0x0  }
0x1e1: {  	s8 =	rddreg [dreg:$0x13];
	[sflag:s19] =	ssyncadd.s32 $0xFFFFE000  }
0x1e2: {  	[tilespmem:s13], [sflag:$0x1] =	stream.indirect.gather [hbm4b:s4+s12], $0x80, s8, s12, $0xb8;
	[tilespmem:$0x1F400] =	vst v63  }
0x1e3: {  	_ =	swait.ge [sflag:s20], $0x2000  }
0x1e4: {  	[sflag:s20] =	ssyncset.done $0x0  }
0x1e5: {  	s24 =	rddreg [dreg:$0x14];
	[sflag:s20] =	ssyncadd.s32 $0xFFFFE000  }
0x1e6: {  	[spmem:s2] =	stream.indirect.scatter.add.f32 [tilespmem:s14], [sflag:$0x7], $0x80, s24, s12, $0xb8;
	[tilespmem:$0x1F400] =	vst v63  }
0x1e7: {  	_ =	swait.ge [sflag:s21], $0x2000  }
0x1e8: {  	[sflag:s21] =	ssyncset.done $0x0  }
0x1e9: {  	s6 =	rddreg [dreg:$0x15];
	[sflag:s21] =	ssyncadd.s32 $0xFFFFE000  }
0x1ea: {  	[tilespmem:s14], [sflag:$0x2] =	stream.indirect.gather [hbm4b:s4+s12], $0x80, s6, s12, $0xb8;
	[tilespmem:$0x1F400] =	vst v63  }
0x1eb: {  	_ =	swait.ge [sflag:s22], $0x2000  }
0x1ec: {  	[sflag:s22] =	ssyncset.done $0x0  }
0x1ed: {  	s7 =	rddreg [dreg:$0x16];
	[sflag:s22] =	ssyncadd.s32 $0xFFFFE000  }
0x1ee: {  	[spmem:s2] =	stream.indirect.scatter.add.f32 [tilespmem:s15], [sflag:$0x8], $0x80, s7, s12, $0xb8;
	[tilespmem:$0x1F400] =	vst v63  }
0x1ef: {  	_ =	swait.ge [sflag:s23], $0x2000  }
0x1f0: {  	[sflag:s23] =	ssyncset.done $0x0  }
0x1f1: {  	s8 =	rddreg [dreg:$0x17];
	[sflag:s23] =	ssyncadd.s32 $0xFFFFE000  }
0x1f2: {  	[tilespmem:s15], [sflag:$0x3] =	stream.indirect.gather [hbm4b:s4+s12], $0x80, s8, s12, $0xb8;
	[tilespmem:$0x1F400] =	vst v63  }
0x1f3: {  	_ =	swait.ge [sflag:s25], $0x2000  }
0x1f4: {  	[sflag:s25] =	ssyncset.done $0x0  }
0x1f5: {  	s24 =	rddreg [dreg:$0x18];
	[sflag:s25] =	ssyncadd.s32 $0xFFFFE000  }
0x1f6: {  	[spmem:s2] =	stream.indirect.scatter.add.f32 [tilespmem:s16], [sflag:$0x9], $0x80, s24, s12, $0xb8;
	[tilespmem:$0x1F400] =	vst v63  }
0x1f7: {  	_ =	swait.ge [sflag:s26], $0x2000  }
0x1f8: {  	[sflag:s26] =	ssyncset.done $0x0  }
0x1f9: {  	s6 =	rddreg [dreg:$0x19];
	[sflag:s26] =	ssyncadd.s32 $0xFFFFE000  }
0x1fa: {  	[tilespmem:s16], [sflag:$0x4] =	stream.indirect.gather [hbm4b:s4+s12], $0x80, s6, s12, $0xb8;
	[tilespmem:$0x1F400] =	vst v63  }
0x1fb: {  	_ =	swait.ge [sflag:s28], $0x2000  }
0x1fc: {  	[sflag:s28] =	ssyncset.done $0x0  }
0x1fd: {  	s7 =	rddreg [dreg:$0x1a];
	[sflag:s28] =	ssyncadd.s32 $0xFFFFE000  }
0x1fe: {  	[spmem:s2] =	stream.indirect.scatter.add.f32 [tilespmem:s17], [sflag:$0xA], $0x80, s7, s12, $0xb8;
	[tilespmem:$0x1F400] =	vst v63  }
0x1ff: {  	_ =	swait.ge [sflag:s29], $0x2000  }
0x200: {  	[sflag:s29] =	ssyncset.done $0x0  }
0x201: {  	s8 =	rddreg [dreg:$0x1b];
	[sflag:s29] =	ssyncadd.s32 $0xFFFFE000  }
0x202: {  	[tilespmem:s17], [sflag:$0x5] =	stream.indirect.gather [hbm4b:s4+s12], $0x80, s8, s12, $0xb8;
	[tilespmem:$0x1F400] =	vst v63  }
0x203: {  	_ =	swait.ge [sflag:s18], $0x2000  }
0x204: {  	[sflag:s18] =	ssyncset.done $0x0  }
0x205: {  	s24 =	rddreg [dreg:$0x1c];
	[sflag:s18] =	ssyncadd.s32 $0xFFFFE000  }
0x206: {  	[spmem:s2] =	stream.indirect.scatter.add.f32 [tilespmem:s13], [sflag:$0x6], $0x80, s24, s12, $0xb8;
	[tilespmem:$0x1F400] =	vst v63  }
0x207: {  	_ =	swait.ge [sflag:s19], $0x2000  }
0x208: {  	[sflag:s19] =	ssyncset.done $0x0  }
0x209: {  	s6 =	rddreg [dreg:$0x1d];
	[sflag:s19] =	ssyncadd.s32 $0xFFFFE000  }
0x20a: {  	[tilespmem:s13], [sflag:$0x1] =	stream.indirect.gather [hbm4b:s4+s12], $0x80, s6, s12, $0xb8;
	[tilespmem:$0x1F400] =	vst v63  }
0x20b: {  	_ =	swait.ge [sflag:s20], $0x2000  }
0x20c: {  	[sflag:s20] =	ssyncset.done $0x0  }
0x20d: {  	s7 =	rddreg [dreg:$0x1e];
	[sflag:s20] =	ssyncadd.s32 $0xFFFFE000  }
0x20e: {  	[spmem:s2] =	stream.indirect.scatter.add.f32 [tilespmem:s14], [sflag:$0x7], $0x80, s7, s12, $0xb8;
	[tilespmem:$0x1F400] =	vst v63  }
0x20f: {  	_ =	swait.ge [sflag:s21], $0x2000  }
0x210: {  	[sflag:s21] =	ssyncset.done $0x0  }
0x211: {  	s8 =	rddreg [dreg:$0x1f];
	[sflag:s21] =	ssyncadd.s32 $0xFFFFE000  }
0x212: {  	[tilespmem:s14], [sflag:$0x2] =	stream.indirect.gather [hbm4b:s4+s12], $0x80, s8, s12, $0xb8;
	[tilespmem:$0x1F400] =	vst v63  }
0x213: {  	_ =	swait.ge [sflag:s22], $0x2000  }
0x214: {  	s24 =	sld [smem:$0x7F4]  }
0x215: {  	[sflag:s22] =	ssyncset.done $0x0  }
0x216: {  	[sflag:s22] =	ssyncadd.s32 $0xFFFFE000  }
0x217: {  	[spmem:s2] =	stream.indirect.scatter.add.f32 [tilespmem:s15], [sflag:$0x8], $0x80, s24, s12, $0xb8;
	[tilespmem:$0x1F400] =	vst v63  }
0x218: {  	_ =	swait.ge [sflag:s23], $0x2000  }
0x219: {  	s6 =	sld [smem:$0x7F5]  }
0x21a: {  	[sflag:s23] =	ssyncset.done $0x0  }
0x21b: {  	[sflag:s23] =	ssyncadd.s32 $0xFFFFE000  }
0x21c: {  	[tilespmem:s15], [sflag:$0x3] =	stream.indirect.gather [hbm4b:s4+s12], $0x80, s6, s12, $0xb8;
	[tilespmem:$0x1F400] =	vst v63  }
0x21d: {  	_ =	swait.ge [sflag:s25], $0x2000  }
0x21e: {  	s7 =	sld [smem:$0x7F6]  }
0x21f: {  	[sflag:s25] =	ssyncset.done $0x0  }
0x220: {  	[sflag:s25] =	ssyncadd.s32 $0xFFFFE000  }
0x221: {  	[spmem:s2] =	stream.indirect.scatter.add.f32 [tilespmem:s16], [sflag:$0x9], $0x80, s7, s12, $0xb8;
	[tilespmem:$0x1F400] =	vst v63  }
0x222: {  	_ =	swait.ge [sflag:s26], $0x2000  }
0x223: {  	s8 =	sld [smem:$0x7F7]  }
0x224: {  	[sflag:s26] =	ssyncset.done $0x0  }
0x225: {  	[sflag:s26] =	ssyncadd.s32 $0xFFFFE000  }
0x226: {  	[tilespmem:s16], [sflag:$0x4] =	stream.indirect.gather [hbm4b:s4+s12], $0x80, s8, s12, $0xb8;
	[tilespmem:$0x1F400] =	vst v63  }
0x227: {  	_ =	swait.ge [sflag:s28], $0x2000  }
0x228: {  	s24 =	sld [smem:$0x7F8]  }
0x229: {  	[sflag:s28] =	ssyncset.done $0x0  }
0x22a: {  	[sflag:s28] =	ssyncadd.s32 $0xFFFFE000  }
0x22b: {  	[spmem:s2] =	stream.indirect.scatter.add.f32 [tilespmem:s17], [sflag:$0xA], $0x80, s24, s12, $0xb8;
	[tilespmem:$0x1F400] =	vst v63  }
0x22c: {  	_ =	swait.ge [sflag:s29], $0x2000  }
0x22d: {  	s6 =	sld [smem:$0x7F9]  }
0x22e: {  	[sflag:s29] =	ssyncset.done $0x0  }
0x22f: {  	[sflag:s29] =	ssyncadd.s32 $0xFFFFE000  }
0x230: {  	[tilespmem:s17], [sflag:$0x5] =	stream.indirect.gather [hbm4b:s4+s12], $0x80, s6, s12, $0xb8;
	[tilespmem:$0x1F400] =	vst v63  }
0x231: {  	_ =	swait.ge [sflag:s18], $0x2000  }
0x232: {  	s7 =	sld [smem:$0x7FA]  }
0x233: {  	[sflag:s18] =	ssyncset.done $0x0  }
0x234: {  	[sflag:s18] =	ssyncadd.s32 $0xFFFFE000  }
0x235: {  	[spmem:s2] =	stream.indirect.scatter.add.f32 [tilespmem:s13], [sflag:$0x6], $0x80, s7, s12, $0xb8;
	[tilespmem:$0x1F400] =	vst v63  }
0x236: {  	_ =	swait.ge [sflag:s19], $0x2000  }
0x237: {  	[sflag:s19] =	ssyncset.done $0x0  }
0x238: {  	[sflag:s19] =	ssyncadd.s32 $0xFFFFE000  }
0x239: {  	_ =	swait.ge [sflag:s20], $0x2000  }
0x23a: {  	[sflag:s20] =	ssyncset.done $0x0  }
0x23b: {  	[sflag:s20] =	ssyncadd.s32 $0xFFFFE000  }
0x23c: {  	[spmem:s2] =	stream.indirect.scatter.add.f32 [tilespmem:s14], [sflag:$0x7], $0x80, s30, s12, $0xb8;
	[tilespmem:$0x1F400] =	vst v63  }
0x23d: {  	_ =	swait.ge [sflag:s21], $0x2000  }
0x23e: {  	[sflag:s21] =	ssyncset.done $0x0  }
0x23f: {  	[sflag:s21] =	ssyncadd.s32 $0xFFFFE000  }
0x240: {  	_ =	swait.ge [sflag:s22], $0x2000  }
0x241: {  	[sflag:s22] =	ssyncset.done $0x0  }
0x242: {  	[sflag:s22] =	ssyncadd.s32 $0xFFFFE000  }
0x243: {  	[spmem:s2] =	stream.indirect.scatter.add.f32 [tilespmem:s15], [sflag:$0x8], $0x80, s31, s12, $0xb8;
	[tilespmem:$0x1F400] =	vst v63  }
0x244: {  	_ =	swait.ge [sflag:s23], $0x2000  }
0x245: {  	[sflag:s23] =	ssyncset.done $0x0  }
0x246: {  	[sflag:s23] =	ssyncadd.s32 $0xFFFFE000  }
0x247: {  	_ =	swait.ge [sflag:s25], $0x2000  }
0x248: {  	[sflag:s25] =	ssyncset.done $0x0  }
0x249: {  	[sflag:s25] =	ssyncadd.s32 $0xFFFFE000  }
0x24a: {  	[spmem:s2] =	stream.indirect.scatter.add.f32 [tilespmem:s16], [sflag:$0x9], $0x80, s1, s12, $0xb8;
	[tilespmem:$0x1F400] =	vst v63  }
0x24b: {  	_ =	swait.ge [sflag:s26], $0x2000  }
0x24c: {  	[sflag:s26] =	ssyncset.done $0x0  }
0x24d: {  	[sflag:s26] =	ssyncadd.s32 $0xFFFFE000  }
0x24e: {  	_ =	swait.ge [sflag:s28], $0x2000  }
0x24f: {  	[sflag:s28] =	ssyncset.done $0x0  }
0x250: {  	[sflag:s28] =	ssyncadd.s32 $0xFFFFE000  }
0x251: {  	[spmem:s2] =	stream.indirect.scatter.add.f32 [tilespmem:s17], [sflag:$0xA], $0x80, s0, s12, $0xb8;
	[tilespmem:$0x1F400] =	vst v63  }
0x252: {  	_ =	swait.ge [sflag:s29], $0x2000  }
0x253: {  	[sflag:s29] =	ssyncset.done $0x0  }
0x254: {  	[sflag:s29] =	ssyncadd.s32 $0xFFFFE000  }
0x255: {  	[bflag:$0x0] =	sbarrier.arrive $0xFFFF  }
0x256: {  	s24 =	sld [smem:$0x7FC]  }
0x257: {  	s6 =	sld [smem:$0x7FD]  }
0x258: {  	s8 =	sld [smem:$0x7FB];
	_ =	sdelay $0x2  }
0x259: {  	[hbm:s8], [sflag:s24] =	dma.local [spmem:s6], $0x2780  }
0x25a: {  	_ =	swait.ge [sflag:s9], $0x2780  }
0x25b: {  	s5 =	sld [smem:$0x7F1]  }
0x25c: {  	s8 =	sld [smem:$0x7F3];
	_ =	sdelay $0x1  }
0x25d: {  	s7 =	sadd.s32 $0x1, s5  }
0x25e: {  	p0 =	sne.s32 s7, s8  }
.Ltmp1:
0x25f: {  	_ = 	snop;
	(pc) =	sbr.rel @p0 .LBB2_1-.Ltmp1, $3  }
0x260: {  	_ =	sdelay $0x1  }
0x261: {  	[sflag:s9] =	ssyncset.done $0x0  }
0x262: {  	[sflag:s9] =	ssyncadd.s32 $0xFFFFD880  }
0x263: {  	_ =	sfence.sel $0x180000  }
0x264: {  	[bflag:$0x0] =	sbarrier.arrive $0xFFFF  }
0x265: {  	_ =	strace $0x9000004D  }
0x266: {  	s0 =	stileid.u32;
	[bflag:$0x2] =	sbarrier.arrive $0xFFFF  }
0x267: {  	p0 =	sne.s32 s0, $0x0;
	s0 =	rddreg [dreg:$0x2]  }
0x268: {  	s0 =	sadd.s32 @!p0 $0x100000, s0  }
0x269: {  	[sflag:s0] =	ssyncadd.tile.s32 @!p0 $0x1;
	_ =	shalt  }
.Lfunc_end2:
_tile_overlayer_lowered:
.L_overlay_start_2:
0x26a: {  	(tag) =	ssettag $0x2  }
0x26b: {  	s0 =	rddreg [dreg:$0x0];
	s2 =	stileid.u32  }
0x26c: {  	s1 =	rddreg [dreg:$0x1];
	p0 =	sne.s32 s2, $0x0  }
0x26d: {  	s3 =	rddreg [dreg:$0x2];
	[bflag:$0x3] =	sbarrier.arrive $0xFFFF;
	s2 =	simm.s32 @!p0 $0x1C0B  }
0x26e: {  	[timem:s3], [sflag:s2] =	dma.local @!p0 [hbm:s0], s1  }
0x26f: {  	s0 =	simm.s32 @!p0 $0xB  }
0x270: {  	_ =	swait.ge @!p0 [sflag:s0], s1  }
0x271: {  	s1 =	ssub.s32 @!p0 $0x0, s1;
	[sflag:s0] =	ssyncset.done @!p0 $0x0  }
0x272: {  	[sflag:s0] =	ssyncadd.s32 @!p0 s1  }
0x273: {  	[bflag:$0x3] =	sbarrier.arrive $0xFFFF  }
0x274: {  	_ =	shalt  }

// kernel: kernel.8.cloned.1.call-start
scs
__scs_entry_jumppad:
0x0: {  	(pc) =	sbr.rel $0x88, $3  }
0x1: {  	(tag) =	ssettag $0x0;
	lr =	simm.s32 $0x1  }
0x2: {  	[smem:$0x3F93] =	sst lr;
	_ =	strace $0xD0000000  }
0x3: {  	_ = 	snop  }
0x4: {  	_ = 	snop  }
0x5: {  	_ = 	snop  }
0x6: {  	_ = 	snop  }
0x7: {  	_ = 	snop  }
__scs_overlays_trampoline_lowered:
0x8: {  	[smem:$0x3FA2] =	sst s0  }
0x9: {  	[smem:$0x3FA3] =	sst s1  }
0xa: {  	[smem:$0x3FA4] =	sst s2  }
0xb: {  	[smem:$0x3FA5] =	sst s3  }
0xc: {  	[smem:$0x3FA6] =	sst s4  }
0xd: {  	[smem:$0x3FA7] =	sst s5  }
0xe: {  	[smem:$0x3FA8] =	sst s6  }
0xf: {  	[smem:$0x3FA9] =	sst s7  }
0x10: {  	[smem:$0x3FAA] =	sst s8  }
0x11: {  	[smem:$0x3FAB] =	sst s9;
	s0 =	simm.s32 @!p0 $0x0  }
0x12: {  	s1 =	sld [smem:$0x3F91];
	s0 =	simm.s32 @p0 $0x1  }
0x13: {  	[smem:$0x3FAC] =	sst s0;
	s0 =	simm.s32 @!p1 $0x0  }
0x14: {  	s2 =	sld [smem:$0x3F90];
	s0 =	simm.s32 @p1 $0x1  }
0x15: {  	[smem:$0x3FAD] =	sst s0;
	s0 =	simm.s32 @!p2 $0x0  }
0x16: {  	s3 =	sld [smem:$0x3FDB];
	s0 =	simm.s32 @p2 $0x1  }
0x17: {  	s4 =	simm.s32 $0x1BF5;
	[smem:$0x3FAF] =	sst s0  }
0x18: {  	s0 =	sld [smem:$0x3F92];
	_ =	swait.ge [sflag:s4], $0x0  }
0x19: {  	s7 =	sld [smem:$0x3F93]  }
0x1a: {  	s8 =	sadd.s32 $0xFFFFE003, lr  }
0x1b: {  	s9 =	sadd.s32 $0xFFFFFEF7, lr;
	s5 =	simm.s32 $0xFFFFFFFF;
	p2 =	slt.u32 s8, $0xFFFFF086  }
0x1c: {  	p1 =	slt.u32 s9, $0xF7A;
	s5 =	simm.s32 @!p2 $0x0  }
0x1d: {  	s5 =	simm.s32 @p1 $0x1;
	p0 =	seq.s32 s7, s2  }
0x1e: {  	s7 =	smul.u32 @!p0 $0xF7A, s2;
	p2 =	seq.s32 @!p0 s5, $0x0  }
0x1f: {  	s9 =	smul.u32 $0xF7A, s1;
	s8 =	simm.s32 @!p0 $0x1BF5;
	p2 =	por !p2, p0  }
0x20: {  	[sflag:s8] =	ssyncset.s32 @!p0 $0xFFFFF086;
	s6 =	sadd.s32 @!p0 s3, s7;
	s7 =	simm.s32 @!p0 $0x108  }
0x21: {  	s3 =	sadd.s32 s3, s9;
	s6 =	sadd.s32 @!p0 $0x88, s6;
	s7 =	simm.s32 @p2 $0x1082  }
0x22: {  	[simem:s7], [sflag:s8] =	dma.local @!p0 [hbm:s6], $0xF7A  }
0x23: {  	s9 =	sor.u32 $0xD0000000, s2;
	s6 =	simm.s32 $0x108;
	_ =	swait.ge @!p0 [sflag:s8], $0x0  }
0x24: {  	s3 =	sadd.s32 $0x88, s3;
	s6 =	simm.s32 @!p1 $0x1082;
	[sflag:s4] =	ssyncset.s32 $0xFFFFF086  }
0x25: {  	[simem:s6], [sflag:s4] =	dma.local [hbm:s3], $0xF7A  }
0x26: {  	[smem:$0x3F93] =	sst s1;
	(tag) =	ssettag s2;
	_ =	strace s9  }
0x27: {  	s1 =	sld [smem:$0x3FA3]  }
0x28: {  	s2 =	sld [smem:$0x3FA4]  }
0x29: {  	s4 =	sld [smem:$0x3FA6]  }
0x2a: {  	p0 =	seq.s32 s5, $0x0;
	s5 =	sld [smem:$0x3FA7]  }
0x2b: {  	s6 =	sld [smem:$0x3FA8]  }
0x2c: {  	s7 =	sld [smem:$0x3FA9]  }
0x2d: {  	s3 =	simm.s32 $0x108;
	s8 =	sld [smem:$0x3FAA]  }
0x2e: {  	s3 =	simm.s32 @!p0 $0x1082;
	s9 =	sld [smem:$0x3FAB]  }
0x2f: {  	lr =	sadd.s32 s0, s3;
	s0 =	sld [smem:$0x3FA2]  }
0x30: {  	s3 =	sld [smem:$0x3FA5]  }
0x31: {  	[smem:$0x3FAE] =	sst s10  }
0x32: {  	s10 =	sld [smem:$0x3FAC];
	_ =	sdelay $0x3  }
0x33: {  	p0 =	seq.s32 s10, $0x1;
	s10 =	sld [smem:$0x3FAE];
	_ =	sdelay $0x3  }
0x34: {  	[smem:$0x3FAE] =	sst s10  }
0x35: {  	s10 =	sld [smem:$0x3FAD];
	_ =	sdelay $0x3  }
0x36: {  	p1 =	seq.s32 s10, $0x1;
	s10 =	sld [smem:$0x3FAE];
	_ =	sdelay $0x3  }
0x37: {  	[smem:$0x3FAE] =	sst s10  }
0x38: {  	s10 =	sld [smem:$0x3FAF]  }
0x39: {  	_ = 	snop;
	(pc) =	sbr.ind lr, $3  }
0x3a: {  	_ = 	snop  }
0x3b: {  	_ = 	snop  }
0x3c: {  	p2 =	seq.s32 s10, $0x1;
	s10 =	sld [smem:$0x3FAE]  }
0x3d: {  	_ =	shalt  }
0x3e: {  	_ =	shalt  }
0x3f: {  	_ =	shalt  }
0x40: {  	_ =	shalt  }
0x41: {  	_ =	shalt  }
0x42: {  	_ =	shalt  }
0x43: {  	_ =	shalt  }
0x44: {  	_ =	shalt  }
0x45: {  	_ =	shalt  }
0x46: {  	_ =	shalt  }
0x47: {  	_ =	shalt  }
0x48: {  	_ =	shalt  }
0x49: {  	_ =	shalt  }
0x4a: {  	_ =	shalt  }
0x4b: {  	_ =	shalt  }
0x4c: {  	_ =	shalt  }
0x4d: {  	_ =	shalt  }
0x4e: {  	_ =	shalt  }
0x4f: {  	_ =	shalt  }
0x50: {  	_ =	shalt  }
0x51: {  	_ =	shalt  }
0x52: {  	_ =	shalt  }
0x53: {  	_ =	shalt  }
0x54: {  	_ =	shalt  }
0x55: {  	_ =	shalt  }
0x56: {  	_ =	shalt  }
0x57: {  	_ =	shalt  }
0x58: {  	_ =	shalt  }
0x59: {  	_ =	shalt  }
0x5a: {  	_ =	shalt  }
0x5b: {  	_ =	shalt  }
0x5c: {  	_ =	shalt  }
0x5d: {  	_ =	shalt  }
0x5e: {  	_ =	shalt  }
0x5f: {  	_ =	shalt  }
0x60: {  	_ =	shalt  }
0x61: {  	_ =	shalt  }
0x62: {  	_ =	shalt  }
0x63: {  	_ =	shalt  }
0x64: {  	_ =	shalt  }
0x65: {  	_ =	shalt  }
0x66: {  	_ =	shalt  }
0x67: {  	_ =	shalt  }
0x68: {  	_ =	shalt  }
0x69: {  	_ =	shalt  }
0x6a: {  	_ =	shalt  }
0x6b: {  	_ =	shalt  }
0x6c: {  	_ =	shalt  }
0x6d: {  	_ =	shalt  }
0x6e: {  	_ =	shalt  }
0x6f: {  	_ =	shalt  }
0x70: {  	_ =	shalt  }
0x71: {  	_ =	shalt  }
0x72: {  	_ =	shalt  }
0x73: {  	_ =	shalt  }
0x74: {  	_ =	shalt  }
0x75: {  	_ =	shalt  }
0x76: {  	_ =	shalt  }
0x77: {  	_ =	shalt  }
0x78: {  	_ =	shalt  }
0x79: {  	_ =	shalt  }
0x7a: {  	_ =	shalt  }
0x7b: {  	_ =	shalt  }
0x7c: {  	_ =	shalt  }
0x7d: {  	_ =	shalt  }
0x7e: {  	_ =	shalt  }
0x7f: {  	_ =	shalt  }
0x80: {  	_ =	shalt  }
0x81: {  	_ =	shalt  }
0x82: {  	_ =	shalt  }
0x83: {  	_ =	shalt  }
0x84: {  	_ =	shalt  }
0x85: {  	_ =	shalt  }
0x86: {  	_ =	shalt  }
0x87: {  	_ =	shalt  }
.Lfunc_end0:
.L_simem_size_0:
called_computation_lowered:
.L_overlay_start_0:
0x88: {  	s2 =	sld [smem:$0x3FD9]  }
0x89: {  	s3 =	sld [smem:$0x3FFE];
	_ =	sdelay $0x1  }
0x8a: {  	s1 =	srdreg.scid  }
0x8b: {  	s0 =	sand.u32 $0x1, s1  }
0x8c: {  	s17 =	sshll.u32 s0, $0xA;
	s2 =	sadd.s32 s3, s2  }
0x8d: {  	s2 =	sadd.s32 s2, s17  }
0x8e: {  	[smem:$0x3FBA] =	sst s2  }
0x8f: {  	_ = 	snop  }
0x90: {  	s2 =	sld [smem:$0x3FD0];
	(tm) =	ssettm $0x1  }
0x91: {  	s18 =	sld [smem:$0x3FFB];
	_ =	sdelay $0x3  }
0x92: {  	_ =	strace s18  }
0x93: {  	s3 =	sld [smem:$0x3FFC];
	_ =	sdelay $0x3  }
0x94: {  	_ =	strace s3  }
0x95: {  	s3 =	sld [smem:$0x3FFD];
	_ =	sdelay $0x3  }
0x96: {  	_ =	strace s3  }
0x97: {  	_ =	strace $0x8FFFFFFF  }
0x98: {  	s19 =	sld [smem:$0x3FDB];
	_ =	sdelay $0x1  }
0x99: {  	s4 =	simm.s32 $_scs_section_size  }
0x9a: {  	s5 =	simm.s32 $_size__tile_overlayer_lowered;
	s6 =	simm.s32 $_tile_overlayer_lowered  }
0x9b: {  	s22 =	simm.s32 $0x1BFF;
	s21 =	sshll.u32 s6, $0x1;
	s3 =	sadd.s32 s4, s19  }
0x9c: {  	s7 =	simm.s32 $0x0;
	s20 =	sshll.u32 s5, $0x1;
	s5 =	sadd.s32 s21, s3  }
0x9d: {  	[timem:s7], [sflag:s22] =	dma.local [hbm:s5], s20  }
0x9e: {  	_ =	swait.ge [sflag:s22], s20  }
0x9f: {  	s4 =	ssub.s32 $0x0, s20;
	[sflag:s22] =	ssyncset.done $0x0  }
0xa0: {  	[sflag:s22] =	ssyncadd.s32 s4;
	_ =	sdelay $0x1  }
0xa1: {  	s23 =	simm.s32 $0x1B8B  }
0xa2: {  	_ =	swait.ge [sflag:s23], $0x1  }
0xa3: {  	[sflag:s23] =	ssyncset.done $0x0  }
0xa4: {  	s25 =	simm.s32 $0x1B8E;
	s24 =	sld [smem:$0x3FFE];
	[sflag:s23] =	ssyncadd.s32 $0xFFFFFFFF  }
0xa5: {  	s26 =	simm.s32 $execute0_lowered;
	[smem:$0x3FD2] =	sst s25  }
0xa6: {  	s5 =	sshll.u32 s26, $0x1;
	_ =	strace $0x80000046;
	[dreg:$0x1] =	wrdreg $0xFFFFFFFF  }
0xa7: {  	s28 =	simm.s32 $_size_execute0_lowered;
	s3 =	sadd.s32 s3, s5;
	[dreg:$0x0] =	wrdreg $0x0  }
0xa8: {  	s5 =	sshll.u32 s28, $0x1;
	[dreg:$0x2] =	wrdreg s3  }
0xa9: {  	[dreg:$0x3] =	wrdreg s5  }
0xaa: {  	[dreg:$0x4] =	wrdreg $0xC0  }
0xab: {  	_ =	task [dreg:s7], $0x5FFFF  }
0xac: {  	[dreg:$0x1] =	wrdreg $0xFFFFFFFF  }
0xad: {  	[dreg:$0x0] =	wrdreg $0x60  }
0xae: {  	[dreg:$0x2] =	wrdreg s24  }
0xaf: {  	[dreg:$0x3] =	wrdreg s2  }
0xb0: {  	[dreg:$0x4] =	wrdreg $0x0  }
0xb1: {  	[dreg:$0x5] =	wrdreg $0x9  }
0xb2: {  	_ =	task.clear_ibuf [dreg:s7], $0x6FFFF;
	_ =	strace $0x90000046  }
0xb3: {  	s29 =	simm.s32 $0x9;
	_ =	strace $0x80000048  }
0xb4: {  	_ =	swait.ge [sflag:s29], $0x1  }
0xb5: {  	[sflag:s29] =	ssyncadd.s32 $0xFFFFFFFF  }
0xb6: {  	_ =	strace $0x90000048  }
0xb7: {  	_ =	sfence  }
0xb8: {  	s30 =	sld [smem:$0x0];
	_ =	sdelay $0x2  }
0xb9: {  	s31 =	sshll.u32 s1, $0xD;
	s1 =	sshrl.u32 s1, $0x2  }
0xba: {  	s3 =	sand.u32 $0x4000, s31;
	s1 =	sadd.s32 s1, s30  }
0xbb: {  	s0 =	sor.u32 s3, s0;
	s1 =	sshll.u32 s1, $0x11  }
0xbc: {  	s0 =	sor.u32 s1, s0  }
0xbd: {  	s0 =	sadd.s32 $0x8F2B, s0  }
0xbe: {  	[sflag:s0] =	ssyncadd.remote.s32 $0x1  }
0xbf: {  	_ =	sfence.sel $0xFFFF  }
0xc0: {  	[dreg:$0x0] =	wrdreg $0xFFFFFFFF;
	(pc) =	sbr.abs _section_cstart, $3  }
0xc1: {  	[dreg:$0x1] =	wrdreg $0xFFFFFFFF  }
0xc2: {  	_ =	task.clear_ibuf [dreg:s7], $0x2FFFF;
	_ =	strace $0x9FFFFFFF  }
0xc3: {  	(tm) =	ssettm $0x7FFFFFFF  }
tec
execute0_lowered:
.L_overlay_start_1:
0x0: {  	(tag) =	ssettag $0x1  }
0x1: {  	s0 =	rddreg [dreg:$0x0];
	s1 =	srdreg.scid  }
0x2: {  	s3 =	rddreg [dreg:$0x2];
	s8 =	stileid.u32;
	s4 =	simm.s32 $0x0  }
0x3: {  	s9 =	simm.s32 $0x1;
	s12 =	simm.s32 $0x13C00;
	s13 =	simm.s32 $0x40  }
0x4: {  	s14 =	simm.s32 $0x13C80;
	s15 =	simm.s32 $0x13D00;
	s16 =	simm.s32 $0x13D80  }
0x5: {  	s17 =	simm.s32 $0x13E00;
	s18 =	simm.s32 $0x13E80;
	s19 =	simm.s32 $0x13F00  }
0x6: {  	s20 =	simm.s32 $0x13F80;
	s21 =	simm.s32 $0x14000;
	s28 =	simm.s32 $0x14280  }
0x7: {  	s29 =	simm.s32 $0x14300;
	s30 =	simm.s32 $0x14380;
	s5 =	smul.u32 $0xC000, s8  }
0x8: {  	s31 =	simm.s32 $0x14400;
	s1 =	sand.u32 $0x1, s1;
	s6 =	smul.u32 $0x4F000, s8  }
0x9: {  	[smem:$0x7FF] =	sst s4;
	s7 =	sadd.s32 $0x63A00, s0;
	s25 =	smul.u32 $0x2780, s8  }
0xa: {  	s26 =	sshll.u32 s8, $0x6;
	s8 =	simm.s32 $0x14800;
	s2 =	smul.u32 $0xC0000, s1  }
0xb: {  	_ =	strace $0x80000047;
	s22 =	smul.u32 $0x27800, s1;
	s1 =	ssub.s32 $0x2, s1  }
0xc: {  	[dreg:$0x4] =	wrdreg s7;
	s10 =	sor.u32 $0x1C01, s26;
	s26 =	simm.s32 $0x14200  }
0xd: {  	s23 =	sshrl.u32 s1, $0x1;
	s24 =	sshrl.u32 s6, $0x2;
	[dreg:$0x6] =	wrdreg s10  }
0xe: {  	s2 =	sadd.s32 s5, s2;
	s1 =	ssub.s32 s1, s23;
	s5 =	sadd.s32 s24, s3  }
0xf: {  	s23 =	simm.s32 $0x14100;
	s2 =	sshrl.u32 s2, $0x3;
	s1 =	smax.u32 s1, $0x1  }
0x10: {  	s11 =	sshrl.u32 s5, $0x3;
	s5 =	simm.s32 $0x0;
	s2 =	sadd.s32 s2, s0  }
0x11: {  	s0 =	sadd.s32 s22, s0;
	[dreg:$0x5] =	wrdreg s1;
	s22 =	simm.s32 $0x14080  }
0x12: {  	s1 =	simm.s32 $0x14500;
	[dreg:$0x7] =	wrdreg s11;
	s0 =	sadd.s32 $0x66200, s0  }
0x13: {  	s7 =	sadd.s32 $0x3A00, s2;
	s2 =	simm.s32 $0x14580;
	s0 =	sadd.s32 s25, s0  }
0x14: {  	s25 =	simm.s32 $0x14180;
	[dreg:$0x8] =	wrdreg s0;
	s0 =	simm.s32 $0x14480  }
.LBB2_1:
0x15: {  	s6 =	rddreg [dreg:$0x1]  }
0x16: {  	[tilespmem:s8], [sflag:$0x1] =	stream.linear.gather [hbm4b:s6+s4], $0x2000, $0x38;
	[tilespmem:$0x16800] =	vst v63  }
0x17: {  	_ =	swait.ge [sflag:s9], $0x2000  }
0x18: {  	[sflag:s9] =	ssyncset.done $0x0  }
0x19: {  	s24 =	rddreg [dreg:$0x4];
	[sflag:s9] =	ssyncadd.s32 $0xFFFFE000  }
0x1a: {  	[spmem:s11], [sflag:s10] =	dma.local [hbm:s24], $0x2780  }
0x1b: {  	_ =	swait.ge [sflag:s9], $0x2780  }
0x1c: {  	[sflag:s9] =	ssyncset.done $0x0  }
0x1d: {  	[sflag:s9] =	ssyncadd.s32 $0xFFFFD880  }
0x1e: {  	s24 =	sadd.s32 $0x0, s7;
	[bflag:$0x0] =	sbarrier.arrive $0xFFFF  }
0x1f: {  	[tilespmem:s12], [sflag:$0x1] =	stream.linear.gather [hbm4b:s24+s4], $0xA00, $0x38;
	[tilespmem:$0x16800] =	vst v63  }
0x20: {  	_ =	swait.ge [sflag:s9], $0xA00  }
0x21: {  	[sflag:s9] =	ssyncset.done $0x0  }
0x22: {  	[sflag:s9] =	ssyncadd.s32 $0xFFFFF600  }
0x23: {  	[spmem:s3] =	stream.indirect.scatter.add.f32 [tilespmem:s8], [sflag:$0x1], $0x80, s12, s13, $0xb8;
	[tilespmem:$0x16800] =	vst v63  }
0x24: {  	_ =	swait.ge [sflag:s9], $0x2000  }
0x25: {  	[sflag:s9] =	ssyncset.done $0x0  }
0x26: {  	[sflag:s9] =	ssyncadd.s32 $0xFFFFE000  }
0x27: {  	[spmem:s3] =	stream.indirect.scatter.add.f32 [tilespmem:s8], [sflag:$0x1], $0x80, s14, s13, $0xb8;
	[tilespmem:$0x16800] =	vst v63  }
0x28: {  	_ =	swait.ge [sflag:s9], $0x2000  }
0x29: {  	[sflag:s9] =	ssyncset.done $0x0  }
0x2a: {  	[sflag:s9] =	ssyncadd.s32 $0xFFFFE000  }
0x2b: {  	[spmem:s3] =	stream.indirect.scatter.add.f32 [tilespmem:s8], [sflag:$0x1], $0x80, s15, s13, $0xb8;
	[tilespmem:$0x16800] =	vst v63  }
0x2c: {  	_ =	swait.ge [sflag:s9], $0x2000  }
0x2d: {  	[sflag:s9] =	ssyncset.done $0x0  }
0x2e: {  	[sflag:s9] =	ssyncadd.s32 $0xFFFFE000  }
0x2f: {  	[spmem:s3] =	stream.indirect.scatter.add.f32 [tilespmem:s8], [sflag:$0x1], $0x80, s16, s13, $0xb8;
	[tilespmem:$0x16800] =	vst v63  }
0x30: {  	_ =	swait.ge [sflag:s9], $0x2000  }
0x31: {  	[sflag:s9] =	ssyncset.done $0x0  }
0x32: {  	[sflag:s9] =	ssyncadd.s32 $0xFFFFE000  }
0x33: {  	[spmem:s3] =	stream.indirect.scatter.add.f32 [tilespmem:s8], [sflag:$0x1], $0x80, s17, s13, $0xb8;
	[tilespmem:$0x16800] =	vst v63  }
0x34: {  	_ =	swait.ge [sflag:s9], $0x2000  }
0x35: {  	[sflag:s9] =	ssyncset.done $0x0  }
0x36: {  	[sflag:s9] =	ssyncadd.s32 $0xFFFFE000  }
0x37: {  	[spmem:s3] =	stream.indirect.scatter.add.f32 [tilespmem:s8], [sflag:$0x1], $0x80, s18, s13, $0xb8;
	[tilespmem:$0x16800] =	vst v63  }
0x38: {  	_ =	swait.ge [sflag:s9], $0x2000  }
0x39: {  	[sflag:s9] =	ssyncset.done $0x0  }
0x3a: {  	[sflag:s9] =	ssyncadd.s32 $0xFFFFE000  }
0x3b: {  	[spmem:s3] =	stream.indirect.scatter.add.f32 [tilespmem:s8], [sflag:$0x1], $0x80, s19, s13, $0xb8;
	[tilespmem:$0x16800] =	vst v63  }
0x3c: {  	_ =	swait.ge [sflag:s9], $0x2000  }
0x3d: {  	[sflag:s9] =	ssyncset.done $0x0  }
0x3e: {  	[sflag:s9] =	ssyncadd.s32 $0xFFFFE000  }
0x3f: {  	[spmem:s3] =	stream.indirect.scatter.add.f32 [tilespmem:s8], [sflag:$0x1], $0x80, s20, s13, $0xb8;
	[tilespmem:$0x16800] =	vst v63  }
0x40: {  	_ =	swait.ge [sflag:s9], $0x2000  }
0x41: {  	[sflag:s9] =	ssyncset.done $0x0  }
0x42: {  	[sflag:s9] =	ssyncadd.s32 $0xFFFFE000  }
0x43: {  	[spmem:s3] =	stream.indirect.scatter.add.f32 [tilespmem:s8], [sflag:$0x1], $0x80, s21, s13, $0xb8;
	[tilespmem:$0x16800] =	vst v63  }
0x44: {  	_ =	swait.ge [sflag:s9], $0x2000  }
0x45: {  	[sflag:s9] =	ssyncset.done $0x0  }
0x46: {  	[sflag:s9] =	ssyncadd.s32 $0xFFFFE000  }
0x47: {  	[spmem:s3] =	stream.indirect.scatter.add.f32 [tilespmem:s8], [sflag:$0x1], $0x80, s22, s13, $0xb8;
	[tilespmem:$0x16800] =	vst v63  }
0x48: {  	_ =	swait.ge [sflag:s9], $0x2000  }
0x49: {  	[sflag:s9] =	ssyncset.done $0x0  }
0x4a: {  	[sflag:s9] =	ssyncadd.s32 $0xFFFFE000  }
0x4b: {  	[spmem:s3] =	stream.indirect.scatter.add.f32 [tilespmem:s8], [sflag:$0x1], $0x80, s23, s13, $0xb8;
	[tilespmem:$0x16800] =	vst v63  }
0x4c: {  	_ =	swait.ge [sflag:s9], $0x2000  }
0x4d: {  	[sflag:s9] =	ssyncset.done $0x0  }
0x4e: {  	[sflag:s9] =	ssyncadd.s32 $0xFFFFE000  }
0x4f: {  	[spmem:s3] =	stream.indirect.scatter.add.f32 [tilespmem:s8], [sflag:$0x1], $0x80, s25, s13, $0xb8;
	[tilespmem:$0x16800] =	vst v63  }
0x50: {  	_ =	swait.ge [sflag:s9], $0x2000  }
0x51: {  	[sflag:s9] =	ssyncset.done $0x0  }
0x52: {  	[sflag:s9] =	ssyncadd.s32 $0xFFFFE000  }
0x53: {  	[spmem:s3] =	stream.indirect.scatter.add.f32 [tilespmem:s8], [sflag:$0x1], $0x80, s26, s13, $0xb8;
	[tilespmem:$0x16800] =	vst v63  }
0x54: {  	_ =	swait.ge [sflag:s9], $0x2000  }
0x55: {  	[sflag:s9] =	ssyncset.done $0x0  }
0x56: {  	[sflag:s9] =	ssyncadd.s32 $0xFFFFE000  }
0x57: {  	[spmem:s3] =	stream.indirect.scatter.add.f32 [tilespmem:s8], [sflag:$0x1], $0x80, s28, s13, $0xb8;
	[tilespmem:$0x16800] =	vst v63  }
0x58: {  	_ =	swait.ge [sflag:s9], $0x2000  }
0x59: {  	[sflag:s9] =	ssyncset.done $0x0  }
0x5a: {  	[sflag:s9] =	ssyncadd.s32 $0xFFFFE000  }
0x5b: {  	[spmem:s3] =	stream.indirect.scatter.add.f32 [tilespmem:s8], [sflag:$0x1], $0x80, s29, s13, $0xb8;
	[tilespmem:$0x16800] =	vst v63  }
0x5c: {  	_ =	swait.ge [sflag:s9], $0x2000  }
0x5d: {  	[sflag:s9] =	ssyncset.done $0x0  }
0x5e: {  	[sflag:s9] =	ssyncadd.s32 $0xFFFFE000  }
0x5f: {  	[spmem:s3] =	stream.indirect.scatter.add.f32 [tilespmem:s8], [sflag:$0x1], $0x80, s30, s13, $0xb8;
	[tilespmem:$0x16800] =	vst v63  }
0x60: {  	_ =	swait.ge [sflag:s9], $0x2000  }
0x61: {  	[sflag:s9] =	ssyncset.done $0x0  }
0x62: {  	[sflag:s9] =	ssyncadd.s32 $0xFFFFE000  }
0x63: {  	[spmem:s3] =	stream.indirect.scatter.add.f32 [tilespmem:s8], [sflag:$0x1], $0x80, s31, s13, $0xb8;
	[tilespmem:$0x16800] =	vst v63  }
0x64: {  	_ =	swait.ge [sflag:s9], $0x2000  }
0x65: {  	[sflag:s9] =	ssyncset.done $0x0  }
0x66: {  	[sflag:s9] =	ssyncadd.s32 $0xFFFFE000  }
0x67: {  	[spmem:s3] =	stream.indirect.scatter.add.f32 [tilespmem:s8], [sflag:$0x1], $0x80, s0, s13, $0xb8;
	[tilespmem:$0x16800] =	vst v63  }
0x68: {  	_ =	swait.ge [sflag:s9], $0x2000  }
0x69: {  	[sflag:s9] =	ssyncset.done $0x0  }
0x6a: {  	[sflag:s9] =	ssyncadd.s32 $0xFFFFE000  }
0x6b: {  	[spmem:s3] =	stream.indirect.scatter.add.f32 [tilespmem:s8], [sflag:$0x1], $0x80, s1, s13, $0xb8;
	[tilespmem:$0x16800] =	vst v63  }
0x6c: {  	_ =	swait.ge [sflag:s9], $0x2000  }
0x6d: {  	[sflag:s9] =	ssyncset.done $0x0  }
0x6e: {  	[sflag:s9] =	ssyncadd.s32 $0xFFFFE000  }
0x6f: {  	[spmem:s3] =	stream.indirect.scatter.add.f32 [tilespmem:s8], [sflag:$0x1], $0x80, s2, s13, $0xb8;
	[tilespmem:$0x16800] =	vst v63  }
0x70: {  	_ =	swait.ge [sflag:s9], $0x2000  }
0x71: {  	s6 =	simm.s32 $0x180;
	s24 =	simm.s32 $0x300;
	[sflag:s9] =	ssyncset.done $0x0  }
.LBB2_2:
0x72: {  	s11 =	sadd.s32 s6, s7  }
0x73: {  	[sflag:s9] =	ssyncadd.s32 $0xFFFFE000;
	s6 =	smov.u32 s24;
	s10 =	sadd.s32 $0x180, s24  }
0x74: {  	[tilespmem:s12], [sflag:$0x1] =	stream.linear.gather [hbm4b:s11+s4], $0xA00, $0x38;
	[tilespmem:$0x16800] =	vst v63  }
0x75: {  	p0 =	sne.s32 s24, $0x1680;
	_ =	swait.ge [sflag:s9], $0xA00  }
0x76: {  	[sflag:s9] =	ssyncset.done $0x0  }
0x77: {  	[sflag:s9] =	ssyncadd.s32 $0xFFFFF600  }
0x78: {  	[spmem:s3] =	stream.indirect.scatter.add.f32 [tilespmem:s8], [sflag:$0x1], $0x80, s12, s13, $0xb8;
	[tilespmem:$0x16800] =	vst v63  }
0x79: {  	_ =	swait.ge [sflag:s9], $0x2000  }
0x7a: {  	[sflag:s9] =	ssyncset.done $0x0  }
0x7b: {  	[sflag:s9] =	ssyncadd.s32 $0xFFFFE000  }
0x7c: {  	[spmem:s3] =	stream.indirect.scatter.add.f32 [tilespmem:s8], [sflag:$0x1], $0x80, s14, s13, $0xb8;
	[tilespmem:$0x16800] =	vst v63  }
0x7d: {  	_ =	swait.ge [sflag:s9], $0x2000  }
0x7e: {  	[sflag:s9] =	ssyncset.done $0x0  }
0x7f: {  	[sflag:s9] =	ssyncadd.s32 $0xFFFFE000  }
0x80: {  	[spmem:s3] =	stream.indirect.scatter.add.f32 [tilespmem:s8], [sflag:$0x1], $0x80, s15, s13, $0xb8;
	[tilespmem:$0x16800] =	vst v63  }
0x81: {  	_ =	swait.ge [sflag:s9], $0x2000  }
0x82: {  	[sflag:s9] =	ssyncset.done $0x0  }
0x83: {  	[sflag:s9] =	ssyncadd.s32 $0xFFFFE000  }
0x84: {  	[spmem:s3] =	stream.indirect.scatter.add.f32 [tilespmem:s8], [sflag:$0x1], $0x80, s16, s13, $0xb8;
	[tilespmem:$0x16800] =	vst v63  }
0x85: {  	_ =	swait.ge [sflag:s9], $0x2000  }
0x86: {  	[sflag:s9] =	ssyncset.done $0x0  }
0x87: {  	[sflag:s9] =	ssyncadd.s32 $0xFFFFE000  }
0x88: {  	[spmem:s3] =	stream.indirect.scatter.add.f32 [tilespmem:s8], [sflag:$0x1], $0x80, s17, s13, $0xb8;
	[tilespmem:$0x16800] =	vst v63  }
0x89: {  	_ =	swait.ge [sflag:s9], $0x2000  }
0x8a: {  	[sflag:s9] =	ssyncset.done $0x0  }
0x8b: {  	[sflag:s9] =	ssyncadd.s32 $0xFFFFE000  }
0x8c: {  	[spmem:s3] =	stream.indirect.scatter.add.f32 [tilespmem:s8], [sflag:$0x1], $0x80, s18, s13, $0xb8;
	[tilespmem:$0x16800] =	vst v63  }
0x8d: {  	_ =	swait.ge [sflag:s9], $0x2000  }
0x8e: {  	[sflag:s9] =	ssyncset.done $0x0  }
0x8f: {  	[sflag:s9] =	ssyncadd.s32 $0xFFFFE000  }
0x90: {  	[spmem:s3] =	stream.indirect.scatter.add.f32 [tilespmem:s8], [sflag:$0x1], $0x80, s19, s13, $0xb8;
	[tilespmem:$0x16800] =	vst v63  }
0x91: {  	_ =	swait.ge [sflag:s9], $0x2000  }
0x92: {  	[sflag:s9] =	ssyncset.done $0x0  }
0x93: {  	[sflag:s9] =	ssyncadd.s32 $0xFFFFE000  }
0x94: {  	[spmem:s3] =	stream.indirect.scatter.add.f32 [tilespmem:s8], [sflag:$0x1], $0x80, s20, s13, $0xb8;
	[tilespmem:$0x16800] =	vst v63  }
0x95: {  	_ =	swait.ge [sflag:s9], $0x2000  }
0x96: {  	[sflag:s9] =	ssyncset.done $0x0  }
0x97: {  	[sflag:s9] =	ssyncadd.s32 $0xFFFFE000  }
0x98: {  	[spmem:s3] =	stream.indirect.scatter.add.f32 [tilespmem:s8], [sflag:$0x1], $0x80, s21, s13, $0xb8;
	[tilespmem:$0x16800] =	vst v63  }
0x99: {  	_ =	swait.ge [sflag:s9], $0x2000  }
0x9a: {  	[sflag:s9] =	ssyncset.done $0x0  }
0x9b: {  	[sflag:s9] =	ssyncadd.s32 $0xFFFFE000  }
0x9c: {  	[spmem:s3] =	stream.indirect.scatter.add.f32 [tilespmem:s8], [sflag:$0x1], $0x80, s22, s13, $0xb8;
	[tilespmem:$0x16800] =	vst v63  }
0x9d: {  	_ =	swait.ge [sflag:s9], $0x2000  }
0x9e: {  	[sflag:s9] =	ssyncset.done $0x0  }
0x9f: {  	[sflag:s9] =	ssyncadd.s32 $0xFFFFE000  }
0xa0: {  	[spmem:s3] =	stream.indirect.scatter.add.f32 [tilespmem:s8], [sflag:$0x1], $0x80, s23, s13, $0xb8;
	[tilespmem:$0x16800] =	vst v63  }
0xa1: {  	_ =	swait.ge [sflag:s9], $0x2000  }
0xa2: {  	[sflag:s9] =	ssyncset.done $0x0  }
0xa3: {  	[sflag:s9] =	ssyncadd.s32 $0xFFFFE000  }
0xa4: {  	[spmem:s3] =	stream.indirect.scatter.add.f32 [tilespmem:s8], [sflag:$0x1], $0x80, s25, s13, $0xb8;
	[tilespmem:$0x16800] =	vst v63  }
0xa5: {  	_ =	swait.ge [sflag:s9], $0x2000  }
0xa6: {  	[sflag:s9] =	ssyncset.done $0x0  }
0xa7: {  	[sflag:s9] =	ssyncadd.s32 $0xFFFFE000  }
0xa8: {  	[spmem:s3] =	stream.indirect.scatter.add.f32 [tilespmem:s8], [sflag:$0x1], $0x80, s26, s13, $0xb8;
	[tilespmem:$0x16800] =	vst v63  }
0xa9: {  	_ =	swait.ge [sflag:s9], $0x2000  }
0xaa: {  	[sflag:s9] =	ssyncset.done $0x0  }
0xab: {  	[sflag:s9] =	ssyncadd.s32 $0xFFFFE000  }
0xac: {  	[spmem:s3] =	stream.indirect.scatter.add.f32 [tilespmem:s8], [sflag:$0x1], $0x80, s28, s13, $0xb8;
	[tilespmem:$0x16800] =	vst v63  }
0xad: {  	_ =	swait.ge [sflag:s9], $0x2000  }
0xae: {  	[sflag:s9] =	ssyncset.done $0x0  }
0xaf: {  	[sflag:s9] =	ssyncadd.s32 $0xFFFFE000  }
0xb0: {  	[spmem:s3] =	stream.indirect.scatter.add.f32 [tilespmem:s8], [sflag:$0x1], $0x80, s29, s13, $0xb8;
	[tilespmem:$0x16800] =	vst v63  }
0xb1: {  	_ =	swait.ge [sflag:s9], $0x2000  }
0xb2: {  	[sflag:s9] =	ssyncset.done $0x0  }
0xb3: {  	[sflag:s9] =	ssyncadd.s32 $0xFFFFE000  }
0xb4: {  	[spmem:s3] =	stream.indirect.scatter.add.f32 [tilespmem:s8], [sflag:$0x1], $0x80, s30, s13, $0xb8;
	[tilespmem:$0x16800] =	vst v63  }
0xb5: {  	_ =	swait.ge [sflag:s9], $0x2000  }
0xb6: {  	[sflag:s9] =	ssyncset.done $0x0  }
0xb7: {  	[sflag:s9] =	ssyncadd.s32 $0xFFFFE000  }
0xb8: {  	[spmem:s3] =	stream.indirect.scatter.add.f32 [tilespmem:s8], [sflag:$0x1], $0x80, s31, s13, $0xb8;
	[tilespmem:$0x16800] =	vst v63  }
0xb9: {  	_ =	swait.ge [sflag:s9], $0x2000  }
0xba: {  	[sflag:s9] =	ssyncset.done $0x0  }
0xbb: {  	[sflag:s9] =	ssyncadd.s32 $0xFFFFE000  }
0xbc: {  	[spmem:s3] =	stream.indirect.scatter.add.f32 [tilespmem:s8], [sflag:$0x1], $0x80, s0, s13, $0xb8;
	[tilespmem:$0x16800] =	vst v63  }
0xbd: {  	_ =	swait.ge [sflag:s9], $0x2000  }
0xbe: {  	[sflag:s9] =	ssyncset.done $0x0  }
0xbf: {  	[sflag:s9] =	ssyncadd.s32 $0xFFFFE000  }
0xc0: {  	[spmem:s3] =	stream.indirect.scatter.add.f32 [tilespmem:s8], [sflag:$0x1], $0x80, s1, s13, $0xb8;
	[tilespmem:$0x16800] =	vst v63  }
0xc1: {  	_ =	swait.ge [sflag:s9], $0x2000  }
.Ltmp0:
0xc2: {  	[sflag:s9] =	ssyncset.done $0x0;
	(pc) =	sbr.rel @p0 .LBB2_2-.Ltmp0, $4  }
0xc3: {  	[sflag:s9] =	ssyncadd.s32 $0xFFFFE000  }
0xc4: {  	[spmem:s3] =	stream.indirect.scatter.add.f32 [tilespmem:s8], [sflag:$0x1], $0x80, s2, s13, $0xb8;
	[tilespmem:$0x16800] =	vst v63  }
0xc5: {  	_ =	swait.ge [sflag:s9], $0x2000  }
0xc6: {  	s24 =	smov.u32 s10;
	[sflag:s9] =	ssyncset.done $0x0  }
0xc7: {  	s6 =	sadd.s32 s6, s7;
	[sflag:s9] =	ssyncadd.s32 $0xFFFFE000  }
0xc8: {  	[tilespmem:s12], [sflag:$0x1] =	stream.linear.gather [hbm4b:s6+s4], $0xA00, $0x38;
	[tilespmem:$0x16800] =	vst v63  }
0xc9: {  	_ =	swait.ge [sflag:s9], $0xA00  }
0xca: {  	[sflag:s9] =	ssyncset.done $0x0  }
0xcb: {  	[sflag:s9] =	ssyncadd.s32 $0xFFFFF600  }
0xcc: {  	[spmem:s3] =	stream.indirect.scatter.add.f32 [tilespmem:s8], [sflag:$0x1], $0x80, s12, s13, $0xb8;
	[tilespmem:$0x16800] =	vst v63  }
0xcd: {  	_ =	swait.ge [sflag:s9], $0x2000  }
0xce: {  	[sflag:s9] =	ssyncset.done $0x0  }
0xcf: {  	[sflag:s9] =	ssyncadd.s32 $0xFFFFE000  }
0xd0: {  	[spmem:s3] =	stream.indirect.scatter.add.f32 [tilespmem:s8], [sflag:$0x1], $0x80, s14, s13, $0xb8;
	[tilespmem:$0x16800] =	vst v63  }
0xd1: {  	_ =	swait.ge [sflag:s9], $0x2000  }
0xd2: {  	[sflag:s9] =	ssyncset.done $0x0  }
0xd3: {  	[sflag:s9] =	ssyncadd.s32 $0xFFFFE000  }
0xd4: {  	[spmem:s3] =	stream.indirect.scatter.add.f32 [tilespmem:s8], [sflag:$0x1], $0x80, s15, s13, $0xb8;
	[tilespmem:$0x16800] =	vst v63  }
0xd5: {  	_ =	swait.ge [sflag:s9], $0x2000  }
0xd6: {  	[sflag:s9] =	ssyncset.done $0x0  }
0xd7: {  	[sflag:s9] =	ssyncadd.s32 $0xFFFFE000  }
0xd8: {  	[spmem:s3] =	stream.indirect.scatter.add.f32 [tilespmem:s8], [sflag:$0x1], $0x80, s16, s13, $0xb8;
	[tilespmem:$0x16800] =	vst v63  }
0xd9: {  	_ =	swait.ge [sflag:s9], $0x2000  }
0xda: {  	[sflag:s9] =	ssyncset.done $0x0  }
0xdb: {  	[sflag:s9] =	ssyncadd.s32 $0xFFFFE000  }
0xdc: {  	[spmem:s3] =	stream.indirect.scatter.add.f32 [tilespmem:s8], [sflag:$0x1], $0x80, s17, s13, $0xb8;
	[tilespmem:$0x16800] =	vst v63  }
0xdd: {  	_ =	swait.ge [sflag:s9], $0x2000  }
0xde: {  	[sflag:s9] =	ssyncset.done $0x0  }
0xdf: {  	[sflag:s9] =	ssyncadd.s32 $0xFFFFE000  }
0xe0: {  	[spmem:s3] =	stream.indirect.scatter.add.f32 [tilespmem:s8], [sflag:$0x1], $0x80, s18, s13, $0xb8;
	[tilespmem:$0x16800] =	vst v63  }
0xe1: {  	_ =	swait.ge [sflag:s9], $0x2000  }
0xe2: {  	[sflag:s9] =	ssyncset.done $0x0  }
0xe3: {  	[sflag:s9] =	ssyncadd.s32 $0xFFFFE000  }
0xe4: {  	[spmem:s3] =	stream.indirect.scatter.add.f32 [tilespmem:s8], [sflag:$0x1], $0x80, s19, s13, $0xb8;
	[tilespmem:$0x16800] =	vst v63  }
0xe5: {  	_ =	swait.ge [sflag:s9], $0x2000  }
0xe6: {  	[sflag:s9] =	ssyncset.done $0x0  }
0xe7: {  	[sflag:s9] =	ssyncadd.s32 $0xFFFFE000  }
0xe8: {  	[spmem:s3] =	stream.indirect.scatter.add.f32 [tilespmem:s8], [sflag:$0x1], $0x80, s20, s13, $0xb8;
	[tilespmem:$0x16800] =	vst v63  }
0xe9: {  	_ =	swait.ge [sflag:s9], $0x2000  }
0xea: {  	[sflag:s9] =	ssyncset.done $0x0  }
0xeb: {  	[sflag:s9] =	ssyncadd.s32 $0xFFFFE000  }
0xec: {  	[spmem:s3] =	stream.indirect.scatter.add.f32 [tilespmem:s8], [sflag:$0x1], $0x80, s21, s13, $0xb8;
	[tilespmem:$0x16800] =	vst v63  }
0xed: {  	_ =	swait.ge [sflag:s9], $0x2000  }
0xee: {  	[sflag:s9] =	ssyncset.done $0x0  }
0xef: {  	[sflag:s9] =	ssyncadd.s32 $0xFFFFE000  }
0xf0: {  	[spmem:s3] =	stream.indirect.scatter.add.f32 [tilespmem:s8], [sflag:$0x1], $0x80, s22, s13, $0xb8;
	[tilespmem:$0x16800] =	vst v63  }
0xf1: {  	_ =	swait.ge [sflag:s9], $0x2000  }
0xf2: {  	[sflag:s9] =	ssyncset.done $0x0  }
0xf3: {  	[sflag:s9] =	ssyncadd.s32 $0xFFFFE000  }
0xf4: {  	[spmem:s3] =	stream.indirect.scatter.add.f32 [tilespmem:s8], [sflag:$0x1], $0x80, s23, s13, $0xb8;
	[tilespmem:$0x16800] =	vst v63  }
0xf5: {  	_ =	swait.ge [sflag:s9], $0x2000  }
0xf6: {  	[sflag:s9] =	ssyncset.done $0x0  }
0xf7: {  	[sflag:s9] =	ssyncadd.s32 $0xFFFFE000  }
0xf8: {  	[spmem:s3] =	stream.indirect.scatter.add.f32 [tilespmem:s8], [sflag:$0x1], $0x80, s25, s13, $0xb8;
	[tilespmem:$0x16800] =	vst v63  }
0xf9: {  	_ =	swait.ge [sflag:s9], $0x2000  }
0xfa: {  	[sflag:s9] =	ssyncset.done $0x0  }
0xfb: {  	[sflag:s9] =	ssyncadd.s32 $0xFFFFE000  }
0xfc: {  	[spmem:s3] =	stream.indirect.scatter.add.f32 [tilespmem:s8], [sflag:$0x1], $0x80, s26, s13, $0xb8;
	[tilespmem:$0x16800] =	vst v63  }
0xfd: {  	_ =	swait.ge [sflag:s9], $0x2000  }
0xfe: {  	[sflag:s9] =	ssyncset.done $0x0  }
0xff: {  	[sflag:s9] =	ssyncadd.s32 $0xFFFFE000  }
0x100: {  	[spmem:s3] =	stream.indirect.scatter.add.f32 [tilespmem:s8], [sflag:$0x1], $0x80, s28, s13, $0xb8;
	[tilespmem:$0x16800] =	vst v63  }
0x101: {  	_ =	swait.ge [sflag:s9], $0x2000  }
0x102: {  	[sflag:s9] =	ssyncset.done $0x0  }
0x103: {  	[sflag:s9] =	ssyncadd.s32 $0xFFFFE000  }
0x104: {  	[spmem:s3] =	stream.indirect.scatter.add.f32 [tilespmem:s8], [sflag:$0x1], $0x80, s29, s13, $0xb8;
	[tilespmem:$0x16800] =	vst v63  }
0x105: {  	_ =	swait.ge [sflag:s9], $0x2000  }
0x106: {  	[sflag:s9] =	ssyncset.done $0x0  }
0x107: {  	[sflag:s9] =	ssyncadd.s32 $0xFFFFE000  }
0x108: {  	[spmem:s3] =	stream.indirect.scatter.add.f32 [tilespmem:s8], [sflag:$0x1], $0x80, s30, s13, $0xb8;
	[tilespmem:$0x16800] =	vst v63  }
0x109: {  	_ =	swait.ge [sflag:s9], $0x2000  }
0x10a: {  	[sflag:s9] =	ssyncset.done $0x0  }
0x10b: {  	[sflag:s9] =	ssyncadd.s32 $0xFFFFE000  }
0x10c: {  	[spmem:s3] =	stream.indirect.scatter.add.f32 [tilespmem:s8], [sflag:$0x1], $0x80, s31, s13, $0xb8;
	[tilespmem:$0x16800] =	vst v63  }
0x10d: {  	_ =	swait.ge [sflag:s9], $0x2000  }
0x10e: {  	[sflag:s9] =	ssyncset.done $0x0  }
0x10f: {  	[sflag:s9] =	ssyncadd.s32 $0xFFFFE000  }
0x110: {  	[spmem:s3] =	stream.indirect.scatter.add.f32 [tilespmem:s8], [sflag:$0x1], $0x80, s0, s13, $0xb8;
	[tilespmem:$0x16800] =	vst v63  }
0x111: {  	_ =	swait.ge [sflag:s9], $0x2000  }
0x112: {  	[sflag:s9] =	ssyncset.done $0x0  }
0x113: {  	[sflag:s9] =	ssyncadd.s32 $0xFFFFE000  }
0x114: {  	[spmem:s3] =	stream.indirect.scatter.add.f32 [tilespmem:s8], [sflag:$0x1], $0x80, s1, s13, $0xb8;
	[tilespmem:$0x16800] =	vst v63  }
0x115: {  	_ =	swait.ge [sflag:s9], $0x2000  }
0x116: {  	[sflag:s9] =	ssyncset.done $0x0  }
0x117: {  	[sflag:s9] =	ssyncadd.s32 $0xFFFFE000  }
0x118: {  	[spmem:s3] =	stream.indirect.scatter.add.f32 [tilespmem:s8], [sflag:$0x1], $0x80, s2, s13, $0xb8;
	[tilespmem:$0x16800] =	vst v63  }
0x119: {  	_ =	swait.ge [sflag:s9], $0x2000  }
0x11a: {  	[sflag:s9] =	ssyncset.done $0x0  }
0x11b: {  	[sflag:s9] =	ssyncadd.s32 $0xFFFFE000  }
0x11c: {  	[bflag:$0x0] =	sbarrier.arrive $0xFFFF  }
0x11d: {  	s10 =	rddreg [dreg:$0x6]  }
0x11e: {  	s11 =	rddreg [dreg:$0x7]  }
0x11f: {  	s24 =	rddreg [dreg:$0x8]  }
0x120: {  	[hbm:s24], [sflag:s10] =	dma.local [spmem:s11], $0x2780  }
0x121: {  	_ =	swait.ge [sflag:s9], $0x2780  }
0x122: {  	s5 =	sadd.s32 $0x1, s5;
	s24 =	rddreg [dreg:$0x5]  }
0x123: {  	p0 =	sne.s32 s5, s24  }
.Ltmp1:
0x124: {  	_ = 	snop;
	(pc) =	sbr.rel @p0 .LBB2_1-.Ltmp1, $3  }
0x125: {  	_ =	sdelay $0x1  }
0x126: {  	[sflag:s9] =	ssyncset.done $0x0  }
0x127: {  	[sflag:s9] =	ssyncadd.s32 $0xFFFFD880  }
0x128: {  	_ =	sfence.sel $0x180000  }
0x129: {  	[bflag:$0x0] =	sbarrier.arrive $0xFFFF  }
0x12a: {  	_ =	strace $0x90000047  }
0x12b: {  	s0 =	stileid.u32;
	[bflag:$0x2] =	sbarrier.arrive $0xFFFF  }
0x12c: {  	p0 =	sne.s32 s0, $0x0;
	s0 =	rddreg [dreg:$0x3]  }
0x12d: {  	s0 =	sadd.s32 @!p0 $0x100000, s0  }
0x12e: {  	[sflag:s0] =	ssyncadd.tile.s32 @!p0 $0x1;
	_ =	shalt  }
.Lfunc_end2:
_tile_overlayer_lowered:
.L_overlay_start_2:
0x12f: {  	(tag) =	ssettag $0x2  }
0x130: {  	s0 =	rddreg [dreg:$0x0];
	s2 =	stileid.u32  }
0x131: {  	s1 =	rddreg [dreg:$0x1];
	p0 =	sne.s32 s2, $0x0  }
0x132: {  	s3 =	rddreg [dreg:$0x2];
	[bflag:$0x3] =	sbarrier.arrive $0xFFFF;
	s2 =	simm.s32 @!p0 $0x1C01  }
0x133: {  	[timem:s3], [sflag:s2] =	dma.local @!p0 [hbm:s0], s1  }
0x134: {  	s0 =	simm.s32 @!p0 $0x1  }
0x135: {  	_ =	swait.ge @!p0 [sflag:s0], s1  }
0x136: {  	s1 =	ssub.s32 @!p0 $0x0, s1;
	[sflag:s0] =	ssyncset.done @!p0 $0x0  }
0x137: {  	[sflag:s0] =	ssyncadd.s32 @!p0 s1  }
0x138: {  	[bflag:$0x3] =	sbarrier.arrive $0xFFFF  }
0x139: {  	_ =	shalt  }

</sc_bundles>
